<compile_context>
chip_gen: v7x
topology: tpu7x:2x2x1
jax: 0.10.2.dev20260603
libtpu: 0.0.44.dev20260713+nightly
codegen_flags: <defaults>
</compile_context>

<pallas_src>
import functools

import jax
import jax.numpy as jnp
from jax import lax
from jax.experimental import pallas as pl
from jax.experimental.pallas import tpu as pltpu
from jax.experimental.pallas import tpu_sc as plsc

KNN = 16
_HI = lax.Precision.HIGHEST
_NC, _NS = 2, 16
_CH = 128


def _pre_body(feats_ref, w1_ref, b1_ref, g_ref, pp_ref):
    f = feats_ref[0]
    w1 = w1_ref[...]
    c = f.shape[-1]
    wt = w1[:c]
    wb = w1[c:]
    dot = lambda a, b: lax.dot_general(
        a, b, (((1,), (0,)), ((), ())),
        preferred_element_type=jnp.float32, precision=_HI)
    g = dot(f, wt + wb)
    g_ref[0] = jnp.concatenate(
        [g, jnp.zeros((g.shape[0], 128 - g.shape[1]), jnp.float32)], axis=1)
    pp_ref[0] = dot(f, wb) - b1_ref[...][0:1, :]


def _knn_body(cb_ref, ct_ref, gidx_ref, wgt_ref):
    cb = cb_ref[0]
    ct = ct_ref[0]
    n = ct.shape[-1]
    r = cb.shape[0]

    sq_all = jnp.sum(ct * ct, axis=0)
    sq_blk = jnp.sum(cb * cb, axis=1)
    cross = lax.dot_general(cb, ct, (((1,), (0,)), ((), ())),
                            preferred_element_type=jnp.float32)
    d2 = sq_blk[:, None] + sq_all[None, :] - 2.0 * cross

    col = lax.broadcasted_iota(jnp.int32, (r, n), 1)
    bits = lax.bitcast_convert_type(d2, jnp.int32)
    sbits = jnp.where(bits < 0, bits ^ jnp.int32(0x7FFFFFFF), bits)
    key = (sbits & jnp.int32(~0xFFF)) | col
    ms = []
    for t in range(KNN):
        if t == 0:
            m = jnp.min(key, axis=1)
        else:
            m = jnp.min(jnp.where(key > ms[-1][:, None], key,
                                  jnp.int32(0x7FFFFFFF)), axis=1)
        ms.append(m)
    mmat = jnp.stack(ms, axis=1)
    t = mmat & jnp.int32(~0xFFF)
    tb = jnp.where(t < 0, t ^ jnp.int32(0x7FFFFFFF), t)
    dmat = lax.bitcast_convert_type(tb, jnp.float32)

    ex = jnp.exp(dmat[:, 0:1] - dmat)
    wgt_ref[...] = ex / jnp.sum(ex, axis=1, keepdims=True)
    gidx_ref[...] = (mmat & jnp.int32(0xFFF)) + pl.program_id(0) * n


def _sc_gather_body(gidx_hbm, gflat_hbm, y_hbm, idx_v, bufs, sg0, sg1):
    wid = lax.axis_index("s") * _NC + lax.axis_index("c")
    nch = idx_v.shape[0] // _CH
    base = wid * idx_v.shape[0]
    pltpu.sync_copy(gidx_hbm.at[pl.ds(base, idx_v.shape[0])], idx_v)
    sems = (sg0, sg1)
    handles = [None, None]
    handles[0] = pltpu.async_copy(
        gflat_hbm.at[idx_v.at[pl.ds(0, _CH)]], bufs.at[0], sems[0])
    for c in range(nch):
        s = c % 2
        if c + 1 < nch:
            handles[1 - s] = pltpu.async_copy(
                gflat_hbm.at[idx_v.at[pl.ds((c + 1) * _CH, _CH)]],
                bufs.at[1 - s], sems[1 - s])
        handles[s].wait()
        pltpu.sync_copy(bufs.at[s], y_hbm.at[pl.ds(base + c * _CH, _CH)])


def _agg_body(y_ref, wgt_ref, pp_ref, w2_ref, b2_ref, out_ref):
    y = y_ref[...]
    wgt = wgt_ref[...]
    ppb = pp_ref[...]
    i = ppb.shape[-1]
    hbar = jnp.zeros((y.shape[0], i), jnp.float32)
    for k in range(KNN):
        h = jnp.maximum(y[:, k * 128:k * 128 + i] - ppb, 0.0)
        hbar = hbar + wgt[:, k:k + 1] * h
    out = lax.dot_general(hbar, w2_ref[...], (((1,), (0,)), ((), ())),
                          preferred_element_type=jnp.float32, precision=_HI)
    out_ref[...] = out + b2_ref[...][0:1, :]


def kernel(coords, feats, w1, b1, w2, b2):
    B, N, _ = coords.shape
    C = feats.shape[-1]
    I = w1.shape[-1]
    R = 512
    NB = N // R
    BN = B * N
    rows_per_worker = BN * KNN // (_NC * _NS)

    cpad = jnp.concatenate(
        [coords, jnp.zeros((B, N, 5), coords.dtype)], axis=-1)
    ct = cpad.transpose(0, 2, 1)
    b1r = jnp.broadcast_to(b1.reshape(1, I), (8, I))
    b2r = jnp.broadcast_to(b2.reshape(1, C), (8, C))

    g, pp = pl.pallas_call(
        _pre_body,
        grid=(B,),
        in_specs=[
            pl.BlockSpec((1, N, C), lambda b: (b, 0, 0)),
            pl.BlockSpec((2 * C, I), lambda b: (0, 0)),
            pl.BlockSpec((8, I), lambda b: (0, 0)),
        ],
        out_specs=[
            pl.BlockSpec((1, N, C), lambda b: (b, 0, 0)),
            pl.BlockSpec((1, N, I), lambda b: (b, 0, 0)),
        ],
        out_shape=[
            jax.ShapeDtypeStruct((B, N, C), jnp.float32),
            jax.ShapeDtypeStruct((B, N, I), jnp.float32),
        ],
    )(feats, w1, b1r)

    outs = []
    for b in range(B):
        gidx, wgt = pl.pallas_call(
            _knn_body,
            grid=(1, NB),
            in_specs=[
                pl.BlockSpec((1, R, 8), lambda z, i: (z, i, 0)),
                pl.BlockSpec((1, 8, N), lambda z, i: (z, 0, 0)),
            ],
            out_specs=[
                pl.BlockSpec((R, KNN), lambda z, i: (i, 0)),
                pl.BlockSpec((R, KNN), lambda z, i: (i, 0)),
            ],
            out_shape=[
                jax.ShapeDtypeStruct((N, KNN), jnp.int32),
                jax.ShapeDtypeStruct((N, KNN), jnp.float32),
            ],
        )(lax.slice_in_dim(cpad, b, b + 1, axis=0),
          lax.slice_in_dim(ct, b, b + 1, axis=0))

        gflat = g[b]
        gidx_flat = gidx.reshape(N * KNN)

        sc_gather = functools.partial(
            pl.kernel,
            mesh=plsc.VectorSubcoreMesh(core_axis_name="c",
                                        subcore_axis_name="s"),
            out_type=jax.ShapeDtypeStruct((N * KNN, C), jnp.float32),
            scratch_types=[
                pltpu.VMEM((N * KNN // (_NC * _NS),), jnp.int32),
                pltpu.VMEM((2, _CH, C), jnp.float32),
                pltpu.SemaphoreType.DMA,
                pltpu.SemaphoreType.DMA,
            ],
        )(_sc_gather_body)
        y = sc_gather(gidx_flat, gflat)
        y2 = y.reshape(N, KNN * C)

        out_b = pl.pallas_call(
            _agg_body,
            grid=(NB,),
            in_specs=[
                pl.BlockSpec((R, KNN * C), lambda i: (i, 0)),
                pl.BlockSpec((R, KNN), lambda i: (i, 0)),
                pl.BlockSpec((R, I), lambda i: (i, 0)),
                pl.BlockSpec((I, C), lambda i: (0, 0)),
                pl.BlockSpec((8, C), lambda i: (0, 0)),
            ],
            out_specs=pl.BlockSpec((R, C), lambda i: (i, 0)),
            out_shape=jax.ShapeDtypeStruct((N, C), jnp.float32),
        )(y2, wgt, pp[b], w2, b2r)
        outs.append(out_b)
    return jnp.concatenate(outs, axis=0)

# --- scband reference (transcript-rebuilt; emitter-appended) ---
"""Pipeline reference for scband-edge-conv-19971597926624 (READ-ONLY COPY).

The authoritative reference and input builder live on the scoring server;
editing this copy changes nothing except your own understanding.
"""

import jax, jax.numpy as jnp
import numpy as np

K = 16

def setup_inputs(seed: int = 0) -> dict:
    key = jax.random.key(seed)
    ks = jax.random.split(key, 6)
    B, N, C, INTER = 2, 4096, 128, 64
    coords = jax.random.uniform(ks[0], (B, N, 3), dtype=jnp.float32) * 10.0
    feats = jax.random.normal(ks[1], (B, N, C), dtype=jnp.float32)
    w1 = jax.random.normal(ks[2], (2 * C, INTER), dtype=jnp.float32) * 0.05
    b1 = jnp.zeros((INTER,), dtype=jnp.float32)
    w2 = jax.random.normal(ks[3], (INTER, C), dtype=jnp.float32) * 0.05
    b2 = jnp.zeros((C,), dtype=jnp.float32)
    return {"coords": coords, "feats": feats, "w1": w1, "b1": b1, "w2": w2, "b2": b2}

def _edge_conv(coords, feats, w1, b1, w2, b2):
    # coords: [B, N, 3], feats: [B, N, C]
    def per_batch(c, f):
        # squared pairwise distances (matches pytorch3d knn_points squared dists)
        sq = jnp.sum(c * c, axis=-1)
        d2 = sq[:, None] + sq[None, :] - 2.0 * (c @ c.T)
        # K nearest neighbors (ascending distance, includes self at dist ~0)
        neg_vals, idx = jax.lax.top_k(-d2, K)
        dists = -neg_vals                       # [N, K]
        nn_feats = jnp.take(f, idx, axis=0)     # knn_gather -> [N, K, C]
        delta = nn_feats - f[:, None, :]        # [N, K, C]
        grouped = jnp.concatenate([nn_feats, delta], axis=-1)  # [N, K, 2C]
        h = jax.nn.relu(grouped @ w1 + b1)      # theta MLP layer 1
        theta = h @ w2 + b2                     # [N, K, C]
        w = jax.nn.softmax(-dists, axis=1)      # [N, K]
        # weights.unsqueeze(1) @ theta_feats -> [N, C]
        return jnp.einsum('nk,nkc->nc', w, theta)
    out = jax.vmap(per_batch)(coords, feats)
    # torch.cat(feats_list, dim=0): concatenate batches along point dim
    return out.reshape(-1, feats.shape[-1])

def reference(coords, feats, w1, b1, w2, b2):
    return _edge_conv(coords, feats, w1, b1, w2, b2)

if __name__ == "__main__":
    import jax
    _d = setup_inputs()
    print(jax.jit(kernel)(*tuple(_d.values())))

</pallas_src>

<mosaic_0001>
#map = affine_map<(d0, d1) -> (0)>
#map1 = affine_map<(d0, d1) -> (0, 0)>
module attributes {stable_mosaic.version = 14 : i64} {
  func.func @_sc_gather_body(%arg0: i32, %arg1: i32, %arg2: memref<65536xi32, #tpu.memory_space<hbm>>, %arg3: memref<4096x128xf32, #tpu.memory_space<hbm>>, %arg4: memref<65536x128xf32, #tpu.memory_space<hbm>>, %arg5: memref<2048xi32, #tpu.memory_space<vmem>>, %arg6: memref<2x128x128xf32, #tpu.memory_space<vmem>>, %arg7: memref<!tpu.dma_semaphore, #tpu.memory_space<semaphore_mem>>, %arg8: memref<!tpu.dma_semaphore, #tpu.memory_space<semaphore_mem>>) attributes {dimension_semantics = [#tpu.dimension_semantics<core_parallel>, #tpu.dimension_semantics<subcore_parallel>], iteration_bounds = array<i64: 2, 16>, scalar_prefetch = 0 : i64, scratch_operands = 4 : i64, tpu.core_type = #tpu.core_type<sc_vector_subcore>, window_params = [{transform_indices = #map}, {transform_indices = #map1}, {transform_indices = #map1}]} {
    %mul3A = arith.constant 2 : i32
    %mul3A_0 = arith.muli %arg1, %mul3A : i32
    %add3A = arith.addi %mul3A_0, %arg0 : i32
    %mul3A_1 = arith.constant 2048 : i32
    %mul3A_2 = arith.muli %add3A, %mul3A_1 : i32
    "tpu.region"() ({
      %run_scoped3A_368 = tpu.sem_alloc : memref<!tpu.dma_semaphore, #tpu.memory_space<semaphore_mem>>
      %dma_start3A_369 = tpu.memref_slice %arg2[%mul3A_2] : memref<65536xi32, #tpu.memory_space<hbm>> -> memref<2048xi32, #tpu.memory_space<hbm>>
      %dma_start3A_370 = tpu.memref_slice %arg2[%mul3A_2] : memref<65536xi32, #tpu.memory_space<hbm>> -> memref<2048xi32, #tpu.memory_space<hbm>>
      tpu.enqueue_dma source(%dma_start3A_370 : memref<2048xi32, #tpu.memory_space<hbm>>) target(%arg5 : memref<2048xi32, #tpu.memory_space<vmem>>) target_semaphore(%run_scoped3A_368 : memref<!tpu.dma_semaphore, #tpu.memory_space<semaphore_mem>>)
      %dma_wait3A_371 = tpu.memref_slice %arg2[%mul3A_2] : memref<65536xi32, #tpu.memory_space<hbm>> -> memref<2048xi32, #tpu.memory_space<hbm>>
      %dma_wait3A_372 = tpu.memref_slice %arg2[%mul3A_2] : memref<65536xi32, #tpu.memory_space<hbm>> -> memref<2048xi32, #tpu.memory_space<hbm>>
      tpu.wait_dma2 semaphore(%run_scoped3A_368 : memref<!tpu.dma_semaphore, #tpu.memory_space<semaphore_mem>>) src(%dma_wait3A_372 : memref<2048xi32, #tpu.memory_space<hbm>>) dst(%arg5 : memref<2048xi32, #tpu.memory_space<vmem>>)
      tpu.yield
    }) : () -> ()
    %dma_start3A = arith.constant 0 : i32
    %dma_start3A_3 = arith.constant 0 : i32
    %dma_start3A_4 = arith.constant 0 : i32
    %dma_start3A_5 = tpu.memref_slice %arg6[%dma_start3A, %dma_start3A_3, %dma_start3A_4] : memref<2x128x128xf32, #tpu.memory_space<vmem>> -> memref<1x128x128xf32, #tpu.memory_space<vmem>>
    %dma_start3A_6 = tpu.memref_squeeze %dma_start3A_5 : memref<1x128x128xf32, #tpu.memory_space<vmem>> -> memref<128x128xf32, #tpu.memory_space<vmem>>
    %dma_start3A_7 = arith.constant 0 : i32
    %dma_start3A_8 = tpu.memref_slice %arg5[%dma_start3A_7] : memref<2048xi32, #tpu.memory_space<vmem>> -> memref<128xi32, #tpu.memory_space<vmem>>
    %dma_start3A_9 = arith.constant 0 : i32
    %dma_start3A_10 = arith.constant 0 : i32
    %dma_start3A_11 = tpu.memref_slice %arg3[%dma_start3A_9, %dma_start3A_10] : memref<4096x128xf32, #tpu.memory_space<hbm>> -> memref<4096x128xf32, #tpu.memory_space<hbm>>
    tpu.enqueue_indirect_dma source(%dma_start3A_11 : memref<4096x128xf32, #tpu.memory_space<hbm>>) target(%dma_start3A_6 : memref<128x128xf32, #tpu.memory_space<vmem>>) offsets(%dma_start3A_8 : memref<128xi32, #tpu.memory_space<vmem>>) semaphore(%arg7 : memref<!tpu.dma_semaphore, #tpu.memory_space<semaphore_mem>>)
    %dma_start3A_12 = arith.constant 1 : i32
    %dma_start3A_13 = arith.constant 0 : i32
    %dma_start3A_14 = arith.constant 0 : i32
    %dma_start3A_15 = tpu.memref_slice %arg6[%dma_start3A_12, %dma_start3A_13, %dma_start3A_14] : memref<2x128x128xf32, #tpu.memory_space<vmem>> -> memref<1x128x128xf32, #tpu.memory_space<vmem>>
    %dma_start3A_16 = tpu.memref_squeeze %dma_start3A_15 : memref<1x128x128xf32, #tpu.memory_space<vmem>> -> memref<128x128xf32, #tpu.memory_space<vmem>>
    %dma_start3A_17 = arith.constant 128 : i32
    %dma_start3A_18 = tpu.memref_slice %arg5[%dma_start3A_17] : memref<2048xi32, #tpu.memory_space<vmem>> -> memref<128xi32, #tpu.memory_space<vmem>>
    %dma_start3A_19 = arith.constant 0 : i32
    %dma_start3A_20 = arith.constant 0 : i32
    %dma_start3A_21 = tpu.memref_slice %arg3[%dma_start3A_19, %dma_start3A_20] : memref<4096x128xf32, #tpu.memory_space<hbm>> -> memref<4096x128xf32, #tpu.memory_space<hbm>>
    tpu.enqueue_indirect_dma source(%dma_start3A_21 : memref<4096x128xf32, #tpu.memory_space<hbm>>) target(%dma_start3A_16 : memref<128x128xf32, #tpu.memory_space<vmem>>) offsets(%dma_start3A_18 : memref<128xi32, #tpu.memory_space<vmem>>) semaphore(%arg8 : memref<!tpu.dma_semaphore, #tpu.memory_space<semaphore_mem>>)
    %dma_wait3A = arith.constant 0 : i32
    %dma_wait3A_22 = arith.constant 0 : i32
    %dma_wait3A_23 = arith.constant 0 : i32
    %dma_wait3A_24 = tpu.memref_slice %arg6[%dma_wait3A, %dma_wait3A_22, %dma_wait3A_23] : memref<2x128x128xf32, #tpu.memory_space<vmem>> -> memref<1x128x128xf32, #tpu.memory_space<vmem>>
    %dma_wait3A_25 = tpu.memref_squeeze %dma_wait3A_24 : memref<1x128x128xf32, #tpu.memory_space<vmem>> -> memref<128x128xf32, #tpu.memory_space<vmem>>
    %dma_wait3A_26 = arith.constant 0 : i32
    %dma_wait3A_27 = tpu.memref_slice %arg5[%dma_wait3A_26] : memref<2048xi32, #tpu.memory_space<vmem>> -> memref<128xi32, #tpu.memory_space<vmem>>
    %dma_wait3A_28 = arith.constant 0 : i32
    %dma_wait3A_29 = arith.constant 0 : i32
    %dma_wait3A_30 = tpu.memref_slice %arg3[%dma_wait3A_28, %dma_wait3A_29] : memref<4096x128xf32, #tpu.memory_space<hbm>> -> memref<4096x128xf32, #tpu.memory_space<hbm>>
    tpu.wait_indirect_dma semaphore(%arg7 : memref<!tpu.dma_semaphore, #tpu.memory_space<semaphore_mem>>) src(%dma_wait3A_30 : memref<4096x128xf32, #tpu.memory_space<hbm>>) dst(%dma_wait3A_25 : memref<128x128xf32, #tpu.memory_space<vmem>>)
    %add3A_31 = arith.constant 0 : i32
    %add3A_32 = arith.addi %mul3A_2, %add3A_31 : i32
    %run_scoped3A = arith.constant 0 : i32
    "tpu.region"() ({
      %run_scoped3A_368 = tpu.sem_alloc : memref<!tpu.dma_semaphore, #tpu.memory_space<semaphore_mem>>
      %dma_start3A_369 = arith.constant 0 : i32
      %dma_start3A_370 = arith.constant 0 : i32
      %dma_start3A_371 = tpu.memref_slice %arg6[%run_scoped3A, %dma_start3A_369, %dma_start3A_370] : memref<2x128x128xf32, #tpu.memory_space<vmem>> -> memref<1x128x128xf32, #tpu.memory_space<vmem>>
      %dma_start3A_372 = tpu.memref_squeeze %dma_start3A_371 : memref<1x128x128xf32, #tpu.memory_space<vmem>> -> memref<128x128xf32, #tpu.memory_space<vmem>>
      %dma_start3A_373 = arith.constant 0 : i32
      %dma_start3A_374 = tpu.memref_slice %arg4[%add3A_32, %dma_start3A_373] : memref<65536x128xf32, #tpu.memory_space<hbm>> -> memref<128x128xf32, #tpu.memory_space<hbm>>
      %dma_start3A_375 = arith.constant 0 : i32
      %dma_start3A_376 = tpu.memref_slice %arg4[%add3A_32, %dma_start3A_375] : memref<65536x128xf32, #tpu.memory_space<hbm>> -> memref<128x128xf32, #tpu.memory_space<hbm>>
      %dma_start3A_377 = arith.constant 0 : i32
      %dma_start3A_378 = arith.constant 0 : i32
      %dma_start3A_379 = tpu.memref_slice %arg6[%run_scoped3A, %dma_start3A_377, %dma_start3A_378] : memref<2x128x128xf32, #tpu.memory_space<vmem>> -> memref<1x128x128xf32, #tpu.memory_space<vmem>>
      %dma_start3A_380 = tpu.memref_squeeze %dma_start3A_379 : memref<1x128x128xf32, #tpu.memory_space<vmem>> -> memref<128x128xf32, #tpu.memory_space<vmem>>
      tpu.enqueue_dma source(%dma_start3A_380 : memref<128x128xf32, #tpu.memory_space<vmem>>) target(%dma_start3A_376 : memref<128x128xf32, #tpu.memory_space<hbm>>) target_semaphore(%run_scoped3A_368 : memref<!tpu.dma_semaphore, #tpu.memory_space<semaphore_mem>>)
      %dma_wait3A_381 = arith.constant 0 : i32
      %dma_wait3A_382 = arith.constant 0 : i32
      %dma_wait3A_383 = tpu.memref_slice %arg6[%run_scoped3A, %dma_wait3A_381, %dma_wait3A_382] : memref<2x128x128xf32, #tpu.memory_space<vmem>> -> memref<1x128x128xf32, #tpu.memory_space<vmem>>
      %dma_wait3A_384 = tpu.memref_squeeze %dma_wait3A_383 : memref<1x128x128xf32, #tpu.memory_space<vmem>> -> memref<128x128xf32, #tpu.memory_space<vmem>>
      %dma_wait3A_385 = arith.constant 0 : i32
      %dma_wait3A_386 = tpu.memref_slice %arg4[%add3A_32, %dma_wait3A_385] : memref<65536x128xf32, #tpu.memory_space<hbm>> -> memref<128x128xf32, #tpu.memory_space<hbm>>
      %dma_wait3A_387 = arith.constant 0 : i32
      %dma_wait3A_388 = tpu.memref_slice %arg4[%add3A_32, %dma_wait3A_387] : memref<65536x128xf32, #tpu.memory_space<hbm>> -> memref<128x128xf32, #tpu.memory_space<hbm>>
      %dma_wait3A_389 = arith.constant 0 : i32
      %dma_wait3A_390 = arith.constant 0 : i32
      %dma_wait3A_391 = tpu.memref_slice %arg6[%run_scoped3A, %dma_wait3A_389, %dma_wait3A_390] : memref<2x128x128xf32, #tpu.memory_space<vmem>> -> memref<1x128x128xf32, #tpu.memory_space<vmem>>
      %dma_wait3A_392 = tpu.memref_squeeze %dma_wait3A_391 : memref<1x128x128xf32, #tpu.memory_space<vmem>> -> memref<128x128xf32, #tpu.memory_space<vmem>>
      tpu.wait_dma2 semaphore(%run_scoped3A_368 : memref<!tpu.dma_semaphore, #tpu.memory_space<semaphore_mem>>) src(%dma_wait3A_392 : memref<128x128xf32, #tpu.memory_space<vmem>>) dst(%dma_wait3A_388 : memref<128x128xf32, #tpu.memory_space<hbm>>)
      tpu.yield
    }) : () -> ()
    %dma_start3A_33 = arith.constant 0 : i32
    %dma_start3A_34 = arith.constant 0 : i32
    %dma_start3A_35 = arith.constant 0 : i32
    %dma_start3A_36 = tpu.memref_slice %arg6[%dma_start3A_33, %dma_start3A_34, %dma_start3A_35] : memref<2x128x128xf32, #tpu.memory_space<vmem>> -> memref<1x128x128xf32, #tpu.memory_space<vmem>>
    %dma_start3A_37 = tpu.memref_squeeze %dma_start3A_36 : memref<1x128x128xf32, #tpu.memory_space<vmem>> -> memref<128x128xf32, #tpu.memory_space<vmem>>
    %dma_start3A_38 = arith.constant 256 : i32
    %dma_start3A_39 = tpu.memref_slice %arg5[%dma_start3A_38] : memref<2048xi32, #tpu.memory_space<vmem>> -> memref<128xi32, #tpu.memory_space<vmem>>
    %dma_start3A_40 = arith.constant 0 : i32
    %dma_start3A_41 = arith.constant 0 : i32
    %dma_start3A_42 = tpu.memref_slice %arg3[%dma_start3A_40, %dma_start3A_41] : memref<4096x128xf32, #tpu.memory_space<hbm>> -> memref<4096x128xf32, #tpu.memory_space<hbm>>
    tpu.enqueue_indirect_dma source(%dma_start3A_42 : memref<4096x128xf32, #tpu.memory_space<hbm>>) target(%dma_start3A_37 : memref<128x128xf32, #tpu.memory_space<vmem>>) offsets(%dma_start3A_39 : memref<128xi32, #tpu.memory_space<vmem>>) semaphore(%arg7 : memref<!tpu.dma_semaphore, #tpu.memory_space<semaphore_mem>>)
    %dma_wait3A_43 = arith.constant 1 : i32
    %dma_wait3A_44 = arith.constant 0 : i32
    %dma_wait3A_45 = arith.constant 0 : i32
    %dma_wait3A_46 = tpu.memref_slice %arg6[%dma_wait3A_43, %dma_wait3A_44, %dma_wait3A_45] : memref<2x128x128xf32, #tpu.memory_space<vmem>> -> memref<1x128x128xf32, #tpu.memory_space<vmem>>
    %dma_wait3A_47 = tpu.memref_squeeze %dma_wait3A_46 : memref<1x128x128xf32, #tpu.memory_space<vmem>> -> memref<128x128xf32, #tpu.memory_space<vmem>>
    %dma_wait3A_48 = arith.constant 128 : i32
    %dma_wait3A_49 = tpu.memref_slice %arg5[%dma_wait3A_48] : memref<2048xi32, #tpu.memory_space<vmem>> -> memref<128xi32, #tpu.memory_space<vmem>>
    %dma_wait3A_50 = arith.constant 0 : i32
    %dma_wait3A_51 = arith.constant 0 : i32
    %dma_wait3A_52 = tpu.memref_slice %arg3[%dma_wait3A_50, %dma_wait3A_51] : memref<4096x128xf32, #tpu.memory_space<hbm>> -> memref<4096x128xf32, #tpu.memory_space<hbm>>
    tpu.wait_indirect_dma semaphore(%arg8 : memref<!tpu.dma_semaphore, #tpu.memory_space<semaphore_mem>>) src(%dma_wait3A_52 : memref<4096x128xf32, #tpu.memory_space<hbm>>) dst(%dma_wait3A_47 : memref<128x128xf32, #tpu.memory_space<vmem>>)
    %add3A_53 = arith.constant 128 : i32
    %add3A_54 = arith.addi %mul3A_2, %add3A_53 : i32
    %run_scoped3A_55 = arith.constant 1 : i32
    "tpu.region"() ({
      %run_scoped3A_368 = tpu.sem_alloc : memref<!tpu.dma_semaphore, #tpu.memory_space<semaphore_mem>>
      %dma_start3A_369 = arith.constant 0 : i32
      %dma_start3A_370 = arith.constant 0 : i32
      %dma_start3A_371 = tpu.memref_slice %arg6[%run_scoped3A_55, %dma_start3A_369, %dma_start3A_370] : memref<2x128x128xf32, #tpu.memory_space<vmem>> -> memref<1x128x128xf32, #tpu.memory_space<vmem>>
      %dma_start3A_372 = tpu.memref_squeeze %dma_start3A_371 : memref<1x128x128xf32, #tpu.memory_space<vmem>> -> memref<128x128xf32, #tpu.memory_space<vmem>>
      %dma_start3A_373 = arith.constant 0 : i32
      %dma_start3A_374 = tpu.memref_slice %arg4[%add3A_54, %dma_start3A_373] : memref<65536x128xf32, #tpu.memory_space<hbm>> -> memref<128x128xf32, #tpu.memory_space<hbm>>
      %dma_start3A_375 = arith.constant 0 : i32
      %dma_start3A_376 = tpu.memref_slice %arg4[%add3A_54, %dma_start3A_375] : memref<65536x128xf32, #tpu.memory_space<hbm>> -> memref<128x128xf32, #tpu.memory_space<hbm>>
      %dma_start3A_377 = arith.constant 0 : i32
      %dma_start3A_378 = arith.constant 0 : i32
      %dma_start3A_379 = tpu.memref_slice %arg6[%run_scoped3A_55, %dma_start3A_377, %dma_start3A_378] : memref<2x128x128xf32, #tpu.memory_space<vmem>> -> memref<1x128x128xf32, #tpu.memory_space<vmem>>
      %dma_start3A_380 = tpu.memref_squeeze %dma_start3A_379 : memref<1x128x128xf32, #tpu.memory_space<vmem>> -> memref<128x128xf32, #tpu.memory_space<vmem>>
      tpu.enqueue_dma source(%dma_start3A_380 : memref<128x128xf32, #tpu.memory_space<vmem>>) target(%dma_start3A_376 : memref<128x128xf32, #tpu.memory_space<hbm>>) target_semaphore(%run_scoped3A_368 : memref<!tpu.dma_semaphore, #tpu.memory_space<semaphore_mem>>)
      %dma_wait3A_381 = arith.constant 0 : i32
      %dma_wait3A_382 = arith.constant 0 : i32
      %dma_wait3A_383 = tpu.memref_slice %arg6[%run_scoped3A_55, %dma_wait3A_381, %dma_wait3A_382] : memref<2x128x128xf32, #tpu.memory_space<vmem>> -> memref<1x128x128xf32, #tpu.memory_space<vmem>>
      %dma_wait3A_384 = tpu.memref_squeeze %dma_wait3A_383 : memref<1x128x128xf32, #tpu.memory_space<vmem>> -> memref<128x128xf32, #tpu.memory_space<vmem>>
      %dma_wait3A_385 = arith.constant 0 : i32
      %dma_wait3A_386 = tpu.memref_slice %arg4[%add3A_54, %dma_wait3A_385] : memref<65536x128xf32, #tpu.memory_space<hbm>> -> memref<128x128xf32, #tpu.memory_space<hbm>>
      %dma_wait3A_387 = arith.constant 0 : i32
      %dma_wait3A_388 = tpu.memref_slice %arg4[%add3A_54, %dma_wait3A_387] : memref<65536x128xf32, #tpu.memory_space<hbm>> -> memref<128x128xf32, #tpu.memory_space<hbm>>
      %dma_wait3A_389 = arith.constant 0 : i32
      %dma_wait3A_390 = arith.constant 0 : i32
      %dma_wait3A_391 = tpu.memref_slice %arg6[%run_scoped3A_55, %dma_wait3A_389, %dma_wait3A_390] : memref<2x128x128xf32, #tpu.memory_space<vmem>> -> memref<1x128x128xf32, #tpu.memory_space<vmem>>
      %dma_wait3A_392 = tpu.memref_squeeze %dma_wait3A_391 : memref<1x128x128xf32, #tpu.memory_space<vmem>> -> memref<128x128xf32, #tpu.memory_space<vmem>>
      tpu.wait_dma2 semaphore(%run_scoped3A_368 : memref<!tpu.dma_semaphore, #tpu.memory_space<semaphore_mem>>) src(%dma_wait3A_392 : memref<128x128xf32, #tpu.memory_space<vmem>>) dst(%dma_wait3A_388 : memref<128x128xf32, #tpu.memory_space<hbm>>)
      tpu.yield
    }) : () -> ()
    %dma_start3A_56 = arith.constant 1 : i32
    %dma_start3A_57 = arith.constant 0 : i32
    %dma_start3A_58 = arith.constant 0 : i32
    %dma_start3A_59 = tpu.memref_slice %arg6[%dma_start3A_56, %dma_start3A_57, %dma_start3A_58] : memref<2x128x128xf32, #tpu.memory_space<vmem>> -> memref<1x128x128xf32, #tpu.memory_space<vmem>>
    %dma_start3A_60 = tpu.memref_squeeze %dma_start3A_59 : memref<1x128x128xf32, #tpu.memory_space<vmem>> -> memref<128x128xf32, #tpu.memory_space<vmem>>
    %dma_start3A_61 = arith.constant 384 : i32
    %dma_start3A_62 = tpu.memref_slice %arg5[%dma_start3A_61] : memref<2048xi32, #tpu.memory_space<vmem>> -> memref<128xi32, #tpu.memory_space<vmem>>
    %dma_start3A_63 = arith.constant 0 : i32
    %dma_start3A_64 = arith.constant 0 : i32
    %dma_start3A_65 = tpu.memref_slice %arg3[%dma_start3A_63, %dma_start3A_64] : memref<4096x128xf32, #tpu.memory_space<hbm>> -> memref<4096x128xf32, #tpu.memory_space<hbm>>
    tpu.enqueue_indirect_dma source(%dma_start3A_65 : memref<4096x128xf32, #tpu.memory_space<hbm>>) target(%dma_start3A_60 : memref<128x128xf32, #tpu.memory_space<vmem>>) offsets(%dma_start3A_62 : memref<128xi32, #tpu.memory_space<vmem>>) semaphore(%arg8 : memref<!tpu.dma_semaphore, #tpu.memory_space<semaphore_mem>>)
    %dma_wait3A_66 = arith.constant 0 : i32
    %dma_wait3A_67 = arith.constant 0 : i32
    %dma_wait3A_68 = arith.constant 0 : i32
    %dma_wait3A_69 = tpu.memref_slice %arg6[%dma_wait3A_66, %dma_wait3A_67, %dma_wait3A_68] : memref<2x128x128xf32, #tpu.memory_space<vmem>> -> memref<1x128x128xf32, #tpu.memory_space<vmem>>
    %dma_wait3A_70 = tpu.memref_squeeze %dma_wait3A_69 : memref<1x128x128xf32, #tpu.memory_space<vmem>> -> memref<128x128xf32, #tpu.memory_space<vmem>>
    %dma_wait3A_71 = arith.constant 256 : i32
    %dma_wait3A_72 = tpu.memref_slice %arg5[%dma_wait3A_71] : memref<2048xi32, #tpu.memory_space<vmem>> -> memref<128xi32, #tpu.memory_space<vmem>>
    %dma_wait3A_73 = arith.constant 0 : i32
    %dma_wait3A_74 = arith.constant 0 : i32
    %dma_wait3A_75 = tpu.memref_slice %arg3[%dma_wait3A_73, %dma_wait3A_74] : memref<4096x128xf32, #tpu.memory_space<hbm>> -> memref<4096x128xf32, #tpu.memory_space<hbm>>
    tpu.wait_indirect_dma semaphore(%arg7 : memref<!tpu.dma_semaphore, #tpu.memory_space<semaphore_mem>>) src(%dma_wait3A_75 : memref<4096x128xf32, #tpu.memory_space<hbm>>) dst(%dma_wait3A_70 : memref<128x128xf32, #tpu.memory_space<vmem>>)
    %add3A_76 = arith.constant 256 : i32
    %add3A_77 = arith.addi %mul3A_2, %add3A_76 : i32
    %run_scoped3A_78 = arith.constant 0 : i32
    "tpu.region"() ({
      %run_scoped3A_368 = tpu.sem_alloc : memref<!tpu.dma_semaphore, #tpu.memory_space<semaphore_mem>>
      %dma_start3A_369 = arith.constant 0 : i32
      %dma_start3A_370 = arith.constant 0 : i32
      %dma_start3A_371 = tpu.memref_slice %arg6[%run_scoped3A_78, %dma_start3A_369, %dma_start3A_370] : memref<2x128x128xf32, #tpu.memory_space<vmem>> -> memref<1x128x128xf32, #tpu.memory_space<vmem>>
      %dma_start3A_372 = tpu.memref_squeeze %dma_start3A_371 : memref<1x128x128xf32, #tpu.memory_space<vmem>> -> memref<128x128xf32, #tpu.memory_space<vmem>>
      %dma_start3A_373 = arith.constant 0 : i32
      %dma_start3A_374 = tpu.memref_slice %arg4[%add3A_77, %dma_start3A_373] : memref<65536x128xf32, #tpu.memory_space<hbm>> -> memref<128x128xf32, #tpu.memory_space<hbm>>
      %dma_start3A_375 = arith.constant 0 : i32
      %dma_start3A_376 = tpu.memref_slice %arg4[%add3A_77, %dma_start3A_375] : memref<65536x128xf32, #tpu.memory_space<hbm>> -> memref<128x128xf32, #tpu.memory_space<hbm>>
      %dma_start3A_377 = arith.constant 0 : i32
      %dma_start3A_378 = arith.constant 0 : i32
      %dma_start3A_379 = tpu.memref_slice %arg6[%run_scoped3A_78, %dma_start3A_377, %dma_start3A_378] : memref<2x128x128xf32, #tpu.memory_space<vmem>> -> memref<1x128x128xf32, #tpu.memory_space<vmem>>
      %dma_start3A_380 = tpu.memref_squeeze %dma_start3A_379 : memref<1x128x128xf32, #tpu.memory_space<vmem>> -> memref<128x128xf32, #tpu.memory_space<vmem>>
      tpu.enqueue_dma source(%dma_start3A_380 : memref<128x128xf32, #tpu.memory_space<vmem>>) target(%dma_start3A_376 : memref<128x128xf32, #tpu.memory_space<hbm>>) target_semaphore(%run_scoped3A_368 : memref<!tpu.dma_semaphore, #tpu.memory_space<semaphore_mem>>)
      %dma_wait3A_381 = arith.constant 0 : i32
      %dma_wait3A_382 = arith.constant 0 : i32
      %dma_wait3A_383 = tpu.memref_slice %arg6[%run_scoped3A_78, %dma_wait3A_381, %dma_wait3A_382] : memref<2x128x128xf32, #tpu.memory_space<vmem>> -> memref<1x128x128xf32, #tpu.memory_space<vmem>>
      %dma_wait3A_384 = tpu.memref_squeeze %dma_wait3A_383 : memref<1x128x128xf32, #tpu.memory_space<vmem>> -> memref<128x128xf32, #tpu.memory_space<vmem>>
      %dma_wait3A_385 = arith.constant 0 : i32
      %dma_wait3A_386 = tpu.memref_slice %arg4[%add3A_77, %dma_wait3A_385] : memref<65536x128xf32, #tpu.memory_space<hbm>> -> memref<128x128xf32, #tpu.memory_space<hbm>>
      %dma_wait3A_387 = arith.constant 0 : i32
      %dma_wait3A_388 = tpu.memref_slice %arg4[%add3A_77, %dma_wait3A_387] : memref<65536x128xf32, #tpu.memory_space<hbm>> -> memref<128x128xf32, #tpu.memory_space<hbm>>
      %dma_wait3A_389 = arith.constant 0 : i32
      %dma_wait3A_390 = arith.constant 0 : i32
      %dma_wait3A_391 = tpu.memref_slice %arg6[%run_scoped3A_78, %dma_wait3A_389, %dma_wait3A_390] : memref<2x128x128xf32, #tpu.memory_space<vmem>> -> memref<1x128x128xf32, #tpu.memory_space<vmem>>
      %dma_wait3A_392 = tpu.memref_squeeze %dma_wait3A_391 : memref<1x128x128xf32, #tpu.memory_space<vmem>> -> memref<128x128xf32, #tpu.memory_space<vmem>>
      tpu.wait_dma2 semaphore(%run_scoped3A_368 : memref<!tpu.dma_semaphore, #tpu.memory_space<semaphore_mem>>) src(%dma_wait3A_392 : memref<128x128xf32, #tpu.memory_space<vmem>>) dst(%dma_wait3A_388 : memref<128x128xf32, #tpu.memory_space<hbm>>)
      tpu.yield
    }) : () -> ()
    %dma_start3A_79 = arith.constant 0 : i32
    %dma_start3A_80 = arith.constant 0 : i32
    %dma_start3A_81 = arith.constant 0 : i32
    %dma_start3A_82 = tpu.memref_slice %arg6[%dma_start3A_79, %dma_start3A_80, %dma_start3A_81] : memref<2x128x128xf32, #tpu.memory_space<vmem>> -> memref<1x128x128xf32, #tpu.memory_space<vmem>>
    %dma_start3A_83 = tpu.memref_squeeze %dma_start3A_82 : memref<1x128x128xf32, #tpu.memory_space<vmem>> -> memref<128x128xf32, #tpu.memory_space<vmem>>
    %dma_start3A_84 = arith.constant 512 : i32
    %dma_start3A_85 = tpu.memref_slice %arg5[%dma_start3A_84] : memref<2048xi32, #tpu.memory_space<vmem>> -> memref<128xi32, #tpu.memory_space<vmem>>
    %dma_start3A_86 = arith.constant 0 : i32
    %dma_start3A_87 = arith.constant 0 : i32
    %dma_start3A_88 = tpu.memref_slice %arg3[%dma_start3A_86, %dma_start3A_87] : memref<4096x128xf32, #tpu.memory_space<hbm>> -> memref<4096x128xf32, #tpu.memory_space<hbm>>
    tpu.enqueue_indirect_dma source(%dma_start3A_88 : memref<4096x128xf32, #tpu.memory_space<hbm>>) target(%dma_start3A_83 : memref<128x128xf32, #tpu.memory_space<vmem>>) offsets(%dma_start3A_85 : memref<128xi32, #tpu.memory_space<vmem>>) semaphore(%arg7 : memref<!tpu.dma_semaphore, #tpu.memory_space<semaphore_mem>>)
    %dma_wait3A_89 = arith.constant 1 : i32
    %dma_wait3A_90 = arith.constant 0 : i32
    %dma_wait3A_91 = arith.constant 0 : i32
    %dma_wait3A_92 = tpu.memref_slice %arg6[%dma_wait3A_89, %dma_wait3A_90, %dma_wait3A_91] : memref<2x128x128xf32, #tpu.memory_space<vmem>> -> memref<1x128x128xf32, #tpu.memory_space<vmem>>
    %dma_wait3A_93 = tpu.memref_squeeze %dma_wait3A_92 : memref<1x128x128xf32, #tpu.memory_space<vmem>> -> memref<128x128xf32, #tpu.memory_space<vmem>>
    %dma_wait3A_94 = arith.constant 384 : i32
    %dma_wait3A_95 = tpu.memref_slice %arg5[%dma_wait3A_94] : memref<2048xi32, #tpu.memory_space<vmem>> -> memref<128xi32, #tpu.memory_space<vmem>>
    %dma_wait3A_96 = arith.constant 0 : i32
    %dma_wait3A_97 = arith.constant 0 : i32
    %dma_wait3A_98 = tpu.memref_slice %arg3[%dma_wait3A_96, %dma_wait3A_97] : memref<4096x128xf32, #tpu.memory_space<hbm>> -> memref<4096x128xf32, #tpu.memory_space<hbm>>
    tpu.wait_indirect_dma semaphore(%arg8 : memref<!tpu.dma_semaphore, #tpu.memory_space<semaphore_mem>>) src(%dma_wait3A_98 : memref<4096x128xf32, #tpu.memory_space<hbm>>) dst(%dma_wait3A_93 : memref<128x128xf32, #tpu.memory_space<vmem>>)
    %add3A_99 = arith.constant 384 : i32
    %add3A_100 = arith.addi %mul3A_2, %add3A_99 : i32
    %run_scoped3A_101 = arith.constant 1 : i32
    "tpu.region"() ({
      %run_scoped3A_368 = tpu.sem_alloc : memref<!tpu.dma_semaphore, #tpu.memory_space<semaphore_mem>>
      %dma_start3A_369 = arith.constant 0 : i32
      %dma_start3A_370 = arith.constant 0 : i32
      %dma_start3A_371 = tpu.memref_slice %arg6[%run_scoped3A_101, %dma_start3A_369, %dma_start3A_370] : memref<2x128x128xf32, #tpu.memory_space<vmem>> -> memref<1x128x128xf32, #tpu.memory_space<vmem>>
      %dma_start3A_372 = tpu.memref_squeeze %dma_start3A_371 : memref<1x128x128xf32, #tpu.memory_space<vmem>> -> memref<128x128xf32, #tpu.memory_space<vmem>>
      %dma_start3A_373 = arith.constant 0 : i32
      %dma_start3A_374 = tpu.memref_slice %arg4[%add3A_100, %dma_start3A_373] : memref<65536x128xf32, #tpu.memory_space<hbm>> -> memref<128x128xf32, #tpu.memory_space<hbm>>
      %dma_start3A_375 = arith.constant 0 : i32
      %dma_start3A_376 = tpu.memref_slice %arg4[%add3A_100, %dma_start3A_375] : memref<65536x128xf32, #tpu.memory_space<hbm>> -> memref<128x128xf32, #tpu.memory_space<hbm>>
      %dma_start3A_377 = arith.constant 0 : i32
      %dma_start3A_378 = arith.constant 0 : i32
      %dma_start3A_379 = tpu.memref_slice %arg6[%run_scoped3A_101, %dma_start3A_377, %dma_start3A_378] : memref<2x128x128xf32, #tpu.memory_space<vmem>> -> memref<1x128x128xf32, #tpu.memory_space<vmem>>
      %dma_start3A_380 = tpu.memref_squeeze %dma_start3A_379 : memref<1x128x128xf32, #tpu.memory_space<vmem>> -> memref<128x128xf32, #tpu.memory_space<vmem>>
      tpu.enqueue_dma source(%dma_start3A_380 : memref<128x128xf32, #tpu.memory_space<vmem>>) target(%dma_start3A_376 : memref<128x128xf32, #tpu.memory_space<hbm>>) target_semaphore(%run_scoped3A_368 : memref<!tpu.dma_semaphore, #tpu.memory_space<semaphore_mem>>)
      %dma_wait3A_381 = arith.constant 0 : i32
      %dma_wait3A_382 = arith.constant 0 : i32
      %dma_wait3A_383 = tpu.memref_slice %arg6[%run_scoped3A_101, %dma_wait3A_381, %dma_wait3A_382] : memref<2x128x128xf32, #tpu.memory_space<vmem>> -> memref<1x128x128xf32, #tpu.memory_space<vmem>>
      %dma_wait3A_384 = tpu.memref_squeeze %dma_wait3A_383 : memref<1x128x128xf32, #tpu.memory_space<vmem>> -> memref<128x128xf32, #tpu.memory_space<vmem>>
      %dma_wait3A_385 = arith.constant 0 : i32
      %dma_wait3A_386 = tpu.memref_slice %arg4[%add3A_100, %dma_wait3A_385] : memref<65536x128xf32, #tpu.memory_space<hbm>> -> memref<128x128xf32, #tpu.memory_space<hbm>>
      %dma_wait3A_387 = arith.constant 0 : i32
      %dma_wait3A_388 = tpu.memref_slice %arg4[%add3A_100, %dma_wait3A_387] : memref<65536x128xf32, #tpu.memory_space<hbm>> -> memref<128x128xf32, #tpu.memory_space<hbm>>
      %dma_wait3A_389 = arith.constant 0 : i32
      %dma_wait3A_390 = arith.constant 0 : i32
      %dma_wait3A_391 = tpu.memref_slice %arg6[%run_scoped3A_101, %dma_wait3A_389, %dma_wait3A_390] : memref<2x128x128xf32, #tpu.memory_space<vmem>> -> memref<1x128x128xf32, #tpu.memory_space<vmem>>
      %dma_wait3A_392 = tpu.memref_squeeze %dma_wait3A_391 : memref<1x128x128xf32, #tpu.memory_space<vmem>> -> memref<128x128xf32, #tpu.memory_space<vmem>>
      tpu.wait_dma2 semaphore(%run_scoped3A_368 : memref<!tpu.dma_semaphore, #tpu.memory_space<semaphore_mem>>) src(%dma_wait3A_392 : memref<128x128xf32, #tpu.memory_space<vmem>>) dst(%dma_wait3A_388 : memref<128x128xf32, #tpu.memory_space<hbm>>)
      tpu.yield
    }) : () -> ()
    %dma_start3A_102 = arith.constant 1 : i32
    %dma_start3A_103 = arith.constant 0 : i32
    %dma_start3A_104 = arith.constant 0 : i32
    %dma_start3A_105 = tpu.memref_slice %arg6[%dma_start3A_102, %dma_start3A_103, %dma_start3A_104] : memref<2x128x128xf32, #tpu.memory_space<vmem>> -> memref<1x128x128xf32, #tpu.memory_space<vmem>>
    %dma_start3A_106 = tpu.memref_squeeze %dma_start3A_105 : memref<1x128x128xf32, #tpu.memory_space<vmem>> -> memref<128x128xf32, #tpu.memory_space<vmem>>
    %dma_start3A_107 = arith.constant 640 : i32
    %dma_start3A_108 = tpu.memref_slice %arg5[%dma_start3A_107] : memref<2048xi32, #tpu.memory_space<vmem>> -> memref<128xi32, #tpu.memory_space<vmem>>
    %dma_start3A_109 = arith.constant 0 : i32
    %dma_start3A_110 = arith.constant 0 : i32
    %dma_start3A_111 = tpu.memref_slice %arg3[%dma_start3A_109, %dma_start3A_110] : memref<4096x128xf32, #tpu.memory_space<hbm>> -> memref<4096x128xf32, #tpu.memory_space<hbm>>
    tpu.enqueue_indirect_dma source(%dma_start3A_111 : memref<4096x128xf32, #tpu.memory_space<hbm>>) target(%dma_start3A_106 : memref<128x128xf32, #tpu.memory_space<vmem>>) offsets(%dma_start3A_108 : memref<128xi32, #tpu.memory_space<vmem>>) semaphore(%arg8 : memref<!tpu.dma_semaphore, #tpu.memory_space<semaphore_mem>>)
    %dma_wait3A_112 = arith.constant 0 : i32
    %dma_wait3A_113 = arith.constant 0 : i32
    %dma_wait3A_114 = arith.constant 0 : i32
    %dma_wait3A_115 = tpu.memref_slice %arg6[%dma_wait3A_112, %dma_wait3A_113, %dma_wait3A_114] : memref<2x128x128xf32, #tpu.memory_space<vmem>> -> memref<1x128x128xf32, #tpu.memory_space<vmem>>
    %dma_wait3A_116 = tpu.memref_squeeze %dma_wait3A_115 : memref<1x128x128xf32, #tpu.memory_space<vmem>> -> memref<128x128xf32, #tpu.memory_space<vmem>>
    %dma_wait3A_117 = arith.constant 512 : i32
    %dma_wait3A_118 = tpu.memref_slice %arg5[%dma_wait3A_117] : memref<2048xi32, #tpu.memory_space<vmem>> -> memref<128xi32, #tpu.memory_space<vmem>>
    %dma_wait3A_119 = arith.constant 0 : i32
    %dma_wait3A_120 = arith.constant 0 : i32
    %dma_wait3A_121 = tpu.memref_slice %arg3[%dma_wait3A_119, %dma_wait3A_120] : memref<4096x128xf32, #tpu.memory_space<hbm>> -> memref<4096x128xf32, #tpu.memory_space<hbm>>
    tpu.wait_indirect_dma semaphore(%arg7 : memref<!tpu.dma_semaphore, #tpu.memory_space<semaphore_mem>>) src(%dma_wait3A_121 : memref<4096x128xf32, #tpu.memory_space<hbm>>) dst(%dma_wait3A_116 : memref<128x128xf32, #tpu.memory_space<vmem>>)
    %add3A_122 = arith.constant 512 : i32
    %add3A_123 = arith.addi %mul3A_2, %add3A_122 : i32
    %run_scoped3A_124 = arith.constant 0 : i32
    "tpu.region"() ({
      %run_scoped3A_368 = tpu.sem_alloc : memref<!tpu.dma_semaphore, #tpu.memory_space<semaphore_mem>>
      %dma_start3A_369 = arith.constant 0 : i32
      %dma_start3A_370 = arith.constant 0 : i32
      %dma_start3A_371 = tpu.memref_slice %arg6[%run_scoped3A_124, %dma_start3A_369, %dma_start3A_370] : memref<2x128x128xf32, #tpu.memory_space<vmem>> -> memref<1x128x128xf32, #tpu.memory_space<vmem>>
      %dma_start3A_372 = tpu.memref_squeeze %dma_start3A_371 : memref<1x128x128xf32, #tpu.memory_space<vmem>> -> memref<128x128xf32, #tpu.memory_space<vmem>>
      %dma_start3A_373 = arith.constant 0 : i32
      %dma_start3A_374 = tpu.memref_slice %arg4[%add3A_123, %dma_start3A_373] : memref<65536x128xf32, #tpu.memory_space<hbm>> -> memref<128x128xf32, #tpu.memory_space<hbm>>
      %dma_start3A_375 = arith.constant 0 : i32
      %dma_start3A_376 = tpu.memref_slice %arg4[%add3A_123, %dma_start3A_375] : memref<65536x128xf32, #tpu.memory_space<hbm>> -> memref<128x128xf32, #tpu.memory_space<hbm>>
      %dma_start3A_377 = arith.constant 0 : i32
      %dma_start3A_378 = arith.constant 0 : i32
      %dma_start3A_379 = tpu.memref_slice %arg6[%run_scoped3A_124, %dma_start3A_377, %dma_start3A_378] : memref<2x128x128xf32, #tpu.memory_space<vmem>> -> memref<1x128x128xf32, #tpu.memory_space<vmem>>
      %dma_start3A_380 = tpu.memref_squeeze %dma_start3A_379 : memref<1x128x128xf32, #tpu.memory_space<vmem>> -> memref<128x128xf32, #tpu.memory_space<vmem>>
      tpu.enqueue_dma source(%dma_start3A_380 : memref<128x128xf32, #tpu.memory_space<vmem>>) target(%dma_start3A_376 : memref<128x128xf32, #tpu.memory_space<hbm>>) target_semaphore(%run_scoped3A_368 : memref<!tpu.dma_semaphore, #tpu.memory_space<semaphore_mem>>)
      %dma_wait3A_381 = arith.constant 0 : i32
      %dma_wait3A_382 = arith.constant 0 : i32
      %dma_wait3A_383 = tpu.memref_slice %arg6[%run_scoped3A_124, %dma_wait3A_381, %dma_wait3A_382] : memref<2x128x128xf32, #tpu.memory_space<vmem>> -> memref<1x128x128xf32, #tpu.memory_space<vmem>>
      %dma_wait3A_384 = tpu.memref_squeeze %dma_wait3A_383 : memref<1x128x128xf32, #tpu.memory_space<vmem>> -> memref<128x128xf32, #tpu.memory_space<vmem>>
      %dma_wait3A_385 = arith.constant 0 : i32
      %dma_wait3A_386 = tpu.memref_slice %arg4[%add3A_123, %dma_wait3A_385] : memref<65536x128xf32, #tpu.memory_space<hbm>> -> memref<128x128xf32, #tpu.memory_space<hbm>>
      %dma_wait3A_387 = arith.constant 0 : i32
      %dma_wait3A_388 = tpu.memref_slice %arg4[%add3A_123, %dma_wait3A_387] : memref<65536x128xf32, #tpu.memory_space<hbm>> -> memref<128x128xf32, #tpu.memory_space<hbm>>
      %dma_wait3A_389 = arith.constant 0 : i32
      %dma_wait3A_390 = arith.constant 0 : i32
      %dma_wait3A_391 = tpu.memref_slice %arg6[%run_scoped3A_124, %dma_wait3A_389, %dma_wait3A_390] : memref<2x128x128xf32, #tpu.memory_space<vmem>> -> memref<1x128x128xf32, #tpu.memory_space<vmem>>
      %dma_wait3A_392 = tpu.memref_squeeze %dma_wait3A_391 : memref<1x128x128xf32, #tpu.memory_space<vmem>> -> memref<128x128xf32, #tpu.memory_space<vmem>>
      tpu.wait_dma2 semaphore(%run_scoped3A_368 : memref<!tpu.dma_semaphore, #tpu.memory_space<semaphore_mem>>) src(%dma_wait3A_392 : memref<128x128xf32, #tpu.memory_space<vmem>>) dst(%dma_wait3A_388 : memref<128x128xf32, #tpu.memory_space<hbm>>)
      tpu.yield
    }) : () -> ()
    %dma_start3A_125 = arith.constant 0 : i32
    %dma_start3A_126 = arith.constant 0 : i32
    %dma_start3A_127 = arith.constant 0 : i32
    %dma_start3A_128 = tpu.memref_slice %arg6[%dma_start3A_125, %dma_start3A_126, %dma_start3A_127] : memref<2x128x128xf32, #tpu.memory_space<vmem>> -> memref<1x128x128xf32, #tpu.memory_space<vmem>>
    %dma_start3A_129 = tpu.memref_squeeze %dma_start3A_128 : memref<1x128x128xf32, #tpu.memory_space<vmem>> -> memref<128x128xf32, #tpu.memory_space<vmem>>
    %dma_start3A_130 = arith.constant 768 : i32
    %dma_start3A_131 = tpu.memref_slice %arg5[%dma_start3A_130] : memref<2048xi32, #tpu.memory_space<vmem>> -> memref<128xi32, #tpu.memory_space<vmem>>
    %dma_start3A_132 = arith.constant 0 : i32
    %dma_start3A_133 = arith.constant 0 : i32
    %dma_start3A_134 = tpu.memref_slice %arg3[%dma_start3A_132, %dma_start3A_133] : memref<4096x128xf32, #tpu.memory_space<hbm>> -> memref<4096x128xf32, #tpu.memory_space<hbm>>
    tpu.enqueue_indirect_dma source(%dma_start3A_134 : memref<4096x128xf32, #tpu.memory_space<hbm>>) target(%dma_start3A_129 : memref<128x128xf32, #tpu.memory_space<vmem>>) offsets(%dma_start3A_131 : memref<128xi32, #tpu.memory_space<vmem>>) semaphore(%arg7 : memref<!tpu.dma_semaphore, #tpu.memory_space<semaphore_mem>>)
    %dma_wait3A_135 = arith.constant 1 : i32
    %dma_wait3A_136 = arith.constant 0 : i32
    %dma_wait3A_137 = arith.constant 0 : i32
    %dma_wait3A_138 = tpu.memref_slice %arg6[%dma_wait3A_135, %dma_wait3A_136, %dma_wait3A_137] : memref<2x128x128xf32, #tpu.memory_space<vmem>> -> memref<1x128x128xf32, #tpu.memory_space<vmem>>
    %dma_wait3A_139 = tpu.memref_squeeze %dma_wait3A_138 : memref<1x128x128xf32, #tpu.memory_space<vmem>> -> memref<128x128xf32, #tpu.memory_space<vmem>>
    %dma_wait3A_140 = arith.constant 640 : i32
    %dma_wait3A_141 = tpu.memref_slice %arg5[%dma_wait3A_140] : memref<2048xi32, #tpu.memory_space<vmem>> -> memref<128xi32, #tpu.memory_space<vmem>>
    %dma_wait3A_142 = arith.constant 0 : i32
    %dma_wait3A_143 = arith.constant 0 : i32
    %dma_wait3A_144 = tpu.memref_slice %arg3[%dma_wait3A_142, %dma_wait3A_143] : memref<4096x128xf32, #tpu.memory_space<hbm>> -> memref<4096x128xf32, #tpu.memory_space<hbm>>
    tpu.wait_indirect_dma semaphore(%arg8 : memref<!tpu.dma_semaphore, #tpu.memory_space<semaphore_mem>>) src(%dma_wait3A_144 : memref<4096x128xf32, #tpu.memory_space<hbm>>) dst(%dma_wait3A_139 : memref<128x128xf32, #tpu.memory_space<vmem>>)
    %add3A_145 = arith.constant 640 : i32
    %add3A_146 = arith.addi %mul3A_2, %add3A_145 : i32
    %run_scoped3A_147 = arith.constant 1 : i32
    "tpu.region"() ({
      %run_scoped3A_368 = tpu.sem_alloc : memref<!tpu.dma_semaphore, #tpu.memory_space<semaphore_mem>>
      %dma_start3A_369 = arith.constant 0 : i32
      %dma_start3A_370 = arith.constant 0 : i32
      %dma_start3A_371 = tpu.memref_slice %arg6[%run_scoped3A_147, %dma_start3A_369, %dma_start3A_370] : memref<2x128x128xf32, #tpu.memory_space<vmem>> -> memref<1x128x128xf32, #tpu.memory_space<vmem>>
      %dma_start3A_372 = tpu.memref_squeeze %dma_start3A_371 : memref<1x128x128xf32, #tpu.memory_space<vmem>> -> memref<128x128xf32, #tpu.memory_space<vmem>>
      %dma_start3A_373 = arith.constant 0 : i32
      %dma_start3A_374 = tpu.memref_slice %arg4[%add3A_146, %dma_start3A_373] : memref<65536x128xf32, #tpu.memory_space<hbm>> -> memref<128x128xf32, #tpu.memory_space<hbm>>
      %dma_start3A_375 = arith.constant 0 : i32
      %dma_start3A_376 = tpu.memref_slice %arg4[%add3A_146, %dma_start3A_375] : memref<65536x128xf32, #tpu.memory_space<hbm>> -> memref<128x128xf32, #tpu.memory_space<hbm>>
      %dma_start3A_377 = arith.constant 0 : i32
      %dma_start3A_378 = arith.constant 0 : i32
      %dma_start3A_379 = tpu.memref_slice %arg6[%run_scoped3A_147, %dma_start3A_377, %dma_start3A_378] : memref<2x128x128xf32, #tpu.memory_space<vmem>> -> memref<1x128x128xf32, #tpu.memory_space<vmem>>
      %dma_start3A_380 = tpu.memref_squeeze %dma_start3A_379 : memref<1x128x128xf32, #tpu.memory_space<vmem>> -> memref<128x128xf32, #tpu.memory_space<vmem>>
      tpu.enqueue_dma source(%dma_start3A_380 : memref<128x128xf32, #tpu.memory_space<vmem>>) target(%dma_start3A_376 : memref<128x128xf32, #tpu.memory_space<hbm>>) target_semaphore(%run_scoped3A_368 : memref<!tpu.dma_semaphore, #tpu.memory_space<semaphore_mem>>)
      %dma_wait3A_381 = arith.constant 0 : i32
      %dma_wait3A_382 = arith.constant 0 : i32
      %dma_wait3A_383 = tpu.memref_slice %arg6[%run_scoped3A_147, %dma_wait3A_381, %dma_wait3A_382] : memref<2x128x128xf32, #tpu.memory_space<vmem>> -> memref<1x128x128xf32, #tpu.memory_space<vmem>>
      %dma_wait3A_384 = tpu.memref_squeeze %dma_wait3A_383 : memref<1x128x128xf32, #tpu.memory_space<vmem>> -> memref<128x128xf32, #tpu.memory_space<vmem>>
      %dma_wait3A_385 = arith.constant 0 : i32
      %dma_wait3A_386 = tpu.memref_slice %arg4[%add3A_146, %dma_wait3A_385] : memref<65536x128xf32, #tpu.memory_space<hbm>> -> memref<128x128xf32, #tpu.memory_space<hbm>>
      %dma_wait3A_387 = arith.constant 0 : i32
      %dma_wait3A_388 = tpu.memref_slice %arg4[%add3A_146, %dma_wait3A_387] : memref<65536x128xf32, #tpu.memory_space<hbm>> -> memref<128x128xf32, #tpu.memory_space<hbm>>
      %dma_wait3A_389 = arith.constant 0 : i32
      %dma_wait3A_390 = arith.constant 0 : i32
      %dma_wait3A_391 = tpu.memref_slice %arg6[%run_scoped3A_147, %dma_wait3A_389, %dma_wait3A_390] : memref<2x128x128xf32, #tpu.memory_space<vmem>> -> memref<1x128x128xf32, #tpu.memory_space<vmem>>
      %dma_wait3A_392 = tpu.memref_squeeze %dma_wait3A_391 : memref<1x128x128xf32, #tpu.memory_space<vmem>> -> memref<128x128xf32, #tpu.memory_space<vmem>>
      tpu.wait_dma2 semaphore(%run_scoped3A_368 : memref<!tpu.dma_semaphore, #tpu.memory_space<semaphore_mem>>) src(%dma_wait3A_392 : memref<128x128xf32, #tpu.memory_space<vmem>>) dst(%dma_wait3A_388 : memref<128x128xf32, #tpu.memory_space<hbm>>)
      tpu.yield
    }) : () -> ()
    %dma_start3A_148 = arith.constant 1 : i32
    %dma_start3A_149 = arith.constant 0 : i32
    %dma_start3A_150 = arith.constant 0 : i32
    %dma_start3A_151 = tpu.memref_slice %arg6[%dma_start3A_148, %dma_start3A_149, %dma_start3A_150] : memref<2x128x128xf32, #tpu.memory_space<vmem>> -> memref<1x128x128xf32, #tpu.memory_space<vmem>>
    %dma_start3A_152 = tpu.memref_squeeze %dma_start3A_151 : memref<1x128x128xf32, #tpu.memory_space<vmem>> -> memref<128x128xf32, #tpu.memory_space<vmem>>
    %dma_start3A_153 = arith.constant 896 : i32
    %dma_start3A_154 = tpu.memref_slice %arg5[%dma_start3A_153] : memref<2048xi32, #tpu.memory_space<vmem>> -> memref<128xi32, #tpu.memory_space<vmem>>
    %dma_start3A_155 = arith.constant 0 : i32
    %dma_start3A_156 = arith.constant 0 : i32
    %dma_start3A_157 = tpu.memref_slice %arg3[%dma_start3A_155, %dma_start3A_156] : memref<4096x128xf32, #tpu.memory_space<hbm>> -> memref<4096x128xf32, #tpu.memory_space<hbm>>
    tpu.enqueue_indirect_dma source(%dma_start3A_157 : memref<4096x128xf32, #tpu.memory_space<hbm>>) target(%dma_start3A_152 : memref<128x128xf32, #tpu.memory_space<vmem>>) offsets(%dma_start3A_154 : memref<128xi32, #tpu.memory_space<vmem>>) semaphore(%arg8 : memref<!tpu.dma_semaphore, #tpu.memory_space<semaphore_mem>>)
    %dma_wait3A_158 = arith.constant 0 : i32
    %dma_wait3A_159 = arith.constant 0 : i32
    %dma_wait3A_160 = arith.constant 0 : i32
    %dma_wait3A_161 = tpu.memref_slice %arg6[%dma_wait3A_158, %dma_wait3A_159, %dma_wait3A_160] : memref<2x128x128xf32, #tpu.memory_space<vmem>> -> memref<1x128x128xf32, #tpu.memory_space<vmem>>
    %dma_wait3A_162 = tpu.memref_squeeze %dma_wait3A_161 : memref<1x128x128xf32, #tpu.memory_space<vmem>> -> memref<128x128xf32, #tpu.memory_space<vmem>>
    %dma_wait3A_163 = arith.constant 768 : i32
    %dma_wait3A_164 = tpu.memref_slice %arg5[%dma_wait3A_163] : memref<2048xi32, #tpu.memory_space<vmem>> -> memref<128xi32, #tpu.memory_space<vmem>>
    %dma_wait3A_165 = arith.constant 0 : i32
    %dma_wait3A_166 = arith.constant 0 : i32
    %dma_wait3A_167 = tpu.memref_slice %arg3[%dma_wait3A_165, %dma_wait3A_166] : memref<4096x128xf32, #tpu.memory_space<hbm>> -> memref<4096x128xf32, #tpu.memory_space<hbm>>
    tpu.wait_indirect_dma semaphore(%arg7 : memref<!tpu.dma_semaphore, #tpu.memory_space<semaphore_mem>>) src(%dma_wait3A_167 : memref<4096x128xf32, #tpu.memory_space<hbm>>) dst(%dma_wait3A_162 : memref<128x128xf32, #tpu.memory_space<vmem>>)
    %add3A_168 = arith.constant 768 : i32
    %add3A_169 = arith.addi %mul3A_2, %add3A_168 : i32
    %run_scoped3A_170 = arith.constant 0 : i32
    "tpu.region"() ({
      %run_scoped3A_368 = tpu.sem_alloc : memref<!tpu.dma_semaphore, #tpu.memory_space<semaphore_mem>>
      %dma_start3A_369 = arith.constant 0 : i32
      %dma_start3A_370 = arith.constant 0 : i32
      %dma_start3A_371 = tpu.memref_slice %arg6[%run_scoped3A_170, %dma_start3A_369, %dma_start3A_370] : memref<2x128x128xf32, #tpu.memory_space<vmem>> -> memref<1x128x128xf32, #tpu.memory_space<vmem>>
      %dma_start3A_372 = tpu.memref_squeeze %dma_start3A_371 : memref<1x128x128xf32, #tpu.memory_space<vmem>> -> memref<128x128xf32, #tpu.memory_space<vmem>>
      %dma_start3A_373 = arith.constant 0 : i32
      %dma_start3A_374 = tpu.memref_slice %arg4[%add3A_169, %dma_start3A_373] : memref<65536x128xf32, #tpu.memory_space<hbm>> -> memref<128x128xf32, #tpu.memory_space<hbm>>
      %dma_start3A_375 = arith.constant 0 : i32
      %dma_start3A_376 = tpu.memref_slice %arg4[%add3A_169, %dma_start3A_375] : memref<65536x128xf32, #tpu.memory_space<hbm>> -> memref<128x128xf32, #tpu.memory_space<hbm>>
      %dma_start3A_377 = arith.constant 0 : i32
      %dma_start3A_378 = arith.constant 0 : i32
      %dma_start3A_379 = tpu.memref_slice %arg6[%run_scoped3A_170, %dma_start3A_377, %dma_start3A_378] : memref<2x128x128xf32, #tpu.memory_space<vmem>> -> memref<1x128x128xf32, #tpu.memory_space<vmem>>
      %dma_start3A_380 = tpu.memref_squeeze %dma_start3A_379 : memref<1x128x128xf32, #tpu.memory_space<vmem>> -> memref<128x128xf32, #tpu.memory_space<vmem>>
      tpu.enqueue_dma source(%dma_start3A_380 : memref<128x128xf32, #tpu.memory_space<vmem>>) target(%dma_start3A_376 : memref<128x128xf32, #tpu.memory_space<hbm>>) target_semaphore(%run_scoped3A_368 : memref<!tpu.dma_semaphore, #tpu.memory_space<semaphore_mem>>)
      %dma_wait3A_381 = arith.constant 0 : i32
      %dma_wait3A_382 = arith.constant 0 : i32
      %dma_wait3A_383 = tpu.memref_slice %arg6[%run_scoped3A_170, %dma_wait3A_381, %dma_wait3A_382] : memref<2x128x128xf32, #tpu.memory_space<vmem>> -> memref<1x128x128xf32, #tpu.memory_space<vmem>>
      %dma_wait3A_384 = tpu.memref_squeeze %dma_wait3A_383 : memref<1x128x128xf32, #tpu.memory_space<vmem>> -> memref<128x128xf32, #tpu.memory_space<vmem>>
      %dma_wait3A_385 = arith.constant 0 : i32
      %dma_wait3A_386 = tpu.memref_slice %arg4[%add3A_169, %dma_wait3A_385] : memref<65536x128xf32, #tpu.memory_space<hbm>> -> memref<128x128xf32, #tpu.memory_space<hbm>>
      %dma_wait3A_387 = arith.constant 0 : i32
      %dma_wait3A_388 = tpu.memref_slice %arg4[%add3A_169, %dma_wait3A_387] : memref<65536x128xf32, #tpu.memory_space<hbm>> -> memref<128x128xf32, #tpu.memory_space<hbm>>
      %dma_wait3A_389 = arith.constant 0 : i32
      %dma_wait3A_390 = arith.constant 0 : i32
      %dma_wait3A_391 = tpu.memref_slice %arg6[%run_scoped3A_170, %dma_wait3A_389, %dma_wait3A_390] : memref<2x128x128xf32, #tpu.memory_space<vmem>> -> memref<1x128x128xf32, #tpu.memory_space<vmem>>
      %dma_wait3A_392 = tpu.memref_squeeze %dma_wait3A_391 : memref<1x128x128xf32, #tpu.memory_space<vmem>> -> memref<128x128xf32, #tpu.memory_space<vmem>>
      tpu.wait_dma2 semaphore(%run_scoped3A_368 : memref<!tpu.dma_semaphore, #tpu.memory_space<semaphore_mem>>) src(%dma_wait3A_392 : memref<128x128xf32, #tpu.memory_space<vmem>>) dst(%dma_wait3A_388 : memref<128x128xf32, #tpu.memory_space<hbm>>)
      tpu.yield
    }) : () -> ()
    %dma_start3A_171 = arith.constant 0 : i32
    %dma_start3A_172 = arith.constant 0 : i32
    %dma_start3A_173 = arith.constant 0 : i32
    %dma_start3A_174 = tpu.memref_slice %arg6[%dma_start3A_171, %dma_start3A_172, %dma_start3A_173] : memref<2x128x128xf32, #tpu.memory_space<vmem>> -> memref<1x128x128xf32, #tpu.memory_space<vmem>>
    %dma_start3A_175 = tpu.memref_squeeze %dma_start3A_174 : memref<1x128x128xf32, #tpu.memory_space<vmem>> -> memref<128x128xf32, #tpu.memory_space<vmem>>
    %dma_start3A_176 = arith.constant 1024 : i32
    %dma_start3A_177 = tpu.memref_slice %arg5[%dma_start3A_176] : memref<2048xi32, #tpu.memory_space<vmem>> -> memref<128xi32, #tpu.memory_space<vmem>>
    %dma_start3A_178 = arith.constant 0 : i32
    %dma_start3A_179 = arith.constant 0 : i32
    %dma_start3A_180 = tpu.memref_slice %arg3[%dma_start3A_178, %dma_start3A_179] : memref<4096x128xf32, #tpu.memory_space<hbm>> -> memref<4096x128xf32, #tpu.memory_space<hbm>>
    tpu.enqueue_indirect_dma source(%dma_start3A_180 : memref<4096x128xf32, #tpu.memory_space<hbm>>) target(%dma_start3A_175 : memref<128x128xf32, #tpu.memory_space<vmem>>) offsets(%dma_start3A_177 : memref<128xi32, #tpu.memory_space<vmem>>) semaphore(%arg7 : memref<!tpu.dma_semaphore, #tpu.memory_space<semaphore_mem>>)
    %dma_wait3A_181 = arith.constant 1 : i32
    %dma_wait3A_182 = arith.constant 0 : i32
    %dma_wait3A_183 = arith.constant 0 : i32
    %dma_wait3A_184 = tpu.memref_slice %arg6[%dma_wait3A_181, %dma_wait3A_182, %dma_wait3A_183] : memref<2x128x128xf32, #tpu.memory_space<vmem>> -> memref<1x128x128xf32, #tpu.memory_space<vmem>>
    %dma_wait3A_185 = tpu.memref_squeeze %dma_wait3A_184 : memref<1x128x128xf32, #tpu.memory_space<vmem>> -> memref<128x128xf32, #tpu.memory_space<vmem>>
    %dma_wait3A_186 = arith.constant 896 : i32
    %dma_wait3A_187 = tpu.memref_slice %arg5[%dma_wait3A_186] : memref<2048xi32, #tpu.memory_space<vmem>> -> memref<128xi32, #tpu.memory_space<vmem>>
    %dma_wait3A_188 = arith.constant 0 : i32
    %dma_wait3A_189 = arith.constant 0 : i32
    %dma_wait3A_190 = tpu.memref_slice %arg3[%dma_wait3A_188, %dma_wait3A_189] : memref<4096x128xf32, #tpu.memory_space<hbm>> -> memref<4096x128xf32, #tpu.memory_space<hbm>>
    tpu.wait_indirect_dma semaphore(%arg8 : memref<!tpu.dma_semaphore, #tpu.memory_space<semaphore_mem>>) src(%dma_wait3A_190 : memref<4096x128xf32, #tpu.memory_space<hbm>>) dst(%dma_wait3A_185 : memref<128x128xf32, #tpu.memory_space<vmem>>)
    %add3A_191 = arith.constant 896 : i32
    %add3A_192 = arith.addi %mul3A_2, %add3A_191 : i32
    %run_scoped3A_193 = arith.constant 1 : i32
    "tpu.region"() ({
      %run_scoped3A_368 = tpu.sem_alloc : memref<!tpu.dma_semaphore, #tpu.memory_space<semaphore_mem>>
      %dma_start3A_369 = arith.constant 0 : i32
      %dma_start3A_370 = arith.constant 0 : i32
      %dma_start3A_371 = tpu.memref_slice %arg6[%run_scoped3A_193, %dma_start3A_369, %dma_start3A_370] : memref<2x128x128xf32, #tpu.memory_space<vmem>> -> memref<1x128x128xf32, #tpu.memory_space<vmem>>
      %dma_start3A_372 = tpu.memref_squeeze %dma_start3A_371 : memref<1x128x128xf32, #tpu.memory_space<vmem>> -> memref<128x128xf32, #tpu.memory_space<vmem>>
      %dma_start3A_373 = arith.constant 0 : i32
      %dma_start3A_374 = tpu.memref_slice %arg4[%add3A_192, %dma_start3A_373] : memref<65536x128xf32, #tpu.memory_space<hbm>> -> memref<128x128xf32, #tpu.memory_space<hbm>>
      %dma_start3A_375 = arith.constant 0 : i32
      %dma_start3A_376 = tpu.memref_slice %arg4[%add3A_192, %dma_start3A_375] : memref<65536x128xf32, #tpu.memory_space<hbm>> -> memref<128x128xf32, #tpu.memory_space<hbm>>
      %dma_start3A_377 = arith.constant 0 : i32
      %dma_start3A_378 = arith.constant 0 : i32
      %dma_start3A_379 = tpu.memref_slice %arg6[%run_scoped3A_193, %dma_start3A_377, %dma_start3A_378] : memref<2x128x128xf32, #tpu.memory_space<vmem>> -> memref<1x128x128xf32, #tpu.memory_space<vmem>>
      %dma_start3A_380 = tpu.memref_squeeze %dma_start3A_379 : memref<1x128x128xf32, #tpu.memory_space<vmem>> -> memref<128x128xf32, #tpu.memory_space<vmem>>
      tpu.enqueue_dma source(%dma_start3A_380 : memref<128x128xf32, #tpu.memory_space<vmem>>) target(%dma_start3A_376 : memref<128x128xf32, #tpu.memory_space<hbm>>) target_semaphore(%run_scoped3A_368 : memref<!tpu.dma_semaphore, #tpu.memory_space<semaphore_mem>>)
      %dma_wait3A_381 = arith.constant 0 : i32
      %dma_wait3A_382 = arith.constant 0 : i32
      %dma_wait3A_383 = tpu.memref_slice %arg6[%run_scoped3A_193, %dma_wait3A_381, %dma_wait3A_382] : memref<2x128x128xf32, #tpu.memory_space<vmem>> -> memref<1x128x128xf32, #tpu.memory_space<vmem>>
      %dma_wait3A_384 = tpu.memref_squeeze %dma_wait3A_383 : memref<1x128x128xf32, #tpu.memory_space<vmem>> -> memref<128x128xf32, #tpu.memory_space<vmem>>
      %dma_wait3A_385 = arith.constant 0 : i32
      %dma_wait3A_386 = tpu.memref_slice %arg4[%add3A_192, %dma_wait3A_385] : memref<65536x128xf32, #tpu.memory_space<hbm>> -> memref<128x128xf32, #tpu.memory_space<hbm>>
      %dma_wait3A_387 = arith.constant 0 : i32
      %dma_wait3A_388 = tpu.memref_slice %arg4[%add3A_192, %dma_wait3A_387] : memref<65536x128xf32, #tpu.memory_space<hbm>> -> memref<128x128xf32, #tpu.memory_space<hbm>>
      %dma_wait3A_389 = arith.constant 0 : i32
      %dma_wait3A_390 = arith.constant 0 : i32
      %dma_wait3A_391 = tpu.memref_slice %arg6[%run_scoped3A_193, %dma_wait3A_389, %dma_wait3A_390] : memref<2x128x128xf32, #tpu.memory_space<vmem>> -> memref<1x128x128xf32, #tpu.memory_space<vmem>>
      %dma_wait3A_392 = tpu.memref_squeeze %dma_wait3A_391 : memref<1x128x128xf32, #tpu.memory_space<vmem>> -> memref<128x128xf32, #tpu.memory_space<vmem>>
      tpu.wait_dma2 semaphore(%run_scoped3A_368 : memref<!tpu.dma_semaphore, #tpu.memory_space<semaphore_mem>>) src(%dma_wait3A_392 : memref<128x128xf32, #tpu.memory_space<vmem>>) dst(%dma_wait3A_388 : memref<128x128xf32, #tpu.memory_space<hbm>>)
      tpu.yield
    }) : () -> ()
    %dma_start3A_194 = arith.constant 1 : i32
    %dma_start3A_195 = arith.constant 0 : i32
    %dma_start3A_196 = arith.constant 0 : i32
    %dma_start3A_197 = tpu.memref_slice %arg6[%dma_start3A_194, %dma_start3A_195, %dma_start3A_196] : memref<2x128x128xf32, #tpu.memory_space<vmem>> -> memref<1x128x128xf32, #tpu.memory_space<vmem>>
    %dma_start3A_198 = tpu.memref_squeeze %dma_start3A_197 : memref<1x128x128xf32, #tpu.memory_space<vmem>> -> memref<128x128xf32, #tpu.memory_space<vmem>>
    %dma_start3A_199 = arith.constant 1152 : i32
    %dma_start3A_200 = tpu.memref_slice %arg5[%dma_start3A_199] : memref<2048xi32, #tpu.memory_space<vmem>> -> memref<128xi32, #tpu.memory_space<vmem>>
    %dma_start3A_201 = arith.constant 0 : i32
    %dma_start3A_202 = arith.constant 0 : i32
    %dma_start3A_203 = tpu.memref_slice %arg3[%dma_start3A_201, %dma_start3A_202] : memref<4096x128xf32, #tpu.memory_space<hbm>> -> memref<4096x128xf32, #tpu.memory_space<hbm>>
    tpu.enqueue_indirect_dma source(%dma_start3A_203 : memref<4096x128xf32, #tpu.memory_space<hbm>>) target(%dma_start3A_198 : memref<128x128xf32, #tpu.memory_space<vmem>>) offsets(%dma_start3A_200 : memref<128xi32, #tpu.memory_space<vmem>>) semaphore(%arg8 : memref<!tpu.dma_semaphore, #tpu.memory_space<semaphore_mem>>)
    %dma_wait3A_204 = arith.constant 0 : i32
    %dma_wait3A_205 = arith.constant 0 : i32
    %dma_wait3A_206 = arith.constant 0 : i32
    %dma_wait3A_207 = tpu.memref_slice %arg6[%dma_wait3A_204, %dma_wait3A_205, %dma_wait3A_206] : memref<2x128x128xf32, #tpu.memory_space<vmem>> -> memref<1x128x128xf32, #tpu.memory_space<vmem>>
    %dma_wait3A_208 = tpu.memref_squeeze %dma_wait3A_207 : memref<1x128x128xf32, #tpu.memory_space<vmem>> -> memref<128x128xf32, #tpu.memory_space<vmem>>
    %dma_wait3A_209 = arith.constant 1024 : i32
    %dma_wait3A_210 = tpu.memref_slice %arg5[%dma_wait3A_209] : memref<2048xi32, #tpu.memory_space<vmem>> -> memref<128xi32, #tpu.memory_space<vmem>>
    %dma_wait3A_211 = arith.constant 0 : i32
    %dma_wait3A_212 = arith.constant 0 : i32
    %dma_wait3A_213 = tpu.memref_slice %arg3[%dma_wait3A_211, %dma_wait3A_212] : memref<4096x128xf32, #tpu.memory_space<hbm>> -> memref<4096x128xf32, #tpu.memory_space<hbm>>
    tpu.wait_indirect_dma semaphore(%arg7 : memref<!tpu.dma_semaphore, #tpu.memory_space<semaphore_mem>>) src(%dma_wait3A_213 : memref<4096x128xf32, #tpu.memory_space<hbm>>) dst(%dma_wait3A_208 : memref<128x128xf32, #tpu.memory_space<vmem>>)
    %add3A_214 = arith.constant 1024 : i32
    %add3A_215 = arith.addi %mul3A_2, %add3A_214 : i32
    %run_scoped3A_216 = arith.constant 0 : i32
    "tpu.region"() ({
      %run_scoped3A_368 = tpu.sem_alloc : memref<!tpu.dma_semaphore, #tpu.memory_space<semaphore_mem>>
      %dma_start3A_369 = arith.constant 0 : i32
      %dma_start3A_370 = arith.constant 0 : i32
      %dma_start3A_371 = tpu.memref_slice %arg6[%run_scoped3A_216, %dma_start3A_369, %dma_start3A_370] : memref<2x128x128xf32, #tpu.memory_space<vmem>> -> memref<1x128x128xf32, #tpu.memory_space<vmem>>
      %dma_start3A_372 = tpu.memref_squeeze %dma_start3A_371 : memref<1x128x128xf32, #tpu.memory_space<vmem>> -> memref<128x128xf32, #tpu.memory_space<vmem>>
      %dma_start3A_373 = arith.constant 0 : i32
      %dma_start3A_374 = tpu.memref_slice %arg4[%add3A_215, %dma_start3A_373] : memref<65536x128xf32, #tpu.memory_space<hbm>> -> memref<128x128xf32, #tpu.memory_space<hbm>>
      %dma_start3A_375 = arith.constant 0 : i32
      %dma_start3A_376 = tpu.memref_slice %arg4[%add3A_215, %dma_start3A_375] : memref<65536x128xf32, #tpu.memory_space<hbm>> -> memref<128x128xf32, #tpu.memory_space<hbm>>
      %dma_start3A_377 = arith.constant 0 : i32
      %dma_start3A_378 = arith.constant 0 : i32
      %dma_start3A_379 = tpu.memref_slice %arg6[%run_scoped3A_216, %dma_start3A_377, %dma_start3A_378] : memref<2x128x128xf32, #tpu.memory_space<vmem>> -> memref<1x128x128xf32, #tpu.memory_space<vmem>>
      %dma_start3A_380 = tpu.memref_squeeze %dma_start3A_379 : memref<1x128x128xf32, #tpu.memory_space<vmem>> -> memref<128x128xf32, #tpu.memory_space<vmem>>
      tpu.enqueue_dma source(%dma_start3A_380 : memref<128x128xf32, #tpu.memory_space<vmem>>) target(%dma_start3A_376 : memref<128x128xf32, #tpu.memory_space<hbm>>) target_semaphore(%run_scoped3A_368 : memref<!tpu.dma_semaphore, #tpu.memory_space<semaphore_mem>>)
      %dma_wait3A_381 = arith.constant 0 : i32
      %dma_wait3A_382 = arith.constant 0 : i32
      %dma_wait3A_383 = tpu.memref_slice %arg6[%run_scoped3A_216, %dma_wait3A_381, %dma_wait3A_382] : memref<2x128x128xf32, #tpu.memory_space<vmem>> -> memref<1x128x128xf32, #tpu.memory_space<vmem>>
      %dma_wait3A_384 = tpu.memref_squeeze %dma_wait3A_383 : memref<1x128x128xf32, #tpu.memory_space<vmem>> -> memref<128x128xf32, #tpu.memory_space<vmem>>
      %dma_wait3A_385 = arith.constant 0 : i32
      %dma_wait3A_386 = tpu.memref_slice %arg4[%add3A_215, %dma_wait3A_385] : memref<65536x128xf32, #tpu.memory_space<hbm>> -> memref<128x128xf32, #tpu.memory_space<hbm>>
      %dma_wait3A_387 = arith.constant 0 : i32
      %dma_wait3A_388 = tpu.memref_slice %arg4[%add3A_215, %dma_wait3A_387] : memref<65536x128xf32, #tpu.memory_space<hbm>> -> memref<128x128xf32, #tpu.memory_space<hbm>>
      %dma_wait3A_389 = arith.constant 0 : i32
      %dma_wait3A_390 = arith.constant 0 : i32
      %dma_wait3A_391 = tpu.memref_slice %arg6[%run_scoped3A_216, %dma_wait3A_389, %dma_wait3A_390] : memref<2x128x128xf32, #tpu.memory_space<vmem>> -> memref<1x128x128xf32, #tpu.memory_space<vmem>>
      %dma_wait3A_392 = tpu.memref_squeeze %dma_wait3A_391 : memref<1x128x128xf32, #tpu.memory_space<vmem>> -> memref<128x128xf32, #tpu.memory_space<vmem>>
      tpu.wait_dma2 semaphore(%run_scoped3A_368 : memref<!tpu.dma_semaphore, #tpu.memory_space<semaphore_mem>>) src(%dma_wait3A_392 : memref<128x128xf32, #tpu.memory_space<vmem>>) dst(%dma_wait3A_388 : memref<128x128xf32, #tpu.memory_space<hbm>>)
      tpu.yield
    }) : () -> ()
    %dma_start3A_217 = arith.constant 0 : i32
    %dma_start3A_218 = arith.constant 0 : i32
    %dma_start3A_219 = arith.constant 0 : i32
    %dma_start3A_220 = tpu.memref_slice %arg6[%dma_start3A_217, %dma_start3A_218, %dma_start3A_219] : memref<2x128x128xf32, #tpu.memory_space<vmem>> -> memref<1x128x128xf32, #tpu.memory_space<vmem>>
    %dma_start3A_221 = tpu.memref_squeeze %dma_start3A_220 : memref<1x128x128xf32, #tpu.memory_space<vmem>> -> memref<128x128xf32, #tpu.memory_space<vmem>>
    %dma_start3A_222 = arith.constant 1280 : i32
    %dma_start3A_223 = tpu.memref_slice %arg5[%dma_start3A_222] : memref<2048xi32, #tpu.memory_space<vmem>> -> memref<128xi32, #tpu.memory_space<vmem>>
    %dma_start3A_224 = arith.constant 0 : i32
    %dma_start3A_225 = arith.constant 0 : i32
    %dma_start3A_226 = tpu.memref_slice %arg3[%dma_start3A_224, %dma_start3A_225] : memref<4096x128xf32, #tpu.memory_space<hbm>> -> memref<4096x128xf32, #tpu.memory_space<hbm>>
    tpu.enqueue_indirect_dma source(%dma_start3A_226 : memref<4096x128xf32, #tpu.memory_space<hbm>>) target(%dma_start3A_221 : memref<128x128xf32, #tpu.memory_space<vmem>>) offsets(%dma_start3A_223 : memref<128xi32, #tpu.memory_space<vmem>>) semaphore(%arg7 : memref<!tpu.dma_semaphore, #tpu.memory_space<semaphore_mem>>)
    %dma_wait3A_227 = arith.constant 1 : i32
    %dma_wait3A_228 = arith.constant 0 : i32
    %dma_wait3A_229 = arith.constant 0 : i32
    %dma_wait3A_230 = tpu.memref_slice %arg6[%dma_wait3A_227, %dma_wait3A_228, %dma_wait3A_229] : memref<2x128x128xf32, #tpu.memory_space<vmem>> -> memref<1x128x128xf32, #tpu.memory_space<vmem>>
    %dma_wait3A_231 = tpu.memref_squeeze %dma_wait3A_230 : memref<1x128x128xf32, #tpu.memory_space<vmem>> -> memref<128x128xf32, #tpu.memory_space<vmem>>
    %dma_wait3A_232 = arith.constant 1152 : i32
    %dma_wait3A_233 = tpu.memref_slice %arg5[%dma_wait3A_232] : memref<2048xi32, #tpu.memory_space<vmem>> -> memref<128xi32, #tpu.memory_space<vmem>>
    %dma_wait3A_234 = arith.constant 0 : i32
    %dma_wait3A_235 = arith.constant 0 : i32
    %dma_wait3A_236 = tpu.memref_slice %arg3[%dma_wait3A_234, %dma_wait3A_235] : memref<4096x128xf32, #tpu.memory_space<hbm>> -> memref<4096x128xf32, #tpu.memory_space<hbm>>
    tpu.wait_indirect_dma semaphore(%arg8 : memref<!tpu.dma_semaphore, #tpu.memory_space<semaphore_mem>>) src(%dma_wait3A_236 : memref<4096x128xf32, #tpu.memory_space<hbm>>) dst(%dma_wait3A_231 : memref<128x128xf32, #tpu.memory_space<vmem>>)
    %add3A_237 = arith.constant 1152 : i32
    %add3A_238 = arith.addi %mul3A_2, %add3A_237 : i32
    %run_scoped3A_239 = arith.constant 1 : i32
    "tpu.region"() ({
      %run_scoped3A_368 = tpu.sem_alloc : memref<!tpu.dma_semaphore, #tpu.memory_space<semaphore_mem>>
      %dma_start3A_369 = arith.constant 0 : i32
      %dma_start3A_370 = arith.constant 0 : i32
      %dma_start3A_371 = tpu.memref_slice %arg6[%run_scoped3A_239, %dma_start3A_369, %dma_start3A_370] : memref<2x128x128xf32, #tpu.memory_space<vmem>> -> memref<1x128x128xf32, #tpu.memory_space<vmem>>
      %dma_start3A_372 = tpu.memref_squeeze %dma_start3A_371 : memref<1x128x128xf32, #tpu.memory_space<vmem>> -> memref<128x128xf32, #tpu.memory_space<vmem>>
      %dma_start3A_373 = arith.constant 0 : i32
      %dma_start3A_374 = tpu.memref_slice %arg4[%add3A_238, %dma_start3A_373] : memref<65536x128xf32, #tpu.memory_space<hbm>> -> memref<128x128xf32, #tpu.memory_space<hbm>>
      %dma_start3A_375 = arith.constant 0 : i32
      %dma_start3A_376 = tpu.memref_slice %arg4[%add3A_238, %dma_start3A_375] : memref<65536x128xf32, #tpu.memory_space<hbm>> -> memref<128x128xf32, #tpu.memory_space<hbm>>
      %dma_start3A_377 = arith.constant 0 : i32
      %dma_start3A_378 = arith.constant 0 : i32
      %dma_start3A_379 = tpu.memref_slice %arg6[%run_scoped3A_239, %dma_start3A_377, %dma_start3A_378] : memref<2x128x128xf32, #tpu.memory_space<vmem>> -> memref<1x128x128xf32, #tpu.memory_space<vmem>>
      %dma_start3A_380 = tpu.memref_squeeze %dma_start3A_379 : memref<1x128x128xf32, #tpu.memory_space<vmem>> -> memref<128x128xf32, #tpu.memory_space<vmem>>
      tpu.enqueue_dma source(%dma_start3A_380 : memref<128x128xf32, #tpu.memory_space<vmem>>) target(%dma_start3A_376 : memref<128x128xf32, #tpu.memory_space<hbm>>) target_semaphore(%run_scoped3A_368 : memref<!tpu.dma_semaphore, #tpu.memory_space<semaphore_mem>>)
      %dma_wait3A_381 = arith.constant 0 : i32
      %dma_wait3A_382 = arith.constant 0 : i32
      %dma_wait3A_383 = tpu.memref_slice %arg6[%run_scoped3A_239, %dma_wait3A_381, %dma_wait3A_382] : memref<2x128x128xf32, #tpu.memory_space<vmem>> -> memref<1x128x128xf32, #tpu.memory_space<vmem>>
      %dma_wait3A_384 = tpu.memref_squeeze %dma_wait3A_383 : memref<1x128x128xf32, #tpu.memory_space<vmem>> -> memref<128x128xf32, #tpu.memory_space<vmem>>
      %dma_wait3A_385 = arith.constant 0 : i32
      %dma_wait3A_386 = tpu.memref_slice %arg4[%add3A_238, %dma_wait3A_385] : memref<65536x128xf32, #tpu.memory_space<hbm>> -> memref<128x128xf32, #tpu.memory_space<hbm>>
      %dma_wait3A_387 = arith.constant 0 : i32
      %dma_wait3A_388 = tpu.memref_slice %arg4[%add3A_238, %dma_wait3A_387] : memref<65536x128xf32, #tpu.memory_space<hbm>> -> memref<128x128xf32, #tpu.memory_space<hbm>>
      %dma_wait3A_389 = arith.constant 0 : i32
      %dma_wait3A_390 = arith.constant 0 : i32
      %dma_wait3A_391 = tpu.memref_slice %arg6[%run_scoped3A_239, %dma_wait3A_389, %dma_wait3A_390] : memref<2x128x128xf32, #tpu.memory_space<vmem>> -> memref<1x128x128xf32, #tpu.memory_space<vmem>>
      %dma_wait3A_392 = tpu.memref_squeeze %dma_wait3A_391 : memref<1x128x128xf32, #tpu.memory_space<vmem>> -> memref<128x128xf32, #tpu.memory_space<vmem>>
      tpu.wait_dma2 semaphore(%run_scoped3A_368 : memref<!tpu.dma_semaphore, #tpu.memory_space<semaphore_mem>>) src(%dma_wait3A_392 : memref<128x128xf32, #tpu.memory_space<vmem>>) dst(%dma_wait3A_388 : memref<128x128xf32, #tpu.memory_space<hbm>>)
      tpu.yield
    }) : () -> ()
    %dma_start3A_240 = arith.constant 1 : i32
    %dma_start3A_241 = arith.constant 0 : i32
    %dma_start3A_242 = arith.constant 0 : i32
    %dma_start3A_243 = tpu.memref_slice %arg6[%dma_start3A_240, %dma_start3A_241, %dma_start3A_242] : memref<2x128x128xf32, #tpu.memory_space<vmem>> -> memref<1x128x128xf32, #tpu.memory_space<vmem>>
    %dma_start3A_244 = tpu.memref_squeeze %dma_start3A_243 : memref<1x128x128xf32, #tpu.memory_space<vmem>> -> memref<128x128xf32, #tpu.memory_space<vmem>>
    %dma_start3A_245 = arith.constant 1408 : i32
    %dma_start3A_246 = tpu.memref_slice %arg5[%dma_start3A_245] : memref<2048xi32, #tpu.memory_space<vmem>> -> memref<128xi32, #tpu.memory_space<vmem>>
    %dma_start3A_247 = arith.constant 0 : i32
    %dma_start3A_248 = arith.constant 0 : i32
    %dma_start3A_249 = tpu.memref_slice %arg3[%dma_start3A_247, %dma_start3A_248] : memref<4096x128xf32, #tpu.memory_space<hbm>> -> memref<4096x128xf32, #tpu.memory_space<hbm>>
    tpu.enqueue_indirect_dma source(%dma_start3A_249 : memref<4096x128xf32, #tpu.memory_space<hbm>>) target(%dma_start3A_244 : memref<128x128xf32, #tpu.memory_space<vmem>>) offsets(%dma_start3A_246 : memref<128xi32, #tpu.memory_space<vmem>>) semaphore(%arg8 : memref<!tpu.dma_semaphore, #tpu.memory_space<semaphore_mem>>)
    %dma_wait3A_250 = arith.constant 0 : i32
    %dma_wait3A_251 = arith.constant 0 : i32
    %dma_wait3A_252 = arith.constant 0 : i32
    %dma_wait3A_253 = tpu.memref_slice %arg6[%dma_wait3A_250, %dma_wait3A_251, %dma_wait3A_252] : memref<2x128x128xf32, #tpu.memory_space<vmem>> -> memref<1x128x128xf32, #tpu.memory_space<vmem>>
    %dma_wait3A_254 = tpu.memref_squeeze %dma_wait3A_253 : memref<1x128x128xf32, #tpu.memory_space<vmem>> -> memref<128x128xf32, #tpu.memory_space<vmem>>
    %dma_wait3A_255 = arith.constant 1280 : i32
    %dma_wait3A_256 = tpu.memref_slice %arg5[%dma_wait3A_255] : memref<2048xi32, #tpu.memory_space<vmem>> -> memref<128xi32, #tpu.memory_space<vmem>>
    %dma_wait3A_257 = arith.constant 0 : i32
    %dma_wait3A_258 = arith.constant 0 : i32
    %dma_wait3A_259 = tpu.memref_slice %arg3[%dma_wait3A_257, %dma_wait3A_258] : memref<4096x128xf32, #tpu.memory_space<hbm>> -> memref<4096x128xf32, #tpu.memory_space<hbm>>
    tpu.wait_indirect_dma semaphore(%arg7 : memref<!tpu.dma_semaphore, #tpu.memory_space<semaphore_mem>>) src(%dma_wait3A_259 : memref<4096x128xf32, #tpu.memory_space<hbm>>) dst(%dma_wait3A_254 : memref<128x128xf32, #tpu.memory_space<vmem>>)
    %add3A_260 = arith.constant 1280 : i32
    %add3A_261 = arith.addi %mul3A_2, %add3A_260 : i32
    %run_scoped3A_262 = arith.constant 0 : i32
    "tpu.region"() ({
      %run_scoped3A_368 = tpu.sem_alloc : memref<!tpu.dma_semaphore, #tpu.memory_space<semaphore_mem>>
      %dma_start3A_369 = arith.constant 0 : i32
      %dma_start3A_370 = arith.constant 0 : i32
      %dma_start3A_371 = tpu.memref_slice %arg6[%run_scoped3A_262, %dma_start3A_369, %dma_start3A_370] : memref<2x128x128xf32, #tpu.memory_space<vmem>> -> memref<1x128x128xf32, #tpu.memory_space<vmem>>
      %dma_start3A_372 = tpu.memref_squeeze %dma_start3A_371 : memref<1x128x128xf32, #tpu.memory_space<vmem>> -> memref<128x128xf32, #tpu.memory_space<vmem>>
      %dma_start3A_373 = arith.constant 0 : i32
      %dma_start3A_374 = tpu.memref_slice %arg4[%add3A_261, %dma_start3A_373] : memref<65536x128xf32, #tpu.memory_space<hbm>> -> memref<128x128xf32, #tpu.memory_space<hbm>>
      %dma_start3A_375 = arith.constant 0 : i32
      %dma_start3A_376 = tpu.memref_slice %arg4[%add3A_261, %dma_start3A_375] : memref<65536x128xf32, #tpu.memory_space<hbm>> -> memref<128x128xf32, #tpu.memory_space<hbm>>
      %dma_start3A_377 = arith.constant 0 : i32
      %dma_start3A_378 = arith.constant 0 : i32
      %dma_start3A_379 = tpu.memref_slice %arg6[%run_scoped3A_262, %dma_start3A_377, %dma_start3A_378] : memref<2x128x128xf32, #tpu.memory_space<vmem>> -> memref<1x128x128xf32, #tpu.memory_space<vmem>>
      %dma_start3A_380 = tpu.memref_squeeze %dma_start3A_379 : memref<1x128x128xf32, #tpu.memory_space<vmem>> -> memref<128x128xf32, #tpu.memory_space<vmem>>
      tpu.enqueue_dma source(%dma_start3A_380 : memref<128x128xf32, #tpu.memory_space<vmem>>) target(%dma_start3A_376 : memref<128x128xf32, #tpu.memory_space<hbm>>) target_semaphore(%run_scoped3A_368 : memref<!tpu.dma_semaphore, #tpu.memory_space<semaphore_mem>>)
      %dma_wait3A_381 = arith.constant 0 : i32
      %dma_wait3A_382 = arith.constant 0 : i32
      %dma_wait3A_383 = tpu.memref_slice %arg6[%run_scoped3A_262, %dma_wait3A_381, %dma_wait3A_382] : memref<2x128x128xf32, #tpu.memory_space<vmem>> -> memref<1x128x128xf32, #tpu.memory_space<vmem>>
      %dma_wait3A_384 = tpu.memref_squeeze %dma_wait3A_383 : memref<1x128x128xf32, #tpu.memory_space<vmem>> -> memref<128x128xf32, #tpu.memory_space<vmem>>
      %dma_wait3A_385 = arith.constant 0 : i32
      %dma_wait3A_386 = tpu.memref_slice %arg4[%add3A_261, %dma_wait3A_385] : memref<65536x128xf32, #tpu.memory_space<hbm>> -> memref<128x128xf32, #tpu.memory_space<hbm>>
      %dma_wait3A_387 = arith.constant 0 : i32
      %dma_wait3A_388 = tpu.memref_slice %arg4[%add3A_261, %dma_wait3A_387] : memref<65536x128xf32, #tpu.memory_space<hbm>> -> memref<128x128xf32, #tpu.memory_space<hbm>>
      %dma_wait3A_389 = arith.constant 0 : i32
      %dma_wait3A_390 = arith.constant 0 : i32
      %dma_wait3A_391 = tpu.memref_slice %arg6[%run_scoped3A_262, %dma_wait3A_389, %dma_wait3A_390] : memref<2x128x128xf32, #tpu.memory_space<vmem>> -> memref<1x128x128xf32, #tpu.memory_space<vmem>>
      %dma_wait3A_392 = tpu.memref_squeeze %dma_wait3A_391 : memref<1x128x128xf32, #tpu.memory_space<vmem>> -> memref<128x128xf32, #tpu.memory_space<vmem>>
      tpu.wait_dma2 semaphore(%run_scoped3A_368 : memref<!tpu.dma_semaphore, #tpu.memory_space<semaphore_mem>>) src(%dma_wait3A_392 : memref<128x128xf32, #tpu.memory_space<vmem>>) dst(%dma_wait3A_388 : memref<128x128xf32, #tpu.memory_space<hbm>>)
      tpu.yield
    }) : () -> ()
    %dma_start3A_263 = arith.constant 0 : i32
    %dma_start3A_264 = arith.constant 0 : i32
    %dma_start3A_265 = arith.constant 0 : i32
    %dma_start3A_266 = tpu.memref_slice %arg6[%dma_start3A_263, %dma_start3A_264, %dma_start3A_265] : memref<2x128x128xf32, #tpu.memory_space<vmem>> -> memref<1x128x128xf32, #tpu.memory_space<vmem>>
    %dma_start3A_267 = tpu.memref_squeeze %dma_start3A_266 : memref<1x128x128xf32, #tpu.memory_space<vmem>> -> memref<128x128xf32, #tpu.memory_space<vmem>>
    %dma_start3A_268 = arith.constant 1536 : i32
    %dma_start3A_269 = tpu.memref_slice %arg5[%dma_start3A_268] : memref<2048xi32, #tpu.memory_space<vmem>> -> memref<128xi32, #tpu.memory_space<vmem>>
    %dma_start3A_270 = arith.constant 0 : i32
    %dma_start3A_271 = arith.constant 0 : i32
    %dma_start3A_272 = tpu.memref_slice %arg3[%dma_start3A_270, %dma_start3A_271] : memref<4096x128xf32, #tpu.memory_space<hbm>> -> memref<4096x128xf32, #tpu.memory_space<hbm>>
    tpu.enqueue_indirect_dma source(%dma_start3A_272 : memref<4096x128xf32, #tpu.memory_space<hbm>>) target(%dma_start3A_267 : memref<128x128xf32, #tpu.memory_space<vmem>>) offsets(%dma_start3A_269 : memref<128xi32, #tpu.memory_space<vmem>>) semaphore(%arg7 : memref<!tpu.dma_semaphore, #tpu.memory_space<semaphore_mem>>)
    %dma_wait3A_273 = arith.constant 1 : i32
    %dma_wait3A_274 = arith.constant 0 : i32
    %dma_wait3A_275 = arith.constant 0 : i32
    %dma_wait3A_276 = tpu.memref_slice %arg6[%dma_wait3A_273, %dma_wait3A_274, %dma_wait3A_275] : memref<2x128x128xf32, #tpu.memory_space<vmem>> -> memref<1x128x128xf32, #tpu.memory_space<vmem>>
    %dma_wait3A_277 = tpu.memref_squeeze %dma_wait3A_276 : memref<1x128x128xf32, #tpu.memory_space<vmem>> -> memref<128x128xf32, #tpu.memory_space<vmem>>
    %dma_wait3A_278 = arith.constant 1408 : i32
    %dma_wait3A_279 = tpu.memref_slice %arg5[%dma_wait3A_278] : memref<2048xi32, #tpu.memory_space<vmem>> -> memref<128xi32, #tpu.memory_space<vmem>>
    %dma_wait3A_280 = arith.constant 0 : i32
    %dma_wait3A_281 = arith.constant 0 : i32
    %dma_wait3A_282 = tpu.memref_slice %arg3[%dma_wait3A_280, %dma_wait3A_281] : memref<4096x128xf32, #tpu.memory_space<hbm>> -> memref<4096x128xf32, #tpu.memory_space<hbm>>
    tpu.wait_indirect_dma semaphore(%arg8 : memref<!tpu.dma_semaphore, #tpu.memory_space<semaphore_mem>>) src(%dma_wait3A_282 : memref<4096x128xf32, #tpu.memory_space<hbm>>) dst(%dma_wait3A_277 : memref<128x128xf32, #tpu.memory_space<vmem>>)
    %add3A_283 = arith.constant 1408 : i32
    %add3A_284 = arith.addi %mul3A_2, %add3A_283 : i32
    %run_scoped3A_285 = arith.constant 1 : i32
    "tpu.region"() ({
      %run_scoped3A_368 = tpu.sem_alloc : memref<!tpu.dma_semaphore, #tpu.memory_space<semaphore_mem>>
      %dma_start3A_369 = arith.constant 0 : i32
      %dma_start3A_370 = arith.constant 0 : i32
      %dma_start3A_371 = tpu.memref_slice %arg6[%run_scoped3A_285, %dma_start3A_369, %dma_start3A_370] : memref<2x128x128xf32, #tpu.memory_space<vmem>> -> memref<1x128x128xf32, #tpu.memory_space<vmem>>
      %dma_start3A_372 = tpu.memref_squeeze %dma_start3A_371 : memref<1x128x128xf32, #tpu.memory_space<vmem>> -> memref<128x128xf32, #tpu.memory_space<vmem>>
      %dma_start3A_373 = arith.constant 0 : i32
      %dma_start3A_374 = tpu.memref_slice %arg4[%add3A_284, %dma_start3A_373] : memref<65536x128xf32, #tpu.memory_space<hbm>> -> memref<128x128xf32, #tpu.memory_space<hbm>>
      %dma_start3A_375 = arith.constant 0 : i32
      %dma_start3A_376 = tpu.memref_slice %arg4[%add3A_284, %dma_start3A_375] : memref<65536x128xf32, #tpu.memory_space<hbm>> -> memref<128x128xf32, #tpu.memory_space<hbm>>
      %dma_start3A_377 = arith.constant 0 : i32
      %dma_start3A_378 = arith.constant 0 : i32
      %dma_start3A_379 = tpu.memref_slice %arg6[%run_scoped3A_285, %dma_start3A_377, %dma_start3A_378] : memref<2x128x128xf32, #tpu.memory_space<vmem>> -> memref<1x128x128xf32, #tpu.memory_space<vmem>>
      %dma_start3A_380 = tpu.memref_squeeze %dma_start3A_379 : memref<1x128x128xf32, #tpu.memory_space<vmem>> -> memref<128x128xf32, #tpu.memory_space<vmem>>
      tpu.enqueue_dma source(%dma_start3A_380 : memref<128x128xf32, #tpu.memory_space<vmem>>) target(%dma_start3A_376 : memref<128x128xf32, #tpu.memory_space<hbm>>) target_semaphore(%run_scoped3A_368 : memref<!tpu.dma_semaphore, #tpu.memory_space<semaphore_mem>>)
      %dma_wait3A_381 = arith.constant 0 : i32
      %dma_wait3A_382 = arith.constant 0 : i32
      %dma_wait3A_383 = tpu.memref_slice %arg6[%run_scoped3A_285, %dma_wait3A_381, %dma_wait3A_382] : memref<2x128x128xf32, #tpu.memory_space<vmem>> -> memref<1x128x128xf32, #tpu.memory_space<vmem>>
      %dma_wait3A_384 = tpu.memref_squeeze %dma_wait3A_383 : memref<1x128x128xf32, #tpu.memory_space<vmem>> -> memref<128x128xf32, #tpu.memory_space<vmem>>
      %dma_wait3A_385 = arith.constant 0 : i32
      %dma_wait3A_386 = tpu.memref_slice %arg4[%add3A_284, %dma_wait3A_385] : memref<65536x128xf32, #tpu.memory_space<hbm>> -> memref<128x128xf32, #tpu.memory_space<hbm>>
      %dma_wait3A_387 = arith.constant 0 : i32
      %dma_wait3A_388 = tpu.memref_slice %arg4[%add3A_284, %dma_wait3A_387] : memref<65536x128xf32, #tpu.memory_space<hbm>> -> memref<128x128xf32, #tpu.memory_space<hbm>>
      %dma_wait3A_389 = arith.constant 0 : i32
      %dma_wait3A_390 = arith.constant 0 : i32
      %dma_wait3A_391 = tpu.memref_slice %arg6[%run_scoped3A_285, %dma_wait3A_389, %dma_wait3A_390] : memref<2x128x128xf32, #tpu.memory_space<vmem>> -> memref<1x128x128xf32, #tpu.memory_space<vmem>>
      %dma_wait3A_392 = tpu.memref_squeeze %dma_wait3A_391 : memref<1x128x128xf32, #tpu.memory_space<vmem>> -> memref<128x128xf32, #tpu.memory_space<vmem>>
      tpu.wait_dma2 semaphore(%run_scoped3A_368 : memref<!tpu.dma_semaphore, #tpu.memory_space<semaphore_mem>>) src(%dma_wait3A_392 : memref<128x128xf32, #tpu.memory_space<vmem>>) dst(%dma_wait3A_388 : memref<128x128xf32, #tpu.memory_space<hbm>>)
      tpu.yield
    }) : () -> ()
    %dma_start3A_286 = arith.constant 1 : i32
    %dma_start3A_287 = arith.constant 0 : i32
    %dma_start3A_288 = arith.constant 0 : i32
    %dma_start3A_289 = tpu.memref_slice %arg6[%dma_start3A_286, %dma_start3A_287, %dma_start3A_288] : memref<2x128x128xf32, #tpu.memory_space<vmem>> -> memref<1x128x128xf32, #tpu.memory_space<vmem>>
    %dma_start3A_290 = tpu.memref_squeeze %dma_start3A_289 : memref<1x128x128xf32, #tpu.memory_space<vmem>> -> memref<128x128xf32, #tpu.memory_space<vmem>>
    %dma_start3A_291 = arith.constant 1664 : i32
    %dma_start3A_292 = tpu.memref_slice %arg5[%dma_start3A_291] : memref<2048xi32, #tpu.memory_space<vmem>> -> memref<128xi32, #tpu.memory_space<vmem>>
    %dma_start3A_293 = arith.constant 0 : i32
    %dma_start3A_294 = arith.constant 0 : i32
    %dma_start3A_295 = tpu.memref_slice %arg3[%dma_start3A_293, %dma_start3A_294] : memref<4096x128xf32, #tpu.memory_space<hbm>> -> memref<4096x128xf32, #tpu.memory_space<hbm>>
    tpu.enqueue_indirect_dma source(%dma_start3A_295 : memref<4096x128xf32, #tpu.memory_space<hbm>>) target(%dma_start3A_290 : memref<128x128xf32, #tpu.memory_space<vmem>>) offsets(%dma_start3A_292 : memref<128xi32, #tpu.memory_space<vmem>>) semaphore(%arg8 : memref<!tpu.dma_semaphore, #tpu.memory_space<semaphore_mem>>)
    %dma_wait3A_296 = arith.constant 0 : i32
    %dma_wait3A_297 = arith.constant 0 : i32
    %dma_wait3A_298 = arith.constant 0 : i32
    %dma_wait3A_299 = tpu.memref_slice %arg6[%dma_wait3A_296, %dma_wait3A_297, %dma_wait3A_298] : memref<2x128x128xf32, #tpu.memory_space<vmem>> -> memref<1x128x128xf32, #tpu.memory_space<vmem>>
    %dma_wait3A_300 = tpu.memref_squeeze %dma_wait3A_299 : memref<1x128x128xf32, #tpu.memory_space<vmem>> -> memref<128x128xf32, #tpu.memory_space<vmem>>
    %dma_wait3A_301 = arith.constant 1536 : i32
    %dma_wait3A_302 = tpu.memref_slice %arg5[%dma_wait3A_301] : memref<2048xi32, #tpu.memory_space<vmem>> -> memref<128xi32, #tpu.memory_space<vmem>>
    %dma_wait3A_303 = arith.constant 0 : i32
    %dma_wait3A_304 = arith.constant 0 : i32
    %dma_wait3A_305 = tpu.memref_slice %arg3[%dma_wait3A_303, %dma_wait3A_304] : memref<4096x128xf32, #tpu.memory_space<hbm>> -> memref<4096x128xf32, #tpu.memory_space<hbm>>
    tpu.wait_indirect_dma semaphore(%arg7 : memref<!tpu.dma_semaphore, #tpu.memory_space<semaphore_mem>>) src(%dma_wait3A_305 : memref<4096x128xf32, #tpu.memory_space<hbm>>) dst(%dma_wait3A_300 : memref<128x128xf32, #tpu.memory_space<vmem>>)
    %add3A_306 = arith.constant 1536 : i32
    %add3A_307 = arith.addi %mul3A_2, %add3A_306 : i32
    %run_scoped3A_308 = arith.constant 0 : i32
    "tpu.region"() ({
      %run_scoped3A_368 = tpu.sem_alloc : memref<!tpu.dma_semaphore, #tpu.memory_space<semaphore_mem>>
      %dma_start3A_369 = arith.constant 0 : i32
      %dma_start3A_370 = arith.constant 0 : i32
      %dma_start3A_371 = tpu.memref_slice %arg6[%run_scoped3A_308, %dma_start3A_369, %dma_start3A_370] : memref<2x128x128xf32, #tpu.memory_space<vmem>> -> memref<1x128x128xf32, #tpu.memory_space<vmem>>
      %dma_start3A_372 = tpu.memref_squeeze %dma_start3A_371 : memref<1x128x128xf32, #tpu.memory_space<vmem>> -> memref<128x128xf32, #tpu.memory_space<vmem>>
      %dma_start3A_373 = arith.constant 0 : i32
      %dma_start3A_374 = tpu.memref_slice %arg4[%add3A_307, %dma_start3A_373] : memref<65536x128xf32, #tpu.memory_space<hbm>> -> memref<128x128xf32, #tpu.memory_space<hbm>>
      %dma_start3A_375 = arith.constant 0 : i32
      %dma_start3A_376 = tpu.memref_slice %arg4[%add3A_307, %dma_start3A_375] : memref<65536x128xf32, #tpu.memory_space<hbm>> -> memref<128x128xf32, #tpu.memory_space<hbm>>
      %dma_start3A_377 = arith.constant 0 : i32
      %dma_start3A_378 = arith.constant 0 : i32
      %dma_start3A_379 = tpu.memref_slice %arg6[%run_scoped3A_308, %dma_start3A_377, %dma_start3A_378] : memref<2x128x128xf32, #tpu.memory_space<vmem>> -> memref<1x128x128xf32, #tpu.memory_space<vmem>>
      %dma_start3A_380 = tpu.memref_squeeze %dma_start3A_379 : memref<1x128x128xf32, #tpu.memory_space<vmem>> -> memref<128x128xf32, #tpu.memory_space<vmem>>
      tpu.enqueue_dma source(%dma_start3A_380 : memref<128x128xf32, #tpu.memory_space<vmem>>) target(%dma_start3A_376 : memref<128x128xf32, #tpu.memory_space<hbm>>) target_semaphore(%run_scoped3A_368 : memref<!tpu.dma_semaphore, #tpu.memory_space<semaphore_mem>>)
      %dma_wait3A_381 = arith.constant 0 : i32
      %dma_wait3A_382 = arith.constant 0 : i32
      %dma_wait3A_383 = tpu.memref_slice %arg6[%run_scoped3A_308, %dma_wait3A_381, %dma_wait3A_382] : memref<2x128x128xf32, #tpu.memory_space<vmem>> -> memref<1x128x128xf32, #tpu.memory_space<vmem>>
      %dma_wait3A_384 = tpu.memref_squeeze %dma_wait3A_383 : memref<1x128x128xf32, #tpu.memory_space<vmem>> -> memref<128x128xf32, #tpu.memory_space<vmem>>
      %dma_wait3A_385 = arith.constant 0 : i32
      %dma_wait3A_386 = tpu.memref_slice %arg4[%add3A_307, %dma_wait3A_385] : memref<65536x128xf32, #tpu.memory_space<hbm>> -> memref<128x128xf32, #tpu.memory_space<hbm>>
      %dma_wait3A_387 = arith.constant 0 : i32
      %dma_wait3A_388 = tpu.memref_slice %arg4[%add3A_307, %dma_wait3A_387] : memref<65536x128xf32, #tpu.memory_space<hbm>> -> memref<128x128xf32, #tpu.memory_space<hbm>>
      %dma_wait3A_389 = arith.constant 0 : i32
      %dma_wait3A_390 = arith.constant 0 : i32
      %dma_wait3A_391 = tpu.memref_slice %arg6[%run_scoped3A_308, %dma_wait3A_389, %dma_wait3A_390] : memref<2x128x128xf32, #tpu.memory_space<vmem>> -> memref<1x128x128xf32, #tpu.memory_space<vmem>>
      %dma_wait3A_392 = tpu.memref_squeeze %dma_wait3A_391 : memref<1x128x128xf32, #tpu.memory_space<vmem>> -> memref<128x128xf32, #tpu.memory_space<vmem>>
      tpu.wait_dma2 semaphore(%run_scoped3A_368 : memref<!tpu.dma_semaphore, #tpu.memory_space<semaphore_mem>>) src(%dma_wait3A_392 : memref<128x128xf32, #tpu.memory_space<vmem>>) dst(%dma_wait3A_388 : memref<128x128xf32, #tpu.memory_space<hbm>>)
      tpu.yield
    }) : () -> ()
    %dma_start3A_309 = arith.constant 0 : i32
    %dma_start3A_310 = arith.constant 0 : i32
    %dma_start3A_311 = arith.constant 0 : i32
    %dma_start3A_312 = tpu.memref_slice %arg6[%dma_start3A_309, %dma_start3A_310, %dma_start3A_311] : memref<2x128x128xf32, #tpu.memory_space<vmem>> -> memref<1x128x128xf32, #tpu.memory_space<vmem>>
    %dma_start3A_313 = tpu.memref_squeeze %dma_start3A_312 : memref<1x128x128xf32, #tpu.memory_space<vmem>> -> memref<128x128xf32, #tpu.memory_space<vmem>>
    %dma_start3A_314 = arith.constant 1792 : i32
    %dma_start3A_315 = tpu.memref_slice %arg5[%dma_start3A_314] : memref<2048xi32, #tpu.memory_space<vmem>> -> memref<128xi32, #tpu.memory_space<vmem>>
    %dma_start3A_316 = arith.constant 0 : i32
    %dma_start3A_317 = arith.constant 0 : i32
    %dma_start3A_318 = tpu.memref_slice %arg3[%dma_start3A_316, %dma_start3A_317] : memref<4096x128xf32, #tpu.memory_space<hbm>> -> memref<4096x128xf32, #tpu.memory_space<hbm>>
    tpu.enqueue_indirect_dma source(%dma_start3A_318 : memref<4096x128xf32, #tpu.memory_space<hbm>>) target(%dma_start3A_313 : memref<128x128xf32, #tpu.memory_space<vmem>>) offsets(%dma_start3A_315 : memref<128xi32, #tpu.memory_space<vmem>>) semaphore(%arg7 : memref<!tpu.dma_semaphore, #tpu.memory_space<semaphore_mem>>)
    %dma_wait3A_319 = arith.constant 1 : i32
    %dma_wait3A_320 = arith.constant 0 : i32
    %dma_wait3A_321 = arith.constant 0 : i32
    %dma_wait3A_322 = tpu.memref_slice %arg6[%dma_wait3A_319, %dma_wait3A_320, %dma_wait3A_321] : memref<2x128x128xf32, #tpu.memory_space<vmem>> -> memref<1x128x128xf32, #tpu.memory_space<vmem>>
    %dma_wait3A_323 = tpu.memref_squeeze %dma_wait3A_322 : memref<1x128x128xf32, #tpu.memory_space<vmem>> -> memref<128x128xf32, #tpu.memory_space<vmem>>
    %dma_wait3A_324 = arith.constant 1664 : i32
    %dma_wait3A_325 = tpu.memref_slice %arg5[%dma_wait3A_324] : memref<2048xi32, #tpu.memory_space<vmem>> -> memref<128xi32, #tpu.memory_space<vmem>>
    %dma_wait3A_326 = arith.constant 0 : i32
    %dma_wait3A_327 = arith.constant 0 : i32
    %dma_wait3A_328 = tpu.memref_slice %arg3[%dma_wait3A_326, %dma_wait3A_327] : memref<4096x128xf32, #tpu.memory_space<hbm>> -> memref<4096x128xf32, #tpu.memory_space<hbm>>
    tpu.wait_indirect_dma semaphore(%arg8 : memref<!tpu.dma_semaphore, #tpu.memory_space<semaphore_mem>>) src(%dma_wait3A_328 : memref<4096x128xf32, #tpu.memory_space<hbm>>) dst(%dma_wait3A_323 : memref<128x128xf32, #tpu.memory_space<vmem>>)
    %add3A_329 = arith.constant 1664 : i32
    %add3A_330 = arith.addi %mul3A_2, %add3A_329 : i32
    %run_scoped3A_331 = arith.constant 1 : i32
    "tpu.region"() ({
      %run_scoped3A_368 = tpu.sem_alloc : memref<!tpu.dma_semaphore, #tpu.memory_space<semaphore_mem>>
      %dma_start3A_369 = arith.constant 0 : i32
      %dma_start3A_370 = arith.constant 0 : i32
      %dma_start3A_371 = tpu.memref_slice %arg6[%run_scoped3A_331, %dma_start3A_369, %dma_start3A_370] : memref<2x128x128xf32, #tpu.memory_space<vmem>> -> memref<1x128x128xf32, #tpu.memory_space<vmem>>
      %dma_start3A_372 = tpu.memref_squeeze %dma_start3A_371 : memref<1x128x128xf32, #tpu.memory_space<vmem>> -> memref<128x128xf32, #tpu.memory_space<vmem>>
      %dma_start3A_373 = arith.constant 0 : i32
      %dma_start3A_374 = tpu.memref_slice %arg4[%add3A_330, %dma_start3A_373] : memref<65536x128xf32, #tpu.memory_space<hbm>> -> memref<128x128xf32, #tpu.memory_space<hbm>>
      %dma_start3A_375 = arith.constant 0 : i32
      %dma_start3A_376 = tpu.memref_slice %arg4[%add3A_330, %dma_start3A_375] : memref<65536x128xf32, #tpu.memory_space<hbm>> -> memref<128x128xf32, #tpu.memory_space<hbm>>
      %dma_start3A_377 = arith.constant 0 : i32
      %dma_start3A_378 = arith.constant 0 : i32
      %dma_start3A_379 = tpu.memref_slice %arg6[%run_scoped3A_331, %dma_start3A_377, %dma_start3A_378] : memref<2x128x128xf32, #tpu.memory_space<vmem>> -> memref<1x128x128xf32, #tpu.memory_space<vmem>>
      %dma_start3A_380 = tpu.memref_squeeze %dma_start3A_379 : memref<1x128x128xf32, #tpu.memory_space<vmem>> -> memref<128x128xf32, #tpu.memory_space<vmem>>
      tpu.enqueue_dma source(%dma_start3A_380 : memref<128x128xf32, #tpu.memory_space<vmem>>) target(%dma_start3A_376 : memref<128x128xf32, #tpu.memory_space<hbm>>) target_semaphore(%run_scoped3A_368 : memref<!tpu.dma_semaphore, #tpu.memory_space<semaphore_mem>>)
      %dma_wait3A_381 = arith.constant 0 : i32
      %dma_wait3A_382 = arith.constant 0 : i32
      %dma_wait3A_383 = tpu.memref_slice %arg6[%run_scoped3A_331, %dma_wait3A_381, %dma_wait3A_382] : memref<2x128x128xf32, #tpu.memory_space<vmem>> -> memref<1x128x128xf32, #tpu.memory_space<vmem>>
      %dma_wait3A_384 = tpu.memref_squeeze %dma_wait3A_383 : memref<1x128x128xf32, #tpu.memory_space<vmem>> -> memref<128x128xf32, #tpu.memory_space<vmem>>
      %dma_wait3A_385 = arith.constant 0 : i32
      %dma_wait3A_386 = tpu.memref_slice %arg4[%add3A_330, %dma_wait3A_385] : memref<65536x128xf32, #tpu.memory_space<hbm>> -> memref<128x128xf32, #tpu.memory_space<hbm>>
      %dma_wait3A_387 = arith.constant 0 : i32
      %dma_wait3A_388 = tpu.memref_slice %arg4[%add3A_330, %dma_wait3A_387] : memref<65536x128xf32, #tpu.memory_space<hbm>> -> memref<128x128xf32, #tpu.memory_space<hbm>>
      %dma_wait3A_389 = arith.constant 0 : i32
      %dma_wait3A_390 = arith.constant 0 : i32
      %dma_wait3A_391 = tpu.memref_slice %arg6[%run_scoped3A_331, %dma_wait3A_389, %dma_wait3A_390] : memref<2x128x128xf32, #tpu.memory_space<vmem>> -> memref<1x128x128xf32, #tpu.memory_space<vmem>>
      %dma_wait3A_392 = tpu.memref_squeeze %dma_wait3A_391 : memref<1x128x128xf32, #tpu.memory_space<vmem>> -> memref<128x128xf32, #tpu.memory_space<vmem>>
      tpu.wait_dma2 semaphore(%run_scoped3A_368 : memref<!tpu.dma_semaphore, #tpu.memory_space<semaphore_mem>>) src(%dma_wait3A_392 : memref<128x128xf32, #tpu.memory_space<vmem>>) dst(%dma_wait3A_388 : memref<128x128xf32, #tpu.memory_space<hbm>>)
      tpu.yield
    }) : () -> ()
    %dma_start3A_332 = arith.constant 1 : i32
    %dma_start3A_333 = arith.constant 0 : i32
    %dma_start3A_334 = arith.constant 0 : i32
    %dma_start3A_335 = tpu.memref_slice %arg6[%dma_start3A_332, %dma_start3A_333, %dma_start3A_334] : memref<2x128x128xf32, #tpu.memory_space<vmem>> -> memref<1x128x128xf32, #tpu.memory_space<vmem>>
    %dma_start3A_336 = tpu.memref_squeeze %dma_start3A_335 : memref<1x128x128xf32, #tpu.memory_space<vmem>> -> memref<128x128xf32, #tpu.memory_space<vmem>>
    %dma_start3A_337 = arith.constant 1920 : i32
    %dma_start3A_338 = tpu.memref_slice %arg5[%dma_start3A_337] : memref<2048xi32, #tpu.memory_space<vmem>> -> memref<128xi32, #tpu.memory_space<vmem>>
    %dma_start3A_339 = arith.constant 0 : i32
    %dma_start3A_340 = arith.constant 0 : i32
    %dma_start3A_341 = tpu.memref_slice %arg3[%dma_start3A_339, %dma_start3A_340] : memref<4096x128xf32, #tpu.memory_space<hbm>> -> memref<4096x128xf32, #tpu.memory_space<hbm>>
    tpu.enqueue_indirect_dma source(%dma_start3A_341 : memref<4096x128xf32, #tpu.memory_space<hbm>>) target(%dma_start3A_336 : memref<128x128xf32, #tpu.memory_space<vmem>>) offsets(%dma_start3A_338 : memref<128xi32, #tpu.memory_space<vmem>>) semaphore(%arg8 : memref<!tpu.dma_semaphore, #tpu.memory_space<semaphore_mem>>)
    %dma_wait3A_342 = arith.constant 0 : i32
    %dma_wait3A_343 = arith.constant 0 : i32
    %dma_wait3A_344 = arith.constant 0 : i32
    %dma_wait3A_345 = tpu.memref_slice %arg6[%dma_wait3A_342, %dma_wait3A_343, %dma_wait3A_344] : memref<2x128x128xf32, #tpu.memory_space<vmem>> -> memref<1x128x128xf32, #tpu.memory_space<vmem>>
    %dma_wait3A_346 = tpu.memref_squeeze %dma_wait3A_345 : memref<1x128x128xf32, #tpu.memory_space<vmem>> -> memref<128x128xf32, #tpu.memory_space<vmem>>
    %dma_wait3A_347 = arith.constant 1792 : i32
    %dma_wait3A_348 = tpu.memref_slice %arg5[%dma_wait3A_347] : memref<2048xi32, #tpu.memory_space<vmem>> -> memref<128xi32, #tpu.memory_space<vmem>>
    %dma_wait3A_349 = arith.constant 0 : i32
    %dma_wait3A_350 = arith.constant 0 : i32
    %dma_wait3A_351 = tpu.memref_slice %arg3[%dma_wait3A_349, %dma_wait3A_350] : memref<4096x128xf32, #tpu.memory_space<hbm>> -> memref<4096x128xf32, #tpu.memory_space<hbm>>
    tpu.wait_indirect_dma semaphore(%arg7 : memref<!tpu.dma_semaphore, #tpu.memory_space<semaphore_mem>>) src(%dma_wait3A_351 : memref<4096x128xf32, #tpu.memory_space<hbm>>) dst(%dma_wait3A_346 : memref<128x128xf32, #tpu.memory_space<vmem>>)
    %add3A_352 = arith.constant 1792 : i32
    %add3A_353 = arith.addi %mul3A_2, %add3A_352 : i32
    %run_scoped3A_354 = arith.constant 0 : i32
    "tpu.region"() ({
      %run_scoped3A_368 = tpu.sem_alloc : memref<!tpu.dma_semaphore, #tpu.memory_space<semaphore_mem>>
      %dma_start3A_369 = arith.constant 0 : i32
      %dma_start3A_370 = arith.constant 0 : i32
      %dma_start3A_371 = tpu.memref_slice %arg6[%run_scoped3A_354, %dma_start3A_369, %dma_start3A_370] : memref<2x128x128xf32, #tpu.memory_space<vmem>> -> memref<1x128x128xf32, #tpu.memory_space<vmem>>
      %dma_start3A_372 = tpu.memref_squeeze %dma_start3A_371 : memref<1x128x128xf32, #tpu.memory_space<vmem>> -> memref<128x128xf32, #tpu.memory_space<vmem>>
      %dma_start3A_373 = arith.constant 0 : i32
      %dma_start3A_374 = tpu.memref_slice %arg4[%add3A_353, %dma_start3A_373] : memref<65536x128xf32, #tpu.memory_space<hbm>> -> memref<128x128xf32, #tpu.memory_space<hbm>>
      %dma_start3A_375 = arith.constant 0 : i32
      %dma_start3A_376 = tpu.memref_slice %arg4[%add3A_353, %dma_start3A_375] : memref<65536x128xf32, #tpu.memory_space<hbm>> -> memref<128x128xf32, #tpu.memory_space<hbm>>
      %dma_start3A_377 = arith.constant 0 : i32
      %dma_start3A_378 = arith.constant 0 : i32
      %dma_start3A_379 = tpu.memref_slice %arg6[%run_scoped3A_354, %dma_start3A_377, %dma_start3A_378] : memref<2x128x128xf32, #tpu.memory_space<vmem>> -> memref<1x128x128xf32, #tpu.memory_space<vmem>>
      %dma_start3A_380 = tpu.memref_squeeze %dma_start3A_379 : memref<1x128x128xf32, #tpu.memory_space<vmem>> -> memref<128x128xf32, #tpu.memory_space<vmem>>
      tpu.enqueue_dma source(%dma_start3A_380 : memref<128x128xf32, #tpu.memory_space<vmem>>) target(%dma_start3A_376 : memref<128x128xf32, #tpu.memory_space<hbm>>) target_semaphore(%run_scoped3A_368 : memref<!tpu.dma_semaphore, #tpu.memory_space<semaphore_mem>>)
      %dma_wait3A_381 = arith.constant 0 : i32
      %dma_wait3A_382 = arith.constant 0 : i32
      %dma_wait3A_383 = tpu.memref_slice %arg6[%run_scoped3A_354, %dma_wait3A_381, %dma_wait3A_382] : memref<2x128x128xf32, #tpu.memory_space<vmem>> -> memref<1x128x128xf32, #tpu.memory_space<vmem>>
      %dma_wait3A_384 = tpu.memref_squeeze %dma_wait3A_383 : memref<1x128x128xf32, #tpu.memory_space<vmem>> -> memref<128x128xf32, #tpu.memory_space<vmem>>
      %dma_wait3A_385 = arith.constant 0 : i32
      %dma_wait3A_386 = tpu.memref_slice %arg4[%add3A_353, %dma_wait3A_385] : memref<65536x128xf32, #tpu.memory_space<hbm>> -> memref<128x128xf32, #tpu.memory_space<hbm>>
      %dma_wait3A_387 = arith.constant 0 : i32
      %dma_wait3A_388 = tpu.memref_slice %arg4[%add3A_353, %dma_wait3A_387] : memref<65536x128xf32, #tpu.memory_space<hbm>> -> memref<128x128xf32, #tpu.memory_space<hbm>>
      %dma_wait3A_389 = arith.constant 0 : i32
      %dma_wait3A_390 = arith.constant 0 : i32
      %dma_wait3A_391 = tpu.memref_slice %arg6[%run_scoped3A_354, %dma_wait3A_389, %dma_wait3A_390] : memref<2x128x128xf32, #tpu.memory_space<vmem>> -> memref<1x128x128xf32, #tpu.memory_space<vmem>>
      %dma_wait3A_392 = tpu.memref_squeeze %dma_wait3A_391 : memref<1x128x128xf32, #tpu.memory_space<vmem>> -> memref<128x128xf32, #tpu.memory_space<vmem>>
      tpu.wait_dma2 semaphore(%run_scoped3A_368 : memref<!tpu.dma_semaphore, #tpu.memory_space<semaphore_mem>>) src(%dma_wait3A_392 : memref<128x128xf32, #tpu.memory_space<vmem>>) dst(%dma_wait3A_388 : memref<128x128xf32, #tpu.memory_space<hbm>>)
      tpu.yield
    }) : () -> ()
    %dma_wait3A_355 = arith.constant 1 : i32
    %dma_wait3A_356 = arith.constant 0 : i32
    %dma_wait3A_357 = arith.constant 0 : i32
    %dma_wait3A_358 = tpu.memref_slice %arg6[%dma_wait3A_355, %dma_wait3A_356, %dma_wait3A_357] : memref<2x128x128xf32, #tpu.memory_space<vmem>> -> memref<1x128x128xf32, #tpu.memory_space<vmem>>
    %dma_wait3A_359 = tpu.memref_squeeze %dma_wait3A_358 : memref<1x128x128xf32, #tpu.memory_space<vmem>> -> memref<128x128xf32, #tpu.memory_space<vmem>>
    %dma_wait3A_360 = arith.constant 1920 : i32
    %dma_wait3A_361 = tpu.memref_slice %arg5[%dma_wait3A_360] : memref<2048xi32, #tpu.memory_space<vmem>> -> memref<128xi32, #tpu.memory_space<vmem>>
    %dma_wait3A_362 = arith.constant 0 : i32
    %dma_wait3A_363 = arith.constant 0 : i32
    %dma_wait3A_364 = tpu.memref_slice %arg3[%dma_wait3A_362, %dma_wait3A_363] : memref<4096x128xf32, #tpu.memory_space<hbm>> -> memref<4096x128xf32, #tpu.memory_space<hbm>>
    tpu.wait_indirect_dma semaphore(%arg8 : memref<!tpu.dma_semaphore, #tpu.memory_space<semaphore_mem>>) src(%dma_wait3A_364 : memref<4096x128xf32, #tpu.memory_space<hbm>>) dst(%dma_wait3A_359 : memref<128x128xf32, #tpu.memory_space<vmem>>)
    %add3A_365 = arith.constant 1920 : i32
    %add3A_366 = arith.addi %mul3A_2, %add3A_365 : i32
    %run_scoped3A_367 = arith.constant 1 : i32
    "tpu.region"() ({
      %run_scoped3A_368 = tpu.sem_alloc : memref<!tpu.dma_semaphore, #tpu.memory_space<semaphore_mem>>
      %dma_start3A_369 = arith.constant 0 : i32
      %dma_start3A_370 = arith.constant 0 : i32
      %dma_start3A_371 = tpu.memref_slice %arg6[%run_scoped3A_367, %dma_start3A_369, %dma_start3A_370] : memref<2x128x128xf32, #tpu.memory_space<vmem>> -> memref<1x128x128xf32, #tpu.memory_space<vmem>>
      %dma_start3A_372 = tpu.memref_squeeze %dma_start3A_371 : memref<1x128x128xf32, #tpu.memory_space<vmem>> -> memref<128x128xf32, #tpu.memory_space<vmem>>
      %dma_start3A_373 = arith.constant 0 : i32
      %dma_start3A_374 = tpu.memref_slice %arg4[%add3A_366, %dma_start3A_373] : memref<65536x128xf32, #tpu.memory_space<hbm>> -> memref<128x128xf32, #tpu.memory_space<hbm>>
      %dma_start3A_375 = arith.constant 0 : i32
      %dma_start3A_376 = tpu.memref_slice %arg4[%add3A_366, %dma_start3A_375] : memref<65536x128xf32, #tpu.memory_space<hbm>> -> memref<128x128xf32, #tpu.memory_space<hbm>>
      %dma_start3A_377 = arith.constant 0 : i32
      %dma_start3A_378 = arith.constant 0 : i32
      %dma_start3A_379 = tpu.memref_slice %arg6[%run_scoped3A_367, %dma_start3A_377, %dma_start3A_378] : memref<2x128x128xf32, #tpu.memory_space<vmem>> -> memref<1x128x128xf32, #tpu.memory_space<vmem>>
      %dma_start3A_380 = tpu.memref_squeeze %dma_start3A_379 : memref<1x128x128xf32, #tpu.memory_space<vmem>> -> memref<128x128xf32, #tpu.memory_space<vmem>>
      tpu.enqueue_dma source(%dma_start3A_380 : memref<128x128xf32, #tpu.memory_space<vmem>>) target(%dma_start3A_376 : memref<128x128xf32, #tpu.memory_space<hbm>>) target_semaphore(%run_scoped3A_368 : memref<!tpu.dma_semaphore, #tpu.memory_space<semaphore_mem>>)
      %dma_wait3A_381 = arith.constant 0 : i32
      %dma_wait3A_382 = arith.constant 0 : i32
      %dma_wait3A_383 = tpu.memref_slice %arg6[%run_scoped3A_367, %dma_wait3A_381, %dma_wait3A_382] : memref<2x128x128xf32, #tpu.memory_space<vmem>> -> memref<1x128x128xf32, #tpu.memory_space<vmem>>
      %dma_wait3A_384 = tpu.memref_squeeze %dma_wait3A_383 : memref<1x128x128xf32, #tpu.memory_space<vmem>> -> memref<128x128xf32, #tpu.memory_space<vmem>>
      %dma_wait3A_385 = arith.constant 0 : i32
      %dma_wait3A_386 = tpu.memref_slice %arg4[%add3A_366, %dma_wait3A_385] : memref<65536x128xf32, #tpu.memory_space<hbm>> -> memref<128x128xf32, #tpu.memory_space<hbm>>
      %dma_wait3A_387 = arith.constant 0 : i32
      %dma_wait3A_388 = tpu.memref_slice %arg4[%add3A_366, %dma_wait3A_387] : memref<65536x128xf32, #tpu.memory_space<hbm>> -> memref<128x128xf32, #tpu.memory_space<hbm>>
      %dma_wait3A_389 = arith.constant 0 : i32
      %dma_wait3A_390 = arith.constant 0 : i32
      %dma_wait3A_391 = tpu.memref_slice %arg6[%run_scoped3A_367, %dma_wait3A_389, %dma_wait3A_390] : memref<2x128x128xf32, #tpu.memory_space<vmem>> -> memref<1x128x128xf32, #tpu.memory_space<vmem>>
      %dma_wait3A_392 = tpu.memref_squeeze %dma_wait3A_391 : memref<1x128x128xf32, #tpu.memory_space<vmem>> -> memref<128x128xf32, #tpu.memory_space<vmem>>
      tpu.wait_dma2 semaphore(%run_scoped3A_368 : memref<!tpu.dma_semaphore, #tpu.memory_space<semaphore_mem>>) src(%dma_wait3A_392 : memref<128x128xf32, #tpu.memory_space<vmem>>) dst(%dma_wait3A_388 : memref<128x128xf32, #tpu.memory_space<hbm>>)
      tpu.yield
    }) : () -> ()
    return
  }
}

#map = affine_map<(d0, d1) -> (0)>
#map1 = affine_map<(d0, d1) -> (0, 0)>
module attributes {stable_mosaic.version = 14 : i64} {
  func.func @_sc_gather_body(%arg0: i32, %arg1: i32, %arg2: memref<65536xi32, #tpu.memory_space<hbm>>, %arg3: memref<4096x128xf32, #tpu.memory_space<hbm>>, %arg4: memref<65536x128xf32, #tpu.memory_space<hbm>>, %arg5: memref<2048xi32, #tpu.memory_space<vmem>>, %arg6: memref<2x128x128xf32, #tpu.memory_space<vmem>>, %arg7: memref<!tpu.dma_semaphore, #tpu.memory_space<semaphore_mem>>, %arg8: memref<!tpu.dma_semaphore, #tpu.memory_space<semaphore_mem>>) attributes {dimension_semantics = [#tpu.dimension_semantics<core_parallel>, #tpu.dimension_semantics<subcore_parallel>], iteration_bounds = array<i64: 2, 16>, scalar_prefetch = 0 : i64, scratch_operands = 4 : i64, tpu.core_type = #tpu.core_type<sc_vector_subcore>, window_params = [{transform_indices = #map}, {transform_indices = #map1}, {transform_indices = #map1}]} {
    %mul3A = arith.constant 2 : i32
    %mul3A_0 = arith.muli %arg1, %mul3A : i32
    %add3A = arith.addi %mul3A_0, %arg0 : i32
    %mul3A_1 = arith.constant 2048 : i32
    %mul3A_2 = arith.muli %add3A, %mul3A_1 : i32
    "tpu.region"() ({
      %run_scoped3A_368 = tpu.sem_alloc : memref<!tpu.dma_semaphore, #tpu.memory_space<semaphore_mem>>
      %dma_start3A_369 = tpu.memref_slice %arg2[%mul3A_2] : memref<65536xi32, #tpu.memory_space<hbm>> -> memref<2048xi32, #tpu.memory_space<hbm>>
      %dma_start3A_370 = tpu.memref_slice %arg2[%mul3A_2] : memref<65536xi32, #tpu.memory_space<hbm>> -> memref<2048xi32, #tpu.memory_space<hbm>>
      tpu.enqueue_dma source(%dma_start3A_370 : memref<2048xi32, #tpu.memory_space<hbm>>) target(%arg5 : memref<2048xi32, #tpu.memory_space<vmem>>) target_semaphore(%run_scoped3A_368 : memref<!tpu.dma_semaphore, #tpu.memory_space<semaphore_mem>>)
      %dma_wait3A_371 = tpu.memref_slice %arg2[%mul3A_2] : memref<65536xi32, #tpu.memory_space<hbm>> -> memref<2048xi32, #tpu.memory_space<hbm>>
      %dma_wait3A_372 = tpu.memref_slice %arg2[%mul3A_2] : memref<65536xi32, #tpu.memory_space<hbm>> -> memref<2048xi32, #tpu.memory_space<hbm>>
      tpu.wait_dma2 semaphore(%run_scoped3A_368 : memref<!tpu.dma_semaphore, #tpu.memory_space<semaphore_mem>>) src(%dma_wait3A_372 : memref<2048xi32, #tpu.memory_space<hbm>>) dst(%arg5 : memref<2048xi32, #tpu.memory_space<vmem>>)
      tpu.yield
    }) : () -> ()
    %dma_start3A = arith.constant 0 : i32
    %dma_start3A_3 = arith.constant 0 : i32
    %dma_start3A_4 = arith.constant 0 : i32
    %dma_start3A_5 = tpu.memref_slice %arg6[%dma_start3A, %dma_start3A_3, %dma_start3A_4] : memref<2x128x128xf32, #tpu.memory_space<vmem>> -> memref<1x128x128xf32, #tpu.memory_space<vmem>>
    %dma_start3A_6 = tpu.memref_squeeze %dma_start3A_5 : memref<1x128x128xf32, #tpu.memory_space<vmem>> -> memref<128x128xf32, #tpu.memory_space<vmem>>
    %dma_start3A_7 = arith.constant 0 : i32
    %dma_start3A_8 = tpu.memref_slice %arg5[%dma_start3A_7] : memref<2048xi32, #tpu.memory_space<vmem>> -> memref<128xi32, #tpu.memory_space<vmem>>
    %dma_start3A_9 = arith.constant 0 : i32
    %dma_start3A_10 = arith.constant 0 : i32
    %dma_start3A_11 = tpu.memref_slice %arg3[%dma_start3A_9, %dma_start3A_10] : memref<4096x128xf32, #tpu.memory_space<hbm>> -> memref<4096x128xf32, #tpu.memory_space<hbm>>
    tpu.enqueue_indirect_dma source(%dma_start3A_11 : memref<4096x128xf32, #tpu.memory_space<hbm>>) target(%dma_start3A_6 : memref<128x128xf32, #tpu.memory_space<vmem>>) offsets(%dma_start3A_8 : memref<128xi32, #tpu.memory_space<vmem>>) semaphore(%arg7 : memref<!tpu.dma_semaphore, #tpu.memory_space<semaphore_mem>>)
    %dma_start3A_12 = arith.constant 1 : i32
    %dma_start3A_13 = arith.constant 0 : i32
    %dma_start3A_14 = arith.constant 0 : i32
    %dma_start3A_15 = tpu.memref_slice %arg6[%dma_start3A_12, %dma_start3A_13, %dma_start3A_14] : memref<2x128x128xf32, #tpu.memory_space<vmem>> -> memref<1x128x128xf32, #tpu.memory_space<vmem>>
    %dma_start3A_16 = tpu.memref_squeeze %dma_start3A_15 : memref<1x128x128xf32, #tpu.memory_space<vmem>> -> memref<128x128xf32, #tpu.memory_space<vmem>>
    %dma_start3A_17 = arith.constant 128 : i32
    %dma_start3A_18 = tpu.memref_slice %arg5[%dma_start3A_17] : memref<2048xi32, #tpu.memory_space<vmem>> -> memref<128xi32, #tpu.memory_space<vmem>>
    %dma_start3A_19 = arith.constant 0 : i32
    %dma_start3A_20 = arith.constant 0 : i32
    %dma_start3A_21 = tpu.memref_slice %arg3[%dma_start3A_19, %dma_start3A_20] : memref<4096x128xf32, #tpu.memory_space<hbm>> -> memref<4096x128xf32, #tpu.memory_space<hbm>>
    tpu.enqueue_indirect_dma source(%dma_start3A_21 : memref<4096x128xf32, #tpu.memory_space<hbm>>) target(%dma_start3A_16 : memref<128x128xf32, #tpu.memory_space<vmem>>) offsets(%dma_start3A_18 : memref<128xi32, #tpu.memory_space<vmem>>) semaphore(%arg8 : memref<!tpu.dma_semaphore, #tpu.memory_space<semaphore_mem>>)
    %dma_wait3A = arith.constant 0 : i32
    %dma_wait3A_22 = arith.constant 0 : i32
    %dma_wait3A_23 = arith.constant 0 : i32
    %dma_wait3A_24 = tpu.memref_slice %arg6[%dma_wait3A, %dma_wait3A_22, %dma_wait3A_23] : memref<2x128x128xf32, #tpu.memory_space<vmem>> -> memref<1x128x128xf32, #tpu.memory_space<vmem>>
    %dma_wait3A_25 = tpu.memref_squeeze %dma_wait3A_24 : memref<1x128x128xf32, #tpu.memory_space<vmem>> -> memref<128x128xf32, #tpu.memory_space<vmem>>
    %dma_wait3A_26 = arith.constant 0 : i32
    %dma_wait3A_27 = tpu.memref_slice %arg5[%dma_wait3A_26] : memref<2048xi32, #tpu.memory_space<vmem>> -> memref<128xi32, #tpu.memory_space<vmem>>
    %dma_wait3A_28 = arith.constant 0 : i32
    %dma_wait3A_29 = arith.constant 0 : i32
    %dma_wait3A_30 = tpu.memref_slice %arg3[%dma_wait3A_28, %dma_wait3A_29] : memref<4096x128xf32, #tpu.memory_space<hbm>> -> memref<4096x128xf32, #tpu.memory_space<hbm>>
    tpu.wait_indirect_dma semaphore(%arg7 : memref<!tpu.dma_semaphore, #tpu.memory_space<semaphore_mem>>) src(%dma_wait3A_30 : memref<4096x128xf32, #tpu.memory_space<hbm>>) dst(%dma_wait3A_25 : memref<128x128xf32, #tpu.memory_space<vmem>>)
    %add3A_31 = arith.constant 0 : i32
    %add3A_32 = arith.addi %mul3A_2, %add3A_31 : i32
    %run_scoped3A = arith.constant 0 : i32
    "tpu.region"() ({
      %run_scoped3A_368 = tpu.sem_alloc : memref<!tpu.dma_semaphore, #tpu.memory_space<semaphore_mem>>
      %dma_start3A_369 = arith.constant 0 : i32
      %dma_start3A_370 = arith.constant 0 : i32
      %dma_start3A_371 = tpu.memref_slice %arg6[%run_scoped3A, %dma_start3A_369, %dma_start3A_370] : memref<2x128x128xf32, #tpu.memory_space<vmem>> -> memref<1x128x128xf32, #tpu.memory_space<vmem>>
      %dma_start3A_372 = tpu.memref_squeeze %dma_start3A_371 : memref<1x128x128xf32, #tpu.memory_space<vmem>> -> memref<128x128xf32, #tpu.memory_space<vmem>>
      %dma_start3A_373 = arith.constant 0 : i32
      %dma_start3A_374 = tpu.memref_slice %arg4[%add3A_32, %dma_start3A_373] : memref<65536x128xf32, #tpu.memory_space<hbm>> -> memref<128x128xf32, #tpu.memory_space<hbm>>
      %dma_start3A_375 = arith.constant 0 : i32
      %dma_start3A_376 = tpu.memref_slice %arg4[%add3A_32, %dma_start3A_375] : memref<65536x128xf32, #tpu.memory_space<hbm>> -> memref<128x128xf32, #tpu.memory_space<hbm>>
      %dma_start3A_377 = arith.constant 0 : i32
      %dma_start3A_378 = arith.constant 0 : i32
      %dma_start3A_379 = tpu.memref_slice %arg6[%run_scoped3A, %dma_start3A_377, %dma_start3A_378] : memref<2x128x128xf32, #tpu.memory_space<vmem>> -> memref<1x128x128xf32, #tpu.memory_space<vmem>>
      %dma_start3A_380 = tpu.memref_squeeze %dma_start3A_379 : memref<1x128x128xf32, #tpu.memory_space<vmem>> -> memref<128x128xf32, #tpu.memory_space<vmem>>
      tpu.enqueue_dma source(%dma_start3A_380 : memref<128x128xf32, #tpu.memory_space<vmem>>) target(%dma_start3A_376 : memref<128x128xf32, #tpu.memory_space<hbm>>) target_semaphore(%run_scoped3A_368 : memref<!tpu.dma_semaphore, #tpu.memory_space<semaphore_mem>>)
      %dma_wait3A_381 = arith.constant 0 : i32
      %dma_wait3A_382 = arith.constant 0 : i32
      %dma_wait3A_383 = tpu.memref_slice %arg6[%run_scoped3A, %dma_wait3A_381, %dma_wait3A_382] : memref<2x128x128xf32, #tpu.memory_space<vmem>> -> memref<1x128x128xf32, #tpu.memory_space<vmem>>
      %dma_wait3A_384 = tpu.memref_squeeze %dma_wait3A_383 : memref<1x128x128xf32, #tpu.memory_space<vmem>> -> memref<128x128xf32, #tpu.memory_space<vmem>>
      %dma_wait3A_385 = arith.constant 0 : i32
      %dma_wait3A_386 = tpu.memref_slice %arg4[%add3A_32, %dma_wait3A_385] : memref<65536x128xf32, #tpu.memory_space<hbm>> -> memref<128x128xf32, #tpu.memory_space<hbm>>
      %dma_wait3A_387 = arith.constant 0 : i32
      %dma_wait3A_388 = tpu.memref_slice %arg4[%add3A_32, %dma_wait3A_387] : memref<65536x128xf32, #tpu.memory_space<hbm>> -> memref<128x128xf32, #tpu.memory_space<hbm>>
      %dma_wait3A_389 = arith.constant 0 : i32
      %dma_wait3A_390 = arith.constant 0 : i32
      %dma_wait3A_391 = tpu.memref_slice %arg6[%run_scoped3A, %dma_wait3A_389, %dma_wait3A_390] : memref<2x128x128xf32, #tpu.memory_space<vmem>> -> memref<1x128x128xf32, #tpu.memory_space<vmem>>
      %dma_wait3A_392 = tpu.memref_squeeze %dma_wait3A_391 : memref<1x128x128xf32, #tpu.memory_space<vmem>> -> memref<128x128xf32, #tpu.memory_space<vmem>>
      tpu.wait_dma2 semaphore(%run_scoped3A_368 : memref<!tpu.dma_semaphore, #tpu.memory_space<semaphore_mem>>) src(%dma_wait3A_392 : memref<128x128xf32, #tpu.memory_space<vmem>>) dst(%dma_wait3A_388 : memref<128x128xf32, #tpu.memory_space<hbm>>)
      tpu.yield
    }) : () -> ()
    %dma_start3A_33 = arith.constant 0 : i32
    %dma_start3A_34 = arith.constant 0 : i32
    %dma_start3A_35 = arith.constant 0 : i32
    %dma_start3A_36 = tpu.memref_slice %arg6[%dma_start3A_33, %dma_start3A_34, %dma_start3A_35] : memref<2x128x128xf32, #tpu.memory_space<vmem>> -> memref<1x128x128xf32, #tpu.memory_space<vmem>>
    %dma_start3A_37 = tpu.memref_squeeze %dma_start3A_36 : memref<1x128x128xf32, #tpu.memory_space<vmem>> -> memref<128x128xf32, #tpu.memory_space<vmem>>
    %dma_start3A_38 = arith.constant 256 : i32
    %dma_start3A_39 = tpu.memref_slice %arg5[%dma_start3A_38] : memref<2048xi32, #tpu.memory_space<vmem>> -> memref<128xi32, #tpu.memory_space<vmem>>
    %dma_start3A_40 = arith.constant 0 : i32
    %dma_start3A_41 = arith.constant 0 : i32
    %dma_start3A_42 = tpu.memref_slice %arg3[%dma_start3A_40, %dma_start3A_41] : memref<4096x128xf32, #tpu.memory_space<hbm>> -> memref<4096x128xf32, #tpu.memory_space<hbm>>
    tpu.enqueue_indirect_dma source(%dma_start3A_42 : memref<4096x128xf32, #tpu.memory_space<hbm>>) target(%dma_start3A_37 : memref<128x128xf32, #tpu.memory_space<vmem>>) offsets(%dma_start3A_39 : memref<128xi32, #tpu.memory_space<vmem>>) semaphore(%arg7 : memref<!tpu.dma_semaphore, #tpu.memory_space<semaphore_mem>>)
    %dma_wait3A_43 = arith.constant 1 : i32
    %dma_wait3A_44 = arith.constant 0 : i32
    %dma_wait3A_45 = arith.constant 0 : i32
    %dma_wait3A_46 = tpu.memref_slice %arg6[%dma_wait3A_43, %dma_wait3A_44, %dma_wait3A_45] : memref<2x128x128xf32, #tpu.memory_space<vmem>> -> memref<1x128x128xf32, #tpu.memory_space<vmem>>
    %dma_wait3A_47 = tpu.memref_squeeze %dma_wait3A_46 : memref<1x128x128xf32, #tpu.memory_space<vmem>> -> memref<128x128xf32, #tpu.memory_space<vmem>>
    %dma_wait3A_48 = arith.constant 128 : i32
    %dma_wait3A_49 = tpu.memref_slice %arg5[%dma_wait3A_48] : memref<2048xi32, #tpu.memory_space<vmem>> -> memref<128xi32, #tpu.memory_space<vmem>>
    %dma_wait3A_50 = arith.constant 0 : i32
    %dma_wait3A_51 = arith.constant 0 : i32
    %dma_wait3A_52 = tpu.memref_slice %arg3[%dma_wait3A_50, %dma_wait3A_51] : memref<4096x128xf32, #tpu.memory_space<hbm>> -> memref<4096x128xf32, #tpu.memory_space<hbm>>
    tpu.wait_indirect_dma semaphore(%arg8 : memref<!tpu.dma_semaphore, #tpu.memory_space<semaphore_mem>>) src(%dma_wait3A_52 : memref<4096x128xf32, #tpu.memory_space<hbm>>) dst(%dma_wait3A_47 : memref<128x128xf32, #tpu.memory_space<vmem>>)
    %add3A_53 = arith.constant 128 : i32
    %add3A_54 = arith.addi %mul3A_2, %add3A_53 : i32
    %run_scoped3A_55 = arith.constant 1 : i32
    "tpu.region"() ({
      %run_scoped3A_368 = tpu.sem_alloc : memref<!tpu.dma_semaphore, #tpu.memory_space<semaphore_mem>>
      %dma_start3A_369 = arith.constant 0 : i32
      %dma_start3A_370 = arith.constant 0 : i32
      %dma_start3A_371 = tpu.memref_slice %arg6[%run_scoped3A_55, %dma_start3A_369, %dma_start3A_370] : memref<2x128x128xf32, #tpu.memory_space<vmem>> -> memref<1x128x128xf32, #tpu.memory_space<vmem>>
      %dma_start3A_372 = tpu.memref_squeeze %dma_start3A_371 : memref<1x128x128xf32, #tpu.memory_space<vmem>> -> memref<128x128xf32, #tpu.memory_space<vmem>>
      %dma_start3A_373 = arith.constant 0 : i32
      %dma_start3A_374 = tpu.memref_slice %arg4[%add3A_54, %dma_start3A_373] : memref<65536x128xf32, #tpu.memory_space<hbm>> -> memref<128x128xf32, #tpu.memory_space<hbm>>
      %dma_start3A_375 = arith.constant 0 : i32
      %dma_start3A_376 = tpu.memref_slice %arg4[%add3A_54, %dma_start3A_375] : memref<65536x128xf32, #tpu.memory_space<hbm>> -> memref<128x128xf32, #tpu.memory_space<hbm>>
      %dma_start3A_377 = arith.constant 0 : i32
      %dma_start3A_378 = arith.constant 0 : i32
      %dma_start3A_379 = tpu.memref_slice %arg6[%run_scoped3A_55, %dma_start3A_377, %dma_start3A_378] : memref<2x128x128xf32, #tpu.memory_space<vmem>> -> memref<1x128x128xf32, #tpu.memory_space<vmem>>
      %dma_start3A_380 = tpu.memref_squeeze %dma_start3A_379 : memref<1x128x128xf32, #tpu.memory_space<vmem>> -> memref<128x128xf32, #tpu.memory_space<vmem>>
      tpu.enqueue_dma source(%dma_start3A_380 : memref<128x128xf32, #tpu.memory_space<vmem>>) target(%dma_start3A_376 : memref<128x128xf32, #tpu.memory_space<hbm>>) target_semaphore(%run_scoped3A_368 : memref<!tpu.dma_semaphore, #tpu.memory_space<semaphore_mem>>)
      %dma_wait3A_381 = arith.constant 0 : i32
      %dma_wait3A_382 = arith.constant 0 : i32
      %dma_wait3A_383 = tpu.memref_slice %arg6[%run_scoped3A_55, %dma_wait3A_381, %dma_wait3A_382] : memref<2x128x128xf32, #tpu.memory_space<vmem>> -> memref<1x128x128xf32, #tpu.memory_space<vmem>>
      %dma_wait3A_384 = tpu.memref_squeeze %dma_wait3A_383 : memref<1x128x128xf32, #tpu.memory_space<vmem>> -> memref<128x128xf32, #tpu.memory_space<vmem>>
      %dma_wait3A_385 = arith.constant 0 : i32
      %dma_wait3A_386 = tpu.memref_slice %arg4[%add3A_54, %dma_wait3A_385] : memref<65536x128xf32, #tpu.memory_space<hbm>> -> memref<128x128xf32, #tpu.memory_space<hbm>>
      %dma_wait3A_387 = arith.constant 0 : i32
      %dma_wait3A_388 = tpu.memref_slice %arg4[%add3A_54, %dma_wait3A_387] : memref<65536x128xf32, #tpu.memory_space<hbm>> -> memref<128x128xf32, #tpu.memory_space<hbm>>
      %dma_wait3A_389 = arith.constant 0 : i32
      %dma_wait3A_390 = arith.constant 0 : i32
      %dma_wait3A_391 = tpu.memref_slice %arg6[%run_scoped3A_55, %dma_wait3A_389, %dma_wait3A_390] : memref<2x128x128xf32, #tpu.memory_space<vmem>> -> memref<1x128x128xf32, #tpu.memory_space<vmem>>
      %dma_wait3A_392 = tpu.memref_squeeze %dma_wait3A_391 : memref<1x128x128xf32, #tpu.memory_space<vmem>> -> memref<128x128xf32, #tpu.memory_space<vmem>>
      tpu.wait_dma2 semaphore(%run_scoped3A_368 : memref<!tpu.dma_semaphore, #tpu.memory_space<semaphore_mem>>) src(%dma_wait3A_392 : memref<128x128xf32, #tpu.memory_space<vmem>>) dst(%dma_wait3A_388 : memref<128x128xf32, #tpu.memory_space<hbm>>)
      tpu.yield
    }) : () -> ()
    %dma_start3A_56 = arith.constant 1 : i32
    %dma_start3A_57 = arith.constant 0 : i32
    %dma_start3A_58 = arith.constant 0 : i32
    %dma_start3A_59 = tpu.memref_slice %arg6[%dma_start3A_56, %dma_start3A_57, %dma_start3A_58] : memref<2x128x128xf32, #tpu.memory_space<vmem>> -> memref<1x128x128xf32, #tpu.memory_space<vmem>>
    %dma_start3A_60 = tpu.memref_squeeze %dma_start3A_59 : memref<1x128x128xf32, #tpu.memory_space<vmem>> -> memref<128x128xf32, #tpu.memory_space<vmem>>
    %dma_start3A_61 = arith.constant 384 : i32
    %dma_start3A_62 = tpu.memref_slice %arg5[%dma_start3A_61] : memref<2048xi32, #tpu.memory_space<vmem>> -> memref<128xi32, #tpu.memory_space<vmem>>
    %dma_start3A_63 = arith.constant 0 : i32
    %dma_start3A_64 = arith.constant 0 : i32
    %dma_start3A_65 = tpu.memref_slice %arg3[%dma_start3A_63, %dma_start3A_64] : memref<4096x128xf32, #tpu.memory_space<hbm>> -> memref<4096x128xf32, #tpu.memory_space<hbm>>
    tpu.enqueue_indirect_dma source(%dma_start3A_65 : memref<4096x128xf32, #tpu.memory_space<hbm>>) target(%dma_start3A_60 : memref<128x128xf32, #tpu.memory_space<vmem>>) offsets(%dma_start3A_62 : memref<128xi32, #tpu.memory_space<vmem>>) semaphore(%arg8 : memref<!tpu.dma_semaphore, #tpu.memory_space<semaphore_mem>>)
    %dma_wait3A_66 = arith.constant 0 : i32
    %dma_wait3A_67 = arith.constant 0 : i32
    %dma_wait3A_68 = arith.constant 0 : i32
    %dma_wait3A_69 = tpu.memref_slice %arg6[%dma_wait3A_66, %dma_wait3A_67, %dma_wait3A_68] : memref<2x128x128xf32, #tpu.memory_space<vmem>> -> memref<1x128x128xf32, #tpu.memory_space<vmem>>
    %dma_wait3A_70 = tpu.memref_squeeze %dma_wait3A_69 : memref<1x128x128xf32, #tpu.memory_space<vmem>> -> memref<128x128xf32, #tpu.memory_space<vmem>>
    %dma_wait3A_71 = arith.constant 256 : i32
    %dma_wait3A_72 = tpu.memref_slice %arg5[%dma_wait3A_71] : memref<2048xi32, #tpu.memory_space<vmem>> -> memref<128xi32, #tpu.memory_space<vmem>>
    %dma_wait3A_73 = arith.constant 0 : i32
    %dma_wait3A_74 = arith.constant 0 : i32
    %dma_wait3A_75 = tpu.memref_slice %arg3[%dma_wait3A_73, %dma_wait3A_74] : memref<4096x128xf32, #tpu.memory_space<hbm>> -> memref<4096x128xf32, #tpu.memory_space<hbm>>
    tpu.wait_indirect_dma semaphore(%arg7 : memref<!tpu.dma_semaphore, #tpu.memory_space<semaphore_mem>>) src(%dma_wait3A_75 : memref<4096x128xf32, #tpu.memory_space<hbm>>) dst(%dma_wait3A_70 : memref<128x128xf32, #tpu.memory_space<vmem>>)
    %add3A_76 = arith.constant 256 : i32
    %add3A_77 = arith.addi %mul3A_2, %add3A_76 : i32
    %run_scoped3A_78 = arith.constant 0 : i32
    "tpu.region"() ({
      %run_scoped3A_368 = tpu.sem_alloc : memref<!tpu.dma_semaphore, #tpu.memory_space<semaphore_mem>>
      %dma_start3A_369 = arith.constant 0 : i32
      %dma_start3A_370 = arith.constant 0 : i32
      %dma_start3A_371 = tpu.memref_slice %arg6[%run_scoped3A_78, %dma_start3A_369, %dma_start3A_370] : memref<2x128x128xf32, #tpu.memory_space<vmem>> -> memref<1x128x128xf32, #tpu.memory_space<vmem>>
      %dma_start3A_372 = tpu.memref_squeeze %dma_start3A_371 : memref<1x128x128xf32, #tpu.memory_space<vmem>> -> memref<128x128xf32, #tpu.memory_space<vmem>>
      %dma_start3A_373 = arith.constant 0 : i32
      %dma_start3A_374 = tpu.memref_slice %arg4[%add3A_77, %dma_start3A_373] : memref<65536x128xf32, #tpu.memory_space<hbm>> -> memref<128x128xf32, #tpu.memory_space<hbm>>
      %dma_start3A_375 = arith.constant 0 : i32
      %dma_start3A_376 = tpu.memref_slice %arg4[%add3A_77, %dma_start3A_375] : memref<65536x128xf32, #tpu.memory_space<hbm>> -> memref<128x128xf32, #tpu.memory_space<hbm>>
      %dma_start3A_377 = arith.constant 0 : i32
      %dma_start3A_378 = arith.constant 0 : i32
      %dma_start3A_379 = tpu.memref_slice %arg6[%run_scoped3A_78, %dma_start3A_377, %dma_start3A_378] : memref<2x128x128xf32, #tpu.memory_space<vmem>> -> memref<1x128x128xf32, #tpu.memory_space<vmem>>
      %dma_start3A_380 = tpu.memref_squeeze %dma_start3A_379 : memref<1x128x128xf32, #tpu.memory_space<vmem>> -> memref<128x128xf32, #tpu.memory_space<vmem>>
      tpu.enqueue_dma source(%dma_start3A_380 : memref<128x128xf32, #tpu.memory_space<vmem>>) target(%dma_start3A_376 : memref<128x128xf32, #tpu.memory_space<hbm>>) target_semaphore(%run_scoped3A_368 : memref<!tpu.dma_semaphore, #tpu.memory_space<semaphore_mem>>)
      %dma_wait3A_381 = arith.constant 0 : i32
      %dma_wait3A_382 = arith.constant 0 : i32
      %dma_wait3A_383 = tpu.memref_slice %arg6[%run_scoped3A_78, %dma_wait3A_381, %dma_wait3A_382] : memref<2x128x128xf32, #tpu.memory_space<vmem>> -> memref<1x128x128xf32, #tpu.memory_space<vmem>>
      %dma_wait3A_384 = tpu.memref_squeeze %dma_wait3A_383 : memref<1x128x128xf32, #tpu.memory_space<vmem>> -> memref<128x128xf32, #tpu.memory_space<vmem>>
      %dma_wait3A_385 = arith.constant 0 : i32
      %dma_wait3A_386 = tpu.memref_slice %arg4[%add3A_77, %dma_wait3A_385] : memref<65536x128xf32, #tpu.memory_space<hbm>> -> memref<128x128xf32, #tpu.memory_space<hbm>>
      %dma_wait3A_387 = arith.constant 0 : i32
      %dma_wait3A_388 = tpu.memref_slice %arg4[%add3A_77, %dma_wait3A_387] : memref<65536x128xf32, #tpu.memory_space<hbm>> -> memref<128x128xf32, #tpu.memory_space<hbm>>
      %dma_wait3A_389 = arith.constant 0 : i32
      %dma_wait3A_390 = arith.constant 0 : i32
      %dma_wait3A_391 = tpu.memref_slice %arg6[%run_scoped3A_78, %dma_wait3A_389, %dma_wait3A_390] : memref<2x128x128xf32, #tpu.memory_space<vmem>> -> memref<1x128x128xf32, #tpu.memory_space<vmem>>
      %dma_wait3A_392 = tpu.memref_squeeze %dma_wait3A_391 : memref<1x128x128xf32, #tpu.memory_space<vmem>> -> memref<128x128xf32, #tpu.memory_space<vmem>>
      tpu.wait_dma2 semaphore(%run_scoped3A_368 : memref<!tpu.dma_semaphore, #tpu.memory_space<semaphore_mem>>) src(%dma_wait3A_392 : memref<128x128xf32, #tpu.memory_space<vmem>>) dst(%dma_wait3A_388 : memref<128x128xf32, #tpu.memory_space<hbm>>)
      tpu.yield
    }) : () -> ()
    %dma_start3A_79 = arith.constant 0 : i32
    %dma_start3A_80 = arith.constant 0 : i32
    %dma_start3A_81 = arith.constant 0 : i32
    %dma_start3A_82 = tpu.memref_slice %arg6[%dma_start3A_79, %dma_start3A_80, %dma_start3A_81] : memref<2x128x128xf32, #tpu.memory_space<vmem>> -> memref<1x128x128xf32, #tpu.memory_space<vmem>>
    %dma_start3A_83 = tpu.memref_squeeze %dma_start3A_82 : memref<1x128x128xf32, #tpu.memory_space<vmem>> -> memref<128x128xf32, #tpu.memory_space<vmem>>
    %dma_start3A_84 = arith.constant 512 : i32
    %dma_start3A_85 = tpu.memref_slice %arg5[%dma_start3A_84] : memref<2048xi32, #tpu.memory_space<vmem>> -> memref<128xi32, #tpu.memory_space<vmem>>
    %dma_start3A_86 = arith.constant 0 : i32
    %dma_start3A_87 = arith.constant 0 : i32
    %dma_start3A_88 = tpu.memref_slice %arg3[%dma_start3A_86, %dma_start3A_87] : memref<4096x128xf32, #tpu.memory_space<hbm>> -> memref<4096x128xf32, #tpu.memory_space<hbm>>
    tpu.enqueue_indirect_dma source(%dma_start3A_88 : memref<4096x128xf32, #tpu.memory_space<hbm>>) target(%dma_start3A_83 : memref<128x128xf32, #tpu.memory_space<vmem>>) offsets(%dma_start3A_85 : memref<128xi32, #tpu.memory_space<vmem>>) semaphore(%arg7 : memref<!tpu.dma_semaphore, #tpu.memory_space<semaphore_mem>>)
    %dma_wait3A_89 = arith.constant 1 : i32
    %dma_wait3A_90 = arith.constant 0 : i32
    %dma_wait3A_91 = arith.constant 0 : i32
    %dma_wait3A_92 = tpu.memref_slice %arg6[%dma_wait3A_89, %dma_wait3A_90, %dma_wait3A_91] : memref<2x128x128xf32, #tpu.memory_space<vmem>> -> memref<1x128x128xf32, #tpu.memory_space<vmem>>
    %dma_wait3A_93 = tpu.memref_squeeze %dma_wait3A_92 : memref<1x128x128xf32, #tpu.memory_space<vmem>> -> memref<128x128xf32, #tpu.memory_space<vmem>>
    %dma_wait3A_94 = arith.constant 384 : i32
    %dma_wait3A_95 = tpu.memref_slice %arg5[%dma_wait3A_94] : memref<2048xi32, #tpu.memory_space<vmem>> -> memref<128xi32, #tpu.memory_space<vmem>>
    %dma_wait3A_96 = arith.constant 0 : i32
    %dma_wait3A_97 = arith.constant 0 : i32
    %dma_wait3A_98 = tpu.memref_slice %arg3[%dma_wait3A_96, %dma_wait3A_97] : memref<4096x128xf32, #tpu.memory_space<hbm>> -> memref<4096x128xf32, #tpu.memory_space<hbm>>
    tpu.wait_indirect_dma semaphore(%arg8 : memref<!tpu.dma_semaphore, #tpu.memory_space<semaphore_mem>>) src(%dma_wait3A_98 : memref<4096x128xf32, #tpu.memory_space<hbm>>) dst(%dma_wait3A_93 : memref<128x128xf32, #tpu.memory_space<vmem>>)
    %add3A_99 = arith.constant 384 : i32
    %add3A_100 = arith.addi %mul3A_2, %add3A_99 : i32
    %run_scoped3A_101 = arith.constant 1 : i32
    "tpu.region"() ({
      %run_scoped3A_368 = tpu.sem_alloc : memref<!tpu.dma_semaphore, #tpu.memory_space<semaphore_mem>>
      %dma_start3A_369 = arith.constant 0 : i32
      %dma_start3A_370 = arith.constant 0 : i32
      %dma_start3A_371 = tpu.memref_slice %arg6[%run_scoped3A_101, %dma_start3A_369, %dma_start3A_370] : memref<2x128x128xf32, #tpu.memory_space<vmem>> -> memref<1x128x128xf32, #tpu.memory_space<vmem>>
      %dma_start3A_372 = tpu.memref_squeeze %dma_start3A_371 : memref<1x128x128xf32, #tpu.memory_space<vmem>> -> memref<128x128xf32, #tpu.memory_space<vmem>>
      %dma_start3A_373 = arith.constant 0 : i32
      %dma_start3A_374 = tpu.memref_slice %arg4[%add3A_100, %dma_start3A_373] : memref<65536x128xf32, #tpu.memory_space<hbm>> -> memref<128x128xf32, #tpu.memory_space<hbm>>
      %dma_start3A_375 = arith.constant 0 : i32
      %dma_start3A_376 = tpu.memref_slice %arg4[%add3A_100, %dma_start3A_375] : memref<65536x128xf32, #tpu.memory_space<hbm>> -> memref<128x128xf32, #tpu.memory_space<hbm>>
      %dma_start3A_377 = arith.constant 0 : i32
      %dma_start3A_378 = arith.constant 0 : i32
      %dma_start3A_379 = tpu.memref_slice %arg6[%run_scoped3A_101, %dma_start3A_377, %dma_start3A_378] : memref<2x128x128xf32, #tpu.memory_space<vmem>> -> memref<1x128x128xf32, #tpu.memory_space<vmem>>
      %dma_start3A_380 = tpu.memref_squeeze %dma_start3A_379 : memref<1x128x128xf32, #tpu.memory_space<vmem>> -> memref<128x128xf32, #tpu.memory_space<vmem>>
      tpu.enqueue_dma source(%dma_start3A_380 : memref<128x128xf32, #tpu.memory_space<vmem>>) target(%dma_start3A_376 : memref<128x128xf32, #tpu.memory_space<hbm>>) target_semaphore(%run_scoped3A_368 : memref<!tpu.dma_semaphore, #tpu.memory_space<semaphore_mem>>)
      %dma_wait3A_381 = arith.constant 0 : i32
      %dma_wait3A_382 = arith.constant 0 : i32
      %dma_wait3A_383 = tpu.memref_slice %arg6[%run_scoped3A_101, %dma_wait3A_381, %dma_wait3A_382] : memref<2x128x128xf32, #tpu.memory_space<vmem>> -> memref<1x128x128xf32, #tpu.memory_space<vmem>>
      %dma_wait3A_384 = tpu.memref_squeeze %dma_wait3A_383 : memref<1x128x128xf32, #tpu.memory_space<vmem>> -> memref<128x128xf32, #tpu.memory_space<vmem>>
      %dma_wait3A_385 = arith.constant 0 : i32
      %dma_wait3A_386 = tpu.memref_slice %arg4[%add3A_100, %dma_wait3A_385] : memref<65536x128xf32, #tpu.memory_space<hbm>> -> memref<128x128xf32, #tpu.memory_space<hbm>>
      %dma_wait3A_387 = arith.constant 0 : i32
      %dma_wait3A_388 = tpu.memref_slice %arg4[%add3A_100, %dma_wait3A_387] : memref<65536x128xf32, #tpu.memory_space<hbm>> -> memref<128x128xf32, #tpu.memory_space<hbm>>
      %dma_wait3A_389 = arith.constant 0 : i32
      %dma_wait3A_390 = arith.constant 0 : i32
      %dma_wait3A_391 = tpu.memref_slice %arg6[%run_scoped3A_101, %dma_wait3A_389, %dma_wait3A_390] : memref<2x128x128xf32, #tpu.memory_space<vmem>> -> memref<1x128x128xf32, #tpu.memory_space<vmem>>
      %dma_wait3A_392 = tpu.memref_squeeze %dma_wait3A_391 : memref<1x128x128xf32, #tpu.memory_space<vmem>> -> memref<128x128xf32, #tpu.memory_space<vmem>>
      tpu.wait_dma2 semaphore(%run_scoped3A_368 : memref<!tpu.dma_semaphore, #tpu.memory_space<semaphore_mem>>) src(%dma_wait3A_392 : memref<128x128xf32, #tpu.memory_space<vmem>>) dst(%dma_wait3A_388 : memref<128x128xf32, #tpu.memory_space<hbm>>)
      tpu.yield
    }) : () -> ()
    %dma_start3A_102 = arith.constant 1 : i32
    %dma_start3A_103 = arith.constant 0 : i32
    %dma_start3A_104 = arith.constant 0 : i32
    %dma_start3A_105 = tpu.memref_slice %arg6[%dma_start3A_102, %dma_start3A_103, %dma_start3A_104] : memref<2x128x128xf32, #tpu.memory_space<vmem>> -> memref<1x128x128xf32, #tpu.memory_space<vmem>>
    %dma_start3A_106 = tpu.memref_squeeze %dma_start3A_105 : memref<1x128x128xf32, #tpu.memory_space<vmem>> -> memref<128x128xf32, #tpu.memory_space<vmem>>
    %dma_start3A_107 = arith.constant 640 : i32
    %dma_start3A_108 = tpu.memref_slice %arg5[%dma_start3A_107] : memref<2048xi32, #tpu.memory_space<vmem>> -> memref<128xi32, #tpu.memory_space<vmem>>
    %dma_start3A_109 = arith.constant 0 : i32
    %dma_start3A_110 = arith.constant 0 : i32
    %dma_start3A_111 = tpu.memref_slice %arg3[%dma_start3A_109, %dma_start3A_110] : memref<4096x128xf32, #tpu.memory_space<hbm>> -> memref<4096x128xf32, #tpu.memory_space<hbm>>
    tpu.enqueue_indirect_dma source(%dma_start3A_111 : memref<4096x128xf32, #tpu.memory_space<hbm>>) target(%dma_start3A_106 : memref<128x128xf32, #tpu.memory_space<vmem>>) offsets(%dma_start3A_108 : memref<128xi32, #tpu.memory_space<vmem>>) semaphore(%arg8 : memref<!tpu.dma_semaphore, #tpu.memory_space<semaphore_mem>>)
    %dma_wait3A_112 = arith.constant 0 : i32
    %dma_wait3A_113 = arith.constant 0 : i32
    %dma_wait3A_114 = arith.constant 0 : i32
    %dma_wait3A_115 = tpu.memref_slice %arg6[%dma_wait3A_112, %dma_wait3A_113, %dma_wait3A_114] : memref<2x128x128xf32, #tpu.memory_space<vmem>> -> memref<1x128x128xf32, #tpu.memory_space<vmem>>
    %dma_wait3A_116 = tpu.memref_squeeze %dma_wait3A_115 : memref<1x128x128xf32, #tpu.memory_space<vmem>> -> memref<128x128xf32, #tpu.memory_space<vmem>>
    %dma_wait3A_117 = arith.constant 512 : i32
    %dma_wait3A_118 = tpu.memref_slice %arg5[%dma_wait3A_117] : memref<2048xi32, #tpu.memory_space<vmem>> -> memref<128xi32, #tpu.memory_space<vmem>>
    %dma_wait3A_119 = arith.constant 0 : i32
    %dma_wait3A_120 = arith.constant 0 : i32
    %dma_wait3A_121 = tpu.memref_slice %arg3[%dma_wait3A_119, %dma_wait3A_120] : memref<4096x128xf32, #tpu.memory_space<hbm>> -> memref<4096x128xf32, #tpu.memory_space<hbm>>
    tpu.wait_indirect_dma semaphore(%arg7 : memref<!tpu.dma_semaphore, #tpu.memory_space<semaphore_mem>>) src(%dma_wait3A_121 : memref<4096x128xf32, #tpu.memory_space<hbm>>) dst(%dma_wait3A_116 : memref<128x128xf32, #tpu.memory_space<vmem>>)
    %add3A_122 = arith.constant 512 : i32
    %add3A_123 = arith.addi %mul3A_2, %add3A_122 : i32
    %run_scoped3A_124 = arith.constant 0 : i32
    "tpu.region"() ({
      %run_scoped3A_368 = tpu.sem_alloc : memref<!tpu.dma_semaphore, #tpu.memory_space<semaphore_mem>>
      %dma_start3A_369 = arith.constant 0 : i32
      %dma_start3A_370 = arith.constant 0 : i32
      %dma_start3A_371 = tpu.memref_slice %arg6[%run_scoped3A_124, %dma_start3A_369, %dma_start3A_370] : memref<2x128x128xf32, #tpu.memory_space<vmem>> -> memref<1x128x128xf32, #tpu.memory_space<vmem>>
      %dma_start3A_372 = tpu.memref_squeeze %dma_start3A_371 : memref<1x128x128xf32, #tpu.memory_space<vmem>> -> memref<128x128xf32, #tpu.memory_space<vmem>>
      %dma_start3A_373 = arith.constant 0 : i32
      %dma_start3A_374 = tpu.memref_slice %arg4[%add3A_123, %dma_start3A_373] : memref<65536x128xf32, #tpu.memory_space<hbm>> -> memref<128x128xf32, #tpu.memory_space<hbm>>
      %dma_start3A_375 = arith.constant 0 : i32
      %dma_start3A_376 = tpu.memref_slice %arg4[%add3A_123, %dma_start3A_375] : memref<65536x128xf32, #tpu.memory_space<hbm>> -> memref<128x128xf32, #tpu.memory_space<hbm>>
      %dma_start3A_377 = arith.constant 0 : i32
      %dma_start3A_378 = arith.constant 0 : i32
      %dma_start3A_379 = tpu.memref_slice %arg6[%run_scoped3A_124, %dma_start3A_377, %dma_start3A_378] : memref<2x128x128xf32, #tpu.memory_space<vmem>> -> memref<1x128x128xf32, #tpu.memory_space<vmem>>
      %dma_start3A_380 = tpu.memref_squeeze %dma_start3A_379 : memref<1x128x128xf32, #tpu.memory_space<vmem>> -> memref<128x128xf32, #tpu.memory_space<vmem>>
      tpu.enqueue_dma source(%dma_start3A_380 : memref<128x128xf32, #tpu.memory_space<vmem>>) target(%dma_start3A_376 : memref<128x128xf32, #tpu.memory_space<hbm>>) target_semaphore(%run_scoped3A_368 : memref<!tpu.dma_semaphore, #tpu.memory_space<semaphore_mem>>)
      %dma_wait3A_381 = arith.constant 0 : i32
      %dma_wait3A_382 = arith.constant 0 : i32
      %dma_wait3A_383 = tpu.memref_slice %arg6[%run_scoped3A_124, %dma_wait3A_381, %dma_wait3A_382] : memref<2x128x128xf32, #tpu.memory_space<vmem>> -> memref<1x128x128xf32, #tpu.memory_space<vmem>>
      %dma_wait3A_384 = tpu.memref_squeeze %dma_wait3A_383 : memref<1x128x128xf32, #tpu.memory_space<vmem>> -> memref<128x128xf32, #tpu.memory_space<vmem>>
      %dma_wait3A_385 = arith.constant 0 : i32
      %dma_wait3A_386 = tpu.memref_slice %arg4[%add3A_123, %dma_wait3A_385] : memref<65536x128xf32, #tpu.memory_space<hbm>> -> memref<128x128xf32, #tpu.memory_space<hbm>>
      %dma_wait3A_387 = arith.constant 0 : i32
      %dma_wait3A_388 = tpu.memref_slice %arg4[%add3A_123, %dma_wait3A_387] : memref<65536x128xf32, #tpu.memory_space<hbm>> -> memref<128x128xf32, #tpu.memory_space<hbm>>
      %dma_wait3A_389 = arith.constant 0 : i32
      %dma_wait3A_390 = arith.constant 0 : i32
      %dma_wait3A_391 = tpu.memref_slice %arg6[%run_scoped3A_124, %dma_wait3A_389, %dma_wait3A_390] : memref<2x128x128xf32, #tpu.memory_space<vmem>> -> memref<1x128x128xf32, #tpu.memory_space<vmem>>
      %dma_wait3A_392 = tpu.memref_squeeze %dma_wait3A_391 : memref<1x128x128xf32, #tpu.memory_space<vmem>> -> memref<128x128xf32, #tpu.memory_space<vmem>>
      tpu.wait_dma2 semaphore(%run_scoped3A_368 : memref<!tpu.dma_semaphore, #tpu.memory_space<semaphore_mem>>) src(%dma_wait3A_392 : memref<128x128xf32, #tpu.memory_space<vmem>>) dst(%dma_wait3A_388 : memref<128x128xf32, #tpu.memory_space<hbm>>)
      tpu.yield
    }) : () -> ()
    %dma_start3A_125 = arith.constant 0 : i32
    %dma_start3A_126 = arith.constant 0 : i32
    %dma_start3A_127 = arith.constant 0 : i32
    %dma_start3A_128 = tpu.memref_slice %arg6[%dma_start3A_125, %dma_start3A_126, %dma_start3A_127] : memref<2x128x128xf32, #tpu.memory_space<vmem>> -> memref<1x128x128xf32, #tpu.memory_space<vmem>>
    %dma_start3A_129 = tpu.memref_squeeze %dma_start3A_128 : memref<1x128x128xf32, #tpu.memory_space<vmem>> -> memref<128x128xf32, #tpu.memory_space<vmem>>
    %dma_start3A_130 = arith.constant 768 : i32
    %dma_start3A_131 = tpu.memref_slice %arg5[%dma_start3A_130] : memref<2048xi32, #tpu.memory_space<vmem>> -> memref<128xi32, #tpu.memory_space<vmem>>
    %dma_start3A_132 = arith.constant 0 : i32
    %dma_start3A_133 = arith.constant 0 : i32
    %dma_start3A_134 = tpu.memref_slice %arg3[%dma_start3A_132, %dma_start3A_133] : memref<4096x128xf32, #tpu.memory_space<hbm>> -> memref<4096x128xf32, #tpu.memory_space<hbm>>
    tpu.enqueue_indirect_dma source(%dma_start3A_134 : memref<4096x128xf32, #tpu.memory_space<hbm>>) target(%dma_start3A_129 : memref<128x128xf32, #tpu.memory_space<vmem>>) offsets(%dma_start3A_131 : memref<128xi32, #tpu.memory_space<vmem>>) semaphore(%arg7 : memref<!tpu.dma_semaphore, #tpu.memory_space<semaphore_mem>>)
    %dma_wait3A_135 = arith.constant 1 : i32
    %dma_wait3A_136 = arith.constant 0 : i32
    %dma_wait3A_137 = arith.constant 0 : i32
    %dma_wait3A_138 = tpu.memref_slice %arg6[%dma_wait3A_135, %dma_wait3A_136, %dma_wait3A_137] : memref<2x128x128xf32, #tpu.memory_space<vmem>> -> memref<1x128x128xf32, #tpu.memory_space<vmem>>
    %dma_wait3A_139 = tpu.memref_squeeze %dma_wait3A_138 : memref<1x128x128xf32, #tpu.memory_space<vmem>> -> memref<128x128xf32, #tpu.memory_space<vmem>>
    %dma_wait3A_140 = arith.constant 640 : i32
    %dma_wait3A_141 = tpu.memref_slice %arg5[%dma_wait3A_140] : memref<2048xi32, #tpu.memory_space<vmem>> -> memref<128xi32, #tpu.memory_space<vmem>>
    %dma_wait3A_142 = arith.constant 0 : i32
    %dma_wait3A_143 = arith.constant 0 : i32
    %dma_wait3A_144 = tpu.memref_slice %arg3[%dma_wait3A_142, %dma_wait3A_143] : memref<4096x128xf32, #tpu.memory_space<hbm>> -> memref<4096x128xf32, #tpu.memory_space<hbm>>
    tpu.wait_indirect_dma semaphore(%arg8 : memref<!tpu.dma_semaphore, #tpu.memory_space<semaphore_mem>>) src(%dma_wait3A_144 : memref<4096x128xf32, #tpu.memory_space<hbm>>) dst(%dma_wait3A_139 : memref<128x128xf32, #tpu.memory_space<vmem>>)
    %add3A_145 = arith.constant 640 : i32
    %add3A_146 = arith.addi %mul3A_2, %add3A_145 : i32
    %run_scoped3A_147 = arith.constant 1 : i32
    "tpu.region"() ({
      %run_scoped3A_368 = tpu.sem_alloc : memref<!tpu.dma_semaphore, #tpu.memory_space<semaphore_mem>>
      %dma_start3A_369 = arith.constant 0 : i32
      %dma_start3A_370 = arith.constant 0 : i32
      %dma_start3A_371 = tpu.memref_slice %arg6[%run_scoped3A_147, %dma_start3A_369, %dma_start3A_370] : memref<2x128x128xf32, #tpu.memory_space<vmem>> -> memref<1x128x128xf32, #tpu.memory_space<vmem>>
      %dma_start3A_372 = tpu.memref_squeeze %dma_start3A_371 : memref<1x128x128xf32, #tpu.memory_space<vmem>> -> memref<128x128xf32, #tpu.memory_space<vmem>>
      %dma_start3A_373 = arith.constant 0 : i32
      %dma_start3A_374 = tpu.memref_slice %arg4[%add3A_146, %dma_start3A_373] : memref<65536x128xf32, #tpu.memory_space<hbm>> -> memref<128x128xf32, #tpu.memory_space<hbm>>
      %dma_start3A_375 = arith.constant 0 : i32
      %dma_start3A_376 = tpu.memref_slice %arg4[%add3A_146, %dma_start3A_375] : memref<65536x128xf32, #tpu.memory_space<hbm>> -> memref<128x128xf32, #tpu.memory_space<hbm>>
      %dma_start3A_377 = arith.constant 0 : i32
      %dma_start3A_378 = arith.constant 0 : i32
      %dma_start3A_379 = tpu.memref_slice %arg6[%run_scoped3A_147, %dma_start3A_377, %dma_start3A_378] : memref<2x128x128xf32, #tpu.memory_space<vmem>> -> memref<1x128x128xf32, #tpu.memory_space<vmem>>
      %dma_start3A_380 = tpu.memref_squeeze %dma_start3A_379 : memref<1x128x128xf32, #tpu.memory_space<vmem>> -> memref<128x128xf32, #tpu.memory_space<vmem>>
      tpu.enqueue_dma source(%dma_start3A_380 : memref<128x128xf32, #tpu.memory_space<vmem>>) target(%dma_start3A_376 : memref<128x128xf32, #tpu.memory_space<hbm>>) target_semaphore(%run_scoped3A_368 : memref<!tpu.dma_semaphore, #tpu.memory_space<semaphore_mem>>)
      %dma_wait3A_381 = arith.constant 0 : i32
      %dma_wait3A_382 = arith.constant 0 : i32
      %dma_wait3A_383 = tpu.memref_slice %arg6[%run_scoped3A_147, %dma_wait3A_381, %dma_wait3A_382] : memref<2x128x128xf32, #tpu.memory_space<vmem>> -> memref<1x128x128xf32, #tpu.memory_space<vmem>>
      %dma_wait3A_384 = tpu.memref_squeeze %dma_wait3A_383 : memref<1x128x128xf32, #tpu.memory_space<vmem>> -> memref<128x128xf32, #tpu.memory_space<vmem>>
      %dma_wait3A_385 = arith.constant 0 : i32
      %dma_wait3A_386 = tpu.memref_slice %arg4[%add3A_146, %dma_wait3A_385] : memref<65536x128xf32, #tpu.memory_space<hbm>> -> memref<128x128xf32, #tpu.memory_space<hbm>>
      %dma_wait3A_387 = arith.constant 0 : i32
      %dma_wait3A_388 = tpu.memref_slice %arg4[%add3A_146, %dma_wait3A_387] : memref<65536x128xf32, #tpu.memory_space<hbm>> -> memref<128x128xf32, #tpu.memory_space<hbm>>
      %dma_wait3A_389 = arith.constant 0 : i32
      %dma_wait3A_390 = arith.constant 0 : i32
      %dma_wait3A_391 = tpu.memref_slice %arg6[%run_scoped3A_147, %dma_wait3A_389, %dma_wait3A_390] : memref<2x128x128xf32, #tpu.memory_space<vmem>> -> memref<1x128x128xf32, #tpu.memory_space<vmem>>
      %dma_wait3A_392 = tpu.memref_squeeze %dma_wait3A_391 : memref<1x128x128xf32, #tpu.memory_space<vmem>> -> memref<128x128xf32, #tpu.memory_space<vmem>>
      tpu.wait_dma2 semaphore(%run_scoped3A_368 : memref<!tpu.dma_semaphore, #tpu.memory_space<semaphore_mem>>) src(%dma_wait3A_392 : memref<128x128xf32, #tpu.memory_space<vmem>>) dst(%dma_wait3A_388 : memref<128x128xf32, #tpu.memory_space<hbm>>)
      tpu.yield
    }) : () -> ()
    %dma_start3A_148 = arith.constant 1 : i32
    %dma_start3A_149 = arith.constant 0 : i32
    %dma_start3A_150 = arith.constant 0 : i32
    %dma_start3A_151 = tpu.memref_slice %arg6[%dma_start3A_148, %dma_start3A_149, %dma_start3A_150] : memref<2x128x128xf32, #tpu.memory_space<vmem>> -> memref<1x128x128xf32, #tpu.memory_space<vmem>>
    %dma_start3A_152 = tpu.memref_squeeze %dma_start3A_151 : memref<1x128x128xf32, #tpu.memory_space<vmem>> -> memref<128x128xf32, #tpu.memory_space<vmem>>
    %dma_start3A_153 = arith.constant 896 : i32
    %dma_start3A_154 = tpu.memref_slice %arg5[%dma_start3A_153] : memref<2048xi32, #tpu.memory_space<vmem>> -> memref<128xi32, #tpu.memory_space<vmem>>
    %dma_start3A_155 = arith.constant 0 : i32
    %dma_start3A_156 = arith.constant 0 : i32
    %dma_start3A_157 = tpu.memref_slice %arg3[%dma_start3A_155, %dma_start3A_156] : memref<4096x128xf32, #tpu.memory_space<hbm>> -> memref<4096x128xf32, #tpu.memory_space<hbm>>
    tpu.enqueue_indirect_dma source(%dma_start3A_157 : memref<4096x128xf32, #tpu.memory_space<hbm>>) target(%dma_start3A_152 : memref<128x128xf32, #tpu.memory_space<vmem>>) offsets(%dma_start3A_154 : memref<128xi32, #tpu.memory_space<vmem>>) semaphore(%arg8 : memref<!tpu.dma_semaphore, #tpu.memory_space<semaphore_mem>>)
    %dma_wait3A_158 = arith.constant 0 : i32
    %dma_wait3A_159 = arith.constant 0 : i32
    %dma_wait3A_160 = arith.constant 0 : i32
    %dma_wait3A_161 = tpu.memref_slice %arg6[%dma_wait3A_158, %dma_wait3A_159, %dma_wait3A_160] : memref<2x128x128xf32, #tpu.memory_space<vmem>> -> memref<1x128x128xf32, #tpu.memory_space<vmem>>
    %dma_wait3A_162 = tpu.memref_squeeze %dma_wait3A_161 : memref<1x128x128xf32, #tpu.memory_space<vmem>> -> memref<128x128xf32, #tpu.memory_space<vmem>>
    %dma_wait3A_163 = arith.constant 768 : i32
    %dma_wait3A_164 = tpu.memref_slice %arg5[%dma_wait3A_163] : memref<2048xi32, #tpu.memory_space<vmem>> -> memref<128xi32, #tpu.memory_space<vmem>>
    %dma_wait3A_165 = arith.constant 0 : i32
    %dma_wait3A_166 = arith.constant 0 : i32
    %dma_wait3A_167 = tpu.memref_slice %arg3[%dma_wait3A_165, %dma_wait3A_166] : memref<4096x128xf32, #tpu.memory_space<hbm>> -> memref<4096x128xf32, #tpu.memory_space<hbm>>
    tpu.wait_indirect_dma semaphore(%arg7 : memref<!tpu.dma_semaphore, #tpu.memory_space<semaphore_mem>>) src(%dma_wait3A_167 : memref<4096x128xf32, #tpu.memory_space<hbm>>) dst(%dma_wait3A_162 : memref<128x128xf32, #tpu.memory_space<vmem>>)
    %add3A_168 = arith.constant 768 : i32
    %add3A_169 = arith.addi %mul3A_2, %add3A_168 : i32
    %run_scoped3A_170 = arith.constant 0 : i32
    "tpu.region"() ({
      %run_scoped3A_368 = tpu.sem_alloc : memref<!tpu.dma_semaphore, #tpu.memory_space<semaphore_mem>>
      %dma_start3A_369 = arith.constant 0 : i32
      %dma_start3A_370 = arith.constant 0 : i32
      %dma_start3A_371 = tpu.memref_slice %arg6[%run_scoped3A_170, %dma_start3A_369, %dma_start3A_370] : memref<2x128x128xf32, #tpu.memory_space<vmem>> -> memref<1x128x128xf32, #tpu.memory_space<vmem>>
      %dma_start3A_372 = tpu.memref_squeeze %dma_start3A_371 : memref<1x128x128xf32, #tpu.memory_space<vmem>> -> memref<128x128xf32, #tpu.memory_space<vmem>>
      %dma_start3A_373 = arith.constant 0 : i32
      %dma_start3A_374 = tpu.memref_slice %arg4[%add3A_169, %dma_start3A_373] : memref<65536x128xf32, #tpu.memory_space<hbm>> -> memref<128x128xf32, #tpu.memory_space<hbm>>
      %dma_start3A_375 = arith.constant 0 : i32
      %dma_start3A_376 = tpu.memref_slice %arg4[%add3A_169, %dma_start3A_375] : memref<65536x128xf32, #tpu.memory_space<hbm>> -> memref<128x128xf32, #tpu.memory_space<hbm>>
      %dma_start3A_377 = arith.constant 0 : i32
      %dma_start3A_378 = arith.constant 0 : i32
      %dma_start3A_379 = tpu.memref_slice %arg6[%run_scoped3A_170, %dma_start3A_377, %dma_start3A_378] : memref<2x128x128xf32, #tpu.memory_space<vmem>> -> memref<1x128x128xf32, #tpu.memory_space<vmem>>
      %dma_start3A_380 = tpu.memref_squeeze %dma_start3A_379 : memref<1x128x128xf32, #tpu.memory_space<vmem>> -> memref<128x128xf32, #tpu.memory_space<vmem>>
      tpu.enqueue_dma source(%dma_start3A_380 : memref<128x128xf32, #tpu.memory_space<vmem>>) target(%dma_start3A_376 : memref<128x128xf32, #tpu.memory_space<hbm>>) target_semaphore(%run_scoped3A_368 : memref<!tpu.dma_semaphore, #tpu.memory_space<semaphore_mem>>)
      %dma_wait3A_381 = arith.constant 0 : i32
      %dma_wait3A_382 = arith.constant 0 : i32
      %dma_wait3A_383 = tpu.memref_slice %arg6[%run_scoped3A_170, %dma_wait3A_381, %dma_wait3A_382] : memref<2x128x128xf32, #tpu.memory_space<vmem>> -> memref<1x128x128xf32, #tpu.memory_space<vmem>>
      %dma_wait3A_384 = tpu.memref_squeeze %dma_wait3A_383 : memref<1x128x128xf32, #tpu.memory_space<vmem>> -> memref<128x128xf32, #tpu.memory_space<vmem>>
      %dma_wait3A_385 = arith.constant 0 : i32
      %dma_wait3A_386 = tpu.memref_slice %arg4[%add3A_169, %dma_wait3A_385] : memref<65536x128xf32, #tpu.memory_space<hbm>> -> memref<128x128xf32, #tpu.memory_space<hbm>>
      %dma_wait3A_387 = arith.constant 0 : i32
      %dma_wait3A_388 = tpu.memref_slice %arg4[%add3A_169, %dma_wait3A_387] : memref<65536x128xf32, #tpu.memory_space<hbm>> -> memref<128x128xf32, #tpu.memory_space<hbm>>
      %dma_wait3A_389 = arith.constant 0 : i32
      %dma_wait3A_390 = arith.constant 0 : i32
      %dma_wait3A_391 = tpu.memref_slice %arg6[%run_scoped3A_170, %dma_wait3A_389, %dma_wait3A_390] : memref<2x128x128xf32, #tpu.memory_space<vmem>> -> memref<1x128x128xf32, #tpu.memory_space<vmem>>
      %dma_wait3A_392 = tpu.memref_squeeze %dma_wait3A_391 : memref<1x128x128xf32, #tpu.memory_space<vmem>> -> memref<128x128xf32, #tpu.memory_space<vmem>>
      tpu.wait_dma2 semaphore(%run_scoped3A_368 : memref<!tpu.dma_semaphore, #tpu.memory_space<semaphore_mem>>) src(%dma_wait3A_392 : memref<128x128xf32, #tpu.memory_space<vmem>>) dst(%dma_wait3A_388 : memref<128x128xf32, #tpu.memory_space<hbm>>)
      tpu.yield
    }) : () -> ()
    %dma_start3A_171 = arith.constant 0 : i32
    %dma_start3A_172 = arith.constant 0 : i32
    %dma_start3A_173 = arith.constant 0 : i32
    %dma_start3A_174 = tpu.memref_slice %arg6[%dma_start3A_171, %dma_start3A_172, %dma_start3A_173] : memref<2x128x128xf32, #tpu.memory_space<vmem>> -> memref<1x128x128xf32, #tpu.memory_space<vmem>>
    %dma_start3A_175 = tpu.memref_squeeze %dma_start3A_174 : memref<1x128x128xf32, #tpu.memory_space<vmem>> -> memref<128x128xf32, #tpu.memory_space<vmem>>
    %dma_start3A_176 = arith.constant 1024 : i32
    %dma_start3A_177 = tpu.memref_slice %arg5[%dma_start3A_176] : memref<2048xi32, #tpu.memory_space<vmem>> -> memref<128xi32, #tpu.memory_space<vmem>>
    %dma_start3A_178 = arith.constant 0 : i32
    %dma_start3A_179 = arith.constant 0 : i32
    %dma_start3A_180 = tpu.memref_slice %arg3[%dma_start3A_178, %dma_start3A_179] : memref<4096x128xf32, #tpu.memory_space<hbm>> -> memref<4096x128xf32, #tpu.memory_space<hbm>>
    tpu.enqueue_indirect_dma source(%dma_start3A_180 : memref<4096x128xf32, #tpu.memory_space<hbm>>) target(%dma_start3A_175 : memref<128x128xf32, #tpu.memory_space<vmem>>) offsets(%dma_start3A_177 : memref<128xi32, #tpu.memory_space<vmem>>) semaphore(%arg7 : memref<!tpu.dma_semaphore, #tpu.memory_space<semaphore_mem>>)
    %dma_wait3A_181 = arith.constant 1 : i32
    %dma_wait3A_182 = arith.constant 0 : i32
    %dma_wait3A_183 = arith.constant 0 : i32
    %dma_wait3A_184 = tpu.memref_slice %arg6[%dma_wait3A_181, %dma_wait3A_182, %dma_wait3A_183] : memref<2x128x128xf32, #tpu.memory_space<vmem>> -> memref<1x128x128xf32, #tpu.memory_space<vmem>>
    %dma_wait3A_185 = tpu.memref_squeeze %dma_wait3A_184 : memref<1x128x128xf32, #tpu.memory_space<vmem>> -> memref<128x128xf32, #tpu.memory_space<vmem>>
    %dma_wait3A_186 = arith.constant 896 : i32
    %dma_wait3A_187 = tpu.memref_slice %arg5[%dma_wait3A_186] : memref<2048xi32, #tpu.memory_space<vmem>> -> memref<128xi32, #tpu.memory_space<vmem>>
    %dma_wait3A_188 = arith.constant 0 : i32
    %dma_wait3A_189 = arith.constant 0 : i32
    %dma_wait3A_190 = tpu.memref_slice %arg3[%dma_wait3A_188, %dma_wait3A_189] : memref<4096x128xf32, #tpu.memory_space<hbm>> -> memref<4096x128xf32, #tpu.memory_space<hbm>>
    tpu.wait_indirect_dma semaphore(%arg8 : memref<!tpu.dma_semaphore, #tpu.memory_space<semaphore_mem>>) src(%dma_wait3A_190 : memref<4096x128xf32, #tpu.memory_space<hbm>>) dst(%dma_wait3A_185 : memref<128x128xf32, #tpu.memory_space<vmem>>)
    %add3A_191 = arith.constant 896 : i32
    %add3A_192 = arith.addi %mul3A_2, %add3A_191 : i32
    %run_scoped3A_193 = arith.constant 1 : i32
    "tpu.region"() ({
      %run_scoped3A_368 = tpu.sem_alloc : memref<!tpu.dma_semaphore, #tpu.memory_space<semaphore_mem>>
      %dma_start3A_369 = arith.constant 0 : i32
      %dma_start3A_370 = arith.constant 0 : i32
      %dma_start3A_371 = tpu.memref_slice %arg6[%run_scoped3A_193, %dma_start3A_369, %dma_start3A_370] : memref<2x128x128xf32, #tpu.memory_space<vmem>> -> memref<1x128x128xf32, #tpu.memory_space<vmem>>
      %dma_start3A_372 = tpu.memref_squeeze %dma_start3A_371 : memref<1x128x128xf32, #tpu.memory_space<vmem>> -> memref<128x128xf32, #tpu.memory_space<vmem>>
      %dma_start3A_373 = arith.constant 0 : i32
      %dma_start3A_374 = tpu.memref_slice %arg4[%add3A_192, %dma_start3A_373] : memref<65536x128xf32, #tpu.memory_space<hbm>> -> memref<128x128xf32, #tpu.memory_space<hbm>>
      %dma_start3A_375 = arith.constant 0 : i32
      %dma_start3A_376 = tpu.memref_slice %arg4[%add3A_192, %dma_start3A_375] : memref<65536x128xf32, #tpu.memory_space<hbm>> -> memref<128x128xf32, #tpu.memory_space<hbm>>
      %dma_start3A_377 = arith.constant 0 : i32
      %dma_start3A_378 = arith.constant 0 : i32
      %dma_start3A_379 = tpu.memref_slice %arg6[%run_scoped3A_193, %dma_start3A_377, %dma_start3A_378] : memref<2x128x128xf32, #tpu.memory_space<vmem>> -> memref<1x128x128xf32, #tpu.memory_space<vmem>>
      %dma_start3A_380 = tpu.memref_squeeze %dma_start3A_379 : memref<1x128x128xf32, #tpu.memory_space<vmem>> -> memref<128x128xf32, #tpu.memory_space<vmem>>
      tpu.enqueue_dma source(%dma_start3A_380 : memref<128x128xf32, #tpu.memory_space<vmem>>) target(%dma_start3A_376 : memref<128x128xf32, #tpu.memory_space<hbm>>) target_semaphore(%run_scoped3A_368 : memref<!tpu.dma_semaphore, #tpu.memory_space<semaphore_mem>>)
      %dma_wait3A_381 = arith.constant 0 : i32
      %dma_wait3A_382 = arith.constant 0 : i32
      %dma_wait3A_383 = tpu.memref_slice %arg6[%run_scoped3A_193, %dma_wait3A_381, %dma_wait3A_382] : memref<2x128x128xf32, #tpu.memory_space<vmem>> -> memref<1x128x128xf32, #tpu.memory_space<vmem>>
      %dma_wait3A_384 = tpu.memref_squeeze %dma_wait3A_383 : memref<1x128x128xf32, #tpu.memory_space<vmem>> -> memref<128x128xf32, #tpu.memory_space<vmem>>
      %dma_wait3A_385 = arith.constant 0 : i32
      %dma_wait3A_386 = tpu.memref_slice %arg4[%add3A_192, %dma_wait3A_385] : memref<65536x128xf32, #tpu.memory_space<hbm>> -> memref<128x128xf32, #tpu.memory_space<hbm>>
      %dma_wait3A_387 = arith.constant 0 : i32
      %dma_wait3A_388 = tpu.memref_slice %arg4[%add3A_192, %dma_wait3A_387] : memref<65536x128xf32, #tpu.memory_space<hbm>> -> memref<128x128xf32, #tpu.memory_space<hbm>>
      %dma_wait3A_389 = arith.constant 0 : i32
      %dma_wait3A_390 = arith.constant 0 : i32
      %dma_wait3A_391 = tpu.memref_slice %arg6[%run_scoped3A_193, %dma_wait3A_389, %dma_wait3A_390] : memref<2x128x128xf32, #tpu.memory_space<vmem>> -> memref<1x128x128xf32, #tpu.memory_space<vmem>>
      %dma_wait3A_392 = tpu.memref_squeeze %dma_wait3A_391 : memref<1x128x128xf32, #tpu.memory_space<vmem>> -> memref<128x128xf32, #tpu.memory_space<vmem>>
      tpu.wait_dma2 semaphore(%run_scoped3A_368 : memref<!tpu.dma_semaphore, #tpu.memory_space<semaphore_mem>>) src(%dma_wait3A_392 : memref<128x128xf32, #tpu.memory_space<vmem>>) dst(%dma_wait3A_388 : memref<128x128xf32, #tpu.memory_space<hbm>>)
      tpu.yield
    }) : () -> ()
    %dma_start3A_194 = arith.constant 1 : i32
    %dma_start3A_195 = arith.constant 0 : i32
    %dma_start3A_196 = arith.constant 0 : i32
    %dma_start3A_197 = tpu.memref_slice %arg6[%dma_start3A_194, %dma_start3A_195, %dma_start3A_196] : memref<2x128x128xf32, #tpu.memory_space<vmem>> -> memref<1x128x128xf32, #tpu.memory_space<vmem>>
    %dma_start3A_198 = tpu.memref_squeeze %dma_start3A_197 : memref<1x128x128xf32, #tpu.memory_space<vmem>> -> memref<128x128xf32, #tpu.memory_space<vmem>>
    %dma_start3A_199 = arith.constant 1152 : i32
    %dma_start3A_200 = tpu.memref_slice %arg5[%dma_start3A_199] : memref<2048xi32, #tpu.memory_space<vmem>> -> memref<128xi32, #tpu.memory_space<vmem>>
    %dma_start3A_201 = arith.constant 0 : i32
    %dma_start3A_202 = arith.constant 0 : i32
    %dma_start3A_203 = tpu.memref_slice %arg3[%dma_start3A_201, %dma_start3A_202] : memref<4096x128xf32, #tpu.memory_space<hbm>> -> memref<4096x128xf32, #tpu.memory_space<hbm>>
    tpu.enqueue_indirect_dma source(%dma_start3A_203 : memref<4096x128xf32, #tpu.memory_space<hbm>>) target(%dma_start3A_198 : memref<128x128xf32, #tpu.memory_space<vmem>>) offsets(%dma_start3A_200 : memref<128xi32, #tpu.memory_space<vmem>>) semaphore(%arg8 : memref<!tpu.dma_semaphore, #tpu.memory_space<semaphore_mem>>)
    %dma_wait3A_204 = arith.constant 0 : i32
    %dma_wait3A_205 = arith.constant 0 : i32
    %dma_wait3A_206 = arith.constant 0 : i32
    %dma_wait3A_207 = tpu.memref_slice %arg6[%dma_wait3A_204, %dma_wait3A_205, %dma_wait3A_206] : memref<2x128x128xf32, #tpu.memory_space<vmem>> -> memref<1x128x128xf32, #tpu.memory_space<vmem>>
    %dma_wait3A_208 = tpu.memref_squeeze %dma_wait3A_207 : memref<1x128x128xf32, #tpu.memory_space<vmem>> -> memref<128x128xf32, #tpu.memory_space<vmem>>
    %dma_wait3A_209 = arith.constant 1024 : i32
    %dma_wait3A_210 = tpu.memref_slice %arg5[%dma_wait3A_209] : memref<2048xi32, #tpu.memory_space<vmem>> -> memref<128xi32, #tpu.memory_space<vmem>>
    %dma_wait3A_211 = arith.constant 0 : i32
    %dma_wait3A_212 = arith.constant 0 : i32
    %dma_wait3A_213 = tpu.memref_slice %arg3[%dma_wait3A_211, %dma_wait3A_212] : memref<4096x128xf32, #tpu.memory_space<hbm>> -> memref<4096x128xf32, #tpu.memory_space<hbm>>
    tpu.wait_indirect_dma semaphore(%arg7 : memref<!tpu.dma_semaphore, #tpu.memory_space<semaphore_mem>>) src(%dma_wait3A_213 : memref<4096x128xf32, #tpu.memory_space<hbm>>) dst(%dma_wait3A_208 : memref<128x128xf32, #tpu.memory_space<vmem>>)
    %add3A_214 = arith.constant 1024 : i32
    %add3A_215 = arith.addi %mul3A_2, %add3A_214 : i32
    %run_scoped3A_216 = arith.constant 0 : i32
    "tpu.region"() ({
      %run_scoped3A_368 = tpu.sem_alloc : memref<!tpu.dma_semaphore, #tpu.memory_space<semaphore_mem>>
      %dma_start3A_369 = arith.constant 0 : i32
      %dma_start3A_370 = arith.constant 0 : i32
      %dma_start3A_371 = tpu.memref_slice %arg6[%run_scoped3A_216, %dma_start3A_369, %dma_start3A_370] : memref<2x128x128xf32, #tpu.memory_space<vmem>> -> memref<1x128x128xf32, #tpu.memory_space<vmem>>
      %dma_start3A_372 = tpu.memref_squeeze %dma_start3A_371 : memref<1x128x128xf32, #tpu.memory_space<vmem>> -> memref<128x128xf32, #tpu.memory_space<vmem>>
      %dma_start3A_373 = arith.constant 0 : i32
      %dma_start3A_374 = tpu.memref_slice %arg4[%add3A_215, %dma_start3A_373] : memref<65536x128xf32, #tpu.memory_space<hbm>> -> memref<128x128xf32, #tpu.memory_space<hbm>>
      %dma_start3A_375 = arith.constant 0 : i32
      %dma_start3A_376 = tpu.memref_slice %arg4[%add3A_215, %dma_start3A_375] : memref<65536x128xf32, #tpu.memory_space<hbm>> -> memref<128x128xf32, #tpu.memory_space<hbm>>
      %dma_start3A_377 = arith.constant 0 : i32
      %dma_start3A_378 = arith.constant 0 : i32
      %dma_start3A_379 = tpu.memref_slice %arg6[%run_scoped3A_216, %dma_start3A_377, %dma_start3A_378] : memref<2x128x128xf32, #tpu.memory_space<vmem>> -> memref<1x128x128xf32, #tpu.memory_space<vmem>>
      %dma_start3A_380 = tpu.memref_squeeze %dma_start3A_379 : memref<1x128x128xf32, #tpu.memory_space<vmem>> -> memref<128x128xf32, #tpu.memory_space<vmem>>
      tpu.enqueue_dma source(%dma_start3A_380 : memref<128x128xf32, #tpu.memory_space<vmem>>) target(%dma_start3A_376 : memref<128x128xf32, #tpu.memory_space<hbm>>) target_semaphore(%run_scoped3A_368 : memref<!tpu.dma_semaphore, #tpu.memory_space<semaphore_mem>>)
      %dma_wait3A_381 = arith.constant 0 : i32
      %dma_wait3A_382 = arith.constant 0 : i32
      %dma_wait3A_383 = tpu.memref_slice %arg6[%run_scoped3A_216, %dma_wait3A_381, %dma_wait3A_382] : memref<2x128x128xf32, #tpu.memory_space<vmem>> -> memref<1x128x128xf32, #tpu.memory_space<vmem>>
      %dma_wait3A_384 = tpu.memref_squeeze %dma_wait3A_383 : memref<1x128x128xf32, #tpu.memory_space<vmem>> -> memref<128x128xf32, #tpu.memory_space<vmem>>
      %dma_wait3A_385 = arith.constant 0 : i32
      %dma_wait3A_386 = tpu.memref_slice %arg4[%add3A_215, %dma_wait3A_385] : memref<65536x128xf32, #tpu.memory_space<hbm>> -> memref<128x128xf32, #tpu.memory_space<hbm>>
      %dma_wait3A_387 = arith.constant 0 : i32
      %dma_wait3A_388 = tpu.memref_slice %arg4[%add3A_215, %dma_wait3A_387] : memref<65536x128xf32, #tpu.memory_space<hbm>> -> memref<128x128xf32, #tpu.memory_space<hbm>>
      %dma_wait3A_389 = arith.constant 0 : i32
      %dma_wait3A_390 = arith.constant 0 : i32
      %dma_wait3A_391 = tpu.memref_slice %arg6[%run_scoped3A_216, %dma_wait3A_389, %dma_wait3A_390] : memref<2x128x128xf32, #tpu.memory_space<vmem>> -> memref<1x128x128xf32, #tpu.memory_space<vmem>>
      %dma_wait3A_392 = tpu.memref_squeeze %dma_wait3A_391 : memref<1x128x128xf32, #tpu.memory_space<vmem>> -> memref<128x128xf32, #tpu.memory_space<vmem>>
      tpu.wait_dma2 semaphore(%run_scoped3A_368 : memref<!tpu.dma_semaphore, #tpu.memory_space<semaphore_mem>>) src(%dma_wait3A_392 : memref<128x128xf32, #tpu.memory_space<vmem>>) dst(%dma_wait3A_388 : memref<128x128xf32, #tpu.memory_space<hbm>>)
      tpu.yield
    }) : () -> ()
    %dma_start3A_217 = arith.constant 0 : i32
    %dma_start3A_218 = arith.constant 0 : i32
    %dma_start3A_219 = arith.constant 0 : i32
    %dma_start3A_220 = tpu.memref_slice %arg6[%dma_start3A_217, %dma_start3A_218, %dma_start3A_219] : memref<2x128x128xf32, #tpu.memory_space<vmem>> -> memref<1x128x128xf32, #tpu.memory_space<vmem>>
    %dma_start3A_221 = tpu.memref_squeeze %dma_start3A_220 : memref<1x128x128xf32, #tpu.memory_space<vmem>> -> memref<128x128xf32, #tpu.memory_space<vmem>>
    %dma_start3A_222 = arith.constant 1280 : i32
    %dma_start3A_223 = tpu.memref_slice %arg5[%dma_start3A_222] : memref<2048xi32, #tpu.memory_space<vmem>> -> memref<128xi32, #tpu.memory_space<vmem>>
    %dma_start3A_224 = arith.constant 0 : i32
    %dma_start3A_225 = arith.constant 0 : i32
    %dma_start3A_226 = tpu.memref_slice %arg3[%dma_start3A_224, %dma_start3A_225] : memref<4096x128xf32, #tpu.memory_space<hbm>> -> memref<4096x128xf32, #tpu.memory_space<hbm>>
    tpu.enqueue_indirect_dma source(%dma_start3A_226 : memref<4096x128xf32, #tpu.memory_space<hbm>>) target(%dma_start3A_221 : memref<128x128xf32, #tpu.memory_space<vmem>>) offsets(%dma_start3A_223 : memref<128xi32, #tpu.memory_space<vmem>>) semaphore(%arg7 : memref<!tpu.dma_semaphore, #tpu.memory_space<semaphore_mem>>)
    %dma_wait3A_227 = arith.constant 1 : i32
    %dma_wait3A_228 = arith.constant 0 : i32
    %dma_wait3A_229 = arith.constant 0 : i32
    %dma_wait3A_230 = tpu.memref_slice %arg6[%dma_wait3A_227, %dma_wait3A_228, %dma_wait3A_229] : memref<2x128x128xf32, #tpu.memory_space<vmem>> -> memref<1x128x128xf32, #tpu.memory_space<vmem>>
    %dma_wait3A_231 = tpu.memref_squeeze %dma_wait3A_230 : memref<1x128x128xf32, #tpu.memory_space<vmem>> -> memref<128x128xf32, #tpu.memory_space<vmem>>
    %dma_wait3A_232 = arith.constant 1152 : i32
    %dma_wait3A_233 = tpu.memref_slice %arg5[%dma_wait3A_232] : memref<2048xi32, #tpu.memory_space<vmem>> -> memref<128xi32, #tpu.memory_space<vmem>>
    %dma_wait3A_234 = arith.constant 0 : i32
    %dma_wait3A_235 = arith.constant 0 : i32
    %dma_wait3A_236 = tpu.memref_slice %arg3[%dma_wait3A_234, %dma_wait3A_235] : memref<4096x128xf32, #tpu.memory_space<hbm>> -> memref<4096x128xf32, #tpu.memory_space<hbm>>
    tpu.wait_indirect_dma semaphore(%arg8 : memref<!tpu.dma_semaphore, #tpu.memory_space<semaphore_mem>>) src(%dma_wait3A_236 : memref<4096x128xf32, #tpu.memory_space<hbm>>) dst(%dma_wait3A_231 : memref<128x128xf32, #tpu.memory_space<vmem>>)
    %add3A_237 = arith.constant 1152 : i32
    %add3A_238 = arith.addi %mul3A_2, %add3A_237 : i32
    %run_scoped3A_239 = arith.constant 1 : i32
    "tpu.region"() ({
      %run_scoped3A_368 = tpu.sem_alloc : memref<!tpu.dma_semaphore, #tpu.memory_space<semaphore_mem>>
      %dma_start3A_369 = arith.constant 0 : i32
      %dma_start3A_370 = arith.constant 0 : i32
      %dma_start3A_371 = tpu.memref_slice %arg6[%run_scoped3A_239, %dma_start3A_369, %dma_start3A_370] : memref<2x128x128xf32, #tpu.memory_space<vmem>> -> memref<1x128x128xf32, #tpu.memory_space<vmem>>
      %dma_start3A_372 = tpu.memref_squeeze %dma_start3A_371 : memref<1x128x128xf32, #tpu.memory_space<vmem>> -> memref<128x128xf32, #tpu.memory_space<vmem>>
      %dma_start3A_373 = arith.constant 0 : i32
      %dma_start3A_374 = tpu.memref_slice %arg4[%add3A_238, %dma_start3A_373] : memref<65536x128xf32, #tpu.memory_space<hbm>> -> memref<128x128xf32, #tpu.memory_space<hbm>>
      %dma_start3A_375 = arith.constant 0 : i32
      %dma_start3A_376 = tpu.memref_slice %arg4[%add3A_238, %dma_start3A_375] : memref<65536x128xf32, #tpu.memory_space<hbm>> -> memref<128x128xf32, #tpu.memory_space<hbm>>
      %dma_start3A_377 = arith.constant 0 : i32
      %dma_start3A_378 = arith.constant 0 : i32
      %dma_start3A_379 = tpu.memref_slice %arg6[%run_scoped3A_239, %dma_start3A_377, %dma_start3A_378] : memref<2x128x128xf32, #tpu.memory_space<vmem>> -> memref<1x128x128xf32, #tpu.memory_space<vmem>>
      %dma_start3A_380 = tpu.memref_squeeze %dma_start3A_379 : memref<1x128x128xf32, #tpu.memory_space<vmem>> -> memref<128x128xf32, #tpu.memory_space<vmem>>
      tpu.enqueue_dma source(%dma_start3A_380 : memref<128x128xf32, #tpu.memory_space<vmem>>) target(%dma_start3A_376 : memref<128x128xf32, #tpu.memory_space<hbm>>) target_semaphore(%run_scoped3A_368 : memref<!tpu.dma_semaphore, #tpu.memory_space<semaphore_mem>>)
      %dma_wait3A_381 = arith.constant 0 : i32
      %dma_wait3A_382 = arith.constant 0 : i32
      %dma_wait3A_383 = tpu.memref_slice %arg6[%run_scoped3A_239, %dma_wait3A_381, %dma_wait3A_382] : memref<2x128x128xf32, #tpu.memory_space<vmem>> -> memref<1x128x128xf32, #tpu.memory_space<vmem>>
      %dma_wait3A_384 = tpu.memref_squeeze %dma_wait3A_383 : memref<1x128x128xf32, #tpu.memory_space<vmem>> -> memref<128x128xf32, #tpu.memory_space<vmem>>
      %dma_wait3A_385 = arith.constant 0 : i32
      %dma_wait3A_386 = tpu.memref_slice %arg4[%add3A_238, %dma_wait3A_385] : memref<65536x128xf32, #tpu.memory_space<hbm>> -> memref<128x128xf32, #tpu.memory_space<hbm>>
      %dma_wait3A_387 = arith.constant 0 : i32
      %dma_wait3A_388 = tpu.memref_slice %arg4[%add3A_238, %dma_wait3A_387] : memref<65536x128xf32, #tpu.memory_space<hbm>> -> memref<128x128xf32, #tpu.memory_space<hbm>>
      %dma_wait3A_389 = arith.constant 0 : i32
      %dma_wait3A_390 = arith.constant 0 : i32
      %dma_wait3A_391 = tpu.memref_slice %arg6[%run_scoped3A_239, %dma_wait3A_389, %dma_wait3A_390] : memref<2x128x128xf32, #tpu.memory_space<vmem>> -> memref<1x128x128xf32, #tpu.memory_space<vmem>>
      %dma_wait3A_392 = tpu.memref_squeeze %dma_wait3A_391 : memref<1x128x128xf32, #tpu.memory_space<vmem>> -> memref<128x128xf32, #tpu.memory_space<vmem>>
      tpu.wait_dma2 semaphore(%run_scoped3A_368 : memref<!tpu.dma_semaphore, #tpu.memory_space<semaphore_mem>>) src(%dma_wait3A_392 : memref<128x128xf32, #tpu.memory_space<vmem>>) dst(%dma_wait3A_388 : memref<128x128xf32, #tpu.memory_space<hbm>>)
      tpu.yield
    }) : () -> ()
    %dma_start3A_240 = arith.constant 1 : i32
    %dma_start3A_241 = arith.constant 0 : i32
    %dma_start3A_242 = arith.constant 0 : i32
    %dma_start3A_243 = tpu.memref_slice %arg6[%dma_start3A_240, %dma_start3A_241, %dma_start3A_242] : memref<2x128x128xf32, #tpu.memory_space<vmem>> -> memref<1x128x128xf32, #tpu.memory_space<vmem>>
    %dma_start3A_244 = tpu.memref_squeeze %dma_start3A_243 : memref<1x128x128xf32, #tpu.memory_space<vmem>> -> memref<128x128xf32, #tpu.memory_space<vmem>>
    %dma_start3A_245 = arith.constant 1408 : i32
    %dma_start3A_246 = tpu.memref_slice %arg5[%dma_start3A_245] : memref<2048xi32, #tpu.memory_space<vmem>> -> memref<128xi32, #tpu.memory_space<vmem>>
    %dma_start3A_247 = arith.constant 0 : i32
    %dma_start3A_248 = arith.constant 0 : i32
    %dma_start3A_249 = tpu.memref_slice %arg3[%dma_start3A_247, %dma_start3A_248] : memref<4096x128xf32, #tpu.memory_space<hbm>> -> memref<4096x128xf32, #tpu.memory_space<hbm>>
    tpu.enqueue_indirect_dma source(%dma_start3A_249 : memref<4096x128xf32, #tpu.memory_space<hbm>>) target(%dma_start3A_244 : memref<128x128xf32, #tpu.memory_space<vmem>>) offsets(%dma_start3A_246 : memref<128xi32, #tpu.memory_space<vmem>>) semaphore(%arg8 : memref<!tpu.dma_semaphore, #tpu.memory_space<semaphore_mem>>)
    %dma_wait3A_250 = arith.constant 0 : i32
    %dma_wait3A_251 = arith.constant 0 : i32
    %dma_wait3A_252 = arith.constant 0 : i32
    %dma_wait3A_253 = tpu.memref_slice %arg6[%dma_wait3A_250, %dma_wait3A_251, %dma_wait3A_252] : memref<2x128x128xf32, #tpu.memory_space<vmem>> -> memref<1x128x128xf32, #tpu.memory_space<vmem>>
    %dma_wait3A_254 = tpu.memref_squeeze %dma_wait3A_253 : memref<1x128x128xf32, #tpu.memory_space<vmem>> -> memref<128x128xf32, #tpu.memory_space<vmem>>
    %dma_wait3A_255 = arith.constant 1280 : i32
    %dma_wait3A_256 = tpu.memref_slice %arg5[%dma_wait3A_255] : memref<2048xi32, #tpu.memory_space<vmem>> -> memref<128xi32, #tpu.memory_space<vmem>>
    %dma_wait3A_257 = arith.constant 0 : i32
    %dma_wait3A_258 = arith.constant 0 : i32
    %dma_wait3A_259 = tpu.memref_slice %arg3[%dma_wait3A_257, %dma_wait3A_258] : memref<4096x128xf32, #tpu.memory_space<hbm>> -> memref<4096x128xf32, #tpu.memory_space<hbm>>
    tpu.wait_indirect_dma semaphore(%arg7 : memref<!tpu.dma_semaphore, #tpu.memory_space<semaphore_mem>>) src(%dma_wait3A_259 : memref<4096x128xf32, #tpu.memory_space<hbm>>) dst(%dma_wait3A_254 : memref<128x128xf32, #tpu.memory_space<vmem>>)
    %add3A_260 = arith.constant 1280 : i32
    %add3A_261 = arith.addi %mul3A_2, %add3A_260 : i32
    %run_scoped3A_262 = arith.constant 0 : i32
    "tpu.region"() ({
      %run_scoped3A_368 = tpu.sem_alloc : memref<!tpu.dma_semaphore, #tpu.memory_space<semaphore_mem>>
      %dma_start3A_369 = arith.constant 0 : i32
      %dma_start3A_370 = arith.constant 0 : i32
      %dma_start3A_371 = tpu.memref_slice %arg6[%run_scoped3A_262, %dma_start3A_369, %dma_start3A_370] : memref<2x128x128xf32, #tpu.memory_space<vmem>> -> memref<1x128x128xf32, #tpu.memory_space<vmem>>
      %dma_start3A_372 = tpu.memref_squeeze %dma_start3A_371 : memref<1x128x128xf32, #tpu.memory_space<vmem>> -> memref<128x128xf32, #tpu.memory_space<vmem>>
      %dma_start3A_373 = arith.constant 0 : i32
      %dma_start3A_374 = tpu.memref_slice %arg4[%add3A_261, %dma_start3A_373] : memref<65536x128xf32, #tpu.memory_space<hbm>> -> memref<128x128xf32, #tpu.memory_space<hbm>>
      %dma_start3A_375 = arith.constant 0 : i32
      %dma_start3A_376 = tpu.memref_slice %arg4[%add3A_261, %dma_start3A_375] : memref<65536x128xf32, #tpu.memory_space<hbm>> -> memref<128x128xf32, #tpu.memory_space<hbm>>
      %dma_start3A_377 = arith.constant 0 : i32
      %dma_start3A_378 = arith.constant 0 : i32
      %dma_start3A_379 = tpu.memref_slice %arg6[%run_scoped3A_262, %dma_start3A_377, %dma_start3A_378] : memref<2x128x128xf32, #tpu.memory_space<vmem>> -> memref<1x128x128xf32, #tpu.memory_space<vmem>>
      %dma_start3A_380 = tpu.memref_squeeze %dma_start3A_379 : memref<1x128x128xf32, #tpu.memory_space<vmem>> -> memref<128x128xf32, #tpu.memory_space<vmem>>
      tpu.enqueue_dma source(%dma_start3A_380 : memref<128x128xf32, #tpu.memory_space<vmem>>) target(%dma_start3A_376 : memref<128x128xf32, #tpu.memory_space<hbm>>) target_semaphore(%run_scoped3A_368 : memref<!tpu.dma_semaphore, #tpu.memory_space<semaphore_mem>>)
      %dma_wait3A_381 = arith.constant 0 : i32
      %dma_wait3A_382 = arith.constant 0 : i32
      %dma_wait3A_383 = tpu.memref_slice %arg6[%run_scoped3A_262, %dma_wait3A_381, %dma_wait3A_382] : memref<2x128x128xf32, #tpu.memory_space<vmem>> -> memref<1x128x128xf32, #tpu.memory_space<vmem>>
      %dma_wait3A_384 = tpu.memref_squeeze %dma_wait3A_383 : memref<1x128x128xf32, #tpu.memory_space<vmem>> -> memref<128x128xf32, #tpu.memory_space<vmem>>
      %dma_wait3A_385 = arith.constant 0 : i32
      %dma_wait3A_386 = tpu.memref_slice %arg4[%add3A_261, %dma_wait3A_385] : memref<65536x128xf32, #tpu.memory_space<hbm>> -> memref<128x128xf32, #tpu.memory_space<hbm>>
      %dma_wait3A_387 = arith.constant 0 : i32
      %dma_wait3A_388 = tpu.memref_slice %arg4[%add3A_261, %dma_wait3A_387] : memref<65536x128xf32, #tpu.memory_space<hbm>> -> memref<128x128xf32, #tpu.memory_space<hbm>>
      %dma_wait3A_389 = arith.constant 0 : i32
      %dma_wait3A_390 = arith.constant 0 : i32
      %dma_wait3A_391 = tpu.memref_slice %arg6[%run_scoped3A_262, %dma_wait3A_389, %dma_wait3A_390] : memref<2x128x128xf32, #tpu.memory_space<vmem>> -> memref<1x128x128xf32, #tpu.memory_space<vmem>>
      %dma_wait3A_392 = tpu.memref_squeeze %dma_wait3A_391 : memref<1x128x128xf32, #tpu.memory_space<vmem>> -> memref<128x128xf32, #tpu.memory_space<vmem>>
      tpu.wait_dma2 semaphore(%run_scoped3A_368 : memref<!tpu.dma_semaphore, #tpu.memory_space<semaphore_mem>>) src(%dma_wait3A_392 : memref<128x128xf32, #tpu.memory_space<vmem>>) dst(%dma_wait3A_388 : memref<128x128xf32, #tpu.memory_space<hbm>>)
      tpu.yield
    }) : () -> ()
    %dma_start3A_263 = arith.constant 0 : i32
    %dma_start3A_264 = arith.constant 0 : i32
    %dma_start3A_265 = arith.constant 0 : i32
    %dma_start3A_266 = tpu.memref_slice %arg6[%dma_start3A_263, %dma_start3A_264, %dma_start3A_265] : memref<2x128x128xf32, #tpu.memory_space<vmem>> -> memref<1x128x128xf32, #tpu.memory_space<vmem>>
    %dma_start3A_267 = tpu.memref_squeeze %dma_start3A_266 : memref<1x128x128xf32, #tpu.memory_space<vmem>> -> memref<128x128xf32, #tpu.memory_space<vmem>>
    %dma_start3A_268 = arith.constant 1536 : i32
    %dma_start3A_269 = tpu.memref_slice %arg5[%dma_start3A_268] : memref<2048xi32, #tpu.memory_space<vmem>> -> memref<128xi32, #tpu.memory_space<vmem>>
    %dma_start3A_270 = arith.constant 0 : i32
    %dma_start3A_271 = arith.constant 0 : i32
    %dma_start3A_272 = tpu.memref_slice %arg3[%dma_start3A_270, %dma_start3A_271] : memref<4096x128xf32, #tpu.memory_space<hbm>> -> memref<4096x128xf32, #tpu.memory_space<hbm>>
    tpu.enqueue_indirect_dma source(%dma_start3A_272 : memref<4096x128xf32, #tpu.memory_space<hbm>>) target(%dma_start3A_267 : memref<128x128xf32, #tpu.memory_space<vmem>>) offsets(%dma_start3A_269 : memref<128xi32, #tpu.memory_space<vmem>>) semaphore(%arg7 : memref<!tpu.dma_semaphore, #tpu.memory_space<semaphore_mem>>)
    %dma_wait3A_273 = arith.constant 1 : i32
    %dma_wait3A_274 = arith.constant 0 : i32
    %dma_wait3A_275 = arith.constant 0 : i32
    %dma_wait3A_276 = tpu.memref_slice %arg6[%dma_wait3A_273, %dma_wait3A_274, %dma_wait3A_275] : memref<2x128x128xf32, #tpu.memory_space<vmem>> -> memref<1x128x128xf32, #tpu.memory_space<vmem>>
    %dma_wait3A_277 = tpu.memref_squeeze %dma_wait3A_276 : memref<1x128x128xf32, #tpu.memory_space<vmem>> -> memref<128x128xf32, #tpu.memory_space<vmem>>
    %dma_wait3A_278 = arith.constant 1408 : i32
    %dma_wait3A_279 = tpu.memref_slice %arg5[%dma_wait3A_278] : memref<2048xi32, #tpu.memory_space<vmem>> -> memref<128xi32, #tpu.memory_space<vmem>>
    %dma_wait3A_280 = arith.constant 0 : i32
    %dma_wait3A_281 = arith.constant 0 : i32
    %dma_wait3A_282 = tpu.memref_slice %arg3[%dma_wait3A_280, %dma_wait3A_281] : memref<4096x128xf32, #tpu.memory_space<hbm>> -> memref<4096x128xf32, #tpu.memory_space<hbm>>
    tpu.wait_indirect_dma semaphore(%arg8 : memref<!tpu.dma_semaphore, #tpu.memory_space<semaphore_mem>>) src(%dma_wait3A_282 : memref<4096x128xf32, #tpu.memory_space<hbm>>) dst(%dma_wait3A_277 : memref<128x128xf32, #tpu.memory_space<vmem>>)
    %add3A_283 = arith.constant 1408 : i32
    %add3A_284 = arith.addi %mul3A_2, %add3A_283 : i32
    %run_scoped3A_285 = arith.constant 1 : i32
    "tpu.region"() ({
      %run_scoped3A_368 = tpu.sem_alloc : memref<!tpu.dma_semaphore, #tpu.memory_space<semaphore_mem>>
      %dma_start3A_369 = arith.constant 0 : i32
      %dma_start3A_370 = arith.constant 0 : i32
      %dma_start3A_371 = tpu.memref_slice %arg6[%run_scoped3A_285, %dma_start3A_369, %dma_start3A_370] : memref<2x128x128xf32, #tpu.memory_space<vmem>> -> memref<1x128x128xf32, #tpu.memory_space<vmem>>
      %dma_start3A_372 = tpu.memref_squeeze %dma_start3A_371 : memref<1x128x128xf32, #tpu.memory_space<vmem>> -> memref<128x128xf32, #tpu.memory_space<vmem>>
      %dma_start3A_373 = arith.constant 0 : i32
      %dma_start3A_374 = tpu.memref_slice %arg4[%add3A_284, %dma_start3A_373] : memref<65536x128xf32, #tpu.memory_space<hbm>> -> memref<128x128xf32, #tpu.memory_space<hbm>>
      %dma_start3A_375 = arith.constant 0 : i32
      %dma_start3A_376 = tpu.memref_slice %arg4[%add3A_284, %dma_start3A_375] : memref<65536x128xf32, #tpu.memory_space<hbm>> -> memref<128x128xf32, #tpu.memory_space<hbm>>
      %dma_start3A_377 = arith.constant 0 : i32
      %dma_start3A_378 = arith.constant 0 : i32
      %dma_start3A_379 = tpu.memref_slice %arg6[%run_scoped3A_285, %dma_start3A_377, %dma_start3A_378] : memref<2x128x128xf32, #tpu.memory_space<vmem>> -> memref<1x128x128xf32, #tpu.memory_space<vmem>>
      %dma_start3A_380 = tpu.memref_squeeze %dma_start3A_379 : memref<1x128x128xf32, #tpu.memory_space<vmem>> -> memref<128x128xf32, #tpu.memory_space<vmem>>
      tpu.enqueue_dma source(%dma_start3A_380 : memref<128x128xf32, #tpu.memory_space<vmem>>) target(%dma_start3A_376 : memref<128x128xf32, #tpu.memory_space<hbm>>) target_semaphore(%run_scoped3A_368 : memref<!tpu.dma_semaphore, #tpu.memory_space<semaphore_mem>>)
      %dma_wait3A_381 = arith.constant 0 : i32
      %dma_wait3A_382 = arith.constant 0 : i32
      %dma_wait3A_383 = tpu.memref_slice %arg6[%run_scoped3A_285, %dma_wait3A_381, %dma_wait3A_382] : memref<2x128x128xf32, #tpu.memory_space<vmem>> -> memref<1x128x128xf32, #tpu.memory_space<vmem>>
      %dma_wait3A_384 = tpu.memref_squeeze %dma_wait3A_383 : memref<1x128x128xf32, #tpu.memory_space<vmem>> -> memref<128x128xf32, #tpu.memory_space<vmem>>
      %dma_wait3A_385 = arith.constant 0 : i32
      %dma_wait3A_386 = tpu.memref_slice %arg4[%add3A_284, %dma_wait3A_385] : memref<65536x128xf32, #tpu.memory_space<hbm>> -> memref<128x128xf32, #tpu.memory_space<hbm>>
      %dma_wait3A_387 = arith.constant 0 : i32
      %dma_wait3A_388 = tpu.memref_slice %arg4[%add3A_284, %dma_wait3A_387] : memref<65536x128xf32, #tpu.memory_space<hbm>> -> memref<128x128xf32, #tpu.memory_space<hbm>>
      %dma_wait3A_389 = arith.constant 0 : i32
      %dma_wait3A_390 = arith.constant 0 : i32
      %dma_wait3A_391 = tpu.memref_slice %arg6[%run_scoped3A_285, %dma_wait3A_389, %dma_wait3A_390] : memref<2x128x128xf32, #tpu.memory_space<vmem>> -> memref<1x128x128xf32, #tpu.memory_space<vmem>>
      %dma_wait3A_392 = tpu.memref_squeeze %dma_wait3A_391 : memref<1x128x128xf32, #tpu.memory_space<vmem>> -> memref<128x128xf32, #tpu.memory_space<vmem>>
      tpu.wait_dma2 semaphore(%run_scoped3A_368 : memref<!tpu.dma_semaphore, #tpu.memory_space<semaphore_mem>>) src(%dma_wait3A_392 : memref<128x128xf32, #tpu.memory_space<vmem>>) dst(%dma_wait3A_388 : memref<128x128xf32, #tpu.memory_space<hbm>>)
      tpu.yield
    }) : () -> ()
    %dma_start3A_286 = arith.constant 1 : i32
    %dma_start3A_287 = arith.constant 0 : i32
    %dma_start3A_288 = arith.constant 0 : i32
    %dma_start3A_289 = tpu.memref_slice %arg6[%dma_start3A_286, %dma_start3A_287, %dma_start3A_288] : memref<2x128x128xf32, #tpu.memory_space<vmem>> -> memref<1x128x128xf32, #tpu.memory_space<vmem>>
    %dma_start3A_290 = tpu.memref_squeeze %dma_start3A_289 : memref<1x128x128xf32, #tpu.memory_space<vmem>> -> memref<128x128xf32, #tpu.memory_space<vmem>>
    %dma_start3A_291 = arith.constant 1664 : i32
    %dma_start3A_292 = tpu.memref_slice %arg5[%dma_start3A_291] : memref<2048xi32, #tpu.memory_space<vmem>> -> memref<128xi32, #tpu.memory_space<vmem>>
    %dma_start3A_293 = arith.constant 0 : i32
    %dma_start3A_294 = arith.constant 0 : i32
    %dma_start3A_295 = tpu.memref_slice %arg3[%dma_start3A_293, %dma_start3A_294] : memref<4096x128xf32, #tpu.memory_space<hbm>> -> memref<4096x128xf32, #tpu.memory_space<hbm>>
    tpu.enqueue_indirect_dma source(%dma_start3A_295 : memref<4096x128xf32, #tpu.memory_space<hbm>>) target(%dma_start3A_290 : memref<128x128xf32, #tpu.memory_space<vmem>>) offsets(%dma_start3A_292 : memref<128xi32, #tpu.memory_space<vmem>>) semaphore(%arg8 : memref<!tpu.dma_semaphore, #tpu.memory_space<semaphore_mem>>)
    %dma_wait3A_296 = arith.constant 0 : i32
    %dma_wait3A_297 = arith.constant 0 : i32
    %dma_wait3A_298 = arith.constant 0 : i32
    %dma_wait3A_299 = tpu.memref_slice %arg6[%dma_wait3A_296, %dma_wait3A_297, %dma_wait3A_298] : memref<2x128x128xf32, #tpu.memory_space<vmem>> -> memref<1x128x128xf32, #tpu.memory_space<vmem>>
    %dma_wait3A_300 = tpu.memref_squeeze %dma_wait3A_299 : memref<1x128x128xf32, #tpu.memory_space<vmem>> -> memref<128x128xf32, #tpu.memory_space<vmem>>
    %dma_wait3A_301 = arith.constant 1536 : i32
    %dma_wait3A_302 = tpu.memref_slice %arg5[%dma_wait3A_301] : memref<2048xi32, #tpu.memory_space<vmem>> -> memref<128xi32, #tpu.memory_space<vmem>>
    %dma_wait3A_303 = arith.constant 0 : i32
    %dma_wait3A_304 = arith.constant 0 : i32
    %dma_wait3A_305 = tpu.memref_slice %arg3[%dma_wait3A_303, %dma_wait3A_304] : memref<4096x128xf32, #tpu.memory_space<hbm>> -> memref<4096x128xf32, #tpu.memory_space<hbm>>
    tpu.wait_indirect_dma semaphore(%arg7 : memref<!tpu.dma_semaphore, #tpu.memory_space<semaphore_mem>>) src(%dma_wait3A_305 : memref<4096x128xf32, #tpu.memory_space<hbm>>) dst(%dma_wait3A_300 : memref<128x128xf32, #tpu.memory_space<vmem>>)
    %add3A_306 = arith.constant 1536 : i32
    %add3A_307 = arith.addi %mul3A_2, %add3A_306 : i32
    %run_scoped3A_308 = arith.constant 0 : i32
    "tpu.region"() ({
      %run_scoped3A_368 = tpu.sem_alloc : memref<!tpu.dma_semaphore, #tpu.memory_space<semaphore_mem>>
      %dma_start3A_369 = arith.constant 0 : i32
      %dma_start3A_370 = arith.constant 0 : i32
      %dma_start3A_371 = tpu.memref_slice %arg6[%run_scoped3A_308, %dma_start3A_369, %dma_start3A_370] : memref<2x128x128xf32, #tpu.memory_space<vmem>> -> memref<1x128x128xf32, #tpu.memory_space<vmem>>
      %dma_start3A_372 = tpu.memref_squeeze %dma_start3A_371 : memref<1x128x128xf32, #tpu.memory_space<vmem>> -> memref<128x128xf32, #tpu.memory_space<vmem>>
      %dma_start3A_373 = arith.constant 0 : i32
      %dma_start3A_374 = tpu.memref_slice %arg4[%add3A_307, %dma_start3A_373] : memref<65536x128xf32, #tpu.memory_space<hbm>> -> memref<128x128xf32, #tpu.memory_space<hbm>>
      %dma_start3A_375 = arith.constant 0 : i32
      %dma_start3A_376 = tpu.memref_slice %arg4[%add3A_307, %dma_start3A_375] : memref<65536x128xf32, #tpu.memory_space<hbm>> -> memref<128x128xf32, #tpu.memory_space<hbm>>
      %dma_start3A_377 = arith.constant 0 : i32
      %dma_start3A_378 = arith.constant 0 : i32
      %dma_start3A_379 = tpu.memref_slice %arg6[%run_scoped3A_308, %dma_start3A_377, %dma_start3A_378] : memref<2x128x128xf32, #tpu.memory_space<vmem>> -> memref<1x128x128xf32, #tpu.memory_space<vmem>>
      %dma_start3A_380 = tpu.memref_squeeze %dma_start3A_379 : memref<1x128x128xf32, #tpu.memory_space<vmem>> -> memref<128x128xf32, #tpu.memory_space<vmem>>
      tpu.enqueue_dma source(%dma_start3A_380 : memref<128x128xf32, #tpu.memory_space<vmem>>) target(%dma_start3A_376 : memref<128x128xf32, #tpu.memory_space<hbm>>) target_semaphore(%run_scoped3A_368 : memref<!tpu.dma_semaphore, #tpu.memory_space<semaphore_mem>>)
      %dma_wait3A_381 = arith.constant 0 : i32
      %dma_wait3A_382 = arith.constant 0 : i32
      %dma_wait3A_383 = tpu.memref_slice %arg6[%run_scoped3A_308, %dma_wait3A_381, %dma_wait3A_382] : memref<2x128x128xf32, #tpu.memory_space<vmem>> -> memref<1x128x128xf32, #tpu.memory_space<vmem>>
      %dma_wait3A_384 = tpu.memref_squeeze %dma_wait3A_383 : memref<1x128x128xf32, #tpu.memory_space<vmem>> -> memref<128x128xf32, #tpu.memory_space<vmem>>
      %dma_wait3A_385 = arith.constant 0 : i32
      %dma_wait3A_386 = tpu.memref_slice %arg4[%add3A_307, %dma_wait3A_385] : memref<65536x128xf32, #tpu.memory_space<hbm>> -> memref<128x128xf32, #tpu.memory_space<hbm>>
      %dma_wait3A_387 = arith.constant 0 : i32
      %dma_wait3A_388 = tpu.memref_slice %arg4[%add3A_307, %dma_wait3A_387] : memref<65536x128xf32, #tpu.memory_space<hbm>> -> memref<128x128xf32, #tpu.memory_space<hbm>>
      %dma_wait3A_389 = arith.constant 0 : i32
      %dma_wait3A_390 = arith.constant 0 : i32
      %dma_wait3A_391 = tpu.memref_slice %arg6[%run_scoped3A_308, %dma_wait3A_389, %dma_wait3A_390] : memref<2x128x128xf32, #tpu.memory_space<vmem>> -> memref<1x128x128xf32, #tpu.memory_space<vmem>>
      %dma_wait3A_392 = tpu.memref_squeeze %dma_wait3A_391 : memref<1x128x128xf32, #tpu.memory_space<vmem>> -> memref<128x128xf32, #tpu.memory_space<vmem>>
      tpu.wait_dma2 semaphore(%run_scoped3A_368 : memref<!tpu.dma_semaphore, #tpu.memory_space<semaphore_mem>>) src(%dma_wait3A_392 : memref<128x128xf32, #tpu.memory_space<vmem>>) dst(%dma_wait3A_388 : memref<128x128xf32, #tpu.memory_space<hbm>>)
      tpu.yield
    }) : () -> ()
    %dma_start3A_309 = arith.constant 0 : i32
    %dma_start3A_310 = arith.constant 0 : i32
    %dma_start3A_311 = arith.constant 0 : i32
    %dma_start3A_312 = tpu.memref_slice %arg6[%dma_start3A_309, %dma_start3A_310, %dma_start3A_311] : memref<2x128x128xf32, #tpu.memory_space<vmem>> -> memref<1x128x128xf32, #tpu.memory_space<vmem>>
    %dma_start3A_313 = tpu.memref_squeeze %dma_start3A_312 : memref<1x128x128xf32, #tpu.memory_space<vmem>> -> memref<128x128xf32, #tpu.memory_space<vmem>>
    %dma_start3A_314 = arith.constant 1792 : i32
    %dma_start3A_315 = tpu.memref_slice %arg5[%dma_start3A_314] : memref<2048xi32, #tpu.memory_space<vmem>> -> memref<128xi32, #tpu.memory_space<vmem>>
    %dma_start3A_316 = arith.constant 0 : i32
    %dma_start3A_317 = arith.constant 0 : i32
    %dma_start3A_318 = tpu.memref_slice %arg3[%dma_start3A_316, %dma_start3A_317] : memref<4096x128xf32, #tpu.memory_space<hbm>> -> memref<4096x128xf32, #tpu.memory_space<hbm>>
    tpu.enqueue_indirect_dma source(%dma_start3A_318 : memref<4096x128xf32, #tpu.memory_space<hbm>>) target(%dma_start3A_313 : memref<128x128xf32, #tpu.memory_space<vmem>>) offsets(%dma_start3A_315 : memref<128xi32, #tpu.memory_space<vmem>>) semaphore(%arg7 : memref<!tpu.dma_semaphore, #tpu.memory_space<semaphore_mem>>)
    %dma_wait3A_319 = arith.constant 1 : i32
    %dma_wait3A_320 = arith.constant 0 : i32
    %dma_wait3A_321 = arith.constant 0 : i32
    %dma_wait3A_322 = tpu.memref_slice %arg6[%dma_wait3A_319, %dma_wait3A_320, %dma_wait3A_321] : memref<2x128x128xf32, #tpu.memory_space<vmem>> -> memref<1x128x128xf32, #tpu.memory_space<vmem>>
    %dma_wait3A_323 = tpu.memref_squeeze %dma_wait3A_322 : memref<1x128x128xf32, #tpu.memory_space<vmem>> -> memref<128x128xf32, #tpu.memory_space<vmem>>
    %dma_wait3A_324 = arith.constant 1664 : i32
    %dma_wait3A_325 = tpu.memref_slice %arg5[%dma_wait3A_324] : memref<2048xi32, #tpu.memory_space<vmem>> -> memref<128xi32, #tpu.memory_space<vmem>>
    %dma_wait3A_326 = arith.constant 0 : i32
    %dma_wait3A_327 = arith.constant 0 : i32
    %dma_wait3A_328 = tpu.memref_slice %arg3[%dma_wait3A_326, %dma_wait3A_327] : memref<4096x128xf32, #tpu.memory_space<hbm>> -> memref<4096x128xf32, #tpu.memory_space<hbm>>
    tpu.wait_indirect_dma semaphore(%arg8 : memref<!tpu.dma_semaphore, #tpu.memory_space<semaphore_mem>>) src(%dma_wait3A_328 : memref<4096x128xf32, #tpu.memory_space<hbm>>) dst(%dma_wait3A_323 : memref<128x128xf32, #tpu.memory_space<vmem>>)
    %add3A_329 = arith.constant 1664 : i32
    %add3A_330 = arith.addi %mul3A_2, %add3A_329 : i32
    %run_scoped3A_331 = arith.constant 1 : i32
    "tpu.region"() ({
      %run_scoped3A_368 = tpu.sem_alloc : memref<!tpu.dma_semaphore, #tpu.memory_space<semaphore_mem>>
      %dma_start3A_369 = arith.constant 0 : i32
      %dma_start3A_370 = arith.constant 0 : i32
      %dma_start3A_371 = tpu.memref_slice %arg6[%run_scoped3A_331, %dma_start3A_369, %dma_start3A_370] : memref<2x128x128xf32, #tpu.memory_space<vmem>> -> memref<1x128x128xf32, #tpu.memory_space<vmem>>
      %dma_start3A_372 = tpu.memref_squeeze %dma_start3A_371 : memref<1x128x128xf32, #tpu.memory_space<vmem>> -> memref<128x128xf32, #tpu.memory_space<vmem>>
      %dma_start3A_373 = arith.constant 0 : i32
      %dma_start3A_374 = tpu.memref_slice %arg4[%add3A_330, %dma_start3A_373] : memref<65536x128xf32, #tpu.memory_space<hbm>> -> memref<128x128xf32, #tpu.memory_space<hbm>>
      %dma_start3A_375 = arith.constant 0 : i32
      %dma_start3A_376 = tpu.memref_slice %arg4[%add3A_330, %dma_start3A_375] : memref<65536x128xf32, #tpu.memory_space<hbm>> -> memref<128x128xf32, #tpu.memory_space<hbm>>
      %dma_start3A_377 = arith.constant 0 : i32
      %dma_start3A_378 = arith.constant 0 : i32
      %dma_start3A_379 = tpu.memref_slice %arg6[%run_scoped3A_331, %dma_start3A_377, %dma_start3A_378] : memref<2x128x128xf32, #tpu.memory_space<vmem>> -> memref<1x128x128xf32, #tpu.memory_space<vmem>>
      %dma_start3A_380 = tpu.memref_squeeze %dma_start3A_379 : memref<1x128x128xf32, #tpu.memory_space<vmem>> -> memref<128x128xf32, #tpu.memory_space<vmem>>
      tpu.enqueue_dma source(%dma_start3A_380 : memref<128x128xf32, #tpu.memory_space<vmem>>) target(%dma_start3A_376 : memref<128x128xf32, #tpu.memory_space<hbm>>) target_semaphore(%run_scoped3A_368 : memref<!tpu.dma_semaphore, #tpu.memory_space<semaphore_mem>>)
      %dma_wait3A_381 = arith.constant 0 : i32
      %dma_wait3A_382 = arith.constant 0 : i32
      %dma_wait3A_383 = tpu.memref_slice %arg6[%run_scoped3A_331, %dma_wait3A_381, %dma_wait3A_382] : memref<2x128x128xf32, #tpu.memory_space<vmem>> -> memref<1x128x128xf32, #tpu.memory_space<vmem>>
      %dma_wait3A_384 = tpu.memref_squeeze %dma_wait3A_383 : memref<1x128x128xf32, #tpu.memory_space<vmem>> -> memref<128x128xf32, #tpu.memory_space<vmem>>
      %dma_wait3A_385 = arith.constant 0 : i32
      %dma_wait3A_386 = tpu.memref_slice %arg4[%add3A_330, %dma_wait3A_385] : memref<65536x128xf32, #tpu.memory_space<hbm>> -> memref<128x128xf32, #tpu.memory_space<hbm>>
      %dma_wait3A_387 = arith.constant 0 : i32
      %dma_wait3A_388 = tpu.memref_slice %arg4[%add3A_330, %dma_wait3A_387] : memref<65536x128xf32, #tpu.memory_space<hbm>> -> memref<128x128xf32, #tpu.memory_space<hbm>>
      %dma_wait3A_389 = arith.constant 0 : i32
      %dma_wait3A_390 = arith.constant 0 : i32
      %dma_wait3A_391 = tpu.memref_slice %arg6[%run_scoped3A_331, %dma_wait3A_389, %dma_wait3A_390] : memref<2x128x128xf32, #tpu.memory_space<vmem>> -> memref<1x128x128xf32, #tpu.memory_space<vmem>>
      %dma_wait3A_392 = tpu.memref_squeeze %dma_wait3A_391 : memref<1x128x128xf32, #tpu.memory_space<vmem>> -> memref<128x128xf32, #tpu.memory_space<vmem>>
      tpu.wait_dma2 semaphore(%run_scoped3A_368 : memref<!tpu.dma_semaphore, #tpu.memory_space<semaphore_mem>>) src(%dma_wait3A_392 : memref<128x128xf32, #tpu.memory_space<vmem>>) dst(%dma_wait3A_388 : memref<128x128xf32, #tpu.memory_space<hbm>>)
      tpu.yield
    }) : () -> ()
    %dma_start3A_332 = arith.constant 1 : i32
    %dma_start3A_333 = arith.constant 0 : i32
    %dma_start3A_334 = arith.constant 0 : i32
    %dma_start3A_335 = tpu.memref_slice %arg6[%dma_start3A_332, %dma_start3A_333, %dma_start3A_334] : memref<2x128x128xf32, #tpu.memory_space<vmem>> -> memref<1x128x128xf32, #tpu.memory_space<vmem>>
    %dma_start3A_336 = tpu.memref_squeeze %dma_start3A_335 : memref<1x128x128xf32, #tpu.memory_space<vmem>> -> memref<128x128xf32, #tpu.memory_space<vmem>>
    %dma_start3A_337 = arith.constant 1920 : i32
    %dma_start3A_338 = tpu.memref_slice %arg5[%dma_start3A_337] : memref<2048xi32, #tpu.memory_space<vmem>> -> memref<128xi32, #tpu.memory_space<vmem>>
    %dma_start3A_339 = arith.constant 0 : i32
    %dma_start3A_340 = arith.constant 0 : i32
    %dma_start3A_341 = tpu.memref_slice %arg3[%dma_start3A_339, %dma_start3A_340] : memref<4096x128xf32, #tpu.memory_space<hbm>> -> memref<4096x128xf32, #tpu.memory_space<hbm>>
    tpu.enqueue_indirect_dma source(%dma_start3A_341 : memref<4096x128xf32, #tpu.memory_space<hbm>>) target(%dma_start3A_336 : memref<128x128xf32, #tpu.memory_space<vmem>>) offsets(%dma_start3A_338 : memref<128xi32, #tpu.memory_space<vmem>>) semaphore(%arg8 : memref<!tpu.dma_semaphore, #tpu.memory_space<semaphore_mem>>)
    %dma_wait3A_342 = arith.constant 0 : i32
    %dma_wait3A_343 = arith.constant 0 : i32
    %dma_wait3A_344 = arith.constant 0 : i32
    %dma_wait3A_345 = tpu.memref_slice %arg6[%dma_wait3A_342, %dma_wait3A_343, %dma_wait3A_344] : memref<2x128x128xf32, #tpu.memory_space<vmem>> -> memref<1x128x128xf32, #tpu.memory_space<vmem>>
    %dma_wait3A_346 = tpu.memref_squeeze %dma_wait3A_345 : memref<1x128x128xf32, #tpu.memory_space<vmem>> -> memref<128x128xf32, #tpu.memory_space<vmem>>
    %dma_wait3A_347 = arith.constant 1792 : i32
    %dma_wait3A_348 = tpu.memref_slice %arg5[%dma_wait3A_347] : memref<2048xi32, #tpu.memory_space<vmem>> -> memref<128xi32, #tpu.memory_space<vmem>>
    %dma_wait3A_349 = arith.constant 0 : i32
    %dma_wait3A_350 = arith.constant 0 : i32
    %dma_wait3A_351 = tpu.memref_slice %arg3[%dma_wait3A_349, %dma_wait3A_350] : memref<4096x128xf32, #tpu.memory_space<hbm>> -> memref<4096x128xf32, #tpu.memory_space<hbm>>
    tpu.wait_indirect_dma semaphore(%arg7 : memref<!tpu.dma_semaphore, #tpu.memory_space<semaphore_mem>>) src(%dma_wait3A_351 : memref<4096x128xf32, #tpu.memory_space<hbm>>) dst(%dma_wait3A_346 : memref<128x128xf32, #tpu.memory_space<vmem>>)
    %add3A_352 = arith.constant 1792 : i32
    %add3A_353 = arith.addi %mul3A_2, %add3A_352 : i32
    %run_scoped3A_354 = arith.constant 0 : i32
    "tpu.region"() ({
      %run_scoped3A_368 = tpu.sem_alloc : memref<!tpu.dma_semaphore, #tpu.memory_space<semaphore_mem>>
      %dma_start3A_369 = arith.constant 0 : i32
      %dma_start3A_370 = arith.constant 0 : i32
      %dma_start3A_371 = tpu.memref_slice %arg6[%run_scoped3A_354, %dma_start3A_369, %dma_start3A_370] : memref<2x128x128xf32, #tpu.memory_space<vmem>> -> memref<1x128x128xf32, #tpu.memory_space<vmem>>
      %dma_start3A_372 = tpu.memref_squeeze %dma_start3A_371 : memref<1x128x128xf32, #tpu.memory_space<vmem>> -> memref<128x128xf32, #tpu.memory_space<vmem>>
      %dma_start3A_373 = arith.constant 0 : i32
      %dma_start3A_374 = tpu.memref_slice %arg4[%add3A_353, %dma_start3A_373] : memref<65536x128xf32, #tpu.memory_space<hbm>> -> memref<128x128xf32, #tpu.memory_space<hbm>>
      %dma_start3A_375 = arith.constant 0 : i32
      %dma_start3A_376 = tpu.memref_slice %arg4[%add3A_353, %dma_start3A_375] : memref<65536x128xf32, #tpu.memory_space<hbm>> -> memref<128x128xf32, #tpu.memory_space<hbm>>
      %dma_start3A_377 = arith.constant 0 : i32
      %dma_start3A_378 = arith.constant 0 : i32
      %dma_start3A_379 = tpu.memref_slice %arg6[%run_scoped3A_354, %dma_start3A_377, %dma_start3A_378] : memref<2x128x128xf32, #tpu.memory_space<vmem>> -> memref<1x128x128xf32, #tpu.memory_space<vmem>>
      %dma_start3A_380 = tpu.memref_squeeze %dma_start3A_379 : memref<1x128x128xf32, #tpu.memory_space<vmem>> -> memref<128x128xf32, #tpu.memory_space<vmem>>
      tpu.enqueue_dma source(%dma_start3A_380 : memref<128x128xf32, #tpu.memory_space<vmem>>) target(%dma_start3A_376 : memref<128x128xf32, #tpu.memory_space<hbm>>) target_semaphore(%run_scoped3A_368 : memref<!tpu.dma_semaphore, #tpu.memory_space<semaphore_mem>>)
      %dma_wait3A_381 = arith.constant 0 : i32
      %dma_wait3A_382 = arith.constant 0 : i32
      %dma_wait3A_383 = tpu.memref_slice %arg6[%run_scoped3A_354, %dma_wait3A_381, %dma_wait3A_382] : memref<2x128x128xf32, #tpu.memory_space<vmem>> -> memref<1x128x128xf32, #tpu.memory_space<vmem>>
      %dma_wait3A_384 = tpu.memref_squeeze %dma_wait3A_383 : memref<1x128x128xf32, #tpu.memory_space<vmem>> -> memref<128x128xf32, #tpu.memory_space<vmem>>
      %dma_wait3A_385 = arith.constant 0 : i32
      %dma_wait3A_386 = tpu.memref_slice %arg4[%add3A_353, %dma_wait3A_385] : memref<65536x128xf32, #tpu.memory_space<hbm>> -> memref<128x128xf32, #tpu.memory_space<hbm>>
      %dma_wait3A_387 = arith.constant 0 : i32
      %dma_wait3A_388 = tpu.memref_slice %arg4[%add3A_353, %dma_wait3A_387] : memref<65536x128xf32, #tpu.memory_space<hbm>> -> memref<128x128xf32, #tpu.memory_space<hbm>>
      %dma_wait3A_389 = arith.constant 0 : i32
      %dma_wait3A_390 = arith.constant 0 : i32
      %dma_wait3A_391 = tpu.memref_slice %arg6[%run_scoped3A_354, %dma_wait3A_389, %dma_wait3A_390] : memref<2x128x128xf32, #tpu.memory_space<vmem>> -> memref<1x128x128xf32, #tpu.memory_space<vmem>>
      %dma_wait3A_392 = tpu.memref_squeeze %dma_wait3A_391 : memref<1x128x128xf32, #tpu.memory_space<vmem>> -> memref<128x128xf32, #tpu.memory_space<vmem>>
      tpu.wait_dma2 semaphore(%run_scoped3A_368 : memref<!tpu.dma_semaphore, #tpu.memory_space<semaphore_mem>>) src(%dma_wait3A_392 : memref<128x128xf32, #tpu.memory_space<vmem>>) dst(%dma_wait3A_388 : memref<128x128xf32, #tpu.memory_space<hbm>>)
      tpu.yield
    }) : () -> ()
    %dma_wait3A_355 = arith.constant 1 : i32
    %dma_wait3A_356 = arith.constant 0 : i32
    %dma_wait3A_357 = arith.constant 0 : i32
    %dma_wait3A_358 = tpu.memref_slice %arg6[%dma_wait3A_355, %dma_wait3A_356, %dma_wait3A_357] : memref<2x128x128xf32, #tpu.memory_space<vmem>> -> memref<1x128x128xf32, #tpu.memory_space<vmem>>
    %dma_wait3A_359 = tpu.memref_squeeze %dma_wait3A_358 : memref<1x128x128xf32, #tpu.memory_space<vmem>> -> memref<128x128xf32, #tpu.memory_space<vmem>>
    %dma_wait3A_360 = arith.constant 1920 : i32
    %dma_wait3A_361 = tpu.memref_slice %arg5[%dma_wait3A_360] : memref<2048xi32, #tpu.memory_space<vmem>> -> memref<128xi32, #tpu.memory_space<vmem>>
    %dma_wait3A_362 = arith.constant 0 : i32
    %dma_wait3A_363 = arith.constant 0 : i32
    %dma_wait3A_364 = tpu.memref_slice %arg3[%dma_wait3A_362, %dma_wait3A_363] : memref<4096x128xf32, #tpu.memory_space<hbm>> -> memref<4096x128xf32, #tpu.memory_space<hbm>>
    tpu.wait_indirect_dma semaphore(%arg8 : memref<!tpu.dma_semaphore, #tpu.memory_space<semaphore_mem>>) src(%dma_wait3A_364 : memref<4096x128xf32, #tpu.memory_space<hbm>>) dst(%dma_wait3A_359 : memref<128x128xf32, #tpu.memory_space<vmem>>)
    %add3A_365 = arith.constant 1920 : i32
    %add3A_366 = arith.addi %mul3A_2, %add3A_365 : i32
    %run_scoped3A_367 = arith.constant 1 : i32
    "tpu.region"() ({
      %run_scoped3A_368 = tpu.sem_alloc : memref<!tpu.dma_semaphore, #tpu.memory_space<semaphore_mem>>
      %dma_start3A_369 = arith.constant 0 : i32
      %dma_start3A_370 = arith.constant 0 : i32
      %dma_start3A_371 = tpu.memref_slice %arg6[%run_scoped3A_367, %dma_start3A_369, %dma_start3A_370] : memref<2x128x128xf32, #tpu.memory_space<vmem>> -> memref<1x128x128xf32, #tpu.memory_space<vmem>>
      %dma_start3A_372 = tpu.memref_squeeze %dma_start3A_371 : memref<1x128x128xf32, #tpu.memory_space<vmem>> -> memref<128x128xf32, #tpu.memory_space<vmem>>
      %dma_start3A_373 = arith.constant 0 : i32
      %dma_start3A_374 = tpu.memref_slice %arg4[%add3A_366, %dma_start3A_373] : memref<65536x128xf32, #tpu.memory_space<hbm>> -> memref<128x128xf32, #tpu.memory_space<hbm>>
      %dma_start3A_375 = arith.constant 0 : i32
      %dma_start3A_376 = tpu.memref_slice %arg4[%add3A_366, %dma_start3A_375] : memref<65536x128xf32, #tpu.memory_space<hbm>> -> memref<128x128xf32, #tpu.memory_space<hbm>>
      %dma_start3A_377 = arith.constant 0 : i32
      %dma_start3A_378 = arith.constant 0 : i32
      %dma_start3A_379 = tpu.memref_slice %arg6[%run_scoped3A_367, %dma_start3A_377, %dma_start3A_378] : memref<2x128x128xf32, #tpu.memory_space<vmem>> -> memref<1x128x128xf32, #tpu.memory_space<vmem>>
      %dma_start3A_380 = tpu.memref_squeeze %dma_start3A_379 : memref<1x128x128xf32, #tpu.memory_space<vmem>> -> memref<128x128xf32, #tpu.memory_space<vmem>>
      tpu.enqueue_dma source(%dma_start3A_380 : memref<128x128xf32, #tpu.memory_space<vmem>>) target(%dma_start3A_376 : memref<128x128xf32, #tpu.memory_space<hbm>>) target_semaphore(%run_scoped3A_368 : memref<!tpu.dma_semaphore, #tpu.memory_space<semaphore_mem>>)
      %dma_wait3A_381 = arith.constant 0 : i32
      %dma_wait3A_382 = arith.constant 0 : i32
      %dma_wait3A_383 = tpu.memref_slice %arg6[%run_scoped3A_367, %dma_wait3A_381, %dma_wait3A_382] : memref<2x128x128xf32, #tpu.memory_space<vmem>> -> memref<1x128x128xf32, #tpu.memory_space<vmem>>
      %dma_wait3A_384 = tpu.memref_squeeze %dma_wait3A_383 : memref<1x128x128xf32, #tpu.memory_space<vmem>> -> memref<128x128xf32, #tpu.memory_space<vmem>>
      %dma_wait3A_385 = arith.constant 0 : i32
      %dma_wait3A_386 = tpu.memref_slice %arg4[%add3A_366, %dma_wait3A_385] : memref<65536x128xf32, #tpu.memory_space<hbm>> -> memref<128x128xf32, #tpu.memory_space<hbm>>
      %dma_wait3A_387 = arith.constant 0 : i32
      %dma_wait3A_388 = tpu.memref_slice %arg4[%add3A_366, %dma_wait3A_387] : memref<65536x128xf32, #tpu.memory_space<hbm>> -> memref<128x128xf32, #tpu.memory_space<hbm>>
      %dma_wait3A_389 = arith.constant 0 : i32
      %dma_wait3A_390 = arith.constant 0 : i32
      %dma_wait3A_391 = tpu.memref_slice %arg6[%run_scoped3A_367, %dma_wait3A_389, %dma_wait3A_390] : memref<2x128x128xf32, #tpu.memory_space<vmem>> -> memref<1x128x128xf32, #tpu.memory_space<vmem>>
      %dma_wait3A_392 = tpu.memref_squeeze %dma_wait3A_391 : memref<1x128x128xf32, #tpu.memory_space<vmem>> -> memref<128x128xf32, #tpu.memory_space<vmem>>
      tpu.wait_dma2 semaphore(%run_scoped3A_368 : memref<!tpu.dma_semaphore, #tpu.memory_space<semaphore_mem>>) src(%dma_wait3A_392 : memref<128x128xf32, #tpu.memory_space<vmem>>) dst(%dma_wait3A_388 : memref<128x128xf32, #tpu.memory_space<hbm>>)
      tpu.yield
    }) : () -> ()
    return
  }
}

module attributes {stable_mosaic.version = 14 : i64} {
  func.func @_pre_body(%arg0: i32, %arg1: memref<1x4096x128xf32, #tpu.memory_space<vmem>>, %arg2: memref<256x64xf32, #tpu.memory_space<vmem>>, %arg3: memref<8x64xf32, #tpu.memory_space<vmem>>, %arg4: memref<1x4096x128xf32, #tpu.memory_space<vmem>>, %arg5: memref<1x4096x64xf32, #tpu.memory_space<vmem>>) attributes {dimension_semantics = [#tpu.dimension_semantics<arbitrary>], iteration_bounds = array<i64: 2>, scalar_prefetch = 0 : i64, scratch_operands = 0 : i64, tpu.core_type = #tpu.core_type<tc>, window_params = [{transform_indices = @transform_0, window_bounds = array<i64: 1, 4096, 128>}, {pipeline_mode = #tpu.pipeline_mode<synchronous>, transform_indices = @transform_1, window_bounds = array<i64: 256, 64>}, {pipeline_mode = #tpu.pipeline_mode<synchronous>, transform_indices = @transform_2, window_bounds = array<i64: 8, 64>}, {transform_indices = @transform_3, window_bounds = array<i64: 1, 4096, 128>}, {transform_indices = @transform_4, window_bounds = array<i64: 1, 4096, 64>}]} {
    %get3A = arith.constant 0 : index
    %get3A_0 = arith.constant 0 : index
    %get3A_1 = arith.constant 0 : index
    %get3A_2 = vector.load %arg1[%get3A, %get3A_0, %get3A_1] : memref<1x4096x128xf32, #tpu.memory_space<vmem>>, vector<1x4096x128xf32>
    %get3A_3 = vector.shape_cast %get3A_2 : vector<1x4096x128xf32> to vector<4096x128xf32>
    %get3A_4 = arith.constant 0 : index
    %get3A_5 = arith.constant 0 : index
    %get3A_6 = vector.load %arg2[%get3A_4, %get3A_5] : memref<256x64xf32, #tpu.memory_space<vmem>>, vector<256x64xf32>
    %slice3A = vector.extract_strided_slice %get3A_6 {offsets = [0, 0], sizes = [128, 64], strides = [1, 1]} : vector<256x64xf32> to vector<128x64xf32>
    %slice3A_7 = vector.extract_strided_slice %get3A_6 {offsets = [128, 0], sizes = [128, 64], strides = [1, 1]} : vector<256x64xf32> to vector<128x64xf32>
    %add3A = arith.addf %slice3A, %slice3A_7 : vector<128x64xf32>
    %dot_general3A = arith.constant dense<0.000000e+00> : vector<4096x64xf32>
    %dot_general3A_8 = tpu.matmul %get3A_3, %add3A, %dot_general3A {dimension_numbers = #tpu.dot_dimension_numbers<[1], [0], [0], [1], [0, 0, 1, 1], [], []>, precision = #tpu.contract_precision<fp32>, transpose_lhs_hint = false} : vector<4096x128xf32>, vector<128x64xf32>, vector<4096x64xf32> -> vector<4096x64xf32>
    %broadcast_in_dim3A = arith.constant 0.000000e+00 : f32
    %broadcast_in_dim3A_9 = vector.broadcast %broadcast_in_dim3A : f32 to vector<4096x64xf32>
    %concatenate3A = tpu.concatenate %dot_general3A_8, %broadcast_in_dim3A_9 in 1 : vector<4096x64xf32>, vector<4096x64xf32> -> vector<4096x128xf32>
    %swap3A = arith.constant 0 : index
    %swap3A_10 = arith.constant 0 : index
    %swap3A_11 = arith.constant 0 : index
    %swap3A_12 = vector.load %arg4[%swap3A, %swap3A_10, %swap3A_11] : memref<1x4096x128xf32, #tpu.memory_space<vmem>>, vector<1x4096x128xf32>
    %swap3A_13 = vector.shape_cast %swap3A_12 : vector<1x4096x128xf32> to vector<4096x128xf32>
    %swap3A_14 = vector.shape_cast %concatenate3A : vector<4096x128xf32> to vector<1x4096x128xf32>
    tpu.vector_store %arg4[%swap3A, %swap3A_10, %swap3A_11], %swap3A_14 {strides = array<i32>} : memref<1x4096x128xf32, #tpu.memory_space<vmem>>, vector<1x4096x128xf32>,
    %dot_general3A_15 = arith.constant dense<0.000000e+00> : vector<4096x64xf32>
    %dot_general3A_16 = tpu.matmul %get3A_3, %slice3A_7, %dot_general3A_15 {dimension_numbers = #tpu.dot_dimension_numbers<[1], [0], [0], [1], [0, 0, 1, 1], [], []>, precision = #tpu.contract_precision<fp32>, transpose_lhs_hint = false} : vector<4096x128xf32>, vector<128x64xf32>, vector<4096x64xf32> -> vector<4096x64xf32>
    %get3A_17 = arith.constant 0 : index
    %get3A_18 = arith.constant 0 : index
    %get3A_19 = vector.load %arg3[%get3A_17, %get3A_18] : memref<8x64xf32, #tpu.memory_space<vmem>>, vector<8x64xf32>
    %slice3A_20 = vector.extract_strided_slice %get3A_19 {offsets = [0, 0], sizes = [1, 64], strides = [1, 1]} : vector<8x64xf32> to vector<1x64xf32>
    %sub3A = vector.broadcast %slice3A_20 : vector<1x64xf32> to vector<4096x64xf32>
    %sub3A_21 = arith.subf %dot_general3A_16, %sub3A : vector<4096x64xf32>
    %swap3A_22 = arith.constant 0 : index
    %swap3A_23 = arith.constant 0 : index
    %swap3A_24 = arith.constant 0 : index
    %swap3A_25 = vector.load %arg5[%swap3A_22, %swap3A_23, %swap3A_24] : memref<1x4096x64xf32, #tpu.memory_space<vmem>>, vector<1x4096x64xf32>
    %swap3A_26 = vector.shape_cast %swap3A_25 : vector<1x4096x64xf32> to vector<4096x64xf32>
    %swap3A_27 = vector.shape_cast %sub3A_21 : vector<4096x64xf32> to vector<1x4096x64xf32>
    tpu.vector_store %arg5[%swap3A_22, %swap3A_23, %swap3A_24], %swap3A_27 {strides = array<i32>} : memref<1x4096x64xf32, #tpu.memory_space<vmem>>, vector<1x4096x64xf32>,
    return
  }
  func.func @transform_0(%arg0: i32) -> (i32, i32, i32) {
    %c0_i32 = arith.constant 0 : i32
    %c0_i32_0 = arith.constant 0 : i32
    %c0_i32_1 = arith.constant 0 : i32
    return %arg0, %c0_i32, %c0_i32_0 : i32, i32, i32
  }
  func.func @transform_1(%arg0: i32) -> (i32, i32) {
    %c0_i32 = arith.constant 0 : i32
    %c0_i32_0 = arith.constant 0 : i32
    %c0_i32_1 = arith.constant 0 : i32
    return %c0_i32, %c0_i32_0 : i32, i32
  }
  func.func @transform_2(%arg0: i32) -> (i32, i32) {
    %c0_i32 = arith.constant 0 : i32
    %c0_i32_0 = arith.constant 0 : i32
    %c0_i32_1 = arith.constant 0 : i32
    return %c0_i32, %c0_i32_0 : i32, i32
  }
  func.func @transform_3(%arg0: i32) -> (i32, i32, i32) {
    %c0_i32 = arith.constant 0 : i32
    %c0_i32_0 = arith.constant 0 : i32
    %c0_i32_1 = arith.constant 0 : i32
    return %arg0, %c0_i32, %c0_i32_0 : i32, i32, i32
  }
  func.func @transform_4(%arg0: i32) -> (i32, i32, i32) {
    %c0_i32 = arith.constant 0 : i32
    %c0_i32_0 = arith.constant 0 : i32
    %c0_i32_1 = arith.constant 0 : i32
    return %arg0, %c0_i32, %c0_i32_0 : i32, i32, i32
  }
}

module attributes {stable_mosaic.version = 14 : i64} {
  func.func @_knn_body(%arg0: i32, %arg1: i32, %arg2: memref<1x512x8xf32, #tpu.memory_space<vmem>>, %arg3: memref<1x8x4096xf32, #tpu.memory_space<vmem>>, %arg4: memref<512x16xi32, #tpu.memory_space<vmem>>, %arg5: memref<512x16xf32, #tpu.memory_space<vmem>>) attributes {dimension_semantics = [#tpu.dimension_semantics<arbitrary>, #tpu.dimension_semantics<arbitrary>], iteration_bounds = array<i64: 1, 8>, scalar_prefetch = 0 : i64, scratch_operands = 0 : i64, tpu.core_type = #tpu.core_type<tc>, window_params = [{transform_indices = @transform_0, window_bounds = array<i64: 1, 512, 8>}, {transform_indices = @transform_1, window_bounds = array<i64: 1, 8, 4096>}, {transform_indices = @transform_2, window_bounds = array<i64: 512, 16>}, {transform_indices = @transform_3, window_bounds = array<i64: 512, 16>}]} {
    %get3A = arith.constant 0 : index
    %get3A_0 = arith.constant 0 : index
    %get3A_1 = arith.constant 0 : index
    %get3A_2 = vector.load %arg2[%get3A, %get3A_0, %get3A_1] : memref<1x512x8xf32, #tpu.memory_space<vmem>>, vector<1x512x8xf32>
    %get3A_3 = vector.shape_cast %get3A_2 : vector<1x512x8xf32> to vector<512x8xf32>
    %get3A_4 = arith.constant 0 : index
    %get3A_5 = arith.constant 0 : index
    %get3A_6 = arith.constant 0 : index
    %get3A_7 = vector.load %arg3[%get3A_4, %get3A_5, %get3A_6] : memref<1x8x4096xf32, #tpu.memory_space<vmem>>, vector<1x8x4096xf32>
    %get3A_8 = vector.shape_cast %get3A_7 : vector<1x8x4096xf32> to vector<8x4096xf32>
    %mul3A = arith.mulf %get3A_8, %get3A_8 : vector<8x4096xf32>
    %reduce_sum3A = arith.constant dense<0.000000e+00> : vector<4096xf32>
    %reduce_sum3A_9 = vector.multi_reduction <add>, %mul3A, %reduce_sum3A [0] : vector<8x4096xf32> to vector<4096xf32>
    %mul3A_10 = arith.mulf %get3A_3, %get3A_3 : vector<512x8xf32>
    %reduce_sum3A_11 = arith.constant dense<0.000000e+00> : vector<512xf32>
    %reduce_sum3A_12 = vector.multi_reduction <add>, %mul3A_10, %reduce_sum3A_11 [1] : vector<512x8xf32> to vector<512xf32>
    %dot_general3A = arith.constant dense<0.000000e+00> : vector<512x4096xf32>
    %dot_general3A_13 = tpu.matmul %get3A_3, %get3A_8, %dot_general3A {dimension_numbers = #tpu.dot_dimension_numbers<[1], [0], [0], [1], [0, 0, 1, 1], [], []>, transpose_lhs_hint = false} : vector<512x8xf32>, vector<8x4096xf32>, vector<512x4096xf32> -> vector<512x4096xf32>
    %broadcast_in_dim3A = vector.shape_cast %reduce_sum3A_12 : vector<512xf32> to vector<512x1xf32>
    %broadcast_in_dim3A_14 = vector.shape_cast %reduce_sum3A_9 : vector<4096xf32> to vector<1x4096xf32>
    %add3A = vector.broadcast %broadcast_in_dim3A : vector<512x1xf32> to vector<512x4096xf32>
    %add3A_15 = vector.broadcast %broadcast_in_dim3A_14 : vector<1x4096xf32> to vector<512x4096xf32>
    %add3A_16 = arith.addf %add3A, %add3A_15 : vector<512x4096xf32>
    %mul3A_17 = arith.constant 2.000000e+00 : f32
    %mul3A_18 = vector.broadcast %mul3A_17 : f32 to vector<512x4096xf32>
    %mul3A_19 = arith.mulf %mul3A_18, %dot_general3A_13 : vector<512x4096xf32>
    %sub3A = arith.subf %add3A_16, %mul3A_19 : vector<512x4096xf32>
    %iota3A = tpu.iota {dimensions = array<i32: 1>} : vector<512x4096xi32>
    %bitcast_convert_type3A = tpu.bitcast %sub3A : vector<512x4096xf32> -> vector<512x4096xi32>
    %lt3A = arith.constant 0 : i32
    %lt3A_20 = vector.broadcast %lt3A : i32 to vector<512x4096xi32>
    %lt3A_21 = arith.cmpi slt, %bitcast_convert_type3A, %lt3A_20 : vector<512x4096xi32>
    %xor3A = arith.constant 2147483647 : i32
    %xor3A_22 = vector.broadcast %xor3A : i32 to vector<512x4096xi32>
    %xor3A_23 = arith.xori %bitcast_convert_type3A, %xor3A_22 : vector<512x4096xi32>
    %select_n3A = arith.select %lt3A_21, %xor3A_23, %bitcast_convert_type3A : vector<512x4096xi1>, vector<512x4096xi32>
    %and3A = arith.constant -4096 : i32
    %and3A_24 = vector.broadcast %and3A : i32 to vector<512x4096xi32>
    %and3A_25 = arith.andi %select_n3A, %and3A_24 : vector<512x4096xi32>
    %or3A = arith.ori %and3A_25, %iota3A : vector<512x4096xi32>
    %reduce_min3A = arith.constant dense<2147483647> : vector<512xi32>
    %reduce_min3A_26 = vector.multi_reduction <minsi>, %or3A, %reduce_min3A [1] : vector<512x4096xi32> to vector<512xi32>
    %broadcast_in_dim3A_27 = vector.shape_cast %reduce_min3A_26 : vector<512xi32> to vector<512x1xi32>
    %gt3A = vector.broadcast %broadcast_in_dim3A_27 : vector<512x1xi32> to vector<512x4096xi32>
    %gt3A_28 = arith.cmpi sgt, %or3A, %gt3A : vector<512x4096xi32>
    %jit3A = arith.constant 2147483647 : i32
    %broadcast_in_dim3A_29 = vector.broadcast %jit3A : i32 to vector<512x4096xi32>
    %select_n3A_30 = arith.select %gt3A_28, %or3A, %broadcast_in_dim3A_29 : vector<512x4096xi1>, vector<512x4096xi32>
    %reduce_min3A_31 = arith.constant dense<2147483647> : vector<512xi32>
    %reduce_min3A_32 = vector.multi_reduction <minsi>, %select_n3A_30, %reduce_min3A_31 [1] : vector<512x4096xi32> to vector<512xi32>
    %broadcast_in_dim3A_33 = vector.shape_cast %reduce_min3A_32 : vector<512xi32> to vector<512x1xi32>
    %gt3A_34 = vector.broadcast %broadcast_in_dim3A_33 : vector<512x1xi32> to vector<512x4096xi32>
    %gt3A_35 = arith.cmpi sgt, %or3A, %gt3A_34 : vector<512x4096xi32>
    %jit3A_36 = arith.constant 2147483647 : i32
    %broadcast_in_dim3A_37 = vector.broadcast %jit3A_36 : i32 to vector<512x4096xi32>
    %select_n3A_38 = arith.select %gt3A_35, %or3A, %broadcast_in_dim3A_37 : vector<512x4096xi1>, vector<512x4096xi32>
    %reduce_min3A_39 = arith.constant dense<2147483647> : vector<512xi32>
    %reduce_min3A_40 = vector.multi_reduction <minsi>, %select_n3A_38, %reduce_min3A_39 [1] : vector<512x4096xi32> to vector<512xi32>
    %broadcast_in_dim3A_41 = vector.shape_cast %reduce_min3A_40 : vector<512xi32> to vector<512x1xi32>
    %gt3A_42 = vector.broadcast %broadcast_in_dim3A_41 : vector<512x1xi32> to vector<512x4096xi32>
    %gt3A_43 = arith.cmpi sgt, %or3A, %gt3A_42 : vector<512x4096xi32>
    %jit3A_44 = arith.constant 2147483647 : i32
    %broadcast_in_dim3A_45 = vector.broadcast %jit3A_44 : i32 to vector<512x4096xi32>
    %select_n3A_46 = arith.select %gt3A_43, %or3A, %broadcast_in_dim3A_45 : vector<512x4096xi1>, vector<512x4096xi32>
    %reduce_min3A_47 = arith.constant dense<2147483647> : vector<512xi32>
    %reduce_min3A_48 = vector.multi_reduction <minsi>, %select_n3A_46, %reduce_min3A_47 [1] : vector<512x4096xi32> to vector<512xi32>
    %broadcast_in_dim3A_49 = vector.shape_cast %reduce_min3A_48 : vector<512xi32> to vector<512x1xi32>
    %gt3A_50 = vector.broadcast %broadcast_in_dim3A_49 : vector<512x1xi32> to vector<512x4096xi32>
    %gt3A_51 = arith.cmpi sgt, %or3A, %gt3A_50 : vector<512x4096xi32>
    %jit3A_52 = arith.constant 2147483647 : i32
    %broadcast_in_dim3A_53 = vector.broadcast %jit3A_52 : i32 to vector<512x4096xi32>
    %select_n3A_54 = arith.select %gt3A_51, %or3A, %broadcast_in_dim3A_53 : vector<512x4096xi1>, vector<512x4096xi32>
    %reduce_min3A_55 = arith.constant dense<2147483647> : vector<512xi32>
    %reduce_min3A_56 = vector.multi_reduction <minsi>, %select_n3A_54, %reduce_min3A_55 [1] : vector<512x4096xi32> to vector<512xi32>
    %broadcast_in_dim3A_57 = vector.shape_cast %reduce_min3A_56 : vector<512xi32> to vector<512x1xi32>
    %gt3A_58 = vector.broadcast %broadcast_in_dim3A_57 : vector<512x1xi32> to vector<512x4096xi32>
    %gt3A_59 = arith.cmpi sgt, %or3A, %gt3A_58 : vector<512x4096xi32>
    %jit3A_60 = arith.constant 2147483647 : i32
    %broadcast_in_dim3A_61 = vector.broadcast %jit3A_60 : i32 to vector<512x4096xi32>
    %select_n3A_62 = arith.select %gt3A_59, %or3A, %broadcast_in_dim3A_61 : vector<512x4096xi1>, vector<512x4096xi32>
    %reduce_min3A_63 = arith.constant dense<2147483647> : vector<512xi32>
    %reduce_min3A_64 = vector.multi_reduction <minsi>, %select_n3A_62, %reduce_min3A_63 [1] : vector<512x4096xi32> to vector<512xi32>
    %broadcast_in_dim3A_65 = vector.shape_cast %reduce_min3A_64 : vector<512xi32> to vector<512x1xi32>
    %gt3A_66 = vector.broadcast %broadcast_in_dim3A_65 : vector<512x1xi32> to vector<512x4096xi32>
    %gt3A_67 = arith.cmpi sgt, %or3A, %gt3A_66 : vector<512x4096xi32>
    %jit3A_68 = arith.constant 2147483647 : i32
    %broadcast_in_dim3A_69 = vector.broadcast %jit3A_68 : i32 to vector<512x4096xi32>
    %select_n3A_70 = arith.select %gt3A_67, %or3A, %broadcast_in_dim3A_69 : vector<512x4096xi1>, vector<512x4096xi32>
    %reduce_min3A_71 = arith.constant dense<2147483647> : vector<512xi32>
    %reduce_min3A_72 = vector.multi_reduction <minsi>, %select_n3A_70, %reduce_min3A_71 [1] : vector<512x4096xi32> to vector<512xi32>
    %broadcast_in_dim3A_73 = vector.shape_cast %reduce_min3A_72 : vector<512xi32> to vector<512x1xi32>
    %gt3A_74 = vector.broadcast %broadcast_in_dim3A_73 : vector<512x1xi32> to vector<512x4096xi32>
    %gt3A_75 = arith.cmpi sgt, %or3A, %gt3A_74 : vector<512x4096xi32>
    %jit3A_76 = arith.constant 2147483647 : i32
    %broadcast_in_dim3A_77 = vector.broadcast %jit3A_76 : i32 to vector<512x4096xi32>
    %select_n3A_78 = arith.select %gt3A_75, %or3A, %broadcast_in_dim3A_77 : vector<512x4096xi1>, vector<512x4096xi32>
    %reduce_min3A_79 = arith.constant dense<2147483647> : vector<512xi32>
    %reduce_min3A_80 = vector.multi_reduction <minsi>, %select_n3A_78, %reduce_min3A_79 [1] : vector<512x4096xi32> to vector<512xi32>
    %broadcast_in_dim3A_81 = vector.shape_cast %reduce_min3A_80 : vector<512xi32> to vector<512x1xi32>
    %gt3A_82 = vector.broadcast %broadcast_in_dim3A_81 : vector<512x1xi32> to vector<512x4096xi32>
    %gt3A_83 = arith.cmpi sgt, %or3A, %gt3A_82 : vector<512x4096xi32>
    %jit3A_84 = arith.constant 2147483647 : i32
    %broadcast_in_dim3A_85 = vector.broadcast %jit3A_84 : i32 to vector<512x4096xi32>
    %select_n3A_86 = arith.select %gt3A_83, %or3A, %broadcast_in_dim3A_85 : vector<512x4096xi1>, vector<512x4096xi32>
    %reduce_min3A_87 = arith.constant dense<2147483647> : vector<512xi32>
    %reduce_min3A_88 = vector.multi_reduction <minsi>, %select_n3A_86, %reduce_min3A_87 [1] : vector<512x4096xi32> to vector<512xi32>
    %broadcast_in_dim3A_89 = vector.shape_cast %reduce_min3A_88 : vector<512xi32> to vector<512x1xi32>
    %gt3A_90 = vector.broadcast %broadcast_in_dim3A_89 : vector<512x1xi32> to vector<512x4096xi32>
    %gt3A_91 = arith.cmpi sgt, %or3A, %gt3A_90 : vector<512x4096xi32>
    %jit3A_92 = arith.constant 2147483647 : i32
    %broadcast_in_dim3A_93 = vector.broadcast %jit3A_92 : i32 to vector<512x4096xi32>
    %select_n3A_94 = arith.select %gt3A_91, %or3A, %broadcast_in_dim3A_93 : vector<512x4096xi1>, vector<512x4096xi32>
    %reduce_min3A_95 = arith.constant dense<2147483647> : vector<512xi32>
    %reduce_min3A_96 = vector.multi_reduction <minsi>, %select_n3A_94, %reduce_min3A_95 [1] : vector<512x4096xi32> to vector<512xi32>
    %broadcast_in_dim3A_97 = vector.shape_cast %reduce_min3A_96 : vector<512xi32> to vector<512x1xi32>
    %gt3A_98 = vector.broadcast %broadcast_in_dim3A_97 : vector<512x1xi32> to vector<512x4096xi32>
    %gt3A_99 = arith.cmpi sgt, %or3A, %gt3A_98 : vector<512x4096xi32>
    %jit3A_100 = arith.constant 2147483647 : i32
    %broadcast_in_dim3A_101 = vector.broadcast %jit3A_100 : i32 to vector<512x4096xi32>
    %select_n3A_102 = arith.select %gt3A_99, %or3A, %broadcast_in_dim3A_101 : vector<512x4096xi1>, vector<512x4096xi32>
    %reduce_min3A_103 = arith.constant dense<2147483647> : vector<512xi32>
    %reduce_min3A_104 = vector.multi_reduction <minsi>, %select_n3A_102, %reduce_min3A_103 [1] : vector<512x4096xi32> to vector<512xi32>
    %broadcast_in_dim3A_105 = vector.shape_cast %reduce_min3A_104 : vector<512xi32> to vector<512x1xi32>
    %gt3A_106 = vector.broadcast %broadcast_in_dim3A_105 : vector<512x1xi32> to vector<512x4096xi32>
    %gt3A_107 = arith.cmpi sgt, %or3A, %gt3A_106 : vector<512x4096xi32>
    %jit3A_108 = arith.constant 2147483647 : i32
    %broadcast_in_dim3A_109 = vector.broadcast %jit3A_108 : i32 to vector<512x4096xi32>
    %select_n3A_110 = arith.select %gt3A_107, %or3A, %broadcast_in_dim3A_109 : vector<512x4096xi1>, vector<512x4096xi32>
    %reduce_min3A_111 = arith.constant dense<2147483647> : vector<512xi32>
    %reduce_min3A_112 = vector.multi_reduction <minsi>, %select_n3A_110, %reduce_min3A_111 [1] : vector<512x4096xi32> to vector<512xi32>
    %broadcast_in_dim3A_113 = vector.shape_cast %reduce_min3A_112 : vector<512xi32> to vector<512x1xi32>
    %gt3A_114 = vector.broadcast %broadcast_in_dim3A_113 : vector<512x1xi32> to vector<512x4096xi32>
    %gt3A_115 = arith.cmpi sgt, %or3A, %gt3A_114 : vector<512x4096xi32>
    %jit3A_116 = arith.constant 2147483647 : i32
    %broadcast_in_dim3A_117 = vector.broadcast %jit3A_116 : i32 to vector<512x4096xi32>
    %select_n3A_118 = arith.select %gt3A_115, %or3A, %broadcast_in_dim3A_117 : vector<512x4096xi1>, vector<512x4096xi32>
    %reduce_min3A_119 = arith.constant dense<2147483647> : vector<512xi32>
    %reduce_min3A_120 = vector.multi_reduction <minsi>, %select_n3A_118, %reduce_min3A_119 [1] : vector<512x4096xi32> to vector<512xi32>
    %broadcast_in_dim3A_121 = vector.shape_cast %reduce_min3A_120 : vector<512xi32> to vector<512x1xi32>
    %gt3A_122 = vector.broadcast %broadcast_in_dim3A_121 : vector<512x1xi32> to vector<512x4096xi32>
    %gt3A_123 = arith.cmpi sgt, %or3A, %gt3A_122 : vector<512x4096xi32>
    %jit3A_124 = arith.constant 2147483647 : i32
    %broadcast_in_dim3A_125 = vector.broadcast %jit3A_124 : i32 to vector<512x4096xi32>
    %select_n3A_126 = arith.select %gt3A_123, %or3A, %broadcast_in_dim3A_125 : vector<512x4096xi1>, vector<512x4096xi32>
    %reduce_min3A_127 = arith.constant dense<2147483647> : vector<512xi32>
    %reduce_min3A_128 = vector.multi_reduction <minsi>, %select_n3A_126, %reduce_min3A_127 [1] : vector<512x4096xi32> to vector<512xi32>
    %broadcast_in_dim3A_129 = vector.shape_cast %reduce_min3A_128 : vector<512xi32> to vector<512x1xi32>
    %gt3A_130 = vector.broadcast %broadcast_in_dim3A_129 : vector<512x1xi32> to vector<512x4096xi32>
    %gt3A_131 = arith.cmpi sgt, %or3A, %gt3A_130 : vector<512x4096xi32>
    %jit3A_132 = arith.constant 2147483647 : i32
    %broadcast_in_dim3A_133 = vector.broadcast %jit3A_132 : i32 to vector<512x4096xi32>
    %select_n3A_134 = arith.select %gt3A_131, %or3A, %broadcast_in_dim3A_133 : vector<512x4096xi1>, vector<512x4096xi32>
    %reduce_min3A_135 = arith.constant dense<2147483647> : vector<512xi32>
    %reduce_min3A_136 = vector.multi_reduction <minsi>, %select_n3A_134, %reduce_min3A_135 [1] : vector<512x4096xi32> to vector<512xi32>
    %broadcast_in_dim3A_137 = vector.shape_cast %reduce_min3A_136 : vector<512xi32> to vector<512x1xi32>
    %gt3A_138 = vector.broadcast %broadcast_in_dim3A_137 : vector<512x1xi32> to vector<512x4096xi32>
    %gt3A_139 = arith.cmpi sgt, %or3A, %gt3A_138 : vector<512x4096xi32>
    %jit3A_140 = arith.constant 2147483647 : i32
    %broadcast_in_dim3A_141 = vector.broadcast %jit3A_140 : i32 to vector<512x4096xi32>
    %select_n3A_142 = arith.select %gt3A_139, %or3A, %broadcast_in_dim3A_141 : vector<512x4096xi1>, vector<512x4096xi32>
    %reduce_min3A_143 = arith.constant dense<2147483647> : vector<512xi32>
    %reduce_min3A_144 = vector.multi_reduction <minsi>, %select_n3A_142, %reduce_min3A_143 [1] : vector<512x4096xi32> to vector<512xi32>
    %stack3A = vector.shape_cast %reduce_min3A_26 : vector<512xi32> to vector<512x1xi32>
    %stack3A_145 = vector.shape_cast %reduce_min3A_32 : vector<512xi32> to vector<512x1xi32>
    %stack3A_146 = vector.shape_cast %reduce_min3A_40 : vector<512xi32> to vector<512x1xi32>
    %stack3A_147 = vector.shape_cast %reduce_min3A_48 : vector<512xi32> to vector<512x1xi32>
    %stack3A_148 = vector.shape_cast %reduce_min3A_56 : vector<512xi32> to vector<512x1xi32>
    %stack3A_149 = vector.shape_cast %reduce_min3A_64 : vector<512xi32> to vector<512x1xi32>
    %stack3A_150 = vector.shape_cast %reduce_min3A_72 : vector<512xi32> to vector<512x1xi32>
    %stack3A_151 = vector.shape_cast %reduce_min3A_80 : vector<512xi32> to vector<512x1xi32>
    %stack3A_152 = vector.shape_cast %reduce_min3A_88 : vector<512xi32> to vector<512x1xi32>
    %stack3A_153 = vector.shape_cast %reduce_min3A_96 : vector<512xi32> to vector<512x1xi32>
    %stack3A_154 = vector.shape_cast %reduce_min3A_104 : vector<512xi32> to vector<512x1xi32>
    %stack3A_155 = vector.shape_cast %reduce_min3A_112 : vector<512xi32> to vector<512x1xi32>
    %stack3A_156 = vector.shape_cast %reduce_min3A_120 : vector<512xi32> to vector<512x1xi32>
    %stack3A_157 = vector.shape_cast %reduce_min3A_128 : vector<512xi32> to vector<512x1xi32>
    %stack3A_158 = vector.shape_cast %reduce_min3A_136 : vector<512xi32> to vector<512x1xi32>
    %stack3A_159 = vector.shape_cast %reduce_min3A_144 : vector<512xi32> to vector<512x1xi32>
    %stack3A_160 = tpu.concatenate %stack3A, %stack3A_145, %stack3A_146, %stack3A_147, %stack3A_148, %stack3A_149, %stack3A_150, %stack3A_151, %stack3A_152, %stack3A_153, %stack3A_154, %stack3A_155, %stack3A_156, %stack3A_157, %stack3A_158, %stack3A_159 in 1 : vector<512x1xi32>, vector<512x1xi32>, vector<512x1xi32>, vector<512x1xi32>, vector<512x1xi32>, vector<512x1xi32>, vector<512x1xi32>, vector<512x1xi32>, vector<512x1xi32>, vector<512x1xi32>, vector<512x1xi32>, vector<512x1xi32>, vector<512x1xi32>, vector<512x1xi32>, vector<512x1xi32>, vector<512x1xi32> -> vector<512x16xi32>
    %and3A_161 = arith.constant -4096 : i32
    %and3A_162 = vector.broadcast %and3A_161 : i32 to vector<512x16xi32>
    %and3A_163 = arith.andi %stack3A_160, %and3A_162 : vector<512x16xi32>
    %lt3A_164 = arith.constant 0 : i32
    %lt3A_165 = vector.broadcast %lt3A_164 : i32 to vector<512x16xi32>
    %lt3A_166 = arith.cmpi slt, %and3A_163, %lt3A_165 : vector<512x16xi32>
    %xor3A_167 = arith.constant 2147483647 : i32
    %xor3A_168 = vector.broadcast %xor3A_167 : i32 to vector<512x16xi32>
    %xor3A_169 = arith.xori %and3A_163, %xor3A_168 : vector<512x16xi32>
    %select_n3A_170 = arith.select %lt3A_166, %xor3A_169, %and3A_163 : vector<512x16xi1>, vector<512x16xi32>
    %bitcast_convert_type3A_171 = tpu.bitcast %select_n3A_170 : vector<512x16xi32> -> vector<512x16xf32>
    %slice3A = vector.extract_strided_slice %bitcast_convert_type3A_171 {offsets = [0, 0], sizes = [512, 1], strides = [1, 1]} : vector<512x16xf32> to vector<512x1xf32>
    %sub3A_172 = vector.broadcast %slice3A : vector<512x1xf32> to vector<512x16xf32>
    %sub3A_173 = arith.subf %sub3A_172, %bitcast_convert_type3A_171 : vector<512x16xf32>
    %exp3A = math.exp %sub3A_173 : vector<512x16xf32>
    %reduce_sum3A_174 = arith.constant dense<0.000000e+00> : vector<512xf32>
    %reduce_sum3A_175 = vector.multi_reduction <add>, %exp3A, %reduce_sum3A_174 [1] : vector<512x16xf32> to vector<512xf32>
    %broadcast_in_dim3A_176 = vector.shape_cast %reduce_sum3A_175 : vector<512xf32> to vector<512x1xf32>
    %div3A = vector.broadcast %broadcast_in_dim3A_176 : vector<512x1xf32> to vector<512x16xf32>
    %div3A_177 = arith.divf %exp3A, %div3A : vector<512x16xf32>
    %swap3A = arith.constant 0 : index
    %swap3A_178 = arith.constant 0 : index
    %swap3A_179 = vector.load %arg5[%swap3A, %swap3A_178] : memref<512x16xf32, #tpu.memory_space<vmem>>, vector<512x16xf32>
    tpu.vector_store %arg5[%swap3A, %swap3A_178], %div3A_177 {strides = array<i32>} : memref<512x16xf32, #tpu.memory_space<vmem>>, vector<512x16xf32>,
    %and3A_180 = arith.constant 4095 : i32
    %and3A_181 = vector.broadcast %and3A_180 : i32 to vector<512x16xi32>
    %and3A_182 = arith.andi %stack3A_160, %and3A_181 : vector<512x16xi32>
    %mul3A_183 = arith.constant 4096 : i32
    %mul3A_184 = arith.muli %arg0, %mul3A_183 : i32
    %add3A_185 = vector.broadcast %mul3A_184 : i32 to vector<512x16xi32>
    %add3A_186 = arith.addi %and3A_182, %add3A_185 : vector<512x16xi32>
    %swap3A_187 = arith.constant 0 : index
    %swap3A_188 = arith.constant 0 : index
    %swap3A_189 = vector.load %arg4[%swap3A_187, %swap3A_188] : memref<512x16xi32, #tpu.memory_space<vmem>>, vector<512x16xi32>
    tpu.vector_store %arg4[%swap3A_187, %swap3A_188], %add3A_186 {strides = array<i32>} : memref<512x16xi32, #tpu.memory_space<vmem>>, vector<512x16xi32>,
    return
  }
  func.func @transform_0(%arg0: i32, %arg1: i32) -> (i32, i32, i32) {
    %c0_i32 = arith.constant 0 : i32
    %c0_i32_0 = arith.constant 0 : i32
    return %arg0, %arg1, %c0_i32 : i32, i32, i32
  }
  func.func @transform_1(%arg0: i32, %arg1: i32) -> (i32, i32, i32) {
    %c0_i32 = arith.constant 0 : i32
    %c0_i32_0 = arith.constant 0 : i32
    %c0_i32_1 = arith.constant 0 : i32
    return %arg0, %c0_i32, %c0_i32_0 : i32, i32, i32
  }
  func.func @transform_2(%arg0: i32, %arg1: i32) -> (i32, i32) {
    %c0_i32 = arith.constant 0 : i32
    %c0_i32_0 = arith.constant 0 : i32
    return %arg1, %c0_i32 : i32, i32
  }
  func.func @transform_3(%arg0: i32, %arg1: i32) -> (i32, i32) {
    %c0_i32 = arith.constant 0 : i32
    %c0_i32_0 = arith.constant 0 : i32
    return %arg1, %c0_i32 : i32, i32
  }
}

module attributes {stable_mosaic.version = 14 : i64} {
  func.func @_agg_body(%arg0: i32, %arg1: memref<512x2048xf32, #tpu.memory_space<vmem>>, %arg2: memref<512x16xf32, #tpu.memory_space<vmem>>, %arg3: memref<512x64xf32, #tpu.memory_space<vmem>>, %arg4: memref<64x128xf32, #tpu.memory_space<vmem>>, %arg5: memref<8x128xf32, #tpu.memory_space<vmem>>, %arg6: memref<512x128xf32, #tpu.memory_space<vmem>>) attributes {dimension_semantics = [#tpu.dimension_semantics<arbitrary>], iteration_bounds = array<i64: 8>, scalar_prefetch = 0 : i64, scratch_operands = 0 : i64, tpu.core_type = #tpu.core_type<tc>, window_params = [{transform_indices = @transform_0, window_bounds = array<i64: 512, 2048>}, {transform_indices = @transform_1, window_bounds = array<i64: 512, 16>}, {transform_indices = @transform_2, window_bounds = array<i64: 512, 64>}, {pipeline_mode = #tpu.pipeline_mode<synchronous>, transform_indices = @transform_3, window_bounds = array<i64: 64, 128>}, {pipeline_mode = #tpu.pipeline_mode<synchronous>, transform_indices = @transform_4, window_bounds = array<i64: 8, 128>}, {transform_indices = @transform_5, window_bounds = array<i64: 512, 128>}]} {
    %get3A = arith.constant 0 : index
    %get3A_0 = arith.constant 0 : index
    %get3A_1 = vector.load %arg1[%get3A, %get3A_0] : memref<512x2048xf32, #tpu.memory_space<vmem>>, vector<512x2048xf32>
    %get3A_2 = arith.constant 0 : index
    %get3A_3 = arith.constant 0 : index
    %get3A_4 = vector.load %arg2[%get3A_2, %get3A_3] : memref<512x16xf32, #tpu.memory_space<vmem>>, vector<512x16xf32>
    %get3A_5 = arith.constant 0 : index
    %get3A_6 = arith.constant 0 : index
    %get3A_7 = vector.load %arg3[%get3A_5, %get3A_6] : memref<512x64xf32, #tpu.memory_space<vmem>>, vector<512x64xf32>
    %broadcast_in_dim3A = arith.constant 0.000000e+00 : f32
    %broadcast_in_dim3A_8 = vector.broadcast %broadcast_in_dim3A : f32 to vector<512x64xf32>
    %slice3A = vector.extract_strided_slice %get3A_1 {offsets = [0, 0], sizes = [512, 64], strides = [1, 1]} : vector<512x2048xf32> to vector<512x64xf32>
    %sub3A = arith.subf %slice3A, %get3A_7 : vector<512x64xf32>
    %max3A = arith.constant 0.000000e+00 : f32
    %max3A_9 = vector.broadcast %max3A : f32 to vector<512x64xf32>
    %max3A_10 = arith.maximumf %sub3A, %max3A_9 : vector<512x64xf32>
    %slice3A_11 = vector.extract_strided_slice %get3A_4 {offsets = [0, 0], sizes = [512, 1], strides = [1, 1]} : vector<512x16xf32> to vector<512x1xf32>
    %mul3A = vector.broadcast %slice3A_11 : vector<512x1xf32> to vector<512x64xf32>
    %mul3A_12 = arith.mulf %mul3A, %max3A_10 : vector<512x64xf32>
    %add3A = arith.addf %broadcast_in_dim3A_8, %mul3A_12 : vector<512x64xf32>
    %slice3A_13 = vector.extract_strided_slice %get3A_1 {offsets = [0, 128], sizes = [512, 64], strides = [1, 1]} : vector<512x2048xf32> to vector<512x64xf32>
    %sub3A_14 = arith.subf %slice3A_13, %get3A_7 : vector<512x64xf32>
    %max3A_15 = arith.constant 0.000000e+00 : f32
    %max3A_16 = vector.broadcast %max3A_15 : f32 to vector<512x64xf32>
    %max3A_17 = arith.maximumf %sub3A_14, %max3A_16 : vector<512x64xf32>
    %slice3A_18 = vector.extract_strided_slice %get3A_4 {offsets = [0, 1], sizes = [512, 1], strides = [1, 1]} : vector<512x16xf32> to vector<512x1xf32>
    %mul3A_19 = vector.broadcast %slice3A_18 : vector<512x1xf32> to vector<512x64xf32>
    %mul3A_20 = arith.mulf %mul3A_19, %max3A_17 : vector<512x64xf32>
    %add3A_21 = arith.addf %add3A, %mul3A_20 : vector<512x64xf32>
    %slice3A_22 = vector.extract_strided_slice %get3A_1 {offsets = [0, 256], sizes = [512, 64], strides = [1, 1]} : vector<512x2048xf32> to vector<512x64xf32>
    %sub3A_23 = arith.subf %slice3A_22, %get3A_7 : vector<512x64xf32>
    %max3A_24 = arith.constant 0.000000e+00 : f32
    %max3A_25 = vector.broadcast %max3A_24 : f32 to vector<512x64xf32>
    %max3A_26 = arith.maximumf %sub3A_23, %max3A_25 : vector<512x64xf32>
    %slice3A_27 = vector.extract_strided_slice %get3A_4 {offsets = [0, 2], sizes = [512, 1], strides = [1, 1]} : vector<512x16xf32> to vector<512x1xf32>
    %mul3A_28 = vector.broadcast %slice3A_27 : vector<512x1xf32> to vector<512x64xf32>
    %mul3A_29 = arith.mulf %mul3A_28, %max3A_26 : vector<512x64xf32>
    %add3A_30 = arith.addf %add3A_21, %mul3A_29 : vector<512x64xf32>
    %slice3A_31 = vector.extract_strided_slice %get3A_1 {offsets = [0, 384], sizes = [512, 64], strides = [1, 1]} : vector<512x2048xf32> to vector<512x64xf32>
    %sub3A_32 = arith.subf %slice3A_31, %get3A_7 : vector<512x64xf32>
    %max3A_33 = arith.constant 0.000000e+00 : f32
    %max3A_34 = vector.broadcast %max3A_33 : f32 to vector<512x64xf32>
    %max3A_35 = arith.maximumf %sub3A_32, %max3A_34 : vector<512x64xf32>
    %slice3A_36 = vector.extract_strided_slice %get3A_4 {offsets = [0, 3], sizes = [512, 1], strides = [1, 1]} : vector<512x16xf32> to vector<512x1xf32>
    %mul3A_37 = vector.broadcast %slice3A_36 : vector<512x1xf32> to vector<512x64xf32>
    %mul3A_38 = arith.mulf %mul3A_37, %max3A_35 : vector<512x64xf32>
    %add3A_39 = arith.addf %add3A_30, %mul3A_38 : vector<512x64xf32>
    %slice3A_40 = vector.extract_strided_slice %get3A_1 {offsets = [0, 512], sizes = [512, 64], strides = [1, 1]} : vector<512x2048xf32> to vector<512x64xf32>
    %sub3A_41 = arith.subf %slice3A_40, %get3A_7 : vector<512x64xf32>
    %max3A_42 = arith.constant 0.000000e+00 : f32
    %max3A_43 = vector.broadcast %max3A_42 : f32 to vector<512x64xf32>
    %max3A_44 = arith.maximumf %sub3A_41, %max3A_43 : vector<512x64xf32>
    %slice3A_45 = vector.extract_strided_slice %get3A_4 {offsets = [0, 4], sizes = [512, 1], strides = [1, 1]} : vector<512x16xf32> to vector<512x1xf32>
    %mul3A_46 = vector.broadcast %slice3A_45 : vector<512x1xf32> to vector<512x64xf32>
    %mul3A_47 = arith.mulf %mul3A_46, %max3A_44 : vector<512x64xf32>
    %add3A_48 = arith.addf %add3A_39, %mul3A_47 : vector<512x64xf32>
    %slice3A_49 = vector.extract_strided_slice %get3A_1 {offsets = [0, 640], sizes = [512, 64], strides = [1, 1]} : vector<512x2048xf32> to vector<512x64xf32>
    %sub3A_50 = arith.subf %slice3A_49, %get3A_7 : vector<512x64xf32>
    %max3A_51 = arith.constant 0.000000e+00 : f32
    %max3A_52 = vector.broadcast %max3A_51 : f32 to vector<512x64xf32>
    %max3A_53 = arith.maximumf %sub3A_50, %max3A_52 : vector<512x64xf32>
    %slice3A_54 = vector.extract_strided_slice %get3A_4 {offsets = [0, 5], sizes = [512, 1], strides = [1, 1]} : vector<512x16xf32> to vector<512x1xf32>
    %mul3A_55 = vector.broadcast %slice3A_54 : vector<512x1xf32> to vector<512x64xf32>
    %mul3A_56 = arith.mulf %mul3A_55, %max3A_53 : vector<512x64xf32>
    %add3A_57 = arith.addf %add3A_48, %mul3A_56 : vector<512x64xf32>
    %slice3A_58 = vector.extract_strided_slice %get3A_1 {offsets = [0, 768], sizes = [512, 64], strides = [1, 1]} : vector<512x2048xf32> to vector<512x64xf32>
    %sub3A_59 = arith.subf %slice3A_58, %get3A_7 : vector<512x64xf32>
    %max3A_60 = arith.constant 0.000000e+00 : f32
    %max3A_61 = vector.broadcast %max3A_60 : f32 to vector<512x64xf32>
    %max3A_62 = arith.maximumf %sub3A_59, %max3A_61 : vector<512x64xf32>
    %slice3A_63 = vector.extract_strided_slice %get3A_4 {offsets = [0, 6], sizes = [512, 1], strides = [1, 1]} : vector<512x16xf32> to vector<512x1xf32>
    %mul3A_64 = vector.broadcast %slice3A_63 : vector<512x1xf32> to vector<512x64xf32>
    %mul3A_65 = arith.mulf %mul3A_64, %max3A_62 : vector<512x64xf32>
    %add3A_66 = arith.addf %add3A_57, %mul3A_65 : vector<512x64xf32>
    %slice3A_67 = vector.extract_strided_slice %get3A_1 {offsets = [0, 896], sizes = [512, 64], strides = [1, 1]} : vector<512x2048xf32> to vector<512x64xf32>
    %sub3A_68 = arith.subf %slice3A_67, %get3A_7 : vector<512x64xf32>
    %max3A_69 = arith.constant 0.000000e+00 : f32
    %max3A_70 = vector.broadcast %max3A_69 : f32 to vector<512x64xf32>
    %max3A_71 = arith.maximumf %sub3A_68, %max3A_70 : vector<512x64xf32>
    %slice3A_72 = vector.extract_strided_slice %get3A_4 {offsets = [0, 7], sizes = [512, 1], strides = [1, 1]} : vector<512x16xf32> to vector<512x1xf32>
    %mul3A_73 = vector.broadcast %slice3A_72 : vector<512x1xf32> to vector<512x64xf32>
    %mul3A_74 = arith.mulf %mul3A_73, %max3A_71 : vector<512x64xf32>
    %add3A_75 = arith.addf %add3A_66, %mul3A_74 : vector<512x64xf32>
    %slice3A_76 = vector.extract_strided_slice %get3A_1 {offsets = [0, 1024], sizes = [512, 64], strides = [1, 1]} : vector<512x2048xf32> to vector<512x64xf32>
    %sub3A_77 = arith.subf %slice3A_76, %get3A_7 : vector<512x64xf32>
    %max3A_78 = arith.constant 0.000000e+00 : f32
    %max3A_79 = vector.broadcast %max3A_78 : f32 to vector<512x64xf32>
    %max3A_80 = arith.maximumf %sub3A_77, %max3A_79 : vector<512x64xf32>
    %slice3A_81 = vector.extract_strided_slice %get3A_4 {offsets = [0, 8], sizes = [512, 1], strides = [1, 1]} : vector<512x16xf32> to vector<512x1xf32>
    %mul3A_82 = vector.broadcast %slice3A_81 : vector<512x1xf32> to vector<512x64xf32>
    %mul3A_83 = arith.mulf %mul3A_82, %max3A_80 : vector<512x64xf32>
    %add3A_84 = arith.addf %add3A_75, %mul3A_83 : vector<512x64xf32>
    %slice3A_85 = vector.extract_strided_slice %get3A_1 {offsets = [0, 1152], sizes = [512, 64], strides = [1, 1]} : vector<512x2048xf32> to vector<512x64xf32>
    %sub3A_86 = arith.subf %slice3A_85, %get3A_7 : vector<512x64xf32>
    %max3A_87 = arith.constant 0.000000e+00 : f32
    %max3A_88 = vector.broadcast %max3A_87 : f32 to vector<512x64xf32>
    %max3A_89 = arith.maximumf %sub3A_86, %max3A_88 : vector<512x64xf32>
    %slice3A_90 = vector.extract_strided_slice %get3A_4 {offsets = [0, 9], sizes = [512, 1], strides = [1, 1]} : vector<512x16xf32> to vector<512x1xf32>
    %mul3A_91 = vector.broadcast %slice3A_90 : vector<512x1xf32> to vector<512x64xf32>
    %mul3A_92 = arith.mulf %mul3A_91, %max3A_89 : vector<512x64xf32>
    %add3A_93 = arith.addf %add3A_84, %mul3A_92 : vector<512x64xf32>
    %slice3A_94 = vector.extract_strided_slice %get3A_1 {offsets = [0, 1280], sizes = [512, 64], strides = [1, 1]} : vector<512x2048xf32> to vector<512x64xf32>
    %sub3A_95 = arith.subf %slice3A_94, %get3A_7 : vector<512x64xf32>
    %max3A_96 = arith.constant 0.000000e+00 : f32
    %max3A_97 = vector.broadcast %max3A_96 : f32 to vector<512x64xf32>
    %max3A_98 = arith.maximumf %sub3A_95, %max3A_97 : vector<512x64xf32>
    %slice3A_99 = vector.extract_strided_slice %get3A_4 {offsets = [0, 10], sizes = [512, 1], strides = [1, 1]} : vector<512x16xf32> to vector<512x1xf32>
    %mul3A_100 = vector.broadcast %slice3A_99 : vector<512x1xf32> to vector<512x64xf32>
    %mul3A_101 = arith.mulf %mul3A_100, %max3A_98 : vector<512x64xf32>
    %add3A_102 = arith.addf %add3A_93, %mul3A_101 : vector<512x64xf32>
    %slice3A_103 = vector.extract_strided_slice %get3A_1 {offsets = [0, 1408], sizes = [512, 64], strides = [1, 1]} : vector<512x2048xf32> to vector<512x64xf32>
    %sub3A_104 = arith.subf %slice3A_103, %get3A_7 : vector<512x64xf32>
    %max3A_105 = arith.constant 0.000000e+00 : f32
    %max3A_106 = vector.broadcast %max3A_105 : f32 to vector<512x64xf32>
    %max3A_107 = arith.maximumf %sub3A_104, %max3A_106 : vector<512x64xf32>
    %slice3A_108 = vector.extract_strided_slice %get3A_4 {offsets = [0, 11], sizes = [512, 1], strides = [1, 1]} : vector<512x16xf32> to vector<512x1xf32>
    %mul3A_109 = vector.broadcast %slice3A_108 : vector<512x1xf32> to vector<512x64xf32>
    %mul3A_110 = arith.mulf %mul3A_109, %max3A_107 : vector<512x64xf32>
    %add3A_111 = arith.addf %add3A_102, %mul3A_110 : vector<512x64xf32>
    %slice3A_112 = vector.extract_strided_slice %get3A_1 {offsets = [0, 1536], sizes = [512, 64], strides = [1, 1]} : vector<512x2048xf32> to vector<512x64xf32>
    %sub3A_113 = arith.subf %slice3A_112, %get3A_7 : vector<512x64xf32>
    %max3A_114 = arith.constant 0.000000e+00 : f32
    %max3A_115 = vector.broadcast %max3A_114 : f32 to vector<512x64xf32>
    %max3A_116 = arith.maximumf %sub3A_113, %max3A_115 : vector<512x64xf32>
    %slice3A_117 = vector.extract_strided_slice %get3A_4 {offsets = [0, 12], sizes = [512, 1], strides = [1, 1]} : vector<512x16xf32> to vector<512x1xf32>
    %mul3A_118 = vector.broadcast %slice3A_117 : vector<512x1xf32> to vector<512x64xf32>
    %mul3A_119 = arith.mulf %mul3A_118, %max3A_116 : vector<512x64xf32>
    %add3A_120 = arith.addf %add3A_111, %mul3A_119 : vector<512x64xf32>
    %slice3A_121 = vector.extract_strided_slice %get3A_1 {offsets = [0, 1664], sizes = [512, 64], strides = [1, 1]} : vector<512x2048xf32> to vector<512x64xf32>
    %sub3A_122 = arith.subf %slice3A_121, %get3A_7 : vector<512x64xf32>
    %max3A_123 = arith.constant 0.000000e+00 : f32
    %max3A_124 = vector.broadcast %max3A_123 : f32 to vector<512x64xf32>
    %max3A_125 = arith.maximumf %sub3A_122, %max3A_124 : vector<512x64xf32>
    %slice3A_126 = vector.extract_strided_slice %get3A_4 {offsets = [0, 13], sizes = [512, 1], strides = [1, 1]} : vector<512x16xf32> to vector<512x1xf32>
    %mul3A_127 = vector.broadcast %slice3A_126 : vector<512x1xf32> to vector<512x64xf32>
    %mul3A_128 = arith.mulf %mul3A_127, %max3A_125 : vector<512x64xf32>
    %add3A_129 = arith.addf %add3A_120, %mul3A_128 : vector<512x64xf32>
    %slice3A_130 = vector.extract_strided_slice %get3A_1 {offsets = [0, 1792], sizes = [512, 64], strides = [1, 1]} : vector<512x2048xf32> to vector<512x64xf32>
    %sub3A_131 = arith.subf %slice3A_130, %get3A_7 : vector<512x64xf32>
    %max3A_132 = arith.constant 0.000000e+00 : f32
    %max3A_133 = vector.broadcast %max3A_132 : f32 to vector<512x64xf32>
    %max3A_134 = arith.maximumf %sub3A_131, %max3A_133 : vector<512x64xf32>
    %slice3A_135 = vector.extract_strided_slice %get3A_4 {offsets = [0, 14], sizes = [512, 1], strides = [1, 1]} : vector<512x16xf32> to vector<512x1xf32>
    %mul3A_136 = vector.broadcast %slice3A_135 : vector<512x1xf32> to vector<512x64xf32>
    %mul3A_137 = arith.mulf %mul3A_136, %max3A_134 : vector<512x64xf32>
    %add3A_138 = arith.addf %add3A_129, %mul3A_137 : vector<512x64xf32>
    %slice3A_139 = vector.extract_strided_slice %get3A_1 {offsets = [0, 1920], sizes = [512, 64], strides = [1, 1]} : vector<512x2048xf32> to vector<512x64xf32>
    %sub3A_140 = arith.subf %slice3A_139, %get3A_7 : vector<512x64xf32>
    %max3A_141 = arith.constant 0.000000e+00 : f32
    %max3A_142 = vector.broadcast %max3A_141 : f32 to vector<512x64xf32>
    %max3A_143 = arith.maximumf %sub3A_140, %max3A_142 : vector<512x64xf32>
    %slice3A_144 = vector.extract_strided_slice %get3A_4 {offsets = [0, 15], sizes = [512, 1], strides = [1, 1]} : vector<512x16xf32> to vector<512x1xf32>
    %mul3A_145 = vector.broadcast %slice3A_144 : vector<512x1xf32> to vector<512x64xf32>
    %mul3A_146 = arith.mulf %mul3A_145, %max3A_143 : vector<512x64xf32>
    %add3A_147 = arith.addf %add3A_138, %mul3A_146 : vector<512x64xf32>
    %get3A_148 = arith.constant 0 : index
    %get3A_149 = arith.constant 0 : index
    %get3A_150 = vector.load %arg4[%get3A_148, %get3A_149] : memref<64x128xf32, #tpu.memory_space<vmem>>, vector<64x128xf32>
    %dot_general3A = arith.constant dense<0.000000e+00> : vector<512x128xf32>
    %dot_general3A_151 = tpu.matmul %add3A_147, %get3A_150, %dot_general3A {dimension_numbers = #tpu.dot_dimension_numbers<[1], [0], [0], [1], [0, 0, 1, 1], [], []>, precision = #tpu.contract_precision<fp32>, transpose_lhs_hint = false} : vector<512x64xf32>, vector<64x128xf32>, vector<512x128xf32> -> vector<512x128xf32>
    %get3A_152 = arith.constant 0 : index
    %get3A_153 = arith.constant 0 : index
    %get3A_154 = vector.load %arg5[%get3A_152, %get3A_153] : memref<8x128xf32, #tpu.memory_space<vmem>>, vector<8x128xf32>
    %slice3A_155 = vector.extract_strided_slice %get3A_154 {offsets = [0, 0], sizes = [1, 128], strides = [1, 1]} : vector<8x128xf32> to vector<1x128xf32>
    %add3A_156 = vector.broadcast %slice3A_155 : vector<1x128xf32> to vector<512x128xf32>
    %add3A_157 = arith.addf %dot_general3A_151, %add3A_156 : vector<512x128xf32>
    %swap3A = arith.constant 0 : index
    %swap3A_158 = arith.constant 0 : index
    %swap3A_159 = vector.load %arg6[%swap3A, %swap3A_158] : memref<512x128xf32, #tpu.memory_space<vmem>>, vector<512x128xf32>
    tpu.vector_store %arg6[%swap3A, %swap3A_158], %add3A_157 {strides = array<i32>} : memref<512x128xf32, #tpu.memory_space<vmem>>, vector<512x128xf32>,
    return
  }
  func.func @transform_0(%arg0: i32) -> (i32, i32) {
    %c0_i32 = arith.constant 0 : i32
    %c0_i32_0 = arith.constant 0 : i32
    return %arg0, %c0_i32 : i32, i32
  }
  func.func @transform_1(%arg0: i32) -> (i32, i32) {
    %c0_i32 = arith.constant 0 : i32
    %c0_i32_0 = arith.constant 0 : i32
    return %arg0, %c0_i32 : i32, i32
  }
  func.func @transform_2(%arg0: i32) -> (i32, i32) {
    %c0_i32 = arith.constant 0 : i32
    %c0_i32_0 = arith.constant 0 : i32
    return %arg0, %c0_i32 : i32, i32
  }
  func.func @transform_3(%arg0: i32) -> (i32, i32) {
    %c0_i32 = arith.constant 0 : i32
    %c0_i32_0 = arith.constant 0 : i32
    %c0_i32_1 = arith.constant 0 : i32
    return %c0_i32, %c0_i32_0 : i32, i32
  }
  func.func @transform_4(%arg0: i32) -> (i32, i32) {
    %c0_i32 = arith.constant 0 : i32
    %c0_i32_0 = arith.constant 0 : i32
    %c0_i32_1 = arith.constant 0 : i32
    return %c0_i32, %c0_i32_0 : i32, i32
  }
  func.func @transform_5(%arg0: i32) -> (i32, i32) {
    %c0_i32 = arith.constant 0 : i32
    %c0_i32_0 = arith.constant 0 : i32
    return %arg0, %c0_i32 : i32, i32
  }
}

</mosaic_0001>

<sc_bundles>
// kernel: kernel.12.cloned.1.call-start
scs
__scs_entry_jumppad:
0x0: {  	(pc) =	sbr.rel $0x88, $3  }
0x1: {  	(tag) =	ssettag $0x0;
	lr =	simm.s32 $0x1  }
0x2: {  	[smem:$0x3F9B] =	sst lr;
	_ =	strace $0xD0000000  }
0x3: {  	_ = 	snop  }
0x4: {  	_ = 	snop  }
0x5: {  	_ = 	snop  }
0x6: {  	_ = 	snop  }
0x7: {  	_ = 	snop  }
__scs_overlays_trampoline_lowered:
0x8: {  	[smem:$0x3FAA] =	sst s0  }
0x9: {  	[smem:$0x3FAB] =	sst s1  }
0xa: {  	[smem:$0x3FAC] =	sst s2  }
0xb: {  	[smem:$0x3FAD] =	sst s3  }
0xc: {  	[smem:$0x3FAE] =	sst s4  }
0xd: {  	[smem:$0x3FAF] =	sst s5  }
0xe: {  	[smem:$0x3FB0] =	sst s6  }
0xf: {  	[smem:$0x3FB1] =	sst s7  }
0x10: {  	[smem:$0x3FB2] =	sst s8  }
0x11: {  	[smem:$0x3FB3] =	sst s9;
	s0 =	simm.s32 @!p0 $0x0  }
0x12: {  	s1 =	sld [smem:$0x3F99];
	s0 =	simm.s32 @p0 $0x1  }
0x13: {  	[smem:$0x3FB4] =	sst s0;
	s0 =	simm.s32 @!p1 $0x0  }
0x14: {  	s2 =	sld [smem:$0x3F98];
	s0 =	simm.s32 @p1 $0x1  }
0x15: {  	[smem:$0x3FB5] =	sst s0;
	s0 =	simm.s32 @!p2 $0x0  }
0x16: {  	s3 =	sld [smem:$0x3FDB];
	s0 =	simm.s32 @p2 $0x1  }
0x17: {  	s4 =	simm.s32 $0x1BF5;
	[smem:$0x3FB7] =	sst s0  }
0x18: {  	s0 =	sld [smem:$0x3F9A];
	_ =	swait.ge [sflag:s4], $0x0  }
0x19: {  	s7 =	sld [smem:$0x3F9B]  }
0x1a: {  	s8 =	sadd.s32 $0xFFFFE003, lr  }
0x1b: {  	s9 =	sadd.s32 $0xFFFFFEF7, lr;
	s5 =	simm.s32 $0xFFFFFFFF;
	p2 =	slt.u32 s8, $0xFFFFF086  }
0x1c: {  	p1 =	slt.u32 s9, $0xF7A;
	s5 =	simm.s32 @!p2 $0x0  }
0x1d: {  	s5 =	simm.s32 @p1 $0x1;
	p0 =	seq.s32 s7, s2  }
0x1e: {  	s7 =	smul.u32 @!p0 $0xF7A, s2;
	p2 =	seq.s32 @!p0 s5, $0x0  }
0x1f: {  	s9 =	smul.u32 $0xF7A, s1;
	s8 =	simm.s32 @!p0 $0x1BF5;
	p2 =	por !p2, p0  }
0x20: {  	[sflag:s8] =	ssyncset.s32 @!p0 $0xFFFFF086;
	s6 =	sadd.s32 @!p0 s3, s7;
	s7 =	simm.s32 @!p0 $0x108  }
0x21: {  	s3 =	sadd.s32 s3, s9;
	s6 =	sadd.s32 @!p0 $0x88, s6;
	s7 =	simm.s32 @p2 $0x1082  }
0x22: {  	[simem:s7], [sflag:s8] =	dma.local @!p0 [hbm:s6], $0xF7A  }
0x23: {  	s9 =	sor.u32 $0xD0000000, s2;
	s6 =	simm.s32 $0x108;
	_ =	swait.ge @!p0 [sflag:s8], $0x0  }
0x24: {  	s3 =	sadd.s32 $0x88, s3;
	s6 =	simm.s32 @!p1 $0x1082;
	[sflag:s4] =	ssyncset.s32 $0xFFFFF086  }
0x25: {  	[simem:s6], [sflag:s4] =	dma.local [hbm:s3], $0xF7A  }
0x26: {  	[smem:$0x3F9B] =	sst s1;
	(tag) =	ssettag s2;
	_ =	strace s9  }
0x27: {  	s1 =	sld [smem:$0x3FAB]  }
0x28: {  	s2 =	sld [smem:$0x3FAC]  }
0x29: {  	s4 =	sld [smem:$0x3FAE]  }
0x2a: {  	p0 =	seq.s32 s5, $0x0;
	s5 =	sld [smem:$0x3FAF]  }
0x2b: {  	s6 =	sld [smem:$0x3FB0]  }
0x2c: {  	s7 =	sld [smem:$0x3FB1]  }
0x2d: {  	s3 =	simm.s32 $0x108;
	s8 =	sld [smem:$0x3FB2]  }
0x2e: {  	s3 =	simm.s32 @!p0 $0x1082;
	s9 =	sld [smem:$0x3FB3]  }
0x2f: {  	lr =	sadd.s32 s0, s3;
	s0 =	sld [smem:$0x3FAA]  }
0x30: {  	s3 =	sld [smem:$0x3FAD]  }
0x31: {  	[smem:$0x3FB6] =	sst s10  }
0x32: {  	s10 =	sld [smem:$0x3FB4];
	_ =	sdelay $0x3  }
0x33: {  	p0 =	seq.s32 s10, $0x1;
	s10 =	sld [smem:$0x3FB6];
	_ =	sdelay $0x3  }
0x34: {  	[smem:$0x3FB6] =	sst s10  }
0x35: {  	s10 =	sld [smem:$0x3FB5];
	_ =	sdelay $0x3  }
0x36: {  	p1 =	seq.s32 s10, $0x1;
	s10 =	sld [smem:$0x3FB6];
	_ =	sdelay $0x3  }
0x37: {  	[smem:$0x3FB6] =	sst s10  }
0x38: {  	s10 =	sld [smem:$0x3FB7]  }
0x39: {  	_ = 	snop;
	(pc) =	sbr.ind lr, $3  }
0x3a: {  	_ = 	snop  }
0x3b: {  	_ = 	snop  }
0x3c: {  	p2 =	seq.s32 s10, $0x1;
	s10 =	sld [smem:$0x3FB6]  }
0x3d: {  	_ =	shalt  }
0x3e: {  	_ =	shalt  }
0x3f: {  	_ =	shalt  }
0x40: {  	_ =	shalt  }
0x41: {  	_ =	shalt  }
0x42: {  	_ =	shalt  }
0x43: {  	_ =	shalt  }
0x44: {  	_ =	shalt  }
0x45: {  	_ =	shalt  }
0x46: {  	_ =	shalt  }
0x47: {  	_ =	shalt  }
0x48: {  	_ =	shalt  }
0x49: {  	_ =	shalt  }
0x4a: {  	_ =	shalt  }
0x4b: {  	_ =	shalt  }
0x4c: {  	_ =	shalt  }
0x4d: {  	_ =	shalt  }
0x4e: {  	_ =	shalt  }
0x4f: {  	_ =	shalt  }
0x50: {  	_ =	shalt  }
0x51: {  	_ =	shalt  }
0x52: {  	_ =	shalt  }
0x53: {  	_ =	shalt  }
0x54: {  	_ =	shalt  }
0x55: {  	_ =	shalt  }
0x56: {  	_ =	shalt  }
0x57: {  	_ =	shalt  }
0x58: {  	_ =	shalt  }
0x59: {  	_ =	shalt  }
0x5a: {  	_ =	shalt  }
0x5b: {  	_ =	shalt  }
0x5c: {  	_ =	shalt  }
0x5d: {  	_ =	shalt  }
0x5e: {  	_ =	shalt  }
0x5f: {  	_ =	shalt  }
0x60: {  	_ =	shalt  }
0x61: {  	_ =	shalt  }
0x62: {  	_ =	shalt  }
0x63: {  	_ =	shalt  }
0x64: {  	_ =	shalt  }
0x65: {  	_ =	shalt  }
0x66: {  	_ =	shalt  }
0x67: {  	_ =	shalt  }
0x68: {  	_ =	shalt  }
0x69: {  	_ =	shalt  }
0x6a: {  	_ =	shalt  }
0x6b: {  	_ =	shalt  }
0x6c: {  	_ =	shalt  }
0x6d: {  	_ =	shalt  }
0x6e: {  	_ =	shalt  }
0x6f: {  	_ =	shalt  }
0x70: {  	_ =	shalt  }
0x71: {  	_ =	shalt  }
0x72: {  	_ =	shalt  }
0x73: {  	_ =	shalt  }
0x74: {  	_ =	shalt  }
0x75: {  	_ =	shalt  }
0x76: {  	_ =	shalt  }
0x77: {  	_ =	shalt  }
0x78: {  	_ =	shalt  }
0x79: {  	_ =	shalt  }
0x7a: {  	_ =	shalt  }
0x7b: {  	_ =	shalt  }
0x7c: {  	_ =	shalt  }
0x7d: {  	_ =	shalt  }
0x7e: {  	_ =	shalt  }
0x7f: {  	_ =	shalt  }
0x80: {  	_ =	shalt  }
0x81: {  	_ =	shalt  }
0x82: {  	_ =	shalt  }
0x83: {  	_ =	shalt  }
0x84: {  	_ =	shalt  }
0x85: {  	_ =	shalt  }
0x86: {  	_ =	shalt  }
0x87: {  	_ =	shalt  }
.Lfunc_end0:
.L_simem_size_0:
called_computation.1_lowered:
.L_overlay_start_0:
0x88: {  	s2 =	sld [smem:$0x3FD9]  }
0x89: {  	s3 =	sld [smem:$0x3FFE];
	_ =	sdelay $0x1  }
0x8a: {  	s1 =	srdreg.scid  }
0x8b: {  	s0 =	sand.u32 $0x1, s1  }
0x8c: {  	s17 =	sshll.u32 s0, $0xA;
	s2 =	sadd.s32 s3, s2  }
0x8d: {  	s2 =	sadd.s32 s2, s17  }
0x8e: {  	[smem:$0x3FC2] =	sst s2  }
0x8f: {  	_ = 	snop  }
0x90: {  	(tm) =	ssettm $0x1  }
0x91: {  	s18 =	sld [smem:$0x3FFB];
	_ =	sdelay $0x3  }
0x92: {  	_ =	strace s18  }
0x93: {  	s2 =	sld [smem:$0x3FFC];
	_ =	sdelay $0x3  }
0x94: {  	_ =	strace s2  }
0x95: {  	s2 =	sld [smem:$0x3FFD];
	_ =	sdelay $0x3  }
0x96: {  	_ =	strace s2  }
0x97: {  	_ =	strace $0x8FFFFFFF  }
0x98: {  	s19 =	sld [smem:$0x3FDB];
	_ =	sdelay $0x1  }
0x99: {  	s20 =	simm.s32 $_scs_section_size  }
0x9a: {  	s4 =	simm.s32 $_size__tile_overlayer_lowered;
	s5 =	simm.s32 $_tile_overlayer_lowered  }
0x9b: {  	s6 =	simm.s32 $0x1BFF;
	s21 =	sshll.u32 s5, $0x1;
	s3 =	sadd.s32 s20, s19  }
0x9c: {  	s22 =	simm.s32 $0x0;
	s4 =	sshll.u32 s4, $0x1;
	s5 =	sadd.s32 s21, s3  }
0x9d: {  	[timem:s22], [sflag:s6] =	dma.local [hbm:s5], s4  }
0x9e: {  	_ =	swait.ge [sflag:s6], s4  }
0x9f: {  	s4 =	ssub.s32 $0x0, s4;
	[sflag:s6] =	ssyncset.done $0x0  }
0xa0: {  	[sflag:s6] =	ssyncadd.s32 s4;
	_ =	sdelay $0x1  }
0xa1: {  	s23 =	simm.s32 $0x1B8B  }
0xa2: {  	_ =	swait.ge [sflag:s23], $0x1  }
0xa3: {  	[sflag:s23] =	ssyncset.done $0x0  }
0xa4: {  	[sflag:s23] =	ssyncadd.s32 $0xFFFFFFFF  }
0xa5: {  	s4 =	sld [smem:$0x0]  }
0xa6: {  	s5 =	sand.u32 $0xFFFFFFFE, s1  }
0xa7: {  	p0 =	sne.s32 s1, s5  }
0xa8: {  	s5 =	sshll.u32 @p0 s5, $0xE  }
0xa9: {  	s5 =	sadd.s32 @p0 $0x11B8D, s5;
	s6 =	sshll.u32 @p0 s4, $0x11  }
0xaa: {  	s5 =	sor.u32 @p0 s6, s5  }
0xab: {  	[sflag:s5] =	ssyncadd.remote.s32 @p0 $0x1;
	_ =	sdelay $0x1  }
0xac: {  	s5 =	simm.s32 @p0 $0x1B8D  }
0xad: {  	_ =	swait.eq @p0 [sflag:s5], $0x1  }
0xae: {  	[sflag:s5] =	ssyncadd.s32 @p0 $0xFFFFFFFF  }
0xaf: {  	s6 =	sshll.u32 @!p0 s1, $0xE  }
0xb0: {  	s6 =	sor.u32 @!p0 $0x4000, s6;
	s5 =	simm.s32 @!p0 $0x1B8D  }
0xb1: {  	s4 =	sshll.u32 @!p0 s4, $0x11;
	s6 =	sadd.s32 @!p0 $0x11B8D, s6;
	_ =	swait.eq @!p0 [sflag:s5], $0x1  }
0xb2: {  	s4 =	sor.u32 @!p0 s4, s6;
	[sflag:s5] =	ssyncadd.s32 @!p0 $0xFFFFFFFF  }
0xb3: {  	s25 =	simm.s32 $0x1B8E;
	s24 =	sld [smem:$0x3FFE];
	[sflag:s4] =	ssyncadd.remote.s32 @!p0 $0x1  }
0xb4: {  	s26 =	simm.s32 $execute0_lowered;
	[smem:$0x3FD2] =	sst s25  }
0xb5: {  	s5 =	sshll.u32 s26, $0x1;
	_ =	strace $0x80000049;
	[dreg:$0x1] =	wrdreg $0xFFFFFFFF  }
0xb6: {  	s28 =	simm.s32 $_size_execute0_lowered;
	s3 =	sadd.s32 s3, s5;
	[dreg:$0x0] =	wrdreg $0x0  }
0xb7: {  	s5 =	sshll.u32 s28, $0x1;
	[dreg:$0x2] =	wrdreg s3  }
0xb8: {  	[dreg:$0x3] =	wrdreg s5  }
0xb9: {  	[dreg:$0x4] =	wrdreg $0xC0  }
0xba: {  	_ =	task [dreg:s22], $0x5FFFF  }
0xbb: {  	[dreg:$0x1] =	wrdreg $0xFFFFFFFF  }
0xbc: {  	[dreg:$0x0] =	wrdreg $0x60  }
0xbd: {  	[dreg:$0x2] =	wrdreg s24  }
0xbe: {  	[dreg:$0x3] =	wrdreg $0xA  }
0xbf: {  	_ =	task.clear_ibuf [dreg:s22], $0x4FFFF;
	_ =	strace $0x90000049  }
0xc0: {  	s29 =	simm.s32 $0xA;
	_ =	strace $0x8000004B  }
0xc1: {  	_ =	swait.ge [sflag:s29], $0x1  }
0xc2: {  	[sflag:s29] =	ssyncadd.s32 $0xFFFFFFFF  }
0xc3: {  	_ =	strace $0x9000004B  }
0xc4: {  	_ =	sfence  }
0xc5: {  	s30 =	sld [smem:$0x0];
	_ =	sdelay $0x2  }
0xc6: {  	s31 =	sshll.u32 s1, $0xD;
	s1 =	sshrl.u32 s1, $0x2  }
0xc7: {  	s4 =	sand.u32 $0x4000, s31;
	s1 =	sadd.s32 s1, s30  }
0xc8: {  	s0 =	sor.u32 s4, s0;
	s1 =	sshll.u32 s1, $0x11  }
0xc9: {  	s0 =	sor.u32 s1, s0  }
0xca: {  	s0 =	sadd.s32 $0x8F2B, s0  }
0xcb: {  	[sflag:s0] =	ssyncadd.remote.s32 $0x1  }
0xcc: {  	_ =	sfence.sel $0xFFFF  }
0xcd: {  	[dreg:$0x0] =	wrdreg $0xFFFFFFFF;
	(pc) =	sbr.abs _section_cstart, $3  }
0xce: {  	[dreg:$0x1] =	wrdreg $0xFFFFFFFF  }
0xcf: {  	_ =	task.clear_ibuf [dreg:s22], $0x2FFFF;
	_ =	strace $0x9FFFFFFF  }
0xd0: {  	(tm) =	ssettm $0x7FFFFFFF  }
0xd1: {  	_ =	shalt  }
tec
execute0_lowered:
.L_overlay_start_1:
0x0: {  	(tag) =	ssettag $0x1  }
0x1: {  	s1 =	srdreg.scid  }
0x2: {  	s0 =	stileid.u32;
	s1 =	sand.u32 $0x1, s1  }
0x3: {  	s2 =	sshll.u32 s0, $0xC;
	s3 =	sshll.u32 s1, $0xB  }
0x4: {  	s3 =	sor.u32 s3, s2  }
0x5: {  	s4 =	rddreg [dreg:$0x0];
	s5 =	sshrl.u32 s3, $0x3  }
0x6: {  	s2 =	simm.s32 $0x0;
	s3 =	sshll.u32 s3, $0x4;
	s5 =	sadd.s32 s5, s4  }
0x7: {  	[smem:$0x7FF] =	sst s2;
	s31 =	sadd.s32 s3, s4;
	s16 =	sadd.s32 $0x114000, s5  }
0x8: {  	_ =	strace $0x8000004A;
	s17 =	sadd.s32 $0x116000, s31;
	[dreg:$0x2] =	wrdreg s16  }
0x9: {  	s18 =	sadd.s32 $0x116800, s31;
	[dreg:$0x3] =	wrdreg s17  }
0xa: {  	s19 =	sadd.s32 $0x117000, s31;
	[dreg:$0x4] =	wrdreg s18  }
0xb: {  	s20 =	sadd.s32 $0x117800, s31;
	[dreg:$0x5] =	wrdreg s19  }
0xc: {  	s21 =	sadd.s32 $0x118000, s31;
	[dreg:$0x6] =	wrdreg s20  }
0xd: {  	s22 =	sadd.s32 $0x118800, s31;
	[dreg:$0x7] =	wrdreg s21  }
0xe: {  	s23 =	sadd.s32 $0x119000, s31;
	[dreg:$0x8] =	wrdreg s22  }
0xf: {  	s24 =	sadd.s32 $0x119800, s31;
	[dreg:$0x9] =	wrdreg s23  }
0x10: {  	s26 =	sadd.s32 $0x11A000, s31;
	[dreg:$0xa] =	wrdreg s24  }
0x11: {  	[dreg:$0xb] =	wrdreg s26  }
0x12: {  	s3 =	simm.s32 $0x3;
	s25 =	rddreg [dreg:$0x2]  }
0x13: {  	[tilespmem:s2], [sflag:$0x3] =	stream.linear.gather [hbm4b:s25+s2], $0x800, $0x38;
	[tilespmem:$0x8800] =	vst v63  }
0x14: {  	_ =	swait.ge [sflag:s3], $0x800  }
0x15: {  	s6 =	simm.s32 $0x800;
	[sflag:s3] =	ssyncset.done $0x0  }
0x16: {  	s4 =	sadd.s32 $0x4000, s4;
	s5 =	simm.s32 $0x80;
	[sflag:s3] =	ssyncadd.s32 $0xFFFFF800  }
0x17: {  	[tilespmem:s6], [sflag:$0x1] =	stream.indirect.gather [hbm4b:s4+s5], $0x80, s2, s5, $0xb8;
	[tilespmem:$0x8800] =	vst v63  }
0x18: {  	s7 =	simm.s32 $0x4800;
	s8 =	simm.s32 $0x1  }
0x19: {  	[tilespmem:s7], [sflag:$0x2] =	stream.indirect.gather [hbm4b:s4+s5], $0x80, s5, s5, $0xb8;
	[tilespmem:$0x8800] =	vst v63  }
0x1a: {  	_ =	swait.ge [sflag:s8], $0x4000  }
0x1b: {  	[sflag:s8] =	ssyncset.done $0x0  }
0x1c: {  	s9 =	rddreg [dreg:$0x3];
	[sflag:s8] =	ssyncadd.s32 $0xFFFFC000  }
0x1d: {  	[hbm4b:s9+s2] =	stream.linear.scatter [tilespmem:s6], [sflag:$0x3], $0x4000, $0x38;
	[tilespmem:$0x8800] =	vst v63  }
0x1e: {  	_ =	swait.ge [sflag:s3], $0x4000  }
0x1f: {  	[sflag:s3] =	ssyncset.done $0x0  }
0x20: {  	s10 =	simm.s32 $0x2;
	s9 =	simm.s32 $0x100;
	[sflag:s3] =	ssyncadd.s32 $0xFFFFC000  }
0x21: {  	[tilespmem:s6], [sflag:$0x1] =	stream.indirect.gather [hbm4b:s4+s5], $0x80, s9, s5, $0xb8;
	[tilespmem:$0x8800] =	vst v63  }
0x22: {  	_ =	swait.ge [sflag:s10], $0x4000  }
0x23: {  	[sflag:s10] =	ssyncset.done $0x0  }
0x24: {  	s11 =	rddreg [dreg:$0x4];
	[sflag:s10] =	ssyncadd.s32 $0xFFFFC000  }
0x25: {  	[hbm4b:s11+s2] =	stream.linear.scatter [tilespmem:s7], [sflag:$0x3], $0x4000, $0x38;
	[tilespmem:$0x8800] =	vst v63  }
0x26: {  	_ =	swait.ge [sflag:s3], $0x4000  }
0x27: {  	[sflag:s3] =	ssyncset.done $0x0  }
0x28: {  	s11 =	simm.s32 $0x180;
	[sflag:s3] =	ssyncadd.s32 $0xFFFFC000  }
0x29: {  	[tilespmem:s7], [sflag:$0x2] =	stream.indirect.gather [hbm4b:s4+s5], $0x80, s11, s5, $0xb8;
	[tilespmem:$0x8800] =	vst v63  }
0x2a: {  	_ =	swait.ge [sflag:s8], $0x4000  }
0x2b: {  	[sflag:s8] =	ssyncset.done $0x0  }
0x2c: {  	s12 =	rddreg [dreg:$0x5];
	[sflag:s8] =	ssyncadd.s32 $0xFFFFC000  }
0x2d: {  	[hbm4b:s12+s2] =	stream.linear.scatter [tilespmem:s6], [sflag:$0x3], $0x4000, $0x38;
	[tilespmem:$0x8800] =	vst v63  }
0x2e: {  	_ =	swait.ge [sflag:s3], $0x4000  }
0x2f: {  	[sflag:s3] =	ssyncset.done $0x0  }
0x30: {  	s12 =	simm.s32 $0x200;
	[sflag:s3] =	ssyncadd.s32 $0xFFFFC000  }
0x31: {  	[tilespmem:s6], [sflag:$0x1] =	stream.indirect.gather [hbm4b:s4+s5], $0x80, s12, s5, $0xb8;
	[tilespmem:$0x8800] =	vst v63  }
0x32: {  	_ =	swait.ge [sflag:s10], $0x4000  }
0x33: {  	[sflag:s10] =	ssyncset.done $0x0  }
0x34: {  	s13 =	rddreg [dreg:$0x6];
	[sflag:s10] =	ssyncadd.s32 $0xFFFFC000  }
0x35: {  	[hbm4b:s13+s2] =	stream.linear.scatter [tilespmem:s7], [sflag:$0x3], $0x4000, $0x38;
	[tilespmem:$0x8800] =	vst v63  }
0x36: {  	_ =	swait.ge [sflag:s3], $0x4000  }
0x37: {  	[sflag:s3] =	ssyncset.done $0x0  }
0x38: {  	s13 =	simm.s32 $0x280;
	[sflag:s3] =	ssyncadd.s32 $0xFFFFC000  }
0x39: {  	[tilespmem:s7], [sflag:$0x2] =	stream.indirect.gather [hbm4b:s4+s5], $0x80, s13, s5, $0xb8;
	[tilespmem:$0x8800] =	vst v63  }
0x3a: {  	_ =	swait.ge [sflag:s8], $0x4000  }
0x3b: {  	[sflag:s8] =	ssyncset.done $0x0  }
0x3c: {  	s14 =	rddreg [dreg:$0x7];
	[sflag:s8] =	ssyncadd.s32 $0xFFFFC000  }
0x3d: {  	[hbm4b:s14+s2] =	stream.linear.scatter [tilespmem:s6], [sflag:$0x3], $0x4000, $0x38;
	[tilespmem:$0x8800] =	vst v63  }
0x3e: {  	_ =	swait.ge [sflag:s3], $0x4000  }
0x3f: {  	[sflag:s3] =	ssyncset.done $0x0  }
0x40: {  	s14 =	simm.s32 $0x300;
	[sflag:s3] =	ssyncadd.s32 $0xFFFFC000  }
0x41: {  	[tilespmem:s6], [sflag:$0x1] =	stream.indirect.gather [hbm4b:s4+s5], $0x80, s14, s5, $0xb8;
	[tilespmem:$0x8800] =	vst v63  }
0x42: {  	_ =	swait.ge [sflag:s10], $0x4000  }
0x43: {  	[sflag:s10] =	ssyncset.done $0x0  }
0x44: {  	s15 =	rddreg [dreg:$0x8];
	[sflag:s10] =	ssyncadd.s32 $0xFFFFC000  }
0x45: {  	[hbm4b:s15+s2] =	stream.linear.scatter [tilespmem:s7], [sflag:$0x3], $0x4000, $0x38;
	[tilespmem:$0x8800] =	vst v63  }
0x46: {  	_ =	swait.ge [sflag:s3], $0x4000  }
0x47: {  	[sflag:s3] =	ssyncset.done $0x0  }
0x48: {  	s15 =	simm.s32 $0x380;
	[sflag:s3] =	ssyncadd.s32 $0xFFFFC000  }
0x49: {  	[tilespmem:s7], [sflag:$0x2] =	stream.indirect.gather [hbm4b:s4+s5], $0x80, s15, s5, $0xb8;
	[tilespmem:$0x8800] =	vst v63  }
0x4a: {  	_ =	swait.ge [sflag:s8], $0x4000  }
0x4b: {  	[sflag:s8] =	ssyncset.done $0x0  }
0x4c: {  	s16 =	rddreg [dreg:$0x9];
	[sflag:s8] =	ssyncadd.s32 $0xFFFFC000  }
0x4d: {  	[hbm4b:s16+s2] =	stream.linear.scatter [tilespmem:s6], [sflag:$0x3], $0x4000, $0x38;
	[tilespmem:$0x8800] =	vst v63  }
0x4e: {  	_ =	swait.ge [sflag:s3], $0x4000  }
0x4f: {  	[sflag:s3] =	ssyncset.done $0x0  }
0x50: {  	s16 =	simm.s32 $0x400;
	[sflag:s3] =	ssyncadd.s32 $0xFFFFC000  }
0x51: {  	[tilespmem:s6], [sflag:$0x1] =	stream.indirect.gather [hbm4b:s4+s5], $0x80, s16, s5, $0xb8;
	[tilespmem:$0x8800] =	vst v63  }
0x52: {  	_ =	swait.ge [sflag:s10], $0x4000  }
0x53: {  	[sflag:s10] =	ssyncset.done $0x0  }
0x54: {  	s17 =	rddreg [dreg:$0xa];
	[sflag:s10] =	ssyncadd.s32 $0xFFFFC000  }
0x55: {  	[hbm4b:s17+s2] =	stream.linear.scatter [tilespmem:s7], [sflag:$0x3], $0x4000, $0x38;
	[tilespmem:$0x8800] =	vst v63  }
0x56: {  	_ =	swait.ge [sflag:s3], $0x4000  }
0x57: {  	[sflag:s3] =	ssyncset.done $0x0  }
0x58: {  	s17 =	simm.s32 $0x480;
	[sflag:s3] =	ssyncadd.s32 $0xFFFFC000  }
0x59: {  	[tilespmem:s7], [sflag:$0x2] =	stream.indirect.gather [hbm4b:s4+s5], $0x80, s17, s5, $0xb8;
	[tilespmem:$0x8800] =	vst v63  }
0x5a: {  	_ =	swait.ge [sflag:s8], $0x4000  }
0x5b: {  	[sflag:s8] =	ssyncset.done $0x0  }
0x5c: {  	s18 =	rddreg [dreg:$0xb];
	[sflag:s8] =	ssyncadd.s32 $0xFFFFC000  }
0x5d: {  	[hbm4b:s18+s2] =	stream.linear.scatter [tilespmem:s6], [sflag:$0x3], $0x4000, $0x38;
	[tilespmem:$0x8800] =	vst v63  }
0x5e: {  	_ =	swait.ge [sflag:s3], $0x4000  }
0x5f: {  	[sflag:s3] =	ssyncset.done $0x0  }
0x60: {  	s18 =	simm.s32 $0x500;
	[sflag:s3] =	ssyncadd.s32 $0xFFFFC000  }
0x61: {  	[tilespmem:s6], [sflag:$0x1] =	stream.indirect.gather [hbm4b:s4+s5], $0x80, s18, s5, $0xb8;
	[tilespmem:$0x8800] =	vst v63  }
0x62: {  	_ =	swait.ge [sflag:s10], $0x4000  }
0x63: {  	[sflag:s10] =	ssyncset.done $0x0  }
0x64: {  	s19 =	sadd.s32 $0x11A800, s31;
	[sflag:s10] =	ssyncadd.s32 $0xFFFFC000  }
0x65: {  	[hbm4b:s19+s2] =	stream.linear.scatter [tilespmem:s7], [sflag:$0x3], $0x4000, $0x38;
	[tilespmem:$0x8800] =	vst v63  }
0x66: {  	_ =	swait.ge [sflag:s3], $0x4000  }
0x67: {  	[sflag:s3] =	ssyncset.done $0x0  }
0x68: {  	s20 =	simm.s32 $0x580;
	[sflag:s3] =	ssyncadd.s32 $0xFFFFC000  }
0x69: {  	[tilespmem:s7], [sflag:$0x2] =	stream.indirect.gather [hbm4b:s4+s5], $0x80, s20, s5, $0xb8;
	[tilespmem:$0x8800] =	vst v63  }
0x6a: {  	_ =	swait.ge [sflag:s8], $0x4000  }
0x6b: {  	[sflag:s8] =	ssyncset.done $0x0  }
0x6c: {  	s21 =	sadd.s32 $0x11B000, s31;
	[sflag:s8] =	ssyncadd.s32 $0xFFFFC000  }
0x6d: {  	[hbm4b:s21+s2] =	stream.linear.scatter [tilespmem:s6], [sflag:$0x3], $0x4000, $0x38;
	[tilespmem:$0x8800] =	vst v63  }
0x6e: {  	_ =	swait.ge [sflag:s3], $0x4000  }
0x6f: {  	[sflag:s3] =	ssyncset.done $0x0  }
0x70: {  	s22 =	simm.s32 $0x600;
	[sflag:s3] =	ssyncadd.s32 $0xFFFFC000  }
0x71: {  	[tilespmem:s6], [sflag:$0x1] =	stream.indirect.gather [hbm4b:s4+s5], $0x80, s22, s5, $0xb8;
	[tilespmem:$0x8800] =	vst v63  }
0x72: {  	_ =	swait.ge [sflag:s10], $0x4000  }
0x73: {  	[sflag:s10] =	ssyncset.done $0x0  }
0x74: {  	s23 =	sadd.s32 $0x11B800, s31;
	[sflag:s10] =	ssyncadd.s32 $0xFFFFC000  }
0x75: {  	[hbm4b:s23+s2] =	stream.linear.scatter [tilespmem:s7], [sflag:$0x3], $0x4000, $0x38;
	[tilespmem:$0x8800] =	vst v63  }
0x76: {  	_ =	swait.ge [sflag:s3], $0x4000  }
0x77: {  	[sflag:s3] =	ssyncset.done $0x0  }
0x78: {  	s24 =	simm.s32 $0x680;
	[sflag:s3] =	ssyncadd.s32 $0xFFFFC000  }
0x79: {  	[tilespmem:s7], [sflag:$0x2] =	stream.indirect.gather [hbm4b:s4+s5], $0x80, s24, s5, $0xb8;
	[tilespmem:$0x8800] =	vst v63  }
0x7a: {  	_ =	swait.ge [sflag:s8], $0x4000  }
0x7b: {  	[sflag:s8] =	ssyncset.done $0x0  }
0x7c: {  	s25 =	sadd.s32 $0x11C000, s31;
	[sflag:s8] =	ssyncadd.s32 $0xFFFFC000  }
0x7d: {  	[hbm4b:s25+s2] =	stream.linear.scatter [tilespmem:s6], [sflag:$0x3], $0x4000, $0x38;
	[tilespmem:$0x8800] =	vst v63  }
0x7e: {  	_ =	swait.ge [sflag:s3], $0x4000  }
0x7f: {  	[sflag:s3] =	ssyncset.done $0x0  }
0x80: {  	s26 =	simm.s32 $0x700;
	[sflag:s3] =	ssyncadd.s32 $0xFFFFC000  }
0x81: {  	[tilespmem:s6], [sflag:$0x1] =	stream.indirect.gather [hbm4b:s4+s5], $0x80, s26, s5, $0xb8;
	[tilespmem:$0x8800] =	vst v63  }
0x82: {  	_ =	swait.ge [sflag:s10], $0x4000  }
0x83: {  	[sflag:s10] =	ssyncset.done $0x0  }
0x84: {  	s28 =	sadd.s32 $0x11C800, s31;
	[sflag:s10] =	ssyncadd.s32 $0xFFFFC000  }
0x85: {  	[hbm4b:s28+s2] =	stream.linear.scatter [tilespmem:s7], [sflag:$0x3], $0x4000, $0x38;
	[tilespmem:$0x8800] =	vst v63  }
0x86: {  	_ =	swait.ge [sflag:s3], $0x4000  }
0x87: {  	[sflag:s3] =	ssyncset.done $0x0  }
0x88: {  	s29 =	simm.s32 $0x780;
	[sflag:s3] =	ssyncadd.s32 $0xFFFFC000  }
0x89: {  	[tilespmem:s7], [sflag:$0x2] =	stream.indirect.gather [hbm4b:s4+s5], $0x80, s29, s5, $0xb8;
	[tilespmem:$0x8800] =	vst v63  }
0x8a: {  	_ =	swait.ge [sflag:s8], $0x4000  }
0x8b: {  	s1 =	ssub.s32 $0x2, s1;
	[sflag:s8] =	ssyncset.done $0x0  }
0x8c: {  	s0 =	sshrl.u32 s1, $0x1;
	s30 =	sadd.s32 $0x11D000, s31;
	[sflag:s8] =	ssyncadd.s32 $0xFFFFC000  }
0x8d: {  	[hbm4b:s30+s2] =	stream.linear.scatter [tilespmem:s6], [sflag:$0x3], $0x4000, $0x38;
	[tilespmem:$0x8800] =	vst v63  }
0x8e: {  	s0 =	ssub.s32 s1, s0;
	_ =	swait.ge [sflag:s3], $0x4000  }
0x8f: {  	s0 =	smax.u32 s0, $0x1;
	[sflag:s3] =	ssyncset.done $0x0  }
0x90: {  	p0 =	sne.s32 s0, $0x1;
	[sflag:s3] =	ssyncadd.s32 $0xFFFFC000  }
.Ltmp0:
0x91: {  	_ =	swait.ge [sflag:s10], $0x4000;
	(pc) =	sbr.rel @!p0 .LBB2_2-.Ltmp0, $4  }
0x92: {  	[sflag:s10] =	ssyncset.done $0x0  }
0x93: {  	s31 =	sadd.s32 $0x11D800, s31;
	[sflag:s10] =	ssyncadd.s32 $0xFFFFC000  }
0x94: {  	[hbm4b:s31+s2] =	stream.linear.scatter [tilespmem:s7], [sflag:$0x3], $0x4000, $0x38;
	[tilespmem:$0x8800] =	vst v63  }
0x95: {  	s1 =	sadd.s32 $0xFFFFFFFF, s0;
	_ =	swait.ge [sflag:s3], $0x4000  }
.LBB2_1:
0x96: {  	[sflag:s3] =	ssyncset.done $0x0  }
0x97: {  	s0 =	rddreg [dreg:$0x2];
	[sflag:s3] =	ssyncadd.s32 $0xFFFFC000  }
0x98: {  	[tilespmem:s2], [sflag:$0x3] =	stream.linear.gather [hbm4b:s0+s2], $0x800, $0x38;
	[tilespmem:$0x8800] =	vst v63  }
0x99: {  	_ =	swait.ge [sflag:s3], $0x800  }
0x9a: {  	[sflag:s3] =	ssyncset.done $0x0  }
0x9b: {  	[sflag:s3] =	ssyncadd.s32 $0xFFFFF800  }
0x9c: {  	[tilespmem:s6], [sflag:$0x1] =	stream.indirect.gather [hbm4b:s4+s5], $0x80, s2, s5, $0xb8;
	[tilespmem:$0x8800] =	vst v63  }
0x9d: {  	_ = 	snop  }
0x9e: {  	[tilespmem:s7], [sflag:$0x2] =	stream.indirect.gather [hbm4b:s4+s5], $0x80, s5, s5, $0xb8;
	[tilespmem:$0x8800] =	vst v63  }
0x9f: {  	_ =	swait.ge [sflag:s8], $0x4000  }
0xa0: {  	[sflag:s8] =	ssyncset.done $0x0  }
0xa1: {  	s0 =	rddreg [dreg:$0x3];
	[sflag:s8] =	ssyncadd.s32 $0xFFFFC000  }
0xa2: {  	[hbm4b:s0+s2] =	stream.linear.scatter [tilespmem:s6], [sflag:$0x3], $0x4000, $0x38;
	[tilespmem:$0x8800] =	vst v63  }
0xa3: {  	_ =	swait.ge [sflag:s3], $0x4000  }
0xa4: {  	[sflag:s3] =	ssyncset.done $0x0  }
0xa5: {  	[sflag:s3] =	ssyncadd.s32 $0xFFFFC000  }
0xa6: {  	[tilespmem:s6], [sflag:$0x1] =	stream.indirect.gather [hbm4b:s4+s5], $0x80, s9, s5, $0xb8;
	[tilespmem:$0x8800] =	vst v63  }
0xa7: {  	_ =	swait.ge [sflag:s10], $0x4000  }
0xa8: {  	[sflag:s10] =	ssyncset.done $0x0  }
0xa9: {  	s0 =	rddreg [dreg:$0x4];
	[sflag:s10] =	ssyncadd.s32 $0xFFFFC000  }
0xaa: {  	[hbm4b:s0+s2] =	stream.linear.scatter [tilespmem:s7], [sflag:$0x3], $0x4000, $0x38;
	[tilespmem:$0x8800] =	vst v63  }
0xab: {  	_ =	swait.ge [sflag:s3], $0x4000  }
0xac: {  	[sflag:s3] =	ssyncset.done $0x0  }
0xad: {  	[sflag:s3] =	ssyncadd.s32 $0xFFFFC000  }
0xae: {  	[tilespmem:s7], [sflag:$0x2] =	stream.indirect.gather [hbm4b:s4+s5], $0x80, s11, s5, $0xb8;
	[tilespmem:$0x8800] =	vst v63  }
0xaf: {  	_ =	swait.ge [sflag:s8], $0x4000  }
0xb0: {  	[sflag:s8] =	ssyncset.done $0x0  }
0xb1: {  	s0 =	rddreg [dreg:$0x5];
	[sflag:s8] =	ssyncadd.s32 $0xFFFFC000  }
0xb2: {  	[hbm4b:s0+s2] =	stream.linear.scatter [tilespmem:s6], [sflag:$0x3], $0x4000, $0x38;
	[tilespmem:$0x8800] =	vst v63  }
0xb3: {  	_ =	swait.ge [sflag:s3], $0x4000  }
0xb4: {  	[sflag:s3] =	ssyncset.done $0x0  }
0xb5: {  	[sflag:s3] =	ssyncadd.s32 $0xFFFFC000  }
0xb6: {  	[tilespmem:s6], [sflag:$0x1] =	stream.indirect.gather [hbm4b:s4+s5], $0x80, s12, s5, $0xb8;
	[tilespmem:$0x8800] =	vst v63  }
0xb7: {  	_ =	swait.ge [sflag:s10], $0x4000  }
0xb8: {  	[sflag:s10] =	ssyncset.done $0x0  }
0xb9: {  	s0 =	rddreg [dreg:$0x6];
	[sflag:s10] =	ssyncadd.s32 $0xFFFFC000  }
0xba: {  	[hbm4b:s0+s2] =	stream.linear.scatter [tilespmem:s7], [sflag:$0x3], $0x4000, $0x38;
	[tilespmem:$0x8800] =	vst v63  }
0xbb: {  	_ =	swait.ge [sflag:s3], $0x4000  }
0xbc: {  	[sflag:s3] =	ssyncset.done $0x0  }
0xbd: {  	[sflag:s3] =	ssyncadd.s32 $0xFFFFC000  }
0xbe: {  	[tilespmem:s7], [sflag:$0x2] =	stream.indirect.gather [hbm4b:s4+s5], $0x80, s13, s5, $0xb8;
	[tilespmem:$0x8800] =	vst v63  }
0xbf: {  	_ =	swait.ge [sflag:s8], $0x4000  }
0xc0: {  	[sflag:s8] =	ssyncset.done $0x0  }
0xc1: {  	s0 =	rddreg [dreg:$0x7];
	[sflag:s8] =	ssyncadd.s32 $0xFFFFC000  }
0xc2: {  	[hbm4b:s0+s2] =	stream.linear.scatter [tilespmem:s6], [sflag:$0x3], $0x4000, $0x38;
	[tilespmem:$0x8800] =	vst v63  }
0xc3: {  	_ =	swait.ge [sflag:s3], $0x4000  }
0xc4: {  	[sflag:s3] =	ssyncset.done $0x0  }
0xc5: {  	[sflag:s3] =	ssyncadd.s32 $0xFFFFC000  }
0xc6: {  	[tilespmem:s6], [sflag:$0x1] =	stream.indirect.gather [hbm4b:s4+s5], $0x80, s14, s5, $0xb8;
	[tilespmem:$0x8800] =	vst v63  }
0xc7: {  	_ =	swait.ge [sflag:s10], $0x4000  }
0xc8: {  	[sflag:s10] =	ssyncset.done $0x0  }
0xc9: {  	s0 =	rddreg [dreg:$0x8];
	[sflag:s10] =	ssyncadd.s32 $0xFFFFC000  }
0xca: {  	[hbm4b:s0+s2] =	stream.linear.scatter [tilespmem:s7], [sflag:$0x3], $0x4000, $0x38;
	[tilespmem:$0x8800] =	vst v63  }
0xcb: {  	_ =	swait.ge [sflag:s3], $0x4000  }
0xcc: {  	[sflag:s3] =	ssyncset.done $0x0  }
0xcd: {  	[sflag:s3] =	ssyncadd.s32 $0xFFFFC000  }
0xce: {  	[tilespmem:s7], [sflag:$0x2] =	stream.indirect.gather [hbm4b:s4+s5], $0x80, s15, s5, $0xb8;
	[tilespmem:$0x8800] =	vst v63  }
0xcf: {  	_ =	swait.ge [sflag:s8], $0x4000  }
0xd0: {  	[sflag:s8] =	ssyncset.done $0x0  }
0xd1: {  	s0 =	rddreg [dreg:$0x9];
	[sflag:s8] =	ssyncadd.s32 $0xFFFFC000  }
0xd2: {  	[hbm4b:s0+s2] =	stream.linear.scatter [tilespmem:s6], [sflag:$0x3], $0x4000, $0x38;
	[tilespmem:$0x8800] =	vst v63  }
0xd3: {  	_ =	swait.ge [sflag:s3], $0x4000  }
0xd4: {  	[sflag:s3] =	ssyncset.done $0x0  }
0xd5: {  	[sflag:s3] =	ssyncadd.s32 $0xFFFFC000  }
0xd6: {  	[tilespmem:s6], [sflag:$0x1] =	stream.indirect.gather [hbm4b:s4+s5], $0x80, s16, s5, $0xb8;
	[tilespmem:$0x8800] =	vst v63  }
0xd7: {  	_ =	swait.ge [sflag:s10], $0x4000  }
0xd8: {  	[sflag:s10] =	ssyncset.done $0x0  }
0xd9: {  	s0 =	rddreg [dreg:$0xa];
	[sflag:s10] =	ssyncadd.s32 $0xFFFFC000  }
0xda: {  	[hbm4b:s0+s2] =	stream.linear.scatter [tilespmem:s7], [sflag:$0x3], $0x4000, $0x38;
	[tilespmem:$0x8800] =	vst v63  }
0xdb: {  	_ =	swait.ge [sflag:s3], $0x4000  }
0xdc: {  	[sflag:s3] =	ssyncset.done $0x0  }
0xdd: {  	[sflag:s3] =	ssyncadd.s32 $0xFFFFC000  }
0xde: {  	[tilespmem:s7], [sflag:$0x2] =	stream.indirect.gather [hbm4b:s4+s5], $0x80, s17, s5, $0xb8;
	[tilespmem:$0x8800] =	vst v63  }
0xdf: {  	_ =	swait.ge [sflag:s8], $0x4000  }
0xe0: {  	[sflag:s8] =	ssyncset.done $0x0  }
0xe1: {  	s0 =	rddreg [dreg:$0xb];
	[sflag:s8] =	ssyncadd.s32 $0xFFFFC000  }
0xe2: {  	[hbm4b:s0+s2] =	stream.linear.scatter [tilespmem:s6], [sflag:$0x3], $0x4000, $0x38;
	[tilespmem:$0x8800] =	vst v63  }
0xe3: {  	_ =	swait.ge [sflag:s3], $0x4000  }
0xe4: {  	[sflag:s3] =	ssyncset.done $0x0  }
0xe5: {  	[sflag:s3] =	ssyncadd.s32 $0xFFFFC000  }
0xe6: {  	[tilespmem:s6], [sflag:$0x1] =	stream.indirect.gather [hbm4b:s4+s5], $0x80, s18, s5, $0xb8;
	[tilespmem:$0x8800] =	vst v63  }
0xe7: {  	_ =	swait.ge [sflag:s10], $0x4000  }
0xe8: {  	[sflag:s10] =	ssyncset.done $0x0  }
0xe9: {  	[sflag:s10] =	ssyncadd.s32 $0xFFFFC000  }
0xea: {  	[hbm4b:s19+s2] =	stream.linear.scatter [tilespmem:s7], [sflag:$0x3], $0x4000, $0x38;
	[tilespmem:$0x8800] =	vst v63  }
0xeb: {  	_ =	swait.ge [sflag:s3], $0x4000  }
0xec: {  	[sflag:s3] =	ssyncset.done $0x0  }
0xed: {  	[sflag:s3] =	ssyncadd.s32 $0xFFFFC000  }
0xee: {  	[tilespmem:s7], [sflag:$0x2] =	stream.indirect.gather [hbm4b:s4+s5], $0x80, s20, s5, $0xb8;
	[tilespmem:$0x8800] =	vst v63  }
0xef: {  	_ =	swait.ge [sflag:s8], $0x4000  }
0xf0: {  	[sflag:s8] =	ssyncset.done $0x0  }
0xf1: {  	[sflag:s8] =	ssyncadd.s32 $0xFFFFC000  }
0xf2: {  	[hbm4b:s21+s2] =	stream.linear.scatter [tilespmem:s6], [sflag:$0x3], $0x4000, $0x38;
	[tilespmem:$0x8800] =	vst v63  }
0xf3: {  	_ =	swait.ge [sflag:s3], $0x4000  }
0xf4: {  	[sflag:s3] =	ssyncset.done $0x0  }
0xf5: {  	[sflag:s3] =	ssyncadd.s32 $0xFFFFC000  }
0xf6: {  	[tilespmem:s6], [sflag:$0x1] =	stream.indirect.gather [hbm4b:s4+s5], $0x80, s22, s5, $0xb8;
	[tilespmem:$0x8800] =	vst v63  }
0xf7: {  	_ =	swait.ge [sflag:s10], $0x4000  }
0xf8: {  	[sflag:s10] =	ssyncset.done $0x0  }
0xf9: {  	[sflag:s10] =	ssyncadd.s32 $0xFFFFC000  }
0xfa: {  	[hbm4b:s23+s2] =	stream.linear.scatter [tilespmem:s7], [sflag:$0x3], $0x4000, $0x38;
	[tilespmem:$0x8800] =	vst v63  }
0xfb: {  	_ =	swait.ge [sflag:s3], $0x4000  }
0xfc: {  	[sflag:s3] =	ssyncset.done $0x0  }
0xfd: {  	[sflag:s3] =	ssyncadd.s32 $0xFFFFC000  }
0xfe: {  	[tilespmem:s7], [sflag:$0x2] =	stream.indirect.gather [hbm4b:s4+s5], $0x80, s24, s5, $0xb8;
	[tilespmem:$0x8800] =	vst v63  }
0xff: {  	_ =	swait.ge [sflag:s8], $0x4000  }
0x100: {  	[sflag:s8] =	ssyncset.done $0x0  }
0x101: {  	[sflag:s8] =	ssyncadd.s32 $0xFFFFC000  }
0x102: {  	[hbm4b:s25+s2] =	stream.linear.scatter [tilespmem:s6], [sflag:$0x3], $0x4000, $0x38;
	[tilespmem:$0x8800] =	vst v63  }
0x103: {  	_ =	swait.ge [sflag:s3], $0x4000  }
0x104: {  	[sflag:s3] =	ssyncset.done $0x0  }
0x105: {  	[sflag:s3] =	ssyncadd.s32 $0xFFFFC000  }
0x106: {  	[tilespmem:s6], [sflag:$0x1] =	stream.indirect.gather [hbm4b:s4+s5], $0x80, s26, s5, $0xb8;
	[tilespmem:$0x8800] =	vst v63  }
0x107: {  	_ =	swait.ge [sflag:s10], $0x4000  }
0x108: {  	[sflag:s10] =	ssyncset.done $0x0  }
0x109: {  	[sflag:s10] =	ssyncadd.s32 $0xFFFFC000  }
0x10a: {  	[hbm4b:s28+s2] =	stream.linear.scatter [tilespmem:s7], [sflag:$0x3], $0x4000, $0x38;
	[tilespmem:$0x8800] =	vst v63  }
0x10b: {  	_ =	swait.ge [sflag:s3], $0x4000  }
0x10c: {  	[sflag:s3] =	ssyncset.done $0x0  }
0x10d: {  	[sflag:s3] =	ssyncadd.s32 $0xFFFFC000  }
0x10e: {  	[tilespmem:s7], [sflag:$0x2] =	stream.indirect.gather [hbm4b:s4+s5], $0x80, s29, s5, $0xb8;
	[tilespmem:$0x8800] =	vst v63  }
0x10f: {  	_ =	swait.ge [sflag:s8], $0x4000  }
0x110: {  	[sflag:s8] =	ssyncset.done $0x0  }
0x111: {  	[sflag:s8] =	ssyncadd.s32 $0xFFFFC000  }
0x112: {  	[hbm4b:s30+s2] =	stream.linear.scatter [tilespmem:s6], [sflag:$0x3], $0x4000, $0x38;
	[tilespmem:$0x8800] =	vst v63  }
0x113: {  	_ =	swait.ge [sflag:s3], $0x4000  }
0x114: {  	[sflag:s3] =	ssyncset.done $0x0  }
0x115: {  	p0 =	sne.s32 s1, $0x1;
	[sflag:s3] =	ssyncadd.s32 $0xFFFFC000  }
.Ltmp1:
0x116: {  	_ =	swait.ge [sflag:s10], $0x4000;
	(pc) =	sbr.rel @p0 .LBB2_1-.Ltmp1, $4  }
0x117: {  	[sflag:s10] =	ssyncset.done $0x0  }
0x118: {  	[sflag:s10] =	ssyncadd.s32 $0xFFFFC000  }
0x119: {  	[hbm4b:s31+s2] =	stream.linear.scatter [tilespmem:s7], [sflag:$0x3], $0x4000, $0x38;
	[tilespmem:$0x8800] =	vst v63  }
0x11a: {  	s1 =	sadd.s32 $0xFFFFFFFF, s1;
	_ =	swait.ge [sflag:s3], $0x4000  }
.LBB2_2:
0x11b: {  	[sflag:s3] =	ssyncset.done $0x0  }
0x11c: {  	[sflag:s3] =	ssyncadd.s32 $0xFFFFC000  }
0x11d: {  	_ =	sfence.sel $0x180000  }
0x11e: {  	[bflag:$0x0] =	sbarrier.arrive $0xFFFF  }
0x11f: {  	_ =	strace $0x9000004A  }
0x120: {  	s0 =	stileid.u32;
	[bflag:$0x2] =	sbarrier.arrive $0xFFFF  }
0x121: {  	p0 =	sne.s32 s0, $0x0;
	s0 =	rddreg [dreg:$0x1]  }
0x122: {  	s0 =	sadd.s32 @!p0 $0x100000, s0  }
0x123: {  	[sflag:s0] =	ssyncadd.tile.s32 @!p0 $0x1;
	_ =	shalt  }
.Lfunc_end2:
_tile_overlayer_lowered:
.L_overlay_start_2:
0x124: {  	(tag) =	ssettag $0x2  }
0x125: {  	s0 =	rddreg [dreg:$0x0];
	s2 =	stileid.u32  }
0x126: {  	s1 =	rddreg [dreg:$0x1];
	p0 =	sne.s32 s2, $0x0  }
0x127: {  	s3 =	rddreg [dreg:$0x2];
	[bflag:$0x3] =	sbarrier.arrive $0xFFFF;
	s2 =	simm.s32 @!p0 $0x1C03  }
0x128: {  	[timem:s3], [sflag:s2] =	dma.local @!p0 [hbm:s0], s1  }
0x129: {  	s0 =	simm.s32 @!p0 $0x3  }
0x12a: {  	_ =	swait.ge @!p0 [sflag:s0], s1  }
0x12b: {  	s1 =	ssub.s32 @!p0 $0x0, s1;
	[sflag:s0] =	ssyncset.done @!p0 $0x0  }
0x12c: {  	[sflag:s0] =	ssyncadd.s32 @!p0 s1  }
0x12d: {  	[bflag:$0x3] =	sbarrier.arrive $0xFFFF  }
0x12e: {  	_ =	shalt  }

// kernel: kernel.9.cloned.1.call-start
scs
__scs_entry_jumppad:
0x0: {  	(pc) =	sbr.rel $0x88, $3  }
0x1: {  	(tag) =	ssettag $0x0;
	lr =	simm.s32 $0x1  }
0x2: {  	[smem:$0x3F9B] =	sst lr;
	_ =	strace $0xD0000000  }
0x3: {  	_ = 	snop  }
0x4: {  	_ = 	snop  }
0x5: {  	_ = 	snop  }
0x6: {  	_ = 	snop  }
0x7: {  	_ = 	snop  }
__scs_overlays_trampoline_lowered:
0x8: {  	[smem:$0x3FAA] =	sst s0  }
0x9: {  	[smem:$0x3FAB] =	sst s1  }
0xa: {  	[smem:$0x3FAC] =	sst s2  }
0xb: {  	[smem:$0x3FAD] =	sst s3  }
0xc: {  	[smem:$0x3FAE] =	sst s4  }
0xd: {  	[smem:$0x3FAF] =	sst s5  }
0xe: {  	[smem:$0x3FB0] =	sst s6  }
0xf: {  	[smem:$0x3FB1] =	sst s7  }
0x10: {  	[smem:$0x3FB2] =	sst s8  }
0x11: {  	[smem:$0x3FB3] =	sst s9;
	s0 =	simm.s32 @!p0 $0x0  }
0x12: {  	s1 =	sld [smem:$0x3F99];
	s0 =	simm.s32 @p0 $0x1  }
0x13: {  	[smem:$0x3FB4] =	sst s0;
	s0 =	simm.s32 @!p1 $0x0  }
0x14: {  	s2 =	sld [smem:$0x3F98];
	s0 =	simm.s32 @p1 $0x1  }
0x15: {  	[smem:$0x3FB5] =	sst s0;
	s0 =	simm.s32 @!p2 $0x0  }
0x16: {  	s3 =	sld [smem:$0x3FDB];
	s0 =	simm.s32 @p2 $0x1  }
0x17: {  	s4 =	simm.s32 $0x1BF5;
	[smem:$0x3FB7] =	sst s0  }
0x18: {  	s0 =	sld [smem:$0x3F9A];
	_ =	swait.ge [sflag:s4], $0x0  }
0x19: {  	s7 =	sld [smem:$0x3F9B]  }
0x1a: {  	s8 =	sadd.s32 $0xFFFFE003, lr  }
0x1b: {  	s9 =	sadd.s32 $0xFFFFFEF7, lr;
	s5 =	simm.s32 $0xFFFFFFFF;
	p2 =	slt.u32 s8, $0xFFFFF086  }
0x1c: {  	p1 =	slt.u32 s9, $0xF7A;
	s5 =	simm.s32 @!p2 $0x0  }
0x1d: {  	s5 =	simm.s32 @p1 $0x1;
	p0 =	seq.s32 s7, s2  }
0x1e: {  	s7 =	smul.u32 @!p0 $0xF7A, s2;
	p2 =	seq.s32 @!p0 s5, $0x0  }
0x1f: {  	s9 =	smul.u32 $0xF7A, s1;
	s8 =	simm.s32 @!p0 $0x1BF5;
	p2 =	por !p2, p0  }
0x20: {  	[sflag:s8] =	ssyncset.s32 @!p0 $0xFFFFF086;
	s6 =	sadd.s32 @!p0 s3, s7;
	s7 =	simm.s32 @!p0 $0x108  }
0x21: {  	s3 =	sadd.s32 s3, s9;
	s6 =	sadd.s32 @!p0 $0x88, s6;
	s7 =	simm.s32 @p2 $0x1082  }
0x22: {  	[simem:s7], [sflag:s8] =	dma.local @!p0 [hbm:s6], $0xF7A  }
0x23: {  	s9 =	sor.u32 $0xD0000000, s2;
	s6 =	simm.s32 $0x108;
	_ =	swait.ge @!p0 [sflag:s8], $0x0  }
0x24: {  	s3 =	sadd.s32 $0x88, s3;
	s6 =	simm.s32 @!p1 $0x1082;
	[sflag:s4] =	ssyncset.s32 $0xFFFFF086  }
0x25: {  	[simem:s6], [sflag:s4] =	dma.local [hbm:s3], $0xF7A  }
0x26: {  	[smem:$0x3F9B] =	sst s1;
	(tag) =	ssettag s2;
	_ =	strace s9  }
0x27: {  	s1 =	sld [smem:$0x3FAB]  }
0x28: {  	s2 =	sld [smem:$0x3FAC]  }
0x29: {  	s4 =	sld [smem:$0x3FAE]  }
0x2a: {  	p0 =	seq.s32 s5, $0x0;
	s5 =	sld [smem:$0x3FAF]  }
0x2b: {  	s6 =	sld [smem:$0x3FB0]  }
0x2c: {  	s7 =	sld [smem:$0x3FB1]  }
0x2d: {  	s3 =	simm.s32 $0x108;
	s8 =	sld [smem:$0x3FB2]  }
0x2e: {  	s3 =	simm.s32 @!p0 $0x1082;
	s9 =	sld [smem:$0x3FB3]  }
0x2f: {  	lr =	sadd.s32 s0, s3;
	s0 =	sld [smem:$0x3FAA]  }
0x30: {  	s3 =	sld [smem:$0x3FAD]  }
0x31: {  	[smem:$0x3FB6] =	sst s10  }
0x32: {  	s10 =	sld [smem:$0x3FB4];
	_ =	sdelay $0x3  }
0x33: {  	p0 =	seq.s32 s10, $0x1;
	s10 =	sld [smem:$0x3FB6];
	_ =	sdelay $0x3  }
0x34: {  	[smem:$0x3FB6] =	sst s10  }
0x35: {  	s10 =	sld [smem:$0x3FB5];
	_ =	sdelay $0x3  }
0x36: {  	p1 =	seq.s32 s10, $0x1;
	s10 =	sld [smem:$0x3FB6];
	_ =	sdelay $0x3  }
0x37: {  	[smem:$0x3FB6] =	sst s10  }
0x38: {  	s10 =	sld [smem:$0x3FB7]  }
0x39: {  	_ = 	snop;
	(pc) =	sbr.ind lr, $3  }
0x3a: {  	_ = 	snop  }
0x3b: {  	_ = 	snop  }
0x3c: {  	p2 =	seq.s32 s10, $0x1;
	s10 =	sld [smem:$0x3FB6]  }
0x3d: {  	_ =	shalt  }
0x3e: {  	_ =	shalt  }
0x3f: {  	_ =	shalt  }
0x40: {  	_ =	shalt  }
0x41: {  	_ =	shalt  }
0x42: {  	_ =	shalt  }
0x43: {  	_ =	shalt  }
0x44: {  	_ =	shalt  }
0x45: {  	_ =	shalt  }
0x46: {  	_ =	shalt  }
0x47: {  	_ =	shalt  }
0x48: {  	_ =	shalt  }
0x49: {  	_ =	shalt  }
0x4a: {  	_ =	shalt  }
0x4b: {  	_ =	shalt  }
0x4c: {  	_ =	shalt  }
0x4d: {  	_ =	shalt  }
0x4e: {  	_ =	shalt  }
0x4f: {  	_ =	shalt  }
0x50: {  	_ =	shalt  }
0x51: {  	_ =	shalt  }
0x52: {  	_ =	shalt  }
0x53: {  	_ =	shalt  }
0x54: {  	_ =	shalt  }
0x55: {  	_ =	shalt  }
0x56: {  	_ =	shalt  }
0x57: {  	_ =	shalt  }
0x58: {  	_ =	shalt  }
0x59: {  	_ =	shalt  }
0x5a: {  	_ =	shalt  }
0x5b: {  	_ =	shalt  }
0x5c: {  	_ =	shalt  }
0x5d: {  	_ =	shalt  }
0x5e: {  	_ =	shalt  }
0x5f: {  	_ =	shalt  }
0x60: {  	_ =	shalt  }
0x61: {  	_ =	shalt  }
0x62: {  	_ =	shalt  }
0x63: {  	_ =	shalt  }
0x64: {  	_ =	shalt  }
0x65: {  	_ =	shalt  }
0x66: {  	_ =	shalt  }
0x67: {  	_ =	shalt  }
0x68: {  	_ =	shalt  }
0x69: {  	_ =	shalt  }
0x6a: {  	_ =	shalt  }
0x6b: {  	_ =	shalt  }
0x6c: {  	_ =	shalt  }
0x6d: {  	_ =	shalt  }
0x6e: {  	_ =	shalt  }
0x6f: {  	_ =	shalt  }
0x70: {  	_ =	shalt  }
0x71: {  	_ =	shalt  }
0x72: {  	_ =	shalt  }
0x73: {  	_ =	shalt  }
0x74: {  	_ =	shalt  }
0x75: {  	_ =	shalt  }
0x76: {  	_ =	shalt  }
0x77: {  	_ =	shalt  }
0x78: {  	_ =	shalt  }
0x79: {  	_ =	shalt  }
0x7a: {  	_ =	shalt  }
0x7b: {  	_ =	shalt  }
0x7c: {  	_ =	shalt  }
0x7d: {  	_ =	shalt  }
0x7e: {  	_ =	shalt  }
0x7f: {  	_ =	shalt  }
0x80: {  	_ =	shalt  }
0x81: {  	_ =	shalt  }
0x82: {  	_ =	shalt  }
0x83: {  	_ =	shalt  }
0x84: {  	_ =	shalt  }
0x85: {  	_ =	shalt  }
0x86: {  	_ =	shalt  }
0x87: {  	_ =	shalt  }
.Lfunc_end0:
.L_simem_size_0:
called_computation_lowered:
.L_overlay_start_0:
0x88: {  	s2 =	sld [smem:$0x3FD9]  }
0x89: {  	s3 =	sld [smem:$0x3FFE];
	_ =	sdelay $0x1  }
0x8a: {  	s1 =	srdreg.scid  }
0x8b: {  	s0 =	sand.u32 $0x1, s1  }
0x8c: {  	s17 =	sshll.u32 s0, $0xA;
	s2 =	sadd.s32 s3, s2  }
0x8d: {  	s2 =	sadd.s32 s2, s17  }
0x8e: {  	[smem:$0x3FC2] =	sst s2  }
0x8f: {  	_ = 	snop  }
0x90: {  	s2 =	sld [smem:$0x3FD0];
	(tm) =	ssettm $0x1  }
0x91: {  	s18 =	sld [smem:$0x3FFB];
	_ =	sdelay $0x3  }
0x92: {  	_ =	strace s18  }
0x93: {  	s3 =	sld [smem:$0x3FFC];
	_ =	sdelay $0x3  }
0x94: {  	_ =	strace s3  }
0x95: {  	s3 =	sld [smem:$0x3FFD];
	_ =	sdelay $0x3  }
0x96: {  	_ =	strace s3  }
0x97: {  	_ =	strace $0x8FFFFFFF  }
0x98: {  	s19 =	sld [smem:$0x3FDB];
	_ =	sdelay $0x1  }
0x99: {  	s4 =	simm.s32 $_scs_section_size  }
0x9a: {  	s5 =	simm.s32 $_size__tile_overlayer_lowered;
	s6 =	simm.s32 $_tile_overlayer_lowered  }
0x9b: {  	s22 =	simm.s32 $0x1BFF;
	s21 =	sshll.u32 s6, $0x1;
	s3 =	sadd.s32 s4, s19  }
0x9c: {  	s7 =	simm.s32 $0x0;
	s20 =	sshll.u32 s5, $0x1;
	s5 =	sadd.s32 s21, s3  }
0x9d: {  	[timem:s7], [sflag:s22] =	dma.local [hbm:s5], s20  }
0x9e: {  	_ =	swait.ge [sflag:s22], s20  }
0x9f: {  	s4 =	ssub.s32 $0x0, s20;
	[sflag:s22] =	ssyncset.done $0x0  }
0xa0: {  	[sflag:s22] =	ssyncadd.s32 s4;
	_ =	sdelay $0x1  }
0xa1: {  	s23 =	simm.s32 $0x1B8B  }
0xa2: {  	_ =	swait.ge [sflag:s23], $0x1  }
0xa3: {  	[sflag:s23] =	ssyncset.done $0x0  }
0xa4: {  	s25 =	simm.s32 $0x1B8E;
	s24 =	sld [smem:$0x3FFE];
	[sflag:s23] =	ssyncadd.s32 $0xFFFFFFFF  }
0xa5: {  	s26 =	simm.s32 $execute0_lowered;
	[smem:$0x3FD2] =	sst s25  }
0xa6: {  	s5 =	sshll.u32 s26, $0x1;
	_ =	strace $0x80000046;
	[dreg:$0x1] =	wrdreg $0xFFFFFFFF  }
0xa7: {  	s28 =	simm.s32 $_size_execute0_lowered;
	s3 =	sadd.s32 s3, s5;
	[dreg:$0x0] =	wrdreg $0x0  }
0xa8: {  	s5 =	sshll.u32 s28, $0x1;
	[dreg:$0x2] =	wrdreg s3  }
0xa9: {  	[dreg:$0x3] =	wrdreg s5  }
0xaa: {  	[dreg:$0x4] =	wrdreg $0xC0  }
0xab: {  	_ =	task [dreg:s7], $0x5FFFF  }
0xac: {  	[dreg:$0x1] =	wrdreg $0xFFFFFFFF  }
0xad: {  	[dreg:$0x0] =	wrdreg $0x60  }
0xae: {  	[dreg:$0x2] =	wrdreg s24  }
0xaf: {  	[dreg:$0x3] =	wrdreg s2  }
0xb0: {  	[dreg:$0x4] =	wrdreg $0x9  }
0xb1: {  	_ =	task.clear_ibuf [dreg:s7], $0x5FFFF;
	_ =	strace $0x90000046  }
0xb2: {  	s29 =	simm.s32 $0x9;
	_ =	strace $0x80000048  }
0xb3: {  	_ =	swait.ge [sflag:s29], $0x1  }
0xb4: {  	[sflag:s29] =	ssyncadd.s32 $0xFFFFFFFF  }
0xb5: {  	_ =	strace $0x90000048  }
0xb6: {  	_ =	sfence  }
0xb7: {  	s30 =	sld [smem:$0x0];
	_ =	sdelay $0x2  }
0xb8: {  	s31 =	sshll.u32 s1, $0xD;
	s1 =	sshrl.u32 s1, $0x2  }
0xb9: {  	s3 =	sand.u32 $0x4000, s31;
	s1 =	sadd.s32 s1, s30  }
0xba: {  	s0 =	sor.u32 s3, s0;
	s1 =	sshll.u32 s1, $0x11  }
0xbb: {  	s0 =	sor.u32 s1, s0  }
0xbc: {  	s0 =	sadd.s32 $0x8F2B, s0  }
0xbd: {  	[sflag:s0] =	ssyncadd.remote.s32 $0x1  }
0xbe: {  	_ =	sfence.sel $0xFFFF  }
0xbf: {  	[dreg:$0x0] =	wrdreg $0xFFFFFFFF;
	(pc) =	sbr.abs _section_cstart, $3  }
0xc0: {  	[dreg:$0x1] =	wrdreg $0xFFFFFFFF  }
0xc1: {  	_ =	task.clear_ibuf [dreg:s7], $0x2FFFF;
	_ =	strace $0x9FFFFFFF  }
0xc2: {  	(tm) =	ssettm $0x7FFFFFFF  }
0xc3: {  	_ =	shalt  }
tec
execute0_lowered:
.L_overlay_start_1:
0x0: {  	(tag) =	ssettag $0x1  }
0x1: {  	s1 =	srdreg.scid  }
0x2: {  	s0 =	stileid.u32;
	s1 =	sand.u32 $0x1, s1  }
0x3: {  	s3 =	sshll.u32 s0, $0xC;
	s5 =	sshll.u32 s1, $0xB  }
0x4: {  	s4 =	rddreg [dreg:$0x0];
	s5 =	sor.u32 s5, s3  }
0x5: {  	s2 =	rddreg [dreg:$0x1];
	s6 =	sshrl.u32 s5, $0x3  }
0x6: {  	s3 =	simm.s32 $0x0;
	s5 =	sshll.u32 s5, $0x4;
	s6 =	sadd.s32 s6, s4  }
0x7: {  	[smem:$0x7FF] =	sst s3;
	s31 =	sadd.s32 s5, s4;
	s16 =	sadd.s32 $0x2000, s6  }
0x8: {  	_ =	strace $0x80000047;
	s17 =	sadd.s32 $0x14000, s31;
	[dreg:$0x3] =	wrdreg s16  }
0x9: {  	s18 =	sadd.s32 $0x14800, s31;
	[dreg:$0x4] =	wrdreg s17  }
0xa: {  	s19 =	sadd.s32 $0x15000, s31;
	[dreg:$0x5] =	wrdreg s18  }
0xb: {  	s20 =	sadd.s32 $0x15800, s31;
	[dreg:$0x6] =	wrdreg s19  }
0xc: {  	s21 =	sadd.s32 $0x16000, s31;
	[dreg:$0x7] =	wrdreg s20  }
0xd: {  	s22 =	sadd.s32 $0x16800, s31;
	[dreg:$0x8] =	wrdreg s21  }
0xe: {  	s23 =	sadd.s32 $0x17000, s31;
	[dreg:$0x9] =	wrdreg s22  }
0xf: {  	s24 =	sadd.s32 $0x17800, s31;
	[dreg:$0xa] =	wrdreg s23  }
0x10: {  	s26 =	sadd.s32 $0x18000, s31;
	[dreg:$0xb] =	wrdreg s24  }
0x11: {  	[dreg:$0xc] =	wrdreg s26  }
0x12: {  	s4 =	simm.s32 $0x3;
	s25 =	rddreg [dreg:$0x3]  }
0x13: {  	[tilespmem:s3], [sflag:$0x3] =	stream.linear.gather [hbm4b:s25+s3], $0x800, $0x38;
	[tilespmem:$0x8800] =	vst v63  }
0x14: {  	_ =	swait.ge [sflag:s4], $0x800  }
0x15: {  	[sflag:s4] =	ssyncset.done $0x0  }
0x16: {  	s5 =	simm.s32 $0x80;
	s6 =	simm.s32 $0x800;
	[sflag:s4] =	ssyncadd.s32 $0xFFFFF800  }
0x17: {  	[tilespmem:s6], [sflag:$0x1] =	stream.indirect.gather [hbm4b:s2+s5], $0x80, s3, s5, $0xb8;
	[tilespmem:$0x8800] =	vst v63  }
0x18: {  	s7 =	simm.s32 $0x4800;
	s8 =	simm.s32 $0x1  }
0x19: {  	[tilespmem:s7], [sflag:$0x2] =	stream.indirect.gather [hbm4b:s2+s5], $0x80, s5, s5, $0xb8;
	[tilespmem:$0x8800] =	vst v63  }
0x1a: {  	_ =	swait.ge [sflag:s8], $0x4000  }
0x1b: {  	[sflag:s8] =	ssyncset.done $0x0  }
0x1c: {  	s9 =	rddreg [dreg:$0x4];
	[sflag:s8] =	ssyncadd.s32 $0xFFFFC000  }
0x1d: {  	[hbm4b:s9+s3] =	stream.linear.scatter [tilespmem:s6], [sflag:$0x3], $0x4000, $0x38;
	[tilespmem:$0x8800] =	vst v63  }
0x1e: {  	_ =	swait.ge [sflag:s4], $0x4000  }
0x1f: {  	[sflag:s4] =	ssyncset.done $0x0  }
0x20: {  	s10 =	simm.s32 $0x2;
	s9 =	simm.s32 $0x100;
	[sflag:s4] =	ssyncadd.s32 $0xFFFFC000  }
0x21: {  	[tilespmem:s6], [sflag:$0x1] =	stream.indirect.gather [hbm4b:s2+s5], $0x80, s9, s5, $0xb8;
	[tilespmem:$0x8800] =	vst v63  }
0x22: {  	_ =	swait.ge [sflag:s10], $0x4000  }
0x23: {  	[sflag:s10] =	ssyncset.done $0x0  }
0x24: {  	s11 =	rddreg [dreg:$0x5];
	[sflag:s10] =	ssyncadd.s32 $0xFFFFC000  }
0x25: {  	[hbm4b:s11+s3] =	stream.linear.scatter [tilespmem:s7], [sflag:$0x3], $0x4000, $0x38;
	[tilespmem:$0x8800] =	vst v63  }
0x26: {  	_ =	swait.ge [sflag:s4], $0x4000  }
0x27: {  	[sflag:s4] =	ssyncset.done $0x0  }
0x28: {  	s11 =	simm.s32 $0x180;
	[sflag:s4] =	ssyncadd.s32 $0xFFFFC000  }
0x29: {  	[tilespmem:s7], [sflag:$0x2] =	stream.indirect.gather [hbm4b:s2+s5], $0x80, s11, s5, $0xb8;
	[tilespmem:$0x8800] =	vst v63  }
0x2a: {  	_ =	swait.ge [sflag:s8], $0x4000  }
0x2b: {  	[sflag:s8] =	ssyncset.done $0x0  }
0x2c: {  	s12 =	rddreg [dreg:$0x6];
	[sflag:s8] =	ssyncadd.s32 $0xFFFFC000  }
0x2d: {  	[hbm4b:s12+s3] =	stream.linear.scatter [tilespmem:s6], [sflag:$0x3], $0x4000, $0x38;
	[tilespmem:$0x8800] =	vst v63  }
0x2e: {  	_ =	swait.ge [sflag:s4], $0x4000  }
0x2f: {  	[sflag:s4] =	ssyncset.done $0x0  }
0x30: {  	s12 =	simm.s32 $0x200;
	[sflag:s4] =	ssyncadd.s32 $0xFFFFC000  }
0x31: {  	[tilespmem:s6], [sflag:$0x1] =	stream.indirect.gather [hbm4b:s2+s5], $0x80, s12, s5, $0xb8;
	[tilespmem:$0x8800] =	vst v63  }
0x32: {  	_ =	swait.ge [sflag:s10], $0x4000  }
0x33: {  	[sflag:s10] =	ssyncset.done $0x0  }
0x34: {  	s13 =	rddreg [dreg:$0x7];
	[sflag:s10] =	ssyncadd.s32 $0xFFFFC000  }
0x35: {  	[hbm4b:s13+s3] =	stream.linear.scatter [tilespmem:s7], [sflag:$0x3], $0x4000, $0x38;
	[tilespmem:$0x8800] =	vst v63  }
0x36: {  	_ =	swait.ge [sflag:s4], $0x4000  }
0x37: {  	[sflag:s4] =	ssyncset.done $0x0  }
0x38: {  	s13 =	simm.s32 $0x280;
	[sflag:s4] =	ssyncadd.s32 $0xFFFFC000  }
0x39: {  	[tilespmem:s7], [sflag:$0x2] =	stream.indirect.gather [hbm4b:s2+s5], $0x80, s13, s5, $0xb8;
	[tilespmem:$0x8800] =	vst v63  }
0x3a: {  	_ =	swait.ge [sflag:s8], $0x4000  }
0x3b: {  	[sflag:s8] =	ssyncset.done $0x0  }
0x3c: {  	s14 =	rddreg [dreg:$0x8];
	[sflag:s8] =	ssyncadd.s32 $0xFFFFC000  }
0x3d: {  	[hbm4b:s14+s3] =	stream.linear.scatter [tilespmem:s6], [sflag:$0x3], $0x4000, $0x38;
	[tilespmem:$0x8800] =	vst v63  }
0x3e: {  	_ =	swait.ge [sflag:s4], $0x4000  }
0x3f: {  	[sflag:s4] =	ssyncset.done $0x0  }
0x40: {  	s14 =	simm.s32 $0x300;
	[sflag:s4] =	ssyncadd.s32 $0xFFFFC000  }
0x41: {  	[tilespmem:s6], [sflag:$0x1] =	stream.indirect.gather [hbm4b:s2+s5], $0x80, s14, s5, $0xb8;
	[tilespmem:$0x8800] =	vst v63  }
0x42: {  	_ =	swait.ge [sflag:s10], $0x4000  }
0x43: {  	[sflag:s10] =	ssyncset.done $0x0  }
0x44: {  	s15 =	rddreg [dreg:$0x9];
	[sflag:s10] =	ssyncadd.s32 $0xFFFFC000  }
0x45: {  	[hbm4b:s15+s3] =	stream.linear.scatter [tilespmem:s7], [sflag:$0x3], $0x4000, $0x38;
	[tilespmem:$0x8800] =	vst v63  }
0x46: {  	_ =	swait.ge [sflag:s4], $0x4000  }
0x47: {  	[sflag:s4] =	ssyncset.done $0x0  }
0x48: {  	s15 =	simm.s32 $0x380;
	[sflag:s4] =	ssyncadd.s32 $0xFFFFC000  }
0x49: {  	[tilespmem:s7], [sflag:$0x2] =	stream.indirect.gather [hbm4b:s2+s5], $0x80, s15, s5, $0xb8;
	[tilespmem:$0x8800] =	vst v63  }
0x4a: {  	_ =	swait.ge [sflag:s8], $0x4000  }
0x4b: {  	[sflag:s8] =	ssyncset.done $0x0  }
0x4c: {  	s16 =	rddreg [dreg:$0xa];
	[sflag:s8] =	ssyncadd.s32 $0xFFFFC000  }
0x4d: {  	[hbm4b:s16+s3] =	stream.linear.scatter [tilespmem:s6], [sflag:$0x3], $0x4000, $0x38;
	[tilespmem:$0x8800] =	vst v63  }
0x4e: {  	_ =	swait.ge [sflag:s4], $0x4000  }
0x4f: {  	[sflag:s4] =	ssyncset.done $0x0  }
0x50: {  	s16 =	simm.s32 $0x400;
	[sflag:s4] =	ssyncadd.s32 $0xFFFFC000  }
0x51: {  	[tilespmem:s6], [sflag:$0x1] =	stream.indirect.gather [hbm4b:s2+s5], $0x80, s16, s5, $0xb8;
	[tilespmem:$0x8800] =	vst v63  }
0x52: {  	_ =	swait.ge [sflag:s10], $0x4000  }
0x53: {  	[sflag:s10] =	ssyncset.done $0x0  }
0x54: {  	s17 =	rddreg [dreg:$0xb];
	[sflag:s10] =	ssyncadd.s32 $0xFFFFC000  }
0x55: {  	[hbm4b:s17+s3] =	stream.linear.scatter [tilespmem:s7], [sflag:$0x3], $0x4000, $0x38;
	[tilespmem:$0x8800] =	vst v63  }
0x56: {  	_ =	swait.ge [sflag:s4], $0x4000  }
0x57: {  	[sflag:s4] =	ssyncset.done $0x0  }
0x58: {  	s17 =	simm.s32 $0x480;
	[sflag:s4] =	ssyncadd.s32 $0xFFFFC000  }
0x59: {  	[tilespmem:s7], [sflag:$0x2] =	stream.indirect.gather [hbm4b:s2+s5], $0x80, s17, s5, $0xb8;
	[tilespmem:$0x8800] =	vst v63  }
0x5a: {  	_ =	swait.ge [sflag:s8], $0x4000  }
0x5b: {  	[sflag:s8] =	ssyncset.done $0x0  }
0x5c: {  	s18 =	rddreg [dreg:$0xc];
	[sflag:s8] =	ssyncadd.s32 $0xFFFFC000  }
0x5d: {  	[hbm4b:s18+s3] =	stream.linear.scatter [tilespmem:s6], [sflag:$0x3], $0x4000, $0x38;
	[tilespmem:$0x8800] =	vst v63  }
0x5e: {  	_ =	swait.ge [sflag:s4], $0x4000  }
0x5f: {  	[sflag:s4] =	ssyncset.done $0x0  }
0x60: {  	s18 =	simm.s32 $0x500;
	[sflag:s4] =	ssyncadd.s32 $0xFFFFC000  }
0x61: {  	[tilespmem:s6], [sflag:$0x1] =	stream.indirect.gather [hbm4b:s2+s5], $0x80, s18, s5, $0xb8;
	[tilespmem:$0x8800] =	vst v63  }
0x62: {  	_ =	swait.ge [sflag:s10], $0x4000  }
0x63: {  	[sflag:s10] =	ssyncset.done $0x0  }
0x64: {  	s19 =	sadd.s32 $0x18800, s31;
	[sflag:s10] =	ssyncadd.s32 $0xFFFFC000  }
0x65: {  	[hbm4b:s19+s3] =	stream.linear.scatter [tilespmem:s7], [sflag:$0x3], $0x4000, $0x38;
	[tilespmem:$0x8800] =	vst v63  }
0x66: {  	_ =	swait.ge [sflag:s4], $0x4000  }
0x67: {  	[sflag:s4] =	ssyncset.done $0x0  }
0x68: {  	s20 =	simm.s32 $0x580;
	[sflag:s4] =	ssyncadd.s32 $0xFFFFC000  }
0x69: {  	[tilespmem:s7], [sflag:$0x2] =	stream.indirect.gather [hbm4b:s2+s5], $0x80, s20, s5, $0xb8;
	[tilespmem:$0x8800] =	vst v63  }
0x6a: {  	_ =	swait.ge [sflag:s8], $0x4000  }
0x6b: {  	[sflag:s8] =	ssyncset.done $0x0  }
0x6c: {  	s21 =	sadd.s32 $0x19000, s31;
	[sflag:s8] =	ssyncadd.s32 $0xFFFFC000  }
0x6d: {  	[hbm4b:s21+s3] =	stream.linear.scatter [tilespmem:s6], [sflag:$0x3], $0x4000, $0x38;
	[tilespmem:$0x8800] =	vst v63  }
0x6e: {  	_ =	swait.ge [sflag:s4], $0x4000  }
0x6f: {  	[sflag:s4] =	ssyncset.done $0x0  }
0x70: {  	s22 =	simm.s32 $0x600;
	[sflag:s4] =	ssyncadd.s32 $0xFFFFC000  }
0x71: {  	[tilespmem:s6], [sflag:$0x1] =	stream.indirect.gather [hbm4b:s2+s5], $0x80, s22, s5, $0xb8;
	[tilespmem:$0x8800] =	vst v63  }
0x72: {  	_ =	swait.ge [sflag:s10], $0x4000  }
0x73: {  	[sflag:s10] =	ssyncset.done $0x0  }
0x74: {  	s23 =	sadd.s32 $0x19800, s31;
	[sflag:s10] =	ssyncadd.s32 $0xFFFFC000  }
0x75: {  	[hbm4b:s23+s3] =	stream.linear.scatter [tilespmem:s7], [sflag:$0x3], $0x4000, $0x38;
	[tilespmem:$0x8800] =	vst v63  }
0x76: {  	_ =	swait.ge [sflag:s4], $0x4000  }
0x77: {  	[sflag:s4] =	ssyncset.done $0x0  }
0x78: {  	s24 =	simm.s32 $0x680;
	[sflag:s4] =	ssyncadd.s32 $0xFFFFC000  }
0x79: {  	[tilespmem:s7], [sflag:$0x2] =	stream.indirect.gather [hbm4b:s2+s5], $0x80, s24, s5, $0xb8;
	[tilespmem:$0x8800] =	vst v63  }
0x7a: {  	_ =	swait.ge [sflag:s8], $0x4000  }
0x7b: {  	[sflag:s8] =	ssyncset.done $0x0  }
0x7c: {  	s25 =	sadd.s32 $0x1A000, s31;
	[sflag:s8] =	ssyncadd.s32 $0xFFFFC000  }
0x7d: {  	[hbm4b:s25+s3] =	stream.linear.scatter [tilespmem:s6], [sflag:$0x3], $0x4000, $0x38;
	[tilespmem:$0x8800] =	vst v63  }
0x7e: {  	_ =	swait.ge [sflag:s4], $0x4000  }
0x7f: {  	[sflag:s4] =	ssyncset.done $0x0  }
0x80: {  	s26 =	simm.s32 $0x700;
	[sflag:s4] =	ssyncadd.s32 $0xFFFFC000  }
0x81: {  	[tilespmem:s6], [sflag:$0x1] =	stream.indirect.gather [hbm4b:s2+s5], $0x80, s26, s5, $0xb8;
	[tilespmem:$0x8800] =	vst v63  }
0x82: {  	_ =	swait.ge [sflag:s10], $0x4000  }
0x83: {  	[sflag:s10] =	ssyncset.done $0x0  }
0x84: {  	s28 =	sadd.s32 $0x1A800, s31;
	[sflag:s10] =	ssyncadd.s32 $0xFFFFC000  }
0x85: {  	[hbm4b:s28+s3] =	stream.linear.scatter [tilespmem:s7], [sflag:$0x3], $0x4000, $0x38;
	[tilespmem:$0x8800] =	vst v63  }
0x86: {  	_ =	swait.ge [sflag:s4], $0x4000  }
0x87: {  	[sflag:s4] =	ssyncset.done $0x0  }
0x88: {  	s29 =	simm.s32 $0x780;
	[sflag:s4] =	ssyncadd.s32 $0xFFFFC000  }
0x89: {  	[tilespmem:s7], [sflag:$0x2] =	stream.indirect.gather [hbm4b:s2+s5], $0x80, s29, s5, $0xb8;
	[tilespmem:$0x8800] =	vst v63  }
0x8a: {  	_ =	swait.ge [sflag:s8], $0x4000  }
0x8b: {  	s1 =	ssub.s32 $0x2, s1;
	[sflag:s8] =	ssyncset.done $0x0  }
0x8c: {  	s0 =	sshrl.u32 s1, $0x1;
	s30 =	sadd.s32 $0x1B000, s31;
	[sflag:s8] =	ssyncadd.s32 $0xFFFFC000  }
0x8d: {  	[hbm4b:s30+s3] =	stream.linear.scatter [tilespmem:s6], [sflag:$0x3], $0x4000, $0x38;
	[tilespmem:$0x8800] =	vst v63  }
0x8e: {  	s0 =	ssub.s32 s1, s0;
	_ =	swait.ge [sflag:s4], $0x4000  }
0x8f: {  	s0 =	smax.u32 s0, $0x1;
	[sflag:s4] =	ssyncset.done $0x0  }
0x90: {  	p0 =	sne.s32 s0, $0x1;
	[sflag:s4] =	ssyncadd.s32 $0xFFFFC000  }
.Ltmp0:
0x91: {  	_ =	swait.ge [sflag:s10], $0x4000;
	(pc) =	sbr.rel @!p0 .LBB2_2-.Ltmp0, $4  }
0x92: {  	[sflag:s10] =	ssyncset.done $0x0  }
0x93: {  	s31 =	sadd.s32 $0x1B800, s31;
	[sflag:s10] =	ssyncadd.s32 $0xFFFFC000  }
0x94: {  	[hbm4b:s31+s3] =	stream.linear.scatter [tilespmem:s7], [sflag:$0x3], $0x4000, $0x38;
	[tilespmem:$0x8800] =	vst v63  }
0x95: {  	s1 =	sadd.s32 $0xFFFFFFFF, s0;
	_ =	swait.ge [sflag:s4], $0x4000  }
.LBB2_1:
0x96: {  	[sflag:s4] =	ssyncset.done $0x0  }
0x97: {  	s0 =	rddreg [dreg:$0x3];
	[sflag:s4] =	ssyncadd.s32 $0xFFFFC000  }
0x98: {  	[tilespmem:s3], [sflag:$0x3] =	stream.linear.gather [hbm4b:s0+s3], $0x800, $0x38;
	[tilespmem:$0x8800] =	vst v63  }
0x99: {  	_ =	swait.ge [sflag:s4], $0x800  }
0x9a: {  	[sflag:s4] =	ssyncset.done $0x0  }
0x9b: {  	[sflag:s4] =	ssyncadd.s32 $0xFFFFF800  }
0x9c: {  	[tilespmem:s6], [sflag:$0x1] =	stream.indirect.gather [hbm4b:s2+s5], $0x80, s3, s5, $0xb8;
	[tilespmem:$0x8800] =	vst v63  }
0x9d: {  	_ = 	snop  }
0x9e: {  	[tilespmem:s7], [sflag:$0x2] =	stream.indirect.gather [hbm4b:s2+s5], $0x80, s5, s5, $0xb8;
	[tilespmem:$0x8800] =	vst v63  }
0x9f: {  	_ =	swait.ge [sflag:s8], $0x4000  }
0xa0: {  	[sflag:s8] =	ssyncset.done $0x0  }
0xa1: {  	s0 =	rddreg [dreg:$0x4];
	[sflag:s8] =	ssyncadd.s32 $0xFFFFC000  }
0xa2: {  	[hbm4b:s0+s3] =	stream.linear.scatter [tilespmem:s6], [sflag:$0x3], $0x4000, $0x38;
	[tilespmem:$0x8800] =	vst v63  }
0xa3: {  	_ =	swait.ge [sflag:s4], $0x4000  }
0xa4: {  	[sflag:s4] =	ssyncset.done $0x0  }
0xa5: {  	[sflag:s4] =	ssyncadd.s32 $0xFFFFC000  }
0xa6: {  	[tilespmem:s6], [sflag:$0x1] =	stream.indirect.gather [hbm4b:s2+s5], $0x80, s9, s5, $0xb8;
	[tilespmem:$0x8800] =	vst v63  }
0xa7: {  	_ =	swait.ge [sflag:s10], $0x4000  }
0xa8: {  	[sflag:s10] =	ssyncset.done $0x0  }
0xa9: {  	s0 =	rddreg [dreg:$0x5];
	[sflag:s10] =	ssyncadd.s32 $0xFFFFC000  }
0xaa: {  	[hbm4b:s0+s3] =	stream.linear.scatter [tilespmem:s7], [sflag:$0x3], $0x4000, $0x38;
	[tilespmem:$0x8800] =	vst v63  }
0xab: {  	_ =	swait.ge [sflag:s4], $0x4000  }
0xac: {  	[sflag:s4] =	ssyncset.done $0x0  }
0xad: {  	[sflag:s4] =	ssyncadd.s32 $0xFFFFC000  }
0xae: {  	[tilespmem:s7], [sflag:$0x2] =	stream.indirect.gather [hbm4b:s2+s5], $0x80, s11, s5, $0xb8;
	[tilespmem:$0x8800] =	vst v63  }
0xaf: {  	_ =	swait.ge [sflag:s8], $0x4000  }
0xb0: {  	[sflag:s8] =	ssyncset.done $0x0  }
0xb1: {  	s0 =	rddreg [dreg:$0x6];
	[sflag:s8] =	ssyncadd.s32 $0xFFFFC000  }
0xb2: {  	[hbm4b:s0+s3] =	stream.linear.scatter [tilespmem:s6], [sflag:$0x3], $0x4000, $0x38;
	[tilespmem:$0x8800] =	vst v63  }
0xb3: {  	_ =	swait.ge [sflag:s4], $0x4000  }
0xb4: {  	[sflag:s4] =	ssyncset.done $0x0  }
0xb5: {  	[sflag:s4] =	ssyncadd.s32 $0xFFFFC000  }
0xb6: {  	[tilespmem:s6], [sflag:$0x1] =	stream.indirect.gather [hbm4b:s2+s5], $0x80, s12, s5, $0xb8;
	[tilespmem:$0x8800] =	vst v63  }
0xb7: {  	_ =	swait.ge [sflag:s10], $0x4000  }
0xb8: {  	[sflag:s10] =	ssyncset.done $0x0  }
0xb9: {  	s0 =	rddreg [dreg:$0x7];
	[sflag:s10] =	ssyncadd.s32 $0xFFFFC000  }
0xba: {  	[hbm4b:s0+s3] =	stream.linear.scatter [tilespmem:s7], [sflag:$0x3], $0x4000, $0x38;
	[tilespmem:$0x8800] =	vst v63  }
0xbb: {  	_ =	swait.ge [sflag:s4], $0x4000  }
0xbc: {  	[sflag:s4] =	ssyncset.done $0x0  }
0xbd: {  	[sflag:s4] =	ssyncadd.s32 $0xFFFFC000  }
0xbe: {  	[tilespmem:s7], [sflag:$0x2] =	stream.indirect.gather [hbm4b:s2+s5], $0x80, s13, s5, $0xb8;
	[tilespmem:$0x8800] =	vst v63  }
0xbf: {  	_ =	swait.ge [sflag:s8], $0x4000  }
0xc0: {  	[sflag:s8] =	ssyncset.done $0x0  }
0xc1: {  	s0 =	rddreg [dreg:$0x8];
	[sflag:s8] =	ssyncadd.s32 $0xFFFFC000  }
0xc2: {  	[hbm4b:s0+s3] =	stream.linear.scatter [tilespmem:s6], [sflag:$0x3], $0x4000, $0x38;
	[tilespmem:$0x8800] =	vst v63  }
0xc3: {  	_ =	swait.ge [sflag:s4], $0x4000  }
0xc4: {  	[sflag:s4] =	ssyncset.done $0x0  }
0xc5: {  	[sflag:s4] =	ssyncadd.s32 $0xFFFFC000  }
0xc6: {  	[tilespmem:s6], [sflag:$0x1] =	stream.indirect.gather [hbm4b:s2+s5], $0x80, s14, s5, $0xb8;
	[tilespmem:$0x8800] =	vst v63  }
0xc7: {  	_ =	swait.ge [sflag:s10], $0x4000  }
0xc8: {  	[sflag:s10] =	ssyncset.done $0x0  }
0xc9: {  	s0 =	rddreg [dreg:$0x9];
	[sflag:s10] =	ssyncadd.s32 $0xFFFFC000  }
0xca: {  	[hbm4b:s0+s3] =	stream.linear.scatter [tilespmem:s7], [sflag:$0x3], $0x4000, $0x38;
	[tilespmem:$0x8800] =	vst v63  }
0xcb: {  	_ =	swait.ge [sflag:s4], $0x4000  }
0xcc: {  	[sflag:s4] =	ssyncset.done $0x0  }
0xcd: {  	[sflag:s4] =	ssyncadd.s32 $0xFFFFC000  }
0xce: {  	[tilespmem:s7], [sflag:$0x2] =	stream.indirect.gather [hbm4b:s2+s5], $0x80, s15, s5, $0xb8;
	[tilespmem:$0x8800] =	vst v63  }
0xcf: {  	_ =	swait.ge [sflag:s8], $0x4000  }
0xd0: {  	[sflag:s8] =	ssyncset.done $0x0  }
0xd1: {  	s0 =	rddreg [dreg:$0xa];
	[sflag:s8] =	ssyncadd.s32 $0xFFFFC000  }
0xd2: {  	[hbm4b:s0+s3] =	stream.linear.scatter [tilespmem:s6], [sflag:$0x3], $0x4000, $0x38;
	[tilespmem:$0x8800] =	vst v63  }
0xd3: {  	_ =	swait.ge [sflag:s4], $0x4000  }
0xd4: {  	[sflag:s4] =	ssyncset.done $0x0  }
0xd5: {  	[sflag:s4] =	ssyncadd.s32 $0xFFFFC000  }
0xd6: {  	[tilespmem:s6], [sflag:$0x1] =	stream.indirect.gather [hbm4b:s2+s5], $0x80, s16, s5, $0xb8;
	[tilespmem:$0x8800] =	vst v63  }
0xd7: {  	_ =	swait.ge [sflag:s10], $0x4000  }
0xd8: {  	[sflag:s10] =	ssyncset.done $0x0  }
0xd9: {  	s0 =	rddreg [dreg:$0xb];
	[sflag:s10] =	ssyncadd.s32 $0xFFFFC000  }
0xda: {  	[hbm4b:s0+s3] =	stream.linear.scatter [tilespmem:s7], [sflag:$0x3], $0x4000, $0x38;
	[tilespmem:$0x8800] =	vst v63  }
0xdb: {  	_ =	swait.ge [sflag:s4], $0x4000  }
0xdc: {  	[sflag:s4] =	ssyncset.done $0x0  }
0xdd: {  	[sflag:s4] =	ssyncadd.s32 $0xFFFFC000  }
0xde: {  	[tilespmem:s7], [sflag:$0x2] =	stream.indirect.gather [hbm4b:s2+s5], $0x80, s17, s5, $0xb8;
	[tilespmem:$0x8800] =	vst v63  }
0xdf: {  	_ =	swait.ge [sflag:s8], $0x4000  }
0xe0: {  	[sflag:s8] =	ssyncset.done $0x0  }
0xe1: {  	s0 =	rddreg [dreg:$0xc];
	[sflag:s8] =	ssyncadd.s32 $0xFFFFC000  }
0xe2: {  	[hbm4b:s0+s3] =	stream.linear.scatter [tilespmem:s6], [sflag:$0x3], $0x4000, $0x38;
	[tilespmem:$0x8800] =	vst v63  }
0xe3: {  	_ =	swait.ge [sflag:s4], $0x4000  }
0xe4: {  	[sflag:s4] =	ssyncset.done $0x0  }
0xe5: {  	[sflag:s4] =	ssyncadd.s32 $0xFFFFC000  }
0xe6: {  	[tilespmem:s6], [sflag:$0x1] =	stream.indirect.gather [hbm4b:s2+s5], $0x80, s18, s5, $0xb8;
	[tilespmem:$0x8800] =	vst v63  }
0xe7: {  	_ =	swait.ge [sflag:s10], $0x4000  }
0xe8: {  	[sflag:s10] =	ssyncset.done $0x0  }
0xe9: {  	[sflag:s10] =	ssyncadd.s32 $0xFFFFC000  }
0xea: {  	[hbm4b:s19+s3] =	stream.linear.scatter [tilespmem:s7], [sflag:$0x3], $0x4000, $0x38;
	[tilespmem:$0x8800] =	vst v63  }
0xeb: {  	_ =	swait.ge [sflag:s4], $0x4000  }
0xec: {  	[sflag:s4] =	ssyncset.done $0x0  }
0xed: {  	[sflag:s4] =	ssyncadd.s32 $0xFFFFC000  }
0xee: {  	[tilespmem:s7], [sflag:$0x2] =	stream.indirect.gather [hbm4b:s2+s5], $0x80, s20, s5, $0xb8;
	[tilespmem:$0x8800] =	vst v63  }
0xef: {  	_ =	swait.ge [sflag:s8], $0x4000  }
0xf0: {  	[sflag:s8] =	ssyncset.done $0x0  }
0xf1: {  	[sflag:s8] =	ssyncadd.s32 $0xFFFFC000  }
0xf2: {  	[hbm4b:s21+s3] =	stream.linear.scatter [tilespmem:s6], [sflag:$0x3], $0x4000, $0x38;
	[tilespmem:$0x8800] =	vst v63  }
0xf3: {  	_ =	swait.ge [sflag:s4], $0x4000  }
0xf4: {  	[sflag:s4] =	ssyncset.done $0x0  }
0xf5: {  	[sflag:s4] =	ssyncadd.s32 $0xFFFFC000  }
0xf6: {  	[tilespmem:s6], [sflag:$0x1] =	stream.indirect.gather [hbm4b:s2+s5], $0x80, s22, s5, $0xb8;
	[tilespmem:$0x8800] =	vst v63  }
0xf7: {  	_ =	swait.ge [sflag:s10], $0x4000  }
0xf8: {  	[sflag:s10] =	ssyncset.done $0x0  }
0xf9: {  	[sflag:s10] =	ssyncadd.s32 $0xFFFFC000  }
0xfa: {  	[hbm4b:s23+s3] =	stream.linear.scatter [tilespmem:s7], [sflag:$0x3], $0x4000, $0x38;
	[tilespmem:$0x8800] =	vst v63  }
0xfb: {  	_ =	swait.ge [sflag:s4], $0x4000  }
0xfc: {  	[sflag:s4] =	ssyncset.done $0x0  }
0xfd: {  	[sflag:s4] =	ssyncadd.s32 $0xFFFFC000  }
0xfe: {  	[tilespmem:s7], [sflag:$0x2] =	stream.indirect.gather [hbm4b:s2+s5], $0x80, s24, s5, $0xb8;
	[tilespmem:$0x8800] =	vst v63  }
0xff: {  	_ =	swait.ge [sflag:s8], $0x4000  }
0x100: {  	[sflag:s8] =	ssyncset.done $0x0  }
0x101: {  	[sflag:s8] =	ssyncadd.s32 $0xFFFFC000  }
0x102: {  	[hbm4b:s25+s3] =	stream.linear.scatter [tilespmem:s6], [sflag:$0x3], $0x4000, $0x38;
	[tilespmem:$0x8800] =	vst v63  }
0x103: {  	_ =	swait.ge [sflag:s4], $0x4000  }
0x104: {  	[sflag:s4] =	ssyncset.done $0x0  }
0x105: {  	[sflag:s4] =	ssyncadd.s32 $0xFFFFC000  }
0x106: {  	[tilespmem:s6], [sflag:$0x1] =	stream.indirect.gather [hbm4b:s2+s5], $0x80, s26, s5, $0xb8;
	[tilespmem:$0x8800] =	vst v63  }
0x107: {  	_ =	swait.ge [sflag:s10], $0x4000  }
0x108: {  	[sflag:s10] =	ssyncset.done $0x0  }
0x109: {  	[sflag:s10] =	ssyncadd.s32 $0xFFFFC000  }
0x10a: {  	[hbm4b:s28+s3] =	stream.linear.scatter [tilespmem:s7], [sflag:$0x3], $0x4000, $0x38;
	[tilespmem:$0x8800] =	vst v63  }
0x10b: {  	_ =	swait.ge [sflag:s4], $0x4000  }
0x10c: {  	[sflag:s4] =	ssyncset.done $0x0  }
0x10d: {  	[sflag:s4] =	ssyncadd.s32 $0xFFFFC000  }
0x10e: {  	[tilespmem:s7], [sflag:$0x2] =	stream.indirect.gather [hbm4b:s2+s5], $0x80, s29, s5, $0xb8;
	[tilespmem:$0x8800] =	vst v63  }
0x10f: {  	_ =	swait.ge [sflag:s8], $0x4000  }
0x110: {  	[sflag:s8] =	ssyncset.done $0x0  }
0x111: {  	[sflag:s8] =	ssyncadd.s32 $0xFFFFC000  }
0x112: {  	[hbm4b:s30+s3] =	stream.linear.scatter [tilespmem:s6], [sflag:$0x3], $0x4000, $0x38;
	[tilespmem:$0x8800] =	vst v63  }
0x113: {  	_ =	swait.ge [sflag:s4], $0x4000  }
0x114: {  	[sflag:s4] =	ssyncset.done $0x0  }
0x115: {  	p0 =	sne.s32 s1, $0x1;
	[sflag:s4] =	ssyncadd.s32 $0xFFFFC000  }
.Ltmp1:
0x116: {  	_ =	swait.ge [sflag:s10], $0x4000;
	(pc) =	sbr.rel @p0 .LBB2_1-.Ltmp1, $4  }
0x117: {  	[sflag:s10] =	ssyncset.done $0x0  }
0x118: {  	[sflag:s10] =	ssyncadd.s32 $0xFFFFC000  }
0x119: {  	[hbm4b:s31+s3] =	stream.linear.scatter [tilespmem:s7], [sflag:$0x3], $0x4000, $0x38;
	[tilespmem:$0x8800] =	vst v63  }
0x11a: {  	s1 =	sadd.s32 $0xFFFFFFFF, s1;
	_ =	swait.ge [sflag:s4], $0x4000  }
.LBB2_2:
0x11b: {  	[sflag:s4] =	ssyncset.done $0x0  }
0x11c: {  	[sflag:s4] =	ssyncadd.s32 $0xFFFFC000  }
0x11d: {  	_ =	sfence.sel $0x180000  }
0x11e: {  	[bflag:$0x0] =	sbarrier.arrive $0xFFFF  }
0x11f: {  	_ =	strace $0x90000047  }
0x120: {  	s0 =	stileid.u32;
	[bflag:$0x2] =	sbarrier.arrive $0xFFFF  }
0x121: {  	p0 =	sne.s32 s0, $0x0;
	s0 =	rddreg [dreg:$0x2]  }
0x122: {  	s0 =	sadd.s32 @!p0 $0x100000, s0  }
0x123: {  	[sflag:s0] =	ssyncadd.tile.s32 @!p0 $0x1;
	_ =	shalt  }
.Lfunc_end2:
_tile_overlayer_lowered:
.L_overlay_start_2:
0x124: {  	(tag) =	ssettag $0x2  }
0x125: {  	s0 =	rddreg [dreg:$0x0];
	s2 =	stileid.u32  }
0x126: {  	s1 =	rddreg [dreg:$0x1];
	p0 =	sne.s32 s2, $0x0  }
0x127: {  	s3 =	rddreg [dreg:$0x2];
	[bflag:$0x3] =	sbarrier.arrive $0xFFFF;
	s2 =	simm.s32 @!p0 $0x1C03  }
0x128: {  	[timem:s3], [sflag:s2] =	dma.local @!p0 [hbm:s0], s1  }
0x129: {  	s0 =	simm.s32 @!p0 $0x3  }
0x12a: {  	_ =	swait.ge @!p0 [sflag:s0], s1  }
0x12b: {  	s1 =	ssub.s32 @!p0 $0x0, s1;
	[sflag:s0] =	ssyncset.done @!p0 $0x0  }
0x12c: {  	[sflag:s0] =	ssyncadd.s32 @!p0 s1  }
0x12d: {  	[bflag:$0x3] =	sbarrier.arrive $0xFFFF  }
0x12e: {  	_ =	shalt  }

</sc_bundles>
